<compile_context>
chip_gen: v7x
topology: tpu7x:2x2x1
jax: 0.10.2.dev20260603
libtpu: 0.0.44.dev20260713+nightly
codegen_flags: <defaults>
</compile_context>

<pallas_src>
import functools

import jax
import jax.numpy as jnp
from jax import lax
from jax.experimental import pallas as pl
from jax.experimental.pallas import tpu as pltpu
from jax.experimental.pallas import tpu_sc as plsc

NC = 2
NS = 16
L = 16
NW = NC * NS

B = 16384
D = 128
V = 100000
G = 64
PER_W = B // NW
NCHUNK = PER_W // G
BIDX = 128


def _body(uidx_hbm, midx_hbm, uemb_hbm, memb_hbm, ubias_hbm, mbias_hbm,
          out_hbm,
          uidx_v, midx_v, urows_v, mrows_v,
          ubias_v, mbias_v, p_v, out_v, sem0, sem1, semb):
  wid = lax.axis_index("s") * NC + lax.axis_index("c")
  base = wid * PER_W

  iot = lax.iota(jnp.int32, L)
  sems = (sem0, sem1)

  pltpu.sync_copy(uidx_hbm.at[pl.ds(base, PER_W)], uidx_v)
  pltpu.sync_copy(midx_hbm.at[pl.ds(base, PER_W)], midx_v)

  for q in range(PER_W // BIDX):
    sl = pl.ds(q * BIDX, BIDX)
    pltpu.async_copy(ubias_hbm.at[uidx_v.at[sl]], ubias_v.at[sl], semb)
    pltpu.async_copy(mbias_hbm.at[midx_v.at[sl]], mbias_v.at[sl], semb)

  def launch(j, b):
    sem = sems[b]
    sl = pl.ds(j * G, G)
    pltpu.async_copy(uemb_hbm.at[uidx_v.at[sl]], urows_v.at[b], sem)
    pltpu.async_copy(memb_hbm.at[midx_v.at[sl]], mrows_v.at[b], sem)

  def drain(j, b):
    sem = sems[b]
    sl = pl.ds(j * G, G)
    pltpu.make_async_copy(uemb_hbm.at[uidx_v.at[sl]], urows_v.at[b], sem).wait()
    pltpu.make_async_copy(memb_hbm.at[midx_v.at[sl]], mrows_v.at[b], sem).wait()

  def compute(j, b):
    @plsc.parallel_loop(0, G // L)
    def group_body(g):
      pbase = g * (L * L)
      for i in range(L):
        ro = g * L + i
        ts = [urows_v[b, ro, pl.ds(k * L, L)] * mrows_v[b, ro, pl.ds(k * L, L)]
              for k in range(D // L)]
        s0 = ts[0] + ts[1]
        s1 = ts[2] + ts[3]
        s2 = ts[4] + ts[5]
        s3 = ts[6] + ts[7]
        p_v[pl.ds(pbase + i * L, L)] = (s0 + s1) + (s2 + s3)
      cols = iot * L + pbase
      tot = plsc.load_gather(p_v, [cols])
      for c in range(1, L):
        tot = tot + plsc.load_gather(p_v, [cols + c])
      off = j * G + g * L
      x = tot + ubias_v[pl.ds(off, L)] + mbias_v[pl.ds(off, L)]
      y = 5.0 / (1.0 + jnp.exp(-x))
      out_v[pl.ds(off, L)] = y

  for s in range(2):
    launch(s, s)

  for q in range(PER_W // BIDX):
    sl = pl.ds(q * BIDX, BIDX)
    pltpu.make_async_copy(ubias_hbm.at[uidx_v.at[sl]], ubias_v.at[sl], semb).wait()
    pltpu.make_async_copy(mbias_hbm.at[midx_v.at[sl]], mbias_v.at[sl], semb).wait()

  def pair_body(t, carry):
    for s in range(2):
      j = 2 * t + s
      drain(j, s)
      compute(j, s)

      @pl.when(j + 2 < NCHUNK)
      def _():
        launch(j + 2, s)
    return carry

  lax.fori_loop(0, NCHUNK // 2, pair_body, 0, unroll=False)
  pltpu.sync_copy(out_v, out_hbm.at[pl.ds(base, PER_W)])


@functools.partial(jax.jit, donate_argnums=())
def _run(uidx, midx, uemb, memb, ubias, mbias):
  mesh = plsc.VectorSubcoreMesh(core_axis_name="c", subcore_axis_name="s",
                                num_cores=NC, num_subcores=NS)
  fn = pl.kernel(
      _body,
      out_type=jax.ShapeDtypeStruct((B,), jnp.float32),
      mesh=mesh,
      compiler_params=pltpu.CompilerParams(needs_layout_passes=False),
      scratch_types=[
          pltpu.VMEM((PER_W,), jnp.int32),
          pltpu.VMEM((PER_W,), jnp.int32),
          pltpu.VMEM((2, G, D), jnp.float32),
          pltpu.VMEM((2, G, D), jnp.float32),
          pltpu.VMEM((PER_W,), jnp.float32),
          pltpu.VMEM((PER_W,), jnp.float32),
          pltpu.VMEM(((G // L) * L * L,), jnp.float32),
          pltpu.VMEM((PER_W,), jnp.float32),
          pltpu.SemaphoreType.DMA,
          pltpu.SemaphoreType.DMA,
          pltpu.SemaphoreType.DMA,
      ],
  )
  return fn(uidx, midx, uemb, memb, ubias, mbias)


def kernel(inputs, user_emb, user_bias, movie_emb, movie_bias):
  idx = inputs.astype(jnp.int32)
  out = _run(idx[:, 0], idx[:, 1], user_emb, movie_emb,
             user_bias.reshape(-1), movie_bias.reshape(-1))
  return out.reshape(B, 1)

# --- scband reference (transcript-rebuilt; emitter-appended) ---
"""Pipeline reference for scband-recommender-net-1125281431831 (READ-ONLY COPY).

The authoritative reference and input builder live on the scoring server;
editing this copy changes nothing except your own understanding.
"""

import jax, jax.numpy as jnp
import numpy as np

NUM_USERS = 100000
NUM_MOVIES = 100000
EMBED = 128
BATCH = 16384

def setup_inputs(seed: int = 0) -> dict:
    key = jax.random.key(seed)
    k1, k2, k3, k4, k5 = jax.random.split(key, 5)
    inputs = jax.random.randint(k1, (BATCH, 2), 0, NUM_USERS, dtype=jnp.int64) if jax.config.jax_enable_x64 else jax.random.randint(k1, (BATCH, 2), 0, NUM_USERS).astype(jnp.int32)
    # he_normal-ish init for embedding tables
    user_emb = jax.random.normal(k2, (NUM_USERS, EMBED), dtype=jnp.float32) * np.sqrt(2.0 / EMBED)
    movie_emb = jax.random.normal(k3, (NUM_MOVIES, EMBED), dtype=jnp.float32) * np.sqrt(2.0 / EMBED)
    user_bias = jax.random.normal(k4, (NUM_USERS, 1), dtype=jnp.float32) * 0.01
    movie_bias = jax.random.normal(k5, (NUM_MOVIES, 1), dtype=jnp.float32) * 0.01
    return {"inputs": inputs, "user_emb": user_emb, "user_bias": user_bias, "movie_emb": movie_emb, "movie_bias": movie_bias}

def reference(inputs, user_emb, user_bias, movie_emb, movie_bias):
    user_idx = inputs[:, 0]
    movie_idx = inputs[:, 1]
    user_vector = jnp.take(user_emb, user_idx, axis=0)          # [B, D]
    u_bias = jnp.take(user_bias, user_idx, axis=0)              # [B, 1]
    movie_vector = jnp.take(movie_emb, movie_idx, axis=0)       # [B, D]
    m_bias = jnp.take(movie_bias, movie_idx, axis=0)            # [B, 1]
    dot_product = jnp.sum(user_vector * movie_vector, axis=1, keepdims=True)  # [B, 1]
    x = dot_product + u_bias + m_bias
    return jax.nn.sigmoid(x) * 5.0

if __name__ == "__main__":
    import jax
    _d = setup_inputs()
    print(jax.jit(kernel)(*tuple(_d.values())))

</pallas_src>

<mosaic_0001>
#map = affine_map<(d0, d1) -> (0)>
#map1 = affine_map<(d0, d1) -> (0, 0)>
module attributes {stable_mosaic.version = 14 : i64} {
  func.func @_body(%arg0: i32, %arg1: i32, %arg2: memref<16384xi32, #tpu.memory_space<hbm>>, %arg3: memref<16384xi32, #tpu.memory_space<hbm>>, %arg4: memref<100000x128xf32, #tpu.memory_space<hbm>>, %arg5: memref<100000x128xf32, #tpu.memory_space<hbm>>, %arg6: memref<100000xf32, #tpu.memory_space<hbm>>, %arg7: memref<100000xf32, #tpu.memory_space<hbm>>, %arg8: memref<16384xf32, #tpu.memory_space<hbm>>, %arg9: memref<512xi32, #tpu.memory_space<vmem>>, %arg10: memref<512xi32, #tpu.memory_space<vmem>>, %arg11: memref<2x64x128xf32, #tpu.memory_space<vmem>>, %arg12: memref<2x64x128xf32, #tpu.memory_space<vmem>>, %arg13: memref<512xf32, #tpu.memory_space<vmem>>, %arg14: memref<512xf32, #tpu.memory_space<vmem>>, %arg15: memref<1024xf32, #tpu.memory_space<vmem>>, %arg16: memref<512xf32, #tpu.memory_space<vmem>>, %arg17: memref<!tpu.dma_semaphore, #tpu.memory_space<semaphore_mem>>, %arg18: memref<!tpu.dma_semaphore, #tpu.memory_space<semaphore_mem>>, %arg19: memref<!tpu.dma_semaphore, #tpu.memory_space<semaphore_mem>>) attributes {dimension_semantics = [#tpu.dimension_semantics<core_parallel>, #tpu.dimension_semantics<subcore_parallel>], iteration_bounds = array<i64: 2, 16>, scalar_prefetch = 0 : i64, scratch_operands = 11 : i64, tpu.core_type = #tpu.core_type<sc_vector_subcore>, window_params = [{transform_indices = #map}, {transform_indices = #map}, {transform_indices = #map1}, {transform_indices = #map1}, {transform_indices = #map}, {transform_indices = #map}, {transform_indices = #map}]} {
    %mul3A = arith.constant 2 : i32
    %mul3A_0 = arith.muli %arg1, %mul3A : i32
    %add3A = arith.addi %mul3A_0, %arg0 : i32
    %mul3A_1 = arith.constant 512 : i32
    %mul3A_2 = arith.muli %add3A, %mul3A_1 : i32
    %iota3A = tpu.iota {dimensions = array<i32: 0>} : vector<16xi32>
    "tpu.region"() ({
      %run_scoped3A = tpu.sem_alloc : memref<!tpu.dma_semaphore, #tpu.memory_space<semaphore_mem>>
      %dma_start3A_142 = tpu.memref_slice %arg2[%mul3A_2] : memref<16384xi32, #tpu.memory_space<hbm>> -> memref<512xi32, #tpu.memory_space<hbm>>
      %dma_start3A_143 = tpu.memref_slice %arg2[%mul3A_2] : memref<16384xi32, #tpu.memory_space<hbm>> -> memref<512xi32, #tpu.memory_space<hbm>>
      tpu.enqueue_dma source(%dma_start3A_143 : memref<512xi32, #tpu.memory_space<hbm>>) target(%arg9 : memref<512xi32, #tpu.memory_space<vmem>>) target_semaphore(%run_scoped3A : memref<!tpu.dma_semaphore, #tpu.memory_space<semaphore_mem>>)
      %dma_wait3A_144 = tpu.memref_slice %arg2[%mul3A_2] : memref<16384xi32, #tpu.memory_space<hbm>> -> memref<512xi32, #tpu.memory_space<hbm>>
      %dma_wait3A_145 = tpu.memref_slice %arg2[%mul3A_2] : memref<16384xi32, #tpu.memory_space<hbm>> -> memref<512xi32, #tpu.memory_space<hbm>>
      tpu.wait_dma2 semaphore(%run_scoped3A : memref<!tpu.dma_semaphore, #tpu.memory_space<semaphore_mem>>) src(%dma_wait3A_145 : memref<512xi32, #tpu.memory_space<hbm>>) dst(%arg9 : memref<512xi32, #tpu.memory_space<vmem>>)
      tpu.yield
    }) : () -> ()
    "tpu.region"() ({
      %run_scoped3A = tpu.sem_alloc : memref<!tpu.dma_semaphore, #tpu.memory_space<semaphore_mem>>
      %dma_start3A_142 = tpu.memref_slice %arg3[%mul3A_2] : memref<16384xi32, #tpu.memory_space<hbm>> -> memref<512xi32, #tpu.memory_space<hbm>>
      %dma_start3A_143 = tpu.memref_slice %arg3[%mul3A_2] : memref<16384xi32, #tpu.memory_space<hbm>> -> memref<512xi32, #tpu.memory_space<hbm>>
      tpu.enqueue_dma source(%dma_start3A_143 : memref<512xi32, #tpu.memory_space<hbm>>) target(%arg10 : memref<512xi32, #tpu.memory_space<vmem>>) target_semaphore(%run_scoped3A : memref<!tpu.dma_semaphore, #tpu.memory_space<semaphore_mem>>)
      %dma_wait3A_144 = tpu.memref_slice %arg3[%mul3A_2] : memref<16384xi32, #tpu.memory_space<hbm>> -> memref<512xi32, #tpu.memory_space<hbm>>
      %dma_wait3A_145 = tpu.memref_slice %arg3[%mul3A_2] : memref<16384xi32, #tpu.memory_space<hbm>> -> memref<512xi32, #tpu.memory_space<hbm>>
      tpu.wait_dma2 semaphore(%run_scoped3A : memref<!tpu.dma_semaphore, #tpu.memory_space<semaphore_mem>>) src(%dma_wait3A_145 : memref<512xi32, #tpu.memory_space<hbm>>) dst(%arg10 : memref<512xi32, #tpu.memory_space<vmem>>)
      tpu.yield
    }) : () -> ()
    %dma_start3A = arith.constant 0 : i32
    %dma_start3A_3 = tpu.memref_slice %arg13[%dma_start3A] : memref<512xf32, #tpu.memory_space<vmem>> -> memref<128xf32, #tpu.memory_space<vmem>>
    %dma_start3A_4 = arith.constant 0 : i32
    %dma_start3A_5 = tpu.memref_slice %arg9[%dma_start3A_4] : memref<512xi32, #tpu.memory_space<vmem>> -> memref<128xi32, #tpu.memory_space<vmem>>
    %dma_start3A_6 = arith.constant 0 : i32
    %dma_start3A_7 = tpu.memref_slice %arg6[%dma_start3A_6] : memref<100000xf32, #tpu.memory_space<hbm>> -> memref<100000xf32, #tpu.memory_space<hbm>>
    tpu.enqueue_indirect_dma source(%dma_start3A_7 : memref<100000xf32, #tpu.memory_space<hbm>>) target(%dma_start3A_3 : memref<128xf32, #tpu.memory_space<vmem>>) offsets(%dma_start3A_5 : memref<128xi32, #tpu.memory_space<vmem>>) semaphore(%arg19 : memref<!tpu.dma_semaphore, #tpu.memory_space<semaphore_mem>>)
    %dma_start3A_8 = arith.constant 0 : i32
    %dma_start3A_9 = tpu.memref_slice %arg14[%dma_start3A_8] : memref<512xf32, #tpu.memory_space<vmem>> -> memref<128xf32, #tpu.memory_space<vmem>>
    %dma_start3A_10 = arith.constant 0 : i32
    %dma_start3A_11 = tpu.memref_slice %arg10[%dma_start3A_10] : memref<512xi32, #tpu.memory_space<vmem>> -> memref<128xi32, #tpu.memory_space<vmem>>
    %dma_start3A_12 = arith.constant 0 : i32
    %dma_start3A_13 = tpu.memref_slice %arg7[%dma_start3A_12] : memref<100000xf32, #tpu.memory_space<hbm>> -> memref<100000xf32, #tpu.memory_space<hbm>>
    tpu.enqueue_indirect_dma source(%dma_start3A_13 : memref<100000xf32, #tpu.memory_space<hbm>>) target(%dma_start3A_9 : memref<128xf32, #tpu.memory_space<vmem>>) offsets(%dma_start3A_11 : memref<128xi32, #tpu.memory_space<vmem>>) semaphore(%arg19 : memref<!tpu.dma_semaphore, #tpu.memory_space<semaphore_mem>>)
    %dma_start3A_14 = arith.constant 128 : i32
    %dma_start3A_15 = tpu.memref_slice %arg13[%dma_start3A_14] : memref<512xf32, #tpu.memory_space<vmem>> -> memref<128xf32, #tpu.memory_space<vmem>>
    %dma_start3A_16 = arith.constant 128 : i32
    %dma_start3A_17 = tpu.memref_slice %arg9[%dma_start3A_16] : memref<512xi32, #tpu.memory_space<vmem>> -> memref<128xi32, #tpu.memory_space<vmem>>
    %dma_start3A_18 = arith.constant 0 : i32
    %dma_start3A_19 = tpu.memref_slice %arg6[%dma_start3A_18] : memref<100000xf32, #tpu.memory_space<hbm>> -> memref<100000xf32, #tpu.memory_space<hbm>>
    tpu.enqueue_indirect_dma source(%dma_start3A_19 : memref<100000xf32, #tpu.memory_space<hbm>>) target(%dma_start3A_15 : memref<128xf32, #tpu.memory_space<vmem>>) offsets(%dma_start3A_17 : memref<128xi32, #tpu.memory_space<vmem>>) semaphore(%arg19 : memref<!tpu.dma_semaphore, #tpu.memory_space<semaphore_mem>>)
    %dma_start3A_20 = arith.constant 128 : i32
    %dma_start3A_21 = tpu.memref_slice %arg14[%dma_start3A_20] : memref<512xf32, #tpu.memory_space<vmem>> -> memref<128xf32, #tpu.memory_space<vmem>>
    %dma_start3A_22 = arith.constant 128 : i32
    %dma_start3A_23 = tpu.memref_slice %arg10[%dma_start3A_22] : memref<512xi32, #tpu.memory_space<vmem>> -> memref<128xi32, #tpu.memory_space<vmem>>
    %dma_start3A_24 = arith.constant 0 : i32
    %dma_start3A_25 = tpu.memref_slice %arg7[%dma_start3A_24] : memref<100000xf32, #tpu.memory_space<hbm>> -> memref<100000xf32, #tpu.memory_space<hbm>>
    tpu.enqueue_indirect_dma source(%dma_start3A_25 : memref<100000xf32, #tpu.memory_space<hbm>>) target(%dma_start3A_21 : memref<128xf32, #tpu.memory_space<vmem>>) offsets(%dma_start3A_23 : memref<128xi32, #tpu.memory_space<vmem>>) semaphore(%arg19 : memref<!tpu.dma_semaphore, #tpu.memory_space<semaphore_mem>>)
    %dma_start3A_26 = arith.constant 256 : i32
    %dma_start3A_27 = tpu.memref_slice %arg13[%dma_start3A_26] : memref<512xf32, #tpu.memory_space<vmem>> -> memref<128xf32, #tpu.memory_space<vmem>>
    %dma_start3A_28 = arith.constant 256 : i32
    %dma_start3A_29 = tpu.memref_slice %arg9[%dma_start3A_28] : memref<512xi32, #tpu.memory_space<vmem>> -> memref<128xi32, #tpu.memory_space<vmem>>
    %dma_start3A_30 = arith.constant 0 : i32
    %dma_start3A_31 = tpu.memref_slice %arg6[%dma_start3A_30] : memref<100000xf32, #tpu.memory_space<hbm>> -> memref<100000xf32, #tpu.memory_space<hbm>>
    tpu.enqueue_indirect_dma source(%dma_start3A_31 : memref<100000xf32, #tpu.memory_space<hbm>>) target(%dma_start3A_27 : memref<128xf32, #tpu.memory_space<vmem>>) offsets(%dma_start3A_29 : memref<128xi32, #tpu.memory_space<vmem>>) semaphore(%arg19 : memref<!tpu.dma_semaphore, #tpu.memory_space<semaphore_mem>>)
    %dma_start3A_32 = arith.constant 256 : i32
    %dma_start3A_33 = tpu.memref_slice %arg14[%dma_start3A_32] : memref<512xf32, #tpu.memory_space<vmem>> -> memref<128xf32, #tpu.memory_space<vmem>>
    %dma_start3A_34 = arith.constant 256 : i32
    %dma_start3A_35 = tpu.memref_slice %arg10[%dma_start3A_34] : memref<512xi32, #tpu.memory_space<vmem>> -> memref<128xi32, #tpu.memory_space<vmem>>
    %dma_start3A_36 = arith.constant 0 : i32
    %dma_start3A_37 = tpu.memref_slice %arg7[%dma_start3A_36] : memref<100000xf32, #tpu.memory_space<hbm>> -> memref<100000xf32, #tpu.memory_space<hbm>>
    tpu.enqueue_indirect_dma source(%dma_start3A_37 : memref<100000xf32, #tpu.memory_space<hbm>>) target(%dma_start3A_33 : memref<128xf32, #tpu.memory_space<vmem>>) offsets(%dma_start3A_35 : memref<128xi32, #tpu.memory_space<vmem>>) semaphore(%arg19 : memref<!tpu.dma_semaphore, #tpu.memory_space<semaphore_mem>>)
    %dma_start3A_38 = arith.constant 384 : i32
    %dma_start3A_39 = tpu.memref_slice %arg13[%dma_start3A_38] : memref<512xf32, #tpu.memory_space<vmem>> -> memref<128xf32, #tpu.memory_space<vmem>>
    %dma_start3A_40 = arith.constant 384 : i32
    %dma_start3A_41 = tpu.memref_slice %arg9[%dma_start3A_40] : memref<512xi32, #tpu.memory_space<vmem>> -> memref<128xi32, #tpu.memory_space<vmem>>
    %dma_start3A_42 = arith.constant 0 : i32
    %dma_start3A_43 = tpu.memref_slice %arg6[%dma_start3A_42] : memref<100000xf32, #tpu.memory_space<hbm>> -> memref<100000xf32, #tpu.memory_space<hbm>>
    tpu.enqueue_indirect_dma source(%dma_start3A_43 : memref<100000xf32, #tpu.memory_space<hbm>>) target(%dma_start3A_39 : memref<128xf32, #tpu.memory_space<vmem>>) offsets(%dma_start3A_41 : memref<128xi32, #tpu.memory_space<vmem>>) semaphore(%arg19 : memref<!tpu.dma_semaphore, #tpu.memory_space<semaphore_mem>>)
    %dma_start3A_44 = arith.constant 384 : i32
    %dma_start3A_45 = tpu.memref_slice %arg14[%dma_start3A_44] : memref<512xf32, #tpu.memory_space<vmem>> -> memref<128xf32, #tpu.memory_space<vmem>>
    %dma_start3A_46 = arith.constant 384 : i32
    %dma_start3A_47 = tpu.memref_slice %arg10[%dma_start3A_46] : memref<512xi32, #tpu.memory_space<vmem>> -> memref<128xi32, #tpu.memory_space<vmem>>
    %dma_start3A_48 = arith.constant 0 : i32
    %dma_start3A_49 = tpu.memref_slice %arg7[%dma_start3A_48] : memref<100000xf32, #tpu.memory_space<hbm>> -> memref<100000xf32, #tpu.memory_space<hbm>>
    tpu.enqueue_indirect_dma source(%dma_start3A_49 : memref<100000xf32, #tpu.memory_space<hbm>>) target(%dma_start3A_45 : memref<128xf32, #tpu.memory_space<vmem>>) offsets(%dma_start3A_47 : memref<128xi32, #tpu.memory_space<vmem>>) semaphore(%arg19 : memref<!tpu.dma_semaphore, #tpu.memory_space<semaphore_mem>>)
    %dma_start3A_50 = arith.constant 0 : i32
    %dma_start3A_51 = arith.constant 0 : i32
    %dma_start3A_52 = arith.constant 0 : i32
    %dma_start3A_53 = tpu.memref_slice %arg11[%dma_start3A_50, %dma_start3A_51, %dma_start3A_52] : memref<2x64x128xf32, #tpu.memory_space<vmem>> -> memref<1x64x128xf32, #tpu.memory_space<vmem>>
    %dma_start3A_54 = tpu.memref_squeeze %dma_start3A_53 : memref<1x64x128xf32, #tpu.memory_space<vmem>> -> memref<64x128xf32, #tpu.memory_space<vmem>>
    %dma_start3A_55 = arith.constant 0 : i32
    %dma_start3A_56 = tpu.memref_slice %arg9[%dma_start3A_55] : memref<512xi32, #tpu.memory_space<vmem>> -> memref<64xi32, #tpu.memory_space<vmem>>
    %dma_start3A_57 = arith.constant 0 : i32
    %dma_start3A_58 = arith.constant 0 : i32
    %dma_start3A_59 = tpu.memref_slice %arg4[%dma_start3A_57, %dma_start3A_58] : memref<100000x128xf32, #tpu.memory_space<hbm>> -> memref<100000x128xf32, #tpu.memory_space<hbm>>
    tpu.enqueue_indirect_dma source(%dma_start3A_59 : memref<100000x128xf32, #tpu.memory_space<hbm>>) target(%dma_start3A_54 : memref<64x128xf32, #tpu.memory_space<vmem>>) offsets(%dma_start3A_56 : memref<64xi32, #tpu.memory_space<vmem>>) semaphore(%arg17 : memref<!tpu.dma_semaphore, #tpu.memory_space<semaphore_mem>>)
    %dma_start3A_60 = arith.constant 0 : i32
    %dma_start3A_61 = arith.constant 0 : i32
    %dma_start3A_62 = arith.constant 0 : i32
    %dma_start3A_63 = tpu.memref_slice %arg12[%dma_start3A_60, %dma_start3A_61, %dma_start3A_62] : memref<2x64x128xf32, #tpu.memory_space<vmem>> -> memref<1x64x128xf32, #tpu.memory_space<vmem>>
    %dma_start3A_64 = tpu.memref_squeeze %dma_start3A_63 : memref<1x64x128xf32, #tpu.memory_space<vmem>> -> memref<64x128xf32, #tpu.memory_space<vmem>>
    %dma_start3A_65 = arith.constant 0 : i32
    %dma_start3A_66 = tpu.memref_slice %arg10[%dma_start3A_65] : memref<512xi32, #tpu.memory_space<vmem>> -> memref<64xi32, #tpu.memory_space<vmem>>
    %dma_start3A_67 = arith.constant 0 : i32
    %dma_start3A_68 = arith.constant 0 : i32
    %dma_start3A_69 = tpu.memref_slice %arg5[%dma_start3A_67, %dma_start3A_68] : memref<100000x128xf32, #tpu.memory_space<hbm>> -> memref<100000x128xf32, #tpu.memory_space<hbm>>
    tpu.enqueue_indirect_dma source(%dma_start3A_69 : memref<100000x128xf32, #tpu.memory_space<hbm>>) target(%dma_start3A_64 : memref<64x128xf32, #tpu.memory_space<vmem>>) offsets(%dma_start3A_66 : memref<64xi32, #tpu.memory_space<vmem>>) semaphore(%arg17 : memref<!tpu.dma_semaphore, #tpu.memory_space<semaphore_mem>>)
    %dma_start3A_70 = arith.constant 1 : i32
    %dma_start3A_71 = arith.constant 0 : i32
    %dma_start3A_72 = arith.constant 0 : i32
    %dma_start3A_73 = tpu.memref_slice %arg11[%dma_start3A_70, %dma_start3A_71, %dma_start3A_72] : memref<2x64x128xf32, #tpu.memory_space<vmem>> -> memref<1x64x128xf32, #tpu.memory_space<vmem>>
    %dma_start3A_74 = tpu.memref_squeeze %dma_start3A_73 : memref<1x64x128xf32, #tpu.memory_space<vmem>> -> memref<64x128xf32, #tpu.memory_space<vmem>>
    %dma_start3A_75 = arith.constant 64 : i32
    %dma_start3A_76 = tpu.memref_slice %arg9[%dma_start3A_75] : memref<512xi32, #tpu.memory_space<vmem>> -> memref<64xi32, #tpu.memory_space<vmem>>
    %dma_start3A_77 = arith.constant 0 : i32
    %dma_start3A_78 = arith.constant 0 : i32
    %dma_start3A_79 = tpu.memref_slice %arg4[%dma_start3A_77, %dma_start3A_78] : memref<100000x128xf32, #tpu.memory_space<hbm>> -> memref<100000x128xf32, #tpu.memory_space<hbm>>
    tpu.enqueue_indirect_dma source(%dma_start3A_79 : memref<100000x128xf32, #tpu.memory_space<hbm>>) target(%dma_start3A_74 : memref<64x128xf32, #tpu.memory_space<vmem>>) offsets(%dma_start3A_76 : memref<64xi32, #tpu.memory_space<vmem>>) semaphore(%arg18 : memref<!tpu.dma_semaphore, #tpu.memory_space<semaphore_mem>>)
    %dma_start3A_80 = arith.constant 1 : i32
    %dma_start3A_81 = arith.constant 0 : i32
    %dma_start3A_82 = arith.constant 0 : i32
    %dma_start3A_83 = tpu.memref_slice %arg12[%dma_start3A_80, %dma_start3A_81, %dma_start3A_82] : memref<2x64x128xf32, #tpu.memory_space<vmem>> -> memref<1x64x128xf32, #tpu.memory_space<vmem>>
    %dma_start3A_84 = tpu.memref_squeeze %dma_start3A_83 : memref<1x64x128xf32, #tpu.memory_space<vmem>> -> memref<64x128xf32, #tpu.memory_space<vmem>>
    %dma_start3A_85 = arith.constant 64 : i32
    %dma_start3A_86 = tpu.memref_slice %arg10[%dma_start3A_85] : memref<512xi32, #tpu.memory_space<vmem>> -> memref<64xi32, #tpu.memory_space<vmem>>
    %dma_start3A_87 = arith.constant 0 : i32
    %dma_start3A_88 = arith.constant 0 : i32
    %dma_start3A_89 = tpu.memref_slice %arg5[%dma_start3A_87, %dma_start3A_88] : memref<100000x128xf32, #tpu.memory_space<hbm>> -> memref<100000x128xf32, #tpu.memory_space<hbm>>
    tpu.enqueue_indirect_dma source(%dma_start3A_89 : memref<100000x128xf32, #tpu.memory_space<hbm>>) target(%dma_start3A_84 : memref<64x128xf32, #tpu.memory_space<vmem>>) offsets(%dma_start3A_86 : memref<64xi32, #tpu.memory_space<vmem>>) semaphore(%arg18 : memref<!tpu.dma_semaphore, #tpu.memory_space<semaphore_mem>>)
    %dma_wait3A = arith.constant 0 : i32
    %dma_wait3A_90 = tpu.memref_slice %arg13[%dma_wait3A] : memref<512xf32, #tpu.memory_space<vmem>> -> memref<128xf32, #tpu.memory_space<vmem>>
    %dma_wait3A_91 = arith.constant 0 : i32
    %dma_wait3A_92 = tpu.memref_slice %arg9[%dma_wait3A_91] : memref<512xi32, #tpu.memory_space<vmem>> -> memref<128xi32, #tpu.memory_space<vmem>>
    %dma_wait3A_93 = arith.constant 0 : i32
    %dma_wait3A_94 = tpu.memref_slice %arg6[%dma_wait3A_93] : memref<100000xf32, #tpu.memory_space<hbm>> -> memref<100000xf32, #tpu.memory_space<hbm>>
    tpu.wait_indirect_dma semaphore(%arg19 : memref<!tpu.dma_semaphore, #tpu.memory_space<semaphore_mem>>) src(%dma_wait3A_94 : memref<100000xf32, #tpu.memory_space<hbm>>) dst(%dma_wait3A_90 : memref<128xf32, #tpu.memory_space<vmem>>)
    %dma_wait3A_95 = arith.constant 0 : i32
    %dma_wait3A_96 = tpu.memref_slice %arg14[%dma_wait3A_95] : memref<512xf32, #tpu.memory_space<vmem>> -> memref<128xf32, #tpu.memory_space<vmem>>
    %dma_wait3A_97 = arith.constant 0 : i32
    %dma_wait3A_98 = tpu.memref_slice %arg10[%dma_wait3A_97] : memref<512xi32, #tpu.memory_space<vmem>> -> memref<128xi32, #tpu.memory_space<vmem>>
    %dma_wait3A_99 = arith.constant 0 : i32
    %dma_wait3A_100 = tpu.memref_slice %arg7[%dma_wait3A_99] : memref<100000xf32, #tpu.memory_space<hbm>> -> memref<100000xf32, #tpu.memory_space<hbm>>
    tpu.wait_indirect_dma semaphore(%arg19 : memref<!tpu.dma_semaphore, #tpu.memory_space<semaphore_mem>>) src(%dma_wait3A_100 : memref<100000xf32, #tpu.memory_space<hbm>>) dst(%dma_wait3A_96 : memref<128xf32, #tpu.memory_space<vmem>>)
    %dma_wait3A_101 = arith.constant 128 : i32
    %dma_wait3A_102 = tpu.memref_slice %arg13[%dma_wait3A_101] : memref<512xf32, #tpu.memory_space<vmem>> -> memref<128xf32, #tpu.memory_space<vmem>>
    %dma_wait3A_103 = arith.constant 128 : i32
    %dma_wait3A_104 = tpu.memref_slice %arg9[%dma_wait3A_103] : memref<512xi32, #tpu.memory_space<vmem>> -> memref<128xi32, #tpu.memory_space<vmem>>
    %dma_wait3A_105 = arith.constant 0 : i32
    %dma_wait3A_106 = tpu.memref_slice %arg6[%dma_wait3A_105] : memref<100000xf32, #tpu.memory_space<hbm>> -> memref<100000xf32, #tpu.memory_space<hbm>>
    tpu.wait_indirect_dma semaphore(%arg19 : memref<!tpu.dma_semaphore, #tpu.memory_space<semaphore_mem>>) src(%dma_wait3A_106 : memref<100000xf32, #tpu.memory_space<hbm>>) dst(%dma_wait3A_102 : memref<128xf32, #tpu.memory_space<vmem>>)
    %dma_wait3A_107 = arith.constant 128 : i32
    %dma_wait3A_108 = tpu.memref_slice %arg14[%dma_wait3A_107] : memref<512xf32, #tpu.memory_space<vmem>> -> memref<128xf32, #tpu.memory_space<vmem>>
    %dma_wait3A_109 = arith.constant 128 : i32
    %dma_wait3A_110 = tpu.memref_slice %arg10[%dma_wait3A_109] : memref<512xi32, #tpu.memory_space<vmem>> -> memref<128xi32, #tpu.memory_space<vmem>>
    %dma_wait3A_111 = arith.constant 0 : i32
    %dma_wait3A_112 = tpu.memref_slice %arg7[%dma_wait3A_111] : memref<100000xf32, #tpu.memory_space<hbm>> -> memref<100000xf32, #tpu.memory_space<hbm>>
    tpu.wait_indirect_dma semaphore(%arg19 : memref<!tpu.dma_semaphore, #tpu.memory_space<semaphore_mem>>) src(%dma_wait3A_112 : memref<100000xf32, #tpu.memory_space<hbm>>) dst(%dma_wait3A_108 : memref<128xf32, #tpu.memory_space<vmem>>)
    %dma_wait3A_113 = arith.constant 256 : i32
    %dma_wait3A_114 = tpu.memref_slice %arg13[%dma_wait3A_113] : memref<512xf32, #tpu.memory_space<vmem>> -> memref<128xf32, #tpu.memory_space<vmem>>
    %dma_wait3A_115 = arith.constant 256 : i32
    %dma_wait3A_116 = tpu.memref_slice %arg9[%dma_wait3A_115] : memref<512xi32, #tpu.memory_space<vmem>> -> memref<128xi32, #tpu.memory_space<vmem>>
    %dma_wait3A_117 = arith.constant 0 : i32
    %dma_wait3A_118 = tpu.memref_slice %arg6[%dma_wait3A_117] : memref<100000xf32, #tpu.memory_space<hbm>> -> memref<100000xf32, #tpu.memory_space<hbm>>
    tpu.wait_indirect_dma semaphore(%arg19 : memref<!tpu.dma_semaphore, #tpu.memory_space<semaphore_mem>>) src(%dma_wait3A_118 : memref<100000xf32, #tpu.memory_space<hbm>>) dst(%dma_wait3A_114 : memref<128xf32, #tpu.memory_space<vmem>>)
    %dma_wait3A_119 = arith.constant 256 : i32
    %dma_wait3A_120 = tpu.memref_slice %arg14[%dma_wait3A_119] : memref<512xf32, #tpu.memory_space<vmem>> -> memref<128xf32, #tpu.memory_space<vmem>>
    %dma_wait3A_121 = arith.constant 256 : i32
    %dma_wait3A_122 = tpu.memref_slice %arg10[%dma_wait3A_121] : memref<512xi32, #tpu.memory_space<vmem>> -> memref<128xi32, #tpu.memory_space<vmem>>
    %dma_wait3A_123 = arith.constant 0 : i32
    %dma_wait3A_124 = tpu.memref_slice %arg7[%dma_wait3A_123] : memref<100000xf32, #tpu.memory_space<hbm>> -> memref<100000xf32, #tpu.memory_space<hbm>>
    tpu.wait_indirect_dma semaphore(%arg19 : memref<!tpu.dma_semaphore, #tpu.memory_space<semaphore_mem>>) src(%dma_wait3A_124 : memref<100000xf32, #tpu.memory_space<hbm>>) dst(%dma_wait3A_120 : memref<128xf32, #tpu.memory_space<vmem>>)
    %dma_wait3A_125 = arith.constant 384 : i32
    %dma_wait3A_126 = tpu.memref_slice %arg13[%dma_wait3A_125] : memref<512xf32, #tpu.memory_space<vmem>> -> memref<128xf32, #tpu.memory_space<vmem>>
    %dma_wait3A_127 = arith.constant 384 : i32
    %dma_wait3A_128 = tpu.memref_slice %arg9[%dma_wait3A_127] : memref<512xi32, #tpu.memory_space<vmem>> -> memref<128xi32, #tpu.memory_space<vmem>>
    %dma_wait3A_129 = arith.constant 0 : i32
    %dma_wait3A_130 = tpu.memref_slice %arg6[%dma_wait3A_129] : memref<100000xf32, #tpu.memory_space<hbm>> -> memref<100000xf32, #tpu.memory_space<hbm>>
    tpu.wait_indirect_dma semaphore(%arg19 : memref<!tpu.dma_semaphore, #tpu.memory_space<semaphore_mem>>) src(%dma_wait3A_130 : memref<100000xf32, #tpu.memory_space<hbm>>) dst(%dma_wait3A_126 : memref<128xf32, #tpu.memory_space<vmem>>)
    %dma_wait3A_131 = arith.constant 384 : i32
    %dma_wait3A_132 = tpu.memref_slice %arg14[%dma_wait3A_131] : memref<512xf32, #tpu.memory_space<vmem>> -> memref<128xf32, #tpu.memory_space<vmem>>
    %dma_wait3A_133 = arith.constant 384 : i32
    %dma_wait3A_134 = tpu.memref_slice %arg10[%dma_wait3A_133] : memref<512xi32, #tpu.memory_space<vmem>> -> memref<128xi32, #tpu.memory_space<vmem>>
    %dma_wait3A_135 = arith.constant 0 : i32
    %dma_wait3A_136 = tpu.memref_slice %arg7[%dma_wait3A_135] : memref<100000xf32, #tpu.memory_space<hbm>> -> memref<100000xf32, #tpu.memory_space<hbm>>
    tpu.wait_indirect_dma semaphore(%arg19 : memref<!tpu.dma_semaphore, #tpu.memory_space<semaphore_mem>>) src(%dma_wait3A_136 : memref<100000xf32, #tpu.memory_space<hbm>>) dst(%dma_wait3A_132 : memref<128xf32, #tpu.memory_space<vmem>>)
    %scan3A = arith.constant 0 : i32
    %scan3A_137 = arith.constant 0 : i32
    %scan3A_138 = arith.constant 4 : i32
    %scan3A_139 = arith.addi %scan3A_137, %scan3A_138 : i32
    %scan3A_140 = arith.constant 1 : i32
    scf.for %scan3A_142 = %scan3A_137 to %scan3A_139 step %scan3A_140  : i32 {
      %mul3A_143 = arith.constant 2 : i32
      %mul3A_144 = arith.muli %mul3A_143, %scan3A_142 : i32
      %add3A_145 = arith.constant 0 : i32
      %add3A_146 = arith.addi %mul3A_144, %add3A_145 : i32
      %mul3A_147 = arith.constant 64 : i32
      %mul3A_148 = arith.muli %add3A_146, %mul3A_147 : i32
      %dma_wait3A_149 = arith.constant 0 : i32
      %dma_wait3A_150 = arith.constant 0 : i32
      %dma_wait3A_151 = arith.constant 0 : i32
      %dma_wait3A_152 = tpu.memref_slice %arg11[%dma_wait3A_149, %dma_wait3A_150, %dma_wait3A_151] : memref<2x64x128xf32, #tpu.memory_space<vmem>> -> memref<1x64x128xf32, #tpu.memory_space<vmem>>
      %dma_wait3A_153 = tpu.memref_squeeze %dma_wait3A_152 : memref<1x64x128xf32, #tpu.memory_space<vmem>> -> memref<64x128xf32, #tpu.memory_space<vmem>>
      %dma_wait3A_154 = tpu.memref_slice %arg9[%mul3A_148] : memref<512xi32, #tpu.memory_space<vmem>> -> memref<64xi32, #tpu.memory_space<vmem>>
      %dma_wait3A_155 = arith.constant 0 : i32
      %dma_wait3A_156 = arith.constant 0 : i32
      %dma_wait3A_157 = tpu.memref_slice %arg4[%dma_wait3A_155, %dma_wait3A_156] : memref<100000x128xf32, #tpu.memory_space<hbm>> -> memref<100000x128xf32, #tpu.memory_space<hbm>>
      tpu.wait_indirect_dma semaphore(%arg17 : memref<!tpu.dma_semaphore, #tpu.memory_space<semaphore_mem>>) src(%dma_wait3A_157 : memref<100000x128xf32, #tpu.memory_space<hbm>>) dst(%dma_wait3A_153 : memref<64x128xf32, #tpu.memory_space<vmem>>)
      %dma_wait3A_158 = arith.constant 0 : i32
      %dma_wait3A_159 = arith.constant 0 : i32
      %dma_wait3A_160 = arith.constant 0 : i32
      %dma_wait3A_161 = tpu.memref_slice %arg12[%dma_wait3A_158, %dma_wait3A_159, %dma_wait3A_160] : memref<2x64x128xf32, #tpu.memory_space<vmem>> -> memref<1x64x128xf32, #tpu.memory_space<vmem>>
      %dma_wait3A_162 = tpu.memref_squeeze %dma_wait3A_161 : memref<1x64x128xf32, #tpu.memory_space<vmem>> -> memref<64x128xf32, #tpu.memory_space<vmem>>
      %dma_wait3A_163 = tpu.memref_slice %arg10[%mul3A_148] : memref<512xi32, #tpu.memory_space<vmem>> -> memref<64xi32, #tpu.memory_space<vmem>>
      %dma_wait3A_164 = arith.constant 0 : i32
      %dma_wait3A_165 = arith.constant 0 : i32
      %dma_wait3A_166 = tpu.memref_slice %arg5[%dma_wait3A_164, %dma_wait3A_165] : memref<100000x128xf32, #tpu.memory_space<hbm>> -> memref<100000x128xf32, #tpu.memory_space<hbm>>
      tpu.wait_indirect_dma semaphore(%arg17 : memref<!tpu.dma_semaphore, #tpu.memory_space<semaphore_mem>>) src(%dma_wait3A_166 : memref<100000x128xf32, #tpu.memory_space<hbm>>) dst(%dma_wait3A_162 : memref<64x128xf32, #tpu.memory_space<vmem>>)
      %parallel_loop3A = arith.constant 0 : i32
      %parallel_loop3A_167 = arith.constant 4 : i32
      %parallel_loop3A_168 = arith.constant 1 : i32
      scf.for %parallel_loop3A_207 = %parallel_loop3A to %parallel_loop3A_167 step %parallel_loop3A_168  : i32 {
        %parallel_loop3A_208 = arith.constant 256 : i32
        %parallel_loop3A_209 = arith.muli %parallel_loop3A_207, %parallel_loop3A_208 : i32
        %parallel_loop3A_210 = arith.constant 16 : i32
        %parallel_loop3A_211 = arith.muli %parallel_loop3A_207, %parallel_loop3A_210 : i32
        %parallel_loop3A_212 = arith.constant 0 : i32
        %parallel_loop3A_213 = arith.addi %parallel_loop3A_211, %parallel_loop3A_212 : i32
        %parallel_loop3A_214 = arith.constant 0 : i32
        %parallel_loop3A_215 = arith.index_cast %parallel_loop3A_214 : i32 to index
        %parallel_loop3A_216 = arith.index_cast %parallel_loop3A_213 : i32 to index
        %parallel_loop3A_217 = arith.constant 0 : index
        %parallel_loop3A_218 = tpu.vector_load %arg11[%parallel_loop3A_215, %parallel_loop3A_216, %parallel_loop3A_217] {strides = array<i32>} : memref<2x64x128xf32, #tpu.memory_space<vmem>>, vector<16xf32>,
        %parallel_loop3A_219 = arith.constant 0 : i32
        %parallel_loop3A_220 = arith.index_cast %parallel_loop3A_219 : i32 to index
        %parallel_loop3A_221 = arith.index_cast %parallel_loop3A_213 : i32 to index
        %parallel_loop3A_222 = arith.constant 0 : index
        %parallel_loop3A_223 = tpu.vector_load %arg12[%parallel_loop3A_220, %parallel_loop3A_221, %parallel_loop3A_222] {strides = array<i32>} : memref<2x64x128xf32, #tpu.memory_space<vmem>>, vector<16xf32>,
        %parallel_loop3A_224 = arith.mulf %parallel_loop3A_218, %parallel_loop3A_223 : vector<16xf32>
        %parallel_loop3A_225 = arith.constant 0 : i32
        %parallel_loop3A_226 = arith.index_cast %parallel_loop3A_225 : i32 to index
        %parallel_loop3A_227 = arith.index_cast %parallel_loop3A_213 : i32 to index
        %parallel_loop3A_228 = arith.constant 16 : index
        %parallel_loop3A_229 = tpu.vector_load %arg11[%parallel_loop3A_226, %parallel_loop3A_227, %parallel_loop3A_228] {strides = array<i32>} : memref<2x64x128xf32, #tpu.memory_space<vmem>>, vector<16xf32>,
        %parallel_loop3A_230 = arith.constant 0 : i32
        %parallel_loop3A_231 = arith.index_cast %parallel_loop3A_230 : i32 to index
        %parallel_loop3A_232 = arith.index_cast %parallel_loop3A_213 : i32 to index
        %parallel_loop3A_233 = arith.constant 16 : index
        %parallel_loop3A_234 = tpu.vector_load %arg12[%parallel_loop3A_231, %parallel_loop3A_232, %parallel_loop3A_233] {strides = array<i32>} : memref<2x64x128xf32, #tpu.memory_space<vmem>>, vector<16xf32>,
        %parallel_loop3A_235 = arith.mulf %parallel_loop3A_229, %parallel_loop3A_234 : vector<16xf32>
        %parallel_loop3A_236 = arith.constant 0 : i32
        %parallel_loop3A_237 = arith.index_cast %parallel_loop3A_236 : i32 to index
        %parallel_loop3A_238 = arith.index_cast %parallel_loop3A_213 : i32 to index
        %parallel_loop3A_239 = arith.constant 32 : index
        %parallel_loop3A_240 = tpu.vector_load %arg11[%parallel_loop3A_237, %parallel_loop3A_238, %parallel_loop3A_239] {strides = array<i32>} : memref<2x64x128xf32, #tpu.memory_space<vmem>>, vector<16xf32>,
        %parallel_loop3A_241 = arith.constant 0 : i32
        %parallel_loop3A_242 = arith.index_cast %parallel_loop3A_241 : i32 to index
        %parallel_loop3A_243 = arith.index_cast %parallel_loop3A_213 : i32 to index
        %parallel_loop3A_244 = arith.constant 32 : index
        %parallel_loop3A_245 = tpu.vector_load %arg12[%parallel_loop3A_242, %parallel_loop3A_243, %parallel_loop3A_244] {strides = array<i32>} : memref<2x64x128xf32, #tpu.memory_space<vmem>>, vector<16xf32>,
        %parallel_loop3A_246 = arith.mulf %parallel_loop3A_240, %parallel_loop3A_245 : vector<16xf32>
        %parallel_loop3A_247 = arith.constant 0 : i32
        %parallel_loop3A_248 = arith.index_cast %parallel_loop3A_247 : i32 to index
        %parallel_loop3A_249 = arith.index_cast %parallel_loop3A_213 : i32 to index
        %parallel_loop3A_250 = arith.constant 48 : index
        %parallel_loop3A_251 = tpu.vector_load %arg11[%parallel_loop3A_248, %parallel_loop3A_249, %parallel_loop3A_250] {strides = array<i32>} : memref<2x64x128xf32, #tpu.memory_space<vmem>>, vector<16xf32>,
        %parallel_loop3A_252 = arith.constant 0 : i32
        %parallel_loop3A_253 = arith.index_cast %parallel_loop3A_252 : i32 to index
        %parallel_loop3A_254 = arith.index_cast %parallel_loop3A_213 : i32 to index
        %parallel_loop3A_255 = arith.constant 48 : index
        %parallel_loop3A_256 = tpu.vector_load %arg12[%parallel_loop3A_253, %parallel_loop3A_254, %parallel_loop3A_255] {strides = array<i32>} : memref<2x64x128xf32, #tpu.memory_space<vmem>>, vector<16xf32>,
        %parallel_loop3A_257 = arith.mulf %parallel_loop3A_251, %parallel_loop3A_256 : vector<16xf32>
        %parallel_loop3A_258 = arith.constant 0 : i32
        %parallel_loop3A_259 = arith.index_cast %parallel_loop3A_258 : i32 to index
        %parallel_loop3A_260 = arith.index_cast %parallel_loop3A_213 : i32 to index
        %parallel_loop3A_261 = arith.constant 64 : index
        %parallel_loop3A_262 = tpu.vector_load %arg11[%parallel_loop3A_259, %parallel_loop3A_260, %parallel_loop3A_261] {strides = array<i32>} : memref<2x64x128xf32, #tpu.memory_space<vmem>>, vector<16xf32>,
        %parallel_loop3A_263 = arith.constant 0 : i32
        %parallel_loop3A_264 = arith.index_cast %parallel_loop3A_263 : i32 to index
        %parallel_loop3A_265 = arith.index_cast %parallel_loop3A_213 : i32 to index
        %parallel_loop3A_266 = arith.constant 64 : index
        %parallel_loop3A_267 = tpu.vector_load %arg12[%parallel_loop3A_264, %parallel_loop3A_265, %parallel_loop3A_266] {strides = array<i32>} : memref<2x64x128xf32, #tpu.memory_space<vmem>>, vector<16xf32>,
        %parallel_loop3A_268 = arith.mulf %parallel_loop3A_262, %parallel_loop3A_267 : vector<16xf32>
        %parallel_loop3A_269 = arith.constant 0 : i32
        %parallel_loop3A_270 = arith.index_cast %parallel_loop3A_269 : i32 to index
        %parallel_loop3A_271 = arith.index_cast %parallel_loop3A_213 : i32 to index
        %parallel_loop3A_272 = arith.constant 80 : index
        %parallel_loop3A_273 = tpu.vector_load %arg11[%parallel_loop3A_270, %parallel_loop3A_271, %parallel_loop3A_272] {strides = array<i32>} : memref<2x64x128xf32, #tpu.memory_space<vmem>>, vector<16xf32>,
        %parallel_loop3A_274 = arith.constant 0 : i32
        %parallel_loop3A_275 = arith.index_cast %parallel_loop3A_274 : i32 to index
        %parallel_loop3A_276 = arith.index_cast %parallel_loop3A_213 : i32 to index
        %parallel_loop3A_277 = arith.constant 80 : index
        %parallel_loop3A_278 = tpu.vector_load %arg12[%parallel_loop3A_275, %parallel_loop3A_276, %parallel_loop3A_277] {strides = array<i32>} : memref<2x64x128xf32, #tpu.memory_space<vmem>>, vector<16xf32>,
        %parallel_loop3A_279 = arith.mulf %parallel_loop3A_273, %parallel_loop3A_278 : vector<16xf32>
        %parallel_loop3A_280 = arith.constant 0 : i32
        %parallel_loop3A_281 = arith.index_cast %parallel_loop3A_280 : i32 to index
        %parallel_loop3A_282 = arith.index_cast %parallel_loop3A_213 : i32 to index
        %parallel_loop3A_283 = arith.constant 96 : index
        %parallel_loop3A_284 = tpu.vector_load %arg11[%parallel_loop3A_281, %parallel_loop3A_282, %parallel_loop3A_283] {strides = array<i32>} : memref<2x64x128xf32, #tpu.memory_space<vmem>>, vector<16xf32>,
        %parallel_loop3A_285 = arith.constant 0 : i32
        %parallel_loop3A_286 = arith.index_cast %parallel_loop3A_285 : i32 to index
        %parallel_loop3A_287 = arith.index_cast %parallel_loop3A_213 : i32 to index
        %parallel_loop3A_288 = arith.constant 96 : index
        %parallel_loop3A_289 = tpu.vector_load %arg12[%parallel_loop3A_286, %parallel_loop3A_287, %parallel_loop3A_288] {strides = array<i32>} : memref<2x64x128xf32, #tpu.memory_space<vmem>>, vector<16xf32>,
        %parallel_loop3A_290 = arith.mulf %parallel_loop3A_284, %parallel_loop3A_289 : vector<16xf32>
        %parallel_loop3A_291 = arith.constant 0 : i32
        %parallel_loop3A_292 = arith.index_cast %parallel_loop3A_291 : i32 to index
        %parallel_loop3A_293 = arith.index_cast %parallel_loop3A_213 : i32 to index
        %parallel_loop3A_294 = arith.constant 112 : index
        %parallel_loop3A_295 = tpu.vector_load %arg11[%parallel_loop3A_292, %parallel_loop3A_293, %parallel_loop3A_294] {strides = array<i32>} : memref<2x64x128xf32, #tpu.memory_space<vmem>>, vector<16xf32>,
        %parallel_loop3A_296 = arith.constant 0 : i32
        %parallel_loop3A_297 = arith.index_cast %parallel_loop3A_296 : i32 to index
        %parallel_loop3A_298 = arith.index_cast %parallel_loop3A_213 : i32 to index
        %parallel_loop3A_299 = arith.constant 112 : index
        %parallel_loop3A_300 = tpu.vector_load %arg12[%parallel_loop3A_297, %parallel_loop3A_298, %parallel_loop3A_299] {strides = array<i32>} : memref<2x64x128xf32, #tpu.memory_space<vmem>>, vector<16xf32>,
        %parallel_loop3A_301 = arith.mulf %parallel_loop3A_295, %parallel_loop3A_300 : vector<16xf32>
        %parallel_loop3A_302 = arith.addf %parallel_loop3A_224, %parallel_loop3A_235 : vector<16xf32>
        %parallel_loop3A_303 = arith.addf %parallel_loop3A_246, %parallel_loop3A_257 : vector<16xf32>
        %parallel_loop3A_304 = arith.addf %parallel_loop3A_268, %parallel_loop3A_279 : vector<16xf32>
        %parallel_loop3A_305 = arith.addf %parallel_loop3A_290, %parallel_loop3A_301 : vector<16xf32>
        %parallel_loop3A_306 = arith.addf %parallel_loop3A_302, %parallel_loop3A_303 : vector<16xf32>
        %parallel_loop3A_307 = arith.addf %parallel_loop3A_304, %parallel_loop3A_305 : vector<16xf32>
        %parallel_loop3A_308 = arith.addf %parallel_loop3A_306, %parallel_loop3A_307 : vector<16xf32>
        %parallel_loop3A_309 = arith.constant 0 : i32
        %parallel_loop3A_310 = arith.addi %parallel_loop3A_209, %parallel_loop3A_309 : i32
        %parallel_loop3A_311 = arith.index_cast %parallel_loop3A_310 : i32 to index
        %parallel_loop3A_312 = tpu.vector_load %arg15[%parallel_loop3A_311] {strides = array<i32>} : memref<1024xf32, #tpu.memory_space<vmem>>, vector<16xf32>,
        tpu.vector_store %arg15[%parallel_loop3A_311], %parallel_loop3A_308 {strides = array<i32>} : memref<1024xf32, #tpu.memory_space<vmem>>, vector<16xf32>,
        %parallel_loop3A_313 = arith.constant 16 : i32
        %parallel_loop3A_314 = arith.muli %parallel_loop3A_207, %parallel_loop3A_313 : i32
        %parallel_loop3A_315 = arith.constant 1 : i32
        %parallel_loop3A_316 = arith.addi %parallel_loop3A_314, %parallel_loop3A_315 : i32
        %parallel_loop3A_317 = arith.constant 0 : i32
        %parallel_loop3A_318 = arith.index_cast %parallel_loop3A_317 : i32 to index
        %parallel_loop3A_319 = arith.index_cast %parallel_loop3A_316 : i32 to index
        %parallel_loop3A_320 = arith.constant 0 : index
        %parallel_loop3A_321 = tpu.vector_load %arg11[%parallel_loop3A_318, %parallel_loop3A_319, %parallel_loop3A_320] {strides = array<i32>} : memref<2x64x128xf32, #tpu.memory_space<vmem>>, vector<16xf32>,
        %parallel_loop3A_322 = arith.constant 0 : i32
        %parallel_loop3A_323 = arith.index_cast %parallel_loop3A_322 : i32 to index
        %parallel_loop3A_324 = arith.index_cast %parallel_loop3A_316 : i32 to index
        %parallel_loop3A_325 = arith.constant 0 : index
        %parallel_loop3A_326 = tpu.vector_load %arg12[%parallel_loop3A_323, %parallel_loop3A_324, %parallel_loop3A_325] {strides = array<i32>} : memref<2x64x128xf32, #tpu.memory_space<vmem>>, vector<16xf32>,
        %parallel_loop3A_327 = arith.mulf %parallel_loop3A_321, %parallel_loop3A_326 : vector<16xf32>
        %parallel_loop3A_328 = arith.constant 0 : i32
        %parallel_loop3A_329 = arith.index_cast %parallel_loop3A_328 : i32 to index
        %parallel_loop3A_330 = arith.index_cast %parallel_loop3A_316 : i32 to index
        %parallel_loop3A_331 = arith.constant 16 : index
        %parallel_loop3A_332 = tpu.vector_load %arg11[%parallel_loop3A_329, %parallel_loop3A_330, %parallel_loop3A_331] {strides = array<i32>} : memref<2x64x128xf32, #tpu.memory_space<vmem>>, vector<16xf32>,
        %parallel_loop3A_333 = arith.constant 0 : i32
        %parallel_loop3A_334 = arith.index_cast %parallel_loop3A_333 : i32 to index
        %parallel_loop3A_335 = arith.index_cast %parallel_loop3A_316 : i32 to index
        %parallel_loop3A_336 = arith.constant 16 : index
        %parallel_loop3A_337 = tpu.vector_load %arg12[%parallel_loop3A_334, %parallel_loop3A_335, %parallel_loop3A_336] {strides = array<i32>} : memref<2x64x128xf32, #tpu.memory_space<vmem>>, vector<16xf32>,
        %parallel_loop3A_338 = arith.mulf %parallel_loop3A_332, %parallel_loop3A_337 : vector<16xf32>
        %parallel_loop3A_339 = arith.constant 0 : i32
        %parallel_loop3A_340 = arith.index_cast %parallel_loop3A_339 : i32 to index
        %parallel_loop3A_341 = arith.index_cast %parallel_loop3A_316 : i32 to index
        %parallel_loop3A_342 = arith.constant 32 : index
        %parallel_loop3A_343 = tpu.vector_load %arg11[%parallel_loop3A_340, %parallel_loop3A_341, %parallel_loop3A_342] {strides = array<i32>} : memref<2x64x128xf32, #tpu.memory_space<vmem>>, vector<16xf32>,
        %parallel_loop3A_344 = arith.constant 0 : i32
        %parallel_loop3A_345 = arith.index_cast %parallel_loop3A_344 : i32 to index
        %parallel_loop3A_346 = arith.index_cast %parallel_loop3A_316 : i32 to index
        %parallel_loop3A_347 = arith.constant 32 : index
        %parallel_loop3A_348 = tpu.vector_load %arg12[%parallel_loop3A_345, %parallel_loop3A_346, %parallel_loop3A_347] {strides = array<i32>} : memref<2x64x128xf32, #tpu.memory_space<vmem>>, vector<16xf32>,
        %parallel_loop3A_349 = arith.mulf %parallel_loop3A_343, %parallel_loop3A_348 : vector<16xf32>
        %parallel_loop3A_350 = arith.constant 0 : i32
        %parallel_loop3A_351 = arith.index_cast %parallel_loop3A_350 : i32 to index
        %parallel_loop3A_352 = arith.index_cast %parallel_loop3A_316 : i32 to index
        %parallel_loop3A_353 = arith.constant 48 : index
        %parallel_loop3A_354 = tpu.vector_load %arg11[%parallel_loop3A_351, %parallel_loop3A_352, %parallel_loop3A_353] {strides = array<i32>} : memref<2x64x128xf32, #tpu.memory_space<vmem>>, vector<16xf32>,
        %parallel_loop3A_355 = arith.constant 0 : i32
        %parallel_loop3A_356 = arith.index_cast %parallel_loop3A_355 : i32 to index
        %parallel_loop3A_357 = arith.index_cast %parallel_loop3A_316 : i32 to index
        %parallel_loop3A_358 = arith.constant 48 : index
        %parallel_loop3A_359 = tpu.vector_load %arg12[%parallel_loop3A_356, %parallel_loop3A_357, %parallel_loop3A_358] {strides = array<i32>} : memref<2x64x128xf32, #tpu.memory_space<vmem>>, vector<16xf32>,
        %parallel_loop3A_360 = arith.mulf %parallel_loop3A_354, %parallel_loop3A_359 : vector<16xf32>
        %parallel_loop3A_361 = arith.constant 0 : i32
        %parallel_loop3A_362 = arith.index_cast %parallel_loop3A_361 : i32 to index
        %parallel_loop3A_363 = arith.index_cast %parallel_loop3A_316 : i32 to index
        %parallel_loop3A_364 = arith.constant 64 : index
        %parallel_loop3A_365 = tpu.vector_load %arg11[%parallel_loop3A_362, %parallel_loop3A_363, %parallel_loop3A_364] {strides = array<i32>} : memref<2x64x128xf32, #tpu.memory_space<vmem>>, vector<16xf32>,
        %parallel_loop3A_366 = arith.constant 0 : i32
        %parallel_loop3A_367 = arith.index_cast %parallel_loop3A_366 : i32 to index
        %parallel_loop3A_368 = arith.index_cast %parallel_loop3A_316 : i32 to index
        %parallel_loop3A_369 = arith.constant 64 : index
        %parallel_loop3A_370 = tpu.vector_load %arg12[%parallel_loop3A_367, %parallel_loop3A_368, %parallel_loop3A_369] {strides = array<i32>} : memref<2x64x128xf32, #tpu.memory_space<vmem>>, vector<16xf32>,
        %parallel_loop3A_371 = arith.mulf %parallel_loop3A_365, %parallel_loop3A_370 : vector<16xf32>
        %parallel_loop3A_372 = arith.constant 0 : i32
        %parallel_loop3A_373 = arith.index_cast %parallel_loop3A_372 : i32 to index
        %parallel_loop3A_374 = arith.index_cast %parallel_loop3A_316 : i32 to index
        %parallel_loop3A_375 = arith.constant 80 : index
        %parallel_loop3A_376 = tpu.vector_load %arg11[%parallel_loop3A_373, %parallel_loop3A_374, %parallel_loop3A_375] {strides = array<i32>} : memref<2x64x128xf32, #tpu.memory_space<vmem>>, vector<16xf32>,
        %parallel_loop3A_377 = arith.constant 0 : i32
        %parallel_loop3A_378 = arith.index_cast %parallel_loop3A_377 : i32 to index
        %parallel_loop3A_379 = arith.index_cast %parallel_loop3A_316 : i32 to index
        %parallel_loop3A_380 = arith.constant 80 : index
        %parallel_loop3A_381 = tpu.vector_load %arg12[%parallel_loop3A_378, %parallel_loop3A_379, %parallel_loop3A_380] {strides = array<i32>} : memref<2x64x128xf32, #tpu.memory_space<vmem>>, vector<16xf32>,
        %parallel_loop3A_382 = arith.mulf %parallel_loop3A_376, %parallel_loop3A_381 : vector<16xf32>
        %parallel_loop3A_383 = arith.constant 0 : i32
        %parallel_loop3A_384 = arith.index_cast %parallel_loop3A_383 : i32 to index
        %parallel_loop3A_385 = arith.index_cast %parallel_loop3A_316 : i32 to index
        %parallel_loop3A_386 = arith.constant 96 : index
        %parallel_loop3A_387 = tpu.vector_load %arg11[%parallel_loop3A_384, %parallel_loop3A_385, %parallel_loop3A_386] {strides = array<i32>} : memref<2x64x128xf32, #tpu.memory_space<vmem>>, vector<16xf32>,
        %parallel_loop3A_388 = arith.constant 0 : i32
        %parallel_loop3A_389 = arith.index_cast %parallel_loop3A_388 : i32 to index
        %parallel_loop3A_390 = arith.index_cast %parallel_loop3A_316 : i32 to index
        %parallel_loop3A_391 = arith.constant 96 : index
        %parallel_loop3A_392 = tpu.vector_load %arg12[%parallel_loop3A_389, %parallel_loop3A_390, %parallel_loop3A_391] {strides = array<i32>} : memref<2x64x128xf32, #tpu.memory_space<vmem>>, vector<16xf32>,
        %parallel_loop3A_393 = arith.mulf %parallel_loop3A_387, %parallel_loop3A_392 : vector<16xf32>
        %parallel_loop3A_394 = arith.constant 0 : i32
        %parallel_loop3A_395 = arith.index_cast %parallel_loop3A_394 : i32 to index
        %parallel_loop3A_396 = arith.index_cast %parallel_loop3A_316 : i32 to index
        %parallel_loop3A_397 = arith.constant 112 : index
        %parallel_loop3A_398 = tpu.vector_load %arg11[%parallel_loop3A_395, %parallel_loop3A_396, %parallel_loop3A_397] {strides = array<i32>} : memref<2x64x128xf32, #tpu.memory_space<vmem>>, vector<16xf32>,
        %parallel_loop3A_399 = arith.constant 0 : i32
        %parallel_loop3A_400 = arith.index_cast %parallel_loop3A_399 : i32 to index
        %parallel_loop3A_401 = arith.index_cast %parallel_loop3A_316 : i32 to index
        %parallel_loop3A_402 = arith.constant 112 : index
        %parallel_loop3A_403 = tpu.vector_load %arg12[%parallel_loop3A_400, %parallel_loop3A_401, %parallel_loop3A_402] {strides = array<i32>} : memref<2x64x128xf32, #tpu.memory_space<vmem>>, vector<16xf32>,
        %parallel_loop3A_404 = arith.mulf %parallel_loop3A_398, %parallel_loop3A_403 : vector<16xf32>
        %parallel_loop3A_405 = arith.addf %parallel_loop3A_327, %parallel_loop3A_338 : vector<16xf32>
        %parallel_loop3A_406 = arith.addf %parallel_loop3A_349, %parallel_loop3A_360 : vector<16xf32>
        %parallel_loop3A_407 = arith.addf %parallel_loop3A_371, %parallel_loop3A_382 : vector<16xf32>
        %parallel_loop3A_408 = arith.addf %parallel_loop3A_393, %parallel_loop3A_404 : vector<16xf32>
        %parallel_loop3A_409 = arith.addf %parallel_loop3A_405, %parallel_loop3A_406 : vector<16xf32>
        %parallel_loop3A_410 = arith.addf %parallel_loop3A_407, %parallel_loop3A_408 : vector<16xf32>
        %parallel_loop3A_411 = arith.addf %parallel_loop3A_409, %parallel_loop3A_410 : vector<16xf32>
        %parallel_loop3A_412 = arith.constant 16 : i32
        %parallel_loop3A_413 = arith.addi %parallel_loop3A_209, %parallel_loop3A_412 : i32
        %parallel_loop3A_414 = arith.index_cast %parallel_loop3A_413 : i32 to index
        %parallel_loop3A_415 = tpu.vector_load %arg15[%parallel_loop3A_414] {strides = array<i32>} : memref<1024xf32, #tpu.memory_space<vmem>>, vector<16xf32>,
        tpu.vector_store %arg15[%parallel_loop3A_414], %parallel_loop3A_411 {strides = array<i32>} : memref<1024xf32, #tpu.memory_space<vmem>>, vector<16xf32>,
        %parallel_loop3A_416 = arith.constant 16 : i32
        %parallel_loop3A_417 = arith.muli %parallel_loop3A_207, %parallel_loop3A_416 : i32
        %parallel_loop3A_418 = arith.constant 2 : i32
        %parallel_loop3A_419 = arith.addi %parallel_loop3A_417, %parallel_loop3A_418 : i32
        %parallel_loop3A_420 = arith.constant 0 : i32
        %parallel_loop3A_421 = arith.index_cast %parallel_loop3A_420 : i32 to index
        %parallel_loop3A_422 = arith.index_cast %parallel_loop3A_419 : i32 to index
        %parallel_loop3A_423 = arith.constant 0 : index
        %parallel_loop3A_424 = tpu.vector_load %arg11[%parallel_loop3A_421, %parallel_loop3A_422, %parallel_loop3A_423] {strides = array<i32>} : memref<2x64x128xf32, #tpu.memory_space<vmem>>, vector<16xf32>,
        %parallel_loop3A_425 = arith.constant 0 : i32
        %parallel_loop3A_426 = arith.index_cast %parallel_loop3A_425 : i32 to index
        %parallel_loop3A_427 = arith.index_cast %parallel_loop3A_419 : i32 to index
        %parallel_loop3A_428 = arith.constant 0 : index
        %parallel_loop3A_429 = tpu.vector_load %arg12[%parallel_loop3A_426, %parallel_loop3A_427, %parallel_loop3A_428] {strides = array<i32>} : memref<2x64x128xf32, #tpu.memory_space<vmem>>, vector<16xf32>,
        %parallel_loop3A_430 = arith.mulf %parallel_loop3A_424, %parallel_loop3A_429 : vector<16xf32>
        %parallel_loop3A_431 = arith.constant 0 : i32
        %parallel_loop3A_432 = arith.index_cast %parallel_loop3A_431 : i32 to index
        %parallel_loop3A_433 = arith.index_cast %parallel_loop3A_419 : i32 to index
        %parallel_loop3A_434 = arith.constant 16 : index
        %parallel_loop3A_435 = tpu.vector_load %arg11[%parallel_loop3A_432, %parallel_loop3A_433, %parallel_loop3A_434] {strides = array<i32>} : memref<2x64x128xf32, #tpu.memory_space<vmem>>, vector<16xf32>,
        %parallel_loop3A_436 = arith.constant 0 : i32
        %parallel_loop3A_437 = arith.index_cast %parallel_loop3A_436 : i32 to index
        %parallel_loop3A_438 = arith.index_cast %parallel_loop3A_419 : i32 to index
        %parallel_loop3A_439 = arith.constant 16 : index
        %parallel_loop3A_440 = tpu.vector_load %arg12[%parallel_loop3A_437, %parallel_loop3A_438, %parallel_loop3A_439] {strides = array<i32>} : memref<2x64x128xf32, #tpu.memory_space<vmem>>, vector<16xf32>,
        %parallel_loop3A_441 = arith.mulf %parallel_loop3A_435, %parallel_loop3A_440 : vector<16xf32>
        %parallel_loop3A_442 = arith.constant 0 : i32
        %parallel_loop3A_443 = arith.index_cast %parallel_loop3A_442 : i32 to index
        %parallel_loop3A_444 = arith.index_cast %parallel_loop3A_419 : i32 to index
        %parallel_loop3A_445 = arith.constant 32 : index
        %parallel_loop3A_446 = tpu.vector_load %arg11[%parallel_loop3A_443, %parallel_loop3A_444, %parallel_loop3A_445] {strides = array<i32>} : memref<2x64x128xf32, #tpu.memory_space<vmem>>, vector<16xf32>,
        %parallel_loop3A_447 = arith.constant 0 : i32
        %parallel_loop3A_448 = arith.index_cast %parallel_loop3A_447 : i32 to index
        %parallel_loop3A_449 = arith.index_cast %parallel_loop3A_419 : i32 to index
        %parallel_loop3A_450 = arith.constant 32 : index
        %parallel_loop3A_451 = tpu.vector_load %arg12[%parallel_loop3A_448, %parallel_loop3A_449, %parallel_loop3A_450] {strides = array<i32>} : memref<2x64x128xf32, #tpu.memory_space<vmem>>, vector<16xf32>,
        %parallel_loop3A_452 = arith.mulf %parallel_loop3A_446, %parallel_loop3A_451 : vector<16xf32>
        %parallel_loop3A_453 = arith.constant 0 : i32
        %parallel_loop3A_454 = arith.index_cast %parallel_loop3A_453 : i32 to index
        %parallel_loop3A_455 = arith.index_cast %parallel_loop3A_419 : i32 to index
        %parallel_loop3A_456 = arith.constant 48 : index
        %parallel_loop3A_457 = tpu.vector_load %arg11[%parallel_loop3A_454, %parallel_loop3A_455, %parallel_loop3A_456] {strides = array<i32>} : memref<2x64x128xf32, #tpu.memory_space<vmem>>, vector<16xf32>,
        %parallel_loop3A_458 = arith.constant 0 : i32
        %parallel_loop3A_459 = arith.index_cast %parallel_loop3A_458 : i32 to index
        %parallel_loop3A_460 = arith.index_cast %parallel_loop3A_419 : i32 to index
        %parallel_loop3A_461 = arith.constant 48 : index
        %parallel_loop3A_462 = tpu.vector_load %arg12[%parallel_loop3A_459, %parallel_loop3A_460, %parallel_loop3A_461] {strides = array<i32>} : memref<2x64x128xf32, #tpu.memory_space<vmem>>, vector<16xf32>,
        %parallel_loop3A_463 = arith.mulf %parallel_loop3A_457, %parallel_loop3A_462 : vector<16xf32>
        %parallel_loop3A_464 = arith.constant 0 : i32
        %parallel_loop3A_465 = arith.index_cast %parallel_loop3A_464 : i32 to index
        %parallel_loop3A_466 = arith.index_cast %parallel_loop3A_419 : i32 to index
        %parallel_loop3A_467 = arith.constant 64 : index
        %parallel_loop3A_468 = tpu.vector_load %arg11[%parallel_loop3A_465, %parallel_loop3A_466, %parallel_loop3A_467] {strides = array<i32>} : memref<2x64x128xf32, #tpu.memory_space<vmem>>, vector<16xf32>,
        %parallel_loop3A_469 = arith.constant 0 : i32
        %parallel_loop3A_470 = arith.index_cast %parallel_loop3A_469 : i32 to index
        %parallel_loop3A_471 = arith.index_cast %parallel_loop3A_419 : i32 to index
        %parallel_loop3A_472 = arith.constant 64 : index
        %parallel_loop3A_473 = tpu.vector_load %arg12[%parallel_loop3A_470, %parallel_loop3A_471, %parallel_loop3A_472] {strides = array<i32>} : memref<2x64x128xf32, #tpu.memory_space<vmem>>, vector<16xf32>,
        %parallel_loop3A_474 = arith.mulf %parallel_loop3A_468, %parallel_loop3A_473 : vector<16xf32>
        %parallel_loop3A_475 = arith.constant 0 : i32
        %parallel_loop3A_476 = arith.index_cast %parallel_loop3A_475 : i32 to index
        %parallel_loop3A_477 = arith.index_cast %parallel_loop3A_419 : i32 to index
        %parallel_loop3A_478 = arith.constant 80 : index
        %parallel_loop3A_479 = tpu.vector_load %arg11[%parallel_loop3A_476, %parallel_loop3A_477, %parallel_loop3A_478] {strides = array<i32>} : memref<2x64x128xf32, #tpu.memory_space<vmem>>, vector<16xf32>,
        %parallel_loop3A_480 = arith.constant 0 : i32
        %parallel_loop3A_481 = arith.index_cast %parallel_loop3A_480 : i32 to index
        %parallel_loop3A_482 = arith.index_cast %parallel_loop3A_419 : i32 to index
        %parallel_loop3A_483 = arith.constant 80 : index
        %parallel_loop3A_484 = tpu.vector_load %arg12[%parallel_loop3A_481, %parallel_loop3A_482, %parallel_loop3A_483] {strides = array<i32>} : memref<2x64x128xf32, #tpu.memory_space<vmem>>, vector<16xf32>,
        %parallel_loop3A_485 = arith.mulf %parallel_loop3A_479, %parallel_loop3A_484 : vector<16xf32>
        %parallel_loop3A_486 = arith.constant 0 : i32
        %parallel_loop3A_487 = arith.index_cast %parallel_loop3A_486 : i32 to index
        %parallel_loop3A_488 = arith.index_cast %parallel_loop3A_419 : i32 to index
        %parallel_loop3A_489 = arith.constant 96 : index
        %parallel_loop3A_490 = tpu.vector_load %arg11[%parallel_loop3A_487, %parallel_loop3A_488, %parallel_loop3A_489] {strides = array<i32>} : memref<2x64x128xf32, #tpu.memory_space<vmem>>, vector<16xf32>,
        %parallel_loop3A_491 = arith.constant 0 : i32
        %parallel_loop3A_492 = arith.index_cast %parallel_loop3A_491 : i32 to index
        %parallel_loop3A_493 = arith.index_cast %parallel_loop3A_419 : i32 to index
        %parallel_loop3A_494 = arith.constant 96 : index
        %parallel_loop3A_495 = tpu.vector_load %arg12[%parallel_loop3A_492, %parallel_loop3A_493, %parallel_loop3A_494] {strides = array<i32>} : memref<2x64x128xf32, #tpu.memory_space<vmem>>, vector<16xf32>,
        %parallel_loop3A_496 = arith.mulf %parallel_loop3A_490, %parallel_loop3A_495 : vector<16xf32>
        %parallel_loop3A_497 = arith.constant 0 : i32
        %parallel_loop3A_498 = arith.index_cast %parallel_loop3A_497 : i32 to index
        %parallel_loop3A_499 = arith.index_cast %parallel_loop3A_419 : i32 to index
        %parallel_loop3A_500 = arith.constant 112 : index
        %parallel_loop3A_501 = tpu.vector_load %arg11[%parallel_loop3A_498, %parallel_loop3A_499, %parallel_loop3A_500] {strides = array<i32>} : memref<2x64x128xf32, #tpu.memory_space<vmem>>, vector<16xf32>,
        %parallel_loop3A_502 = arith.constant 0 : i32
        %parallel_loop3A_503 = arith.index_cast %parallel_loop3A_502 : i32 to index
        %parallel_loop3A_504 = arith.index_cast %parallel_loop3A_419 : i32 to index
        %parallel_loop3A_505 = arith.constant 112 : index
        %parallel_loop3A_506 = tpu.vector_load %arg12[%parallel_loop3A_503, %parallel_loop3A_504, %parallel_loop3A_505] {strides = array<i32>} : memref<2x64x128xf32, #tpu.memory_space<vmem>>, vector<16xf32>,
        %parallel_loop3A_507 = arith.mulf %parallel_loop3A_501, %parallel_loop3A_506 : vector<16xf32>
        %parallel_loop3A_508 = arith.addf %parallel_loop3A_430, %parallel_loop3A_441 : vector<16xf32>
        %parallel_loop3A_509 = arith.addf %parallel_loop3A_452, %parallel_loop3A_463 : vector<16xf32>
        %parallel_loop3A_510 = arith.addf %parallel_loop3A_474, %parallel_loop3A_485 : vector<16xf32>
        %parallel_loop3A_511 = arith.addf %parallel_loop3A_496, %parallel_loop3A_507 : vector<16xf32>
        %parallel_loop3A_512 = arith.addf %parallel_loop3A_508, %parallel_loop3A_509 : vector<16xf32>
        %parallel_loop3A_513 = arith.addf %parallel_loop3A_510, %parallel_loop3A_511 : vector<16xf32>
        %parallel_loop3A_514 = arith.addf %parallel_loop3A_512, %parallel_loop3A_513 : vector<16xf32>
        %parallel_loop3A_515 = arith.constant 32 : i32
        %parallel_loop3A_516 = arith.addi %parallel_loop3A_209, %parallel_loop3A_515 : i32
        %parallel_loop3A_517 = arith.index_cast %parallel_loop3A_516 : i32 to index
        %parallel_loop3A_518 = tpu.vector_load %arg15[%parallel_loop3A_517] {strides = array<i32>} : memref<1024xf32, #tpu.memory_space<vmem>>, vector<16xf32>,
        tpu.vector_store %arg15[%parallel_loop3A_517], %parallel_loop3A_514 {strides = array<i32>} : memref<1024xf32, #tpu.memory_space<vmem>>, vector<16xf32>,
        %parallel_loop3A_519 = arith.constant 16 : i32
        %parallel_loop3A_520 = arith.muli %parallel_loop3A_207, %parallel_loop3A_519 : i32
        %parallel_loop3A_521 = arith.constant 3 : i32
        %parallel_loop3A_522 = arith.addi %parallel_loop3A_520, %parallel_loop3A_521 : i32
        %parallel_loop3A_523 = arith.constant 0 : i32
        %parallel_loop3A_524 = arith.index_cast %parallel_loop3A_523 : i32 to index
        %parallel_loop3A_525 = arith.index_cast %parallel_loop3A_522 : i32 to index
        %parallel_loop3A_526 = arith.constant 0 : index
        %parallel_loop3A_527 = tpu.vector_load %arg11[%parallel_loop3A_524, %parallel_loop3A_525, %parallel_loop3A_526] {strides = array<i32>} : memref<2x64x128xf32, #tpu.memory_space<vmem>>, vector<16xf32>,
        %parallel_loop3A_528 = arith.constant 0 : i32
        %parallel_loop3A_529 = arith.index_cast %parallel_loop3A_528 : i32 to index
        %parallel_loop3A_530 = arith.index_cast %parallel_loop3A_522 : i32 to index
        %parallel_loop3A_531 = arith.constant 0 : index
        %parallel_loop3A_532 = tpu.vector_load %arg12[%parallel_loop3A_529, %parallel_loop3A_530, %parallel_loop3A_531] {strides = array<i32>} : memref<2x64x128xf32, #tpu.memory_space<vmem>>, vector<16xf32>,
        %parallel_loop3A_533 = arith.mulf %parallel_loop3A_527, %parallel_loop3A_532 : vector<16xf32>
        %parallel_loop3A_534 = arith.constant 0 : i32
        %parallel_loop3A_535 = arith.index_cast %parallel_loop3A_534 : i32 to index
        %parallel_loop3A_536 = arith.index_cast %parallel_loop3A_522 : i32 to index
        %parallel_loop3A_537 = arith.constant 16 : index
        %parallel_loop3A_538 = tpu.vector_load %arg11[%parallel_loop3A_535, %parallel_loop3A_536, %parallel_loop3A_537] {strides = array<i32>} : memref<2x64x128xf32, #tpu.memory_space<vmem>>, vector<16xf32>,
        %parallel_loop3A_539 = arith.constant 0 : i32
        %parallel_loop3A_540 = arith.index_cast %parallel_loop3A_539 : i32 to index
        %parallel_loop3A_541 = arith.index_cast %parallel_loop3A_522 : i32 to index
        %parallel_loop3A_542 = arith.constant 16 : index
        %parallel_loop3A_543 = tpu.vector_load %arg12[%parallel_loop3A_540, %parallel_loop3A_541, %parallel_loop3A_542] {strides = array<i32>} : memref<2x64x128xf32, #tpu.memory_space<vmem>>, vector<16xf32>,
        %parallel_loop3A_544 = arith.mulf %parallel_loop3A_538, %parallel_loop3A_543 : vector<16xf32>
        %parallel_loop3A_545 = arith.constant 0 : i32
        %parallel_loop3A_546 = arith.index_cast %parallel_loop3A_545 : i32 to index
        %parallel_loop3A_547 = arith.index_cast %parallel_loop3A_522 : i32 to index
        %parallel_loop3A_548 = arith.constant 32 : index
        %parallel_loop3A_549 = tpu.vector_load %arg11[%parallel_loop3A_546, %parallel_loop3A_547, %parallel_loop3A_548] {strides = array<i32>} : memref<2x64x128xf32, #tpu.memory_space<vmem>>, vector<16xf32>,
        %parallel_loop3A_550 = arith.constant 0 : i32
        %parallel_loop3A_551 = arith.index_cast %parallel_loop3A_550 : i32 to index
        %parallel_loop3A_552 = arith.index_cast %parallel_loop3A_522 : i32 to index
        %parallel_loop3A_553 = arith.constant 32 : index
        %parallel_loop3A_554 = tpu.vector_load %arg12[%parallel_loop3A_551, %parallel_loop3A_552, %parallel_loop3A_553] {strides = array<i32>} : memref<2x64x128xf32, #tpu.memory_space<vmem>>, vector<16xf32>,
        %parallel_loop3A_555 = arith.mulf %parallel_loop3A_549, %parallel_loop3A_554 : vector<16xf32>
        %parallel_loop3A_556 = arith.constant 0 : i32
        %parallel_loop3A_557 = arith.index_cast %parallel_loop3A_556 : i32 to index
        %parallel_loop3A_558 = arith.index_cast %parallel_loop3A_522 : i32 to index
        %parallel_loop3A_559 = arith.constant 48 : index
        %parallel_loop3A_560 = tpu.vector_load %arg11[%parallel_loop3A_557, %parallel_loop3A_558, %parallel_loop3A_559] {strides = array<i32>} : memref<2x64x128xf32, #tpu.memory_space<vmem>>, vector<16xf32>,
        %parallel_loop3A_561 = arith.constant 0 : i32
        %parallel_loop3A_562 = arith.index_cast %parallel_loop3A_561 : i32 to index
        %parallel_loop3A_563 = arith.index_cast %parallel_loop3A_522 : i32 to index
        %parallel_loop3A_564 = arith.constant 48 : index
        %parallel_loop3A_565 = tpu.vector_load %arg12[%parallel_loop3A_562, %parallel_loop3A_563, %parallel_loop3A_564] {strides = array<i32>} : memref<2x64x128xf32, #tpu.memory_space<vmem>>, vector<16xf32>,
        %parallel_loop3A_566 = arith.mulf %parallel_loop3A_560, %parallel_loop3A_565 : vector<16xf32>
        %parallel_loop3A_567 = arith.constant 0 : i32
        %parallel_loop3A_568 = arith.index_cast %parallel_loop3A_567 : i32 to index
        %parallel_loop3A_569 = arith.index_cast %parallel_loop3A_522 : i32 to index
        %parallel_loop3A_570 = arith.constant 64 : index
        %parallel_loop3A_571 = tpu.vector_load %arg11[%parallel_loop3A_568, %parallel_loop3A_569, %parallel_loop3A_570] {strides = array<i32>} : memref<2x64x128xf32, #tpu.memory_space<vmem>>, vector<16xf32>,
        %parallel_loop3A_572 = arith.constant 0 : i32
        %parallel_loop3A_573 = arith.index_cast %parallel_loop3A_572 : i32 to index
        %parallel_loop3A_574 = arith.index_cast %parallel_loop3A_522 : i32 to index
        %parallel_loop3A_575 = arith.constant 64 : index
        %parallel_loop3A_576 = tpu.vector_load %arg12[%parallel_loop3A_573, %parallel_loop3A_574, %parallel_loop3A_575] {strides = array<i32>} : memref<2x64x128xf32, #tpu.memory_space<vmem>>, vector<16xf32>,
        %parallel_loop3A_577 = arith.mulf %parallel_loop3A_571, %parallel_loop3A_576 : vector<16xf32>
        %parallel_loop3A_578 = arith.constant 0 : i32
        %parallel_loop3A_579 = arith.index_cast %parallel_loop3A_578 : i32 to index
        %parallel_loop3A_580 = arith.index_cast %parallel_loop3A_522 : i32 to index
        %parallel_loop3A_581 = arith.constant 80 : index
        %parallel_loop3A_582 = tpu.vector_load %arg11[%parallel_loop3A_579, %parallel_loop3A_580, %parallel_loop3A_581] {strides = array<i32>} : memref<2x64x128xf32, #tpu.memory_space<vmem>>, vector<16xf32>,
        %parallel_loop3A_583 = arith.constant 0 : i32
        %parallel_loop3A_584 = arith.index_cast %parallel_loop3A_583 : i32 to index
        %parallel_loop3A_585 = arith.index_cast %parallel_loop3A_522 : i32 to index
        %parallel_loop3A_586 = arith.constant 80 : index
        %parallel_loop3A_587 = tpu.vector_load %arg12[%parallel_loop3A_584, %parallel_loop3A_585, %parallel_loop3A_586] {strides = array<i32>} : memref<2x64x128xf32, #tpu.memory_space<vmem>>, vector<16xf32>,
        %parallel_loop3A_588 = arith.mulf %parallel_loop3A_582, %parallel_loop3A_587 : vector<16xf32>
        %parallel_loop3A_589 = arith.constant 0 : i32
        %parallel_loop3A_590 = arith.index_cast %parallel_loop3A_589 : i32 to index
        %parallel_loop3A_591 = arith.index_cast %parallel_loop3A_522 : i32 to index
        %parallel_loop3A_592 = arith.constant 96 : index
        %parallel_loop3A_593 = tpu.vector_load %arg11[%parallel_loop3A_590, %parallel_loop3A_591, %parallel_loop3A_592] {strides = array<i32>} : memref<2x64x128xf32, #tpu.memory_space<vmem>>, vector<16xf32>,
        %parallel_loop3A_594 = arith.constant 0 : i32
        %parallel_loop3A_595 = arith.index_cast %parallel_loop3A_594 : i32 to index
        %parallel_loop3A_596 = arith.index_cast %parallel_loop3A_522 : i32 to index
        %parallel_loop3A_597 = arith.constant 96 : index
        %parallel_loop3A_598 = tpu.vector_load %arg12[%parallel_loop3A_595, %parallel_loop3A_596, %parallel_loop3A_597] {strides = array<i32>} : memref<2x64x128xf32, #tpu.memory_space<vmem>>, vector<16xf32>,
        %parallel_loop3A_599 = arith.mulf %parallel_loop3A_593, %parallel_loop3A_598 : vector<16xf32>
        %parallel_loop3A_600 = arith.constant 0 : i32
        %parallel_loop3A_601 = arith.index_cast %parallel_loop3A_600 : i32 to index
        %parallel_loop3A_602 = arith.index_cast %parallel_loop3A_522 : i32 to index
        %parallel_loop3A_603 = arith.constant 112 : index
        %parallel_loop3A_604 = tpu.vector_load %arg11[%parallel_loop3A_601, %parallel_loop3A_602, %parallel_loop3A_603] {strides = array<i32>} : memref<2x64x128xf32, #tpu.memory_space<vmem>>, vector<16xf32>,
        %parallel_loop3A_605 = arith.constant 0 : i32
        %parallel_loop3A_606 = arith.index_cast %parallel_loop3A_605 : i32 to index
        %parallel_loop3A_607 = arith.index_cast %parallel_loop3A_522 : i32 to index
        %parallel_loop3A_608 = arith.constant 112 : index
        %parallel_loop3A_609 = tpu.vector_load %arg12[%parallel_loop3A_606, %parallel_loop3A_607, %parallel_loop3A_608] {strides = array<i32>} : memref<2x64x128xf32, #tpu.memory_space<vmem>>, vector<16xf32>,
        %parallel_loop3A_610 = arith.mulf %parallel_loop3A_604, %parallel_loop3A_609 : vector<16xf32>
        %parallel_loop3A_611 = arith.addf %parallel_loop3A_533, %parallel_loop3A_544 : vector<16xf32>
        %parallel_loop3A_612 = arith.addf %parallel_loop3A_555, %parallel_loop3A_566 : vector<16xf32>
        %parallel_loop3A_613 = arith.addf %parallel_loop3A_577, %parallel_loop3A_588 : vector<16xf32>
        %parallel_loop3A_614 = arith.addf %parallel_loop3A_599, %parallel_loop3A_610 : vector<16xf32>
        %parallel_loop3A_615 = arith.addf %parallel_loop3A_611, %parallel_loop3A_612 : vector<16xf32>
        %parallel_loop3A_616 = arith.addf %parallel_loop3A_613, %parallel_loop3A_614 : vector<16xf32>
        %parallel_loop3A_617 = arith.addf %parallel_loop3A_615, %parallel_loop3A_616 : vector<16xf32>
        %parallel_loop3A_618 = arith.constant 48 : i32
        %parallel_loop3A_619 = arith.addi %parallel_loop3A_209, %parallel_loop3A_618 : i32
        %parallel_loop3A_620 = arith.index_cast %parallel_loop3A_619 : i32 to index
        %parallel_loop3A_621 = tpu.vector_load %arg15[%parallel_loop3A_620] {strides = array<i32>} : memref<1024xf32, #tpu.memory_space<vmem>>, vector<16xf32>,
        tpu.vector_store %arg15[%parallel_loop3A_620], %parallel_loop3A_617 {strides = array<i32>} : memref<1024xf32, #tpu.memory_space<vmem>>, vector<16xf32>,
        %parallel_loop3A_622 = arith.constant 16 : i32
        %parallel_loop3A_623 = arith.muli %parallel_loop3A_207, %parallel_loop3A_622 : i32
        %parallel_loop3A_624 = arith.constant 4 : i32
        %parallel_loop3A_625 = arith.addi %parallel_loop3A_623, %parallel_loop3A_624 : i32
        %parallel_loop3A_626 = arith.constant 0 : i32
        %parallel_loop3A_627 = arith.index_cast %parallel_loop3A_626 : i32 to index
        %parallel_loop3A_628 = arith.index_cast %parallel_loop3A_625 : i32 to index
        %parallel_loop3A_629 = arith.constant 0 : index
        %parallel_loop3A_630 = tpu.vector_load %arg11[%parallel_loop3A_627, %parallel_loop3A_628, %parallel_loop3A_629] {strides = array<i32>} : memref<2x64x128xf32, #tpu.memory_space<vmem>>, vector<16xf32>,
        %parallel_loop3A_631 = arith.constant 0 : i32
        %parallel_loop3A_632 = arith.index_cast %parallel_loop3A_631 : i32 to index
        %parallel_loop3A_633 = arith.index_cast %parallel_loop3A_625 : i32 to index
        %parallel_loop3A_634 = arith.constant 0 : index
        %parallel_loop3A_635 = tpu.vector_load %arg12[%parallel_loop3A_632, %parallel_loop3A_633, %parallel_loop3A_634] {strides = array<i32>} : memref<2x64x128xf32, #tpu.memory_space<vmem>>, vector<16xf32>,
        %parallel_loop3A_636 = arith.mulf %parallel_loop3A_630, %parallel_loop3A_635 : vector<16xf32>
        %parallel_loop3A_637 = arith.constant 0 : i32
        %parallel_loop3A_638 = arith.index_cast %parallel_loop3A_637 : i32 to index
        %parallel_loop3A_639 = arith.index_cast %parallel_loop3A_625 : i32 to index
        %parallel_loop3A_640 = arith.constant 16 : index
        %parallel_loop3A_641 = tpu.vector_load %arg11[%parallel_loop3A_638, %parallel_loop3A_639, %parallel_loop3A_640] {strides = array<i32>} : memref<2x64x128xf32, #tpu.memory_space<vmem>>, vector<16xf32>,
        %parallel_loop3A_642 = arith.constant 0 : i32
        %parallel_loop3A_643 = arith.index_cast %parallel_loop3A_642 : i32 to index
        %parallel_loop3A_644 = arith.index_cast %parallel_loop3A_625 : i32 to index
        %parallel_loop3A_645 = arith.constant 16 : index
        %parallel_loop3A_646 = tpu.vector_load %arg12[%parallel_loop3A_643, %parallel_loop3A_644, %parallel_loop3A_645] {strides = array<i32>} : memref<2x64x128xf32, #tpu.memory_space<vmem>>, vector<16xf32>,
        %parallel_loop3A_647 = arith.mulf %parallel_loop3A_641, %parallel_loop3A_646 : vector<16xf32>
        %parallel_loop3A_648 = arith.constant 0 : i32
        %parallel_loop3A_649 = arith.index_cast %parallel_loop3A_648 : i32 to index
        %parallel_loop3A_650 = arith.index_cast %parallel_loop3A_625 : i32 to index
        %parallel_loop3A_651 = arith.constant 32 : index
        %parallel_loop3A_652 = tpu.vector_load %arg11[%parallel_loop3A_649, %parallel_loop3A_650, %parallel_loop3A_651] {strides = array<i32>} : memref<2x64x128xf32, #tpu.memory_space<vmem>>, vector<16xf32>,
        %parallel_loop3A_653 = arith.constant 0 : i32
        %parallel_loop3A_654 = arith.index_cast %parallel_loop3A_653 : i32 to index
        %parallel_loop3A_655 = arith.index_cast %parallel_loop3A_625 : i32 to index
        %parallel_loop3A_656 = arith.constant 32 : index
        %parallel_loop3A_657 = tpu.vector_load %arg12[%parallel_loop3A_654, %parallel_loop3A_655, %parallel_loop3A_656] {strides = array<i32>} : memref<2x64x128xf32, #tpu.memory_space<vmem>>, vector<16xf32>,
        %parallel_loop3A_658 = arith.mulf %parallel_loop3A_652, %parallel_loop3A_657 : vector<16xf32>
        %parallel_loop3A_659 = arith.constant 0 : i32
        %parallel_loop3A_660 = arith.index_cast %parallel_loop3A_659 : i32 to index
        %parallel_loop3A_661 = arith.index_cast %parallel_loop3A_625 : i32 to index
        %parallel_loop3A_662 = arith.constant 48 : index
        %parallel_loop3A_663 = tpu.vector_load %arg11[%parallel_loop3A_660, %parallel_loop3A_661, %parallel_loop3A_662] {strides = array<i32>} : memref<2x64x128xf32, #tpu.memory_space<vmem>>, vector<16xf32>,
        %parallel_loop3A_664 = arith.constant 0 : i32
        %parallel_loop3A_665 = arith.index_cast %parallel_loop3A_664 : i32 to index
        %parallel_loop3A_666 = arith.index_cast %parallel_loop3A_625 : i32 to index
        %parallel_loop3A_667 = arith.constant 48 : index
        %parallel_loop3A_668 = tpu.vector_load %arg12[%parallel_loop3A_665, %parallel_loop3A_666, %parallel_loop3A_667] {strides = array<i32>} : memref<2x64x128xf32, #tpu.memory_space<vmem>>, vector<16xf32>,
        %parallel_loop3A_669 = arith.mulf %parallel_loop3A_663, %parallel_loop3A_668 : vector<16xf32>
        %parallel_loop3A_670 = arith.constant 0 : i32
        %parallel_loop3A_671 = arith.index_cast %parallel_loop3A_670 : i32 to index
        %parallel_loop3A_672 = arith.index_cast %parallel_loop3A_625 : i32 to index
        %parallel_loop3A_673 = arith.constant 64 : index
        %parallel_loop3A_674 = tpu.vector_load %arg11[%parallel_loop3A_671, %parallel_loop3A_672, %parallel_loop3A_673] {strides = array<i32>} : memref<2x64x128xf32, #tpu.memory_space<vmem>>, vector<16xf32>,
        %parallel_loop3A_675 = arith.constant 0 : i32
        %parallel_loop3A_676 = arith.index_cast %parallel_loop3A_675 : i32 to index
        %parallel_loop3A_677 = arith.index_cast %parallel_loop3A_625 : i32 to index
        %parallel_loop3A_678 = arith.constant 64 : index
        %parallel_loop3A_679 = tpu.vector_load %arg12[%parallel_loop3A_676, %parallel_loop3A_677, %parallel_loop3A_678] {strides = array<i32>} : memref<2x64x128xf32, #tpu.memory_space<vmem>>, vector<16xf32>,
        %parallel_loop3A_680 = arith.mulf %parallel_loop3A_674, %parallel_loop3A_679 : vector<16xf32>
        %parallel_loop3A_681 = arith.constant 0 : i32
        %parallel_loop3A_682 = arith.index_cast %parallel_loop3A_681 : i32 to index
        %parallel_loop3A_683 = arith.index_cast %parallel_loop3A_625 : i32 to index
        %parallel_loop3A_684 = arith.constant 80 : index
        %parallel_loop3A_685 = tpu.vector_load %arg11[%parallel_loop3A_682, %parallel_loop3A_683, %parallel_loop3A_684] {strides = array<i32>} : memref<2x64x128xf32, #tpu.memory_space<vmem>>, vector<16xf32>,
        %parallel_loop3A_686 = arith.constant 0 : i32
        %parallel_loop3A_687 = arith.index_cast %parallel_loop3A_686 : i32 to index
        %parallel_loop3A_688 = arith.index_cast %parallel_loop3A_625 : i32 to index
        %parallel_loop3A_689 = arith.constant 80 : index
        %parallel_loop3A_690 = tpu.vector_load %arg12[%parallel_loop3A_687, %parallel_loop3A_688, %parallel_loop3A_689] {strides = array<i32>} : memref<2x64x128xf32, #tpu.memory_space<vmem>>, vector<16xf32>,
        %parallel_loop3A_691 = arith.mulf %parallel_loop3A_685, %parallel_loop3A_690 : vector<16xf32>
        %parallel_loop3A_692 = arith.constant 0 : i32
        %parallel_loop3A_693 = arith.index_cast %parallel_loop3A_692 : i32 to index
        %parallel_loop3A_694 = arith.index_cast %parallel_loop3A_625 : i32 to index
        %parallel_loop3A_695 = arith.constant 96 : index
        %parallel_loop3A_696 = tpu.vector_load %arg11[%parallel_loop3A_693, %parallel_loop3A_694, %parallel_loop3A_695] {strides = array<i32>} : memref<2x64x128xf32, #tpu.memory_space<vmem>>, vector<16xf32>,
        %parallel_loop3A_697 = arith.constant 0 : i32
        %parallel_loop3A_698 = arith.index_cast %parallel_loop3A_697 : i32 to index
        %parallel_loop3A_699 = arith.index_cast %parallel_loop3A_625 : i32 to index
        %parallel_loop3A_700 = arith.constant 96 : index
        %parallel_loop3A_701 = tpu.vector_load %arg12[%parallel_loop3A_698, %parallel_loop3A_699, %parallel_loop3A_700] {strides = array<i32>} : memref<2x64x128xf32, #tpu.memory_space<vmem>>, vector<16xf32>,
        %parallel_loop3A_702 = arith.mulf %parallel_loop3A_696, %parallel_loop3A_701 : vector<16xf32>
        %parallel_loop3A_703 = arith.constant 0 : i32
        %parallel_loop3A_704 = arith.index_cast %parallel_loop3A_703 : i32 to index
        %parallel_loop3A_705 = arith.index_cast %parallel_loop3A_625 : i32 to index
        %parallel_loop3A_706 = arith.constant 112 : index
        %parallel_loop3A_707 = tpu.vector_load %arg11[%parallel_loop3A_704, %parallel_loop3A_705, %parallel_loop3A_706] {strides = array<i32>} : memref<2x64x128xf32, #tpu.memory_space<vmem>>, vector<16xf32>,
        %parallel_loop3A_708 = arith.constant 0 : i32
        %parallel_loop3A_709 = arith.index_cast %parallel_loop3A_708 : i32 to index
        %parallel_loop3A_710 = arith.index_cast %parallel_loop3A_625 : i32 to index
        %parallel_loop3A_711 = arith.constant 112 : index
        %parallel_loop3A_712 = tpu.vector_load %arg12[%parallel_loop3A_709, %parallel_loop3A_710, %parallel_loop3A_711] {strides = array<i32>} : memref<2x64x128xf32, #tpu.memory_space<vmem>>, vector<16xf32>,
        %parallel_loop3A_713 = arith.mulf %parallel_loop3A_707, %parallel_loop3A_712 : vector<16xf32>
        %parallel_loop3A_714 = arith.addf %parallel_loop3A_636, %parallel_loop3A_647 : vector<16xf32>
        %parallel_loop3A_715 = arith.addf %parallel_loop3A_658, %parallel_loop3A_669 : vector<16xf32>
        %parallel_loop3A_716 = arith.addf %parallel_loop3A_680, %parallel_loop3A_691 : vector<16xf32>
        %parallel_loop3A_717 = arith.addf %parallel_loop3A_702, %parallel_loop3A_713 : vector<16xf32>
        %parallel_loop3A_718 = arith.addf %parallel_loop3A_714, %parallel_loop3A_715 : vector<16xf32>
        %parallel_loop3A_719 = arith.addf %parallel_loop3A_716, %parallel_loop3A_717 : vector<16xf32>
        %parallel_loop3A_720 = arith.addf %parallel_loop3A_718, %parallel_loop3A_719 : vector<16xf32>
        %parallel_loop3A_721 = arith.constant 64 : i32
        %parallel_loop3A_722 = arith.addi %parallel_loop3A_209, %parallel_loop3A_721 : i32
        %parallel_loop3A_723 = arith.index_cast %parallel_loop3A_722 : i32 to index
        %parallel_loop3A_724 = tpu.vector_load %arg15[%parallel_loop3A_723] {strides = array<i32>} : memref<1024xf32, #tpu.memory_space<vmem>>, vector<16xf32>,
        tpu.vector_store %arg15[%parallel_loop3A_723], %parallel_loop3A_720 {strides = array<i32>} : memref<1024xf32, #tpu.memory_space<vmem>>, vector<16xf32>,
        %parallel_loop3A_725 = arith.constant 16 : i32
        %parallel_loop3A_726 = arith.muli %parallel_loop3A_207, %parallel_loop3A_725 : i32
        %parallel_loop3A_727 = arith.constant 5 : i32
        %parallel_loop3A_728 = arith.addi %parallel_loop3A_726, %parallel_loop3A_727 : i32
        %parallel_loop3A_729 = arith.constant 0 : i32
        %parallel_loop3A_730 = arith.index_cast %parallel_loop3A_729 : i32 to index
        %parallel_loop3A_731 = arith.index_cast %parallel_loop3A_728 : i32 to index
        %parallel_loop3A_732 = arith.constant 0 : index
        %parallel_loop3A_733 = tpu.vector_load %arg11[%parallel_loop3A_730, %parallel_loop3A_731, %parallel_loop3A_732] {strides = array<i32>} : memref<2x64x128xf32, #tpu.memory_space<vmem>>, vector<16xf32>,
        %parallel_loop3A_734 = arith.constant 0 : i32
        %parallel_loop3A_735 = arith.index_cast %parallel_loop3A_734 : i32 to index
        %parallel_loop3A_736 = arith.index_cast %parallel_loop3A_728 : i32 to index
        %parallel_loop3A_737 = arith.constant 0 : index
        %parallel_loop3A_738 = tpu.vector_load %arg12[%parallel_loop3A_735, %parallel_loop3A_736, %parallel_loop3A_737] {strides = array<i32>} : memref<2x64x128xf32, #tpu.memory_space<vmem>>, vector<16xf32>,
        %parallel_loop3A_739 = arith.mulf %parallel_loop3A_733, %parallel_loop3A_738 : vector<16xf32>
        %parallel_loop3A_740 = arith.constant 0 : i32
        %parallel_loop3A_741 = arith.index_cast %parallel_loop3A_740 : i32 to index
        %parallel_loop3A_742 = arith.index_cast %parallel_loop3A_728 : i32 to index
        %parallel_loop3A_743 = arith.constant 16 : index
        %parallel_loop3A_744 = tpu.vector_load %arg11[%parallel_loop3A_741, %parallel_loop3A_742, %parallel_loop3A_743] {strides = array<i32>} : memref<2x64x128xf32, #tpu.memory_space<vmem>>, vector<16xf32>,
        %parallel_loop3A_745 = arith.constant 0 : i32
        %parallel_loop3A_746 = arith.index_cast %parallel_loop3A_745 : i32 to index
        %parallel_loop3A_747 = arith.index_cast %parallel_loop3A_728 : i32 to index
        %parallel_loop3A_748 = arith.constant 16 : index
        %parallel_loop3A_749 = tpu.vector_load %arg12[%parallel_loop3A_746, %parallel_loop3A_747, %parallel_loop3A_748] {strides = array<i32>} : memref<2x64x128xf32, #tpu.memory_space<vmem>>, vector<16xf32>,
        %parallel_loop3A_750 = arith.mulf %parallel_loop3A_744, %parallel_loop3A_749 : vector<16xf32>
        %parallel_loop3A_751 = arith.constant 0 : i32
        %parallel_loop3A_752 = arith.index_cast %parallel_loop3A_751 : i32 to index
        %parallel_loop3A_753 = arith.index_cast %parallel_loop3A_728 : i32 to index
        %parallel_loop3A_754 = arith.constant 32 : index
        %parallel_loop3A_755 = tpu.vector_load %arg11[%parallel_loop3A_752, %parallel_loop3A_753, %parallel_loop3A_754] {strides = array<i32>} : memref<2x64x128xf32, #tpu.memory_space<vmem>>, vector<16xf32>,
        %parallel_loop3A_756 = arith.constant 0 : i32
        %parallel_loop3A_757 = arith.index_cast %parallel_loop3A_756 : i32 to index
        %parallel_loop3A_758 = arith.index_cast %parallel_loop3A_728 : i32 to index
        %parallel_loop3A_759 = arith.constant 32 : index
        %parallel_loop3A_760 = tpu.vector_load %arg12[%parallel_loop3A_757, %parallel_loop3A_758, %parallel_loop3A_759] {strides = array<i32>} : memref<2x64x128xf32, #tpu.memory_space<vmem>>, vector<16xf32>,
        %parallel_loop3A_761 = arith.mulf %parallel_loop3A_755, %parallel_loop3A_760 : vector<16xf32>
        %parallel_loop3A_762 = arith.constant 0 : i32
        %parallel_loop3A_763 = arith.index_cast %parallel_loop3A_762 : i32 to index
        %parallel_loop3A_764 = arith.index_cast %parallel_loop3A_728 : i32 to index
        %parallel_loop3A_765 = arith.constant 48 : index
        %parallel_loop3A_766 = tpu.vector_load %arg11[%parallel_loop3A_763, %parallel_loop3A_764, %parallel_loop3A_765] {strides = array<i32>} : memref<2x64x128xf32, #tpu.memory_space<vmem>>, vector<16xf32>,
        %parallel_loop3A_767 = arith.constant 0 : i32
        %parallel_loop3A_768 = arith.index_cast %parallel_loop3A_767 : i32 to index
        %parallel_loop3A_769 = arith.index_cast %parallel_loop3A_728 : i32 to index
        %parallel_loop3A_770 = arith.constant 48 : index
        %parallel_loop3A_771 = tpu.vector_load %arg12[%parallel_loop3A_768, %parallel_loop3A_769, %parallel_loop3A_770] {strides = array<i32>} : memref<2x64x128xf32, #tpu.memory_space<vmem>>, vector<16xf32>,
        %parallel_loop3A_772 = arith.mulf %parallel_loop3A_766, %parallel_loop3A_771 : vector<16xf32>
        %parallel_loop3A_773 = arith.constant 0 : i32
        %parallel_loop3A_774 = arith.index_cast %parallel_loop3A_773 : i32 to index
        %parallel_loop3A_775 = arith.index_cast %parallel_loop3A_728 : i32 to index
        %parallel_loop3A_776 = arith.constant 64 : index
        %parallel_loop3A_777 = tpu.vector_load %arg11[%parallel_loop3A_774, %parallel_loop3A_775, %parallel_loop3A_776] {strides = array<i32>} : memref<2x64x128xf32, #tpu.memory_space<vmem>>, vector<16xf32>,
        %parallel_loop3A_778 = arith.constant 0 : i32
        %parallel_loop3A_779 = arith.index_cast %parallel_loop3A_778 : i32 to index
        %parallel_loop3A_780 = arith.index_cast %parallel_loop3A_728 : i32 to index
        %parallel_loop3A_781 = arith.constant 64 : index
        %parallel_loop3A_782 = tpu.vector_load %arg12[%parallel_loop3A_779, %parallel_loop3A_780, %parallel_loop3A_781] {strides = array<i32>} : memref<2x64x128xf32, #tpu.memory_space<vmem>>, vector<16xf32>,
        %parallel_loop3A_783 = arith.mulf %parallel_loop3A_777, %parallel_loop3A_782 : vector<16xf32>
        %parallel_loop3A_784 = arith.constant 0 : i32
        %parallel_loop3A_785 = arith.index_cast %parallel_loop3A_784 : i32 to index
        %parallel_loop3A_786 = arith.index_cast %parallel_loop3A_728 : i32 to index
        %parallel_loop3A_787 = arith.constant 80 : index
        %parallel_loop3A_788 = tpu.vector_load %arg11[%parallel_loop3A_785, %parallel_loop3A_786, %parallel_loop3A_787] {strides = array<i32>} : memref<2x64x128xf32, #tpu.memory_space<vmem>>, vector<16xf32>,
        %parallel_loop3A_789 = arith.constant 0 : i32
        %parallel_loop3A_790 = arith.index_cast %parallel_loop3A_789 : i32 to index
        %parallel_loop3A_791 = arith.index_cast %parallel_loop3A_728 : i32 to index
        %parallel_loop3A_792 = arith.constant 80 : index
        %parallel_loop3A_793 = tpu.vector_load %arg12[%parallel_loop3A_790, %parallel_loop3A_791, %parallel_loop3A_792] {strides = array<i32>} : memref<2x64x128xf32, #tpu.memory_space<vmem>>, vector<16xf32>,
        %parallel_loop3A_794 = arith.mulf %parallel_loop3A_788, %parallel_loop3A_793 : vector<16xf32>
        %parallel_loop3A_795 = arith.constant 0 : i32
        %parallel_loop3A_796 = arith.index_cast %parallel_loop3A_795 : i32 to index
        %parallel_loop3A_797 = arith.index_cast %parallel_loop3A_728 : i32 to index
        %parallel_loop3A_798 = arith.constant 96 : index
        %parallel_loop3A_799 = tpu.vector_load %arg11[%parallel_loop3A_796, %parallel_loop3A_797, %parallel_loop3A_798] {strides = array<i32>} : memref<2x64x128xf32, #tpu.memory_space<vmem>>, vector<16xf32>,
        %parallel_loop3A_800 = arith.constant 0 : i32
        %parallel_loop3A_801 = arith.index_cast %parallel_loop3A_800 : i32 to index
        %parallel_loop3A_802 = arith.index_cast %parallel_loop3A_728 : i32 to index
        %parallel_loop3A_803 = arith.constant 96 : index
        %parallel_loop3A_804 = tpu.vector_load %arg12[%parallel_loop3A_801, %parallel_loop3A_802, %parallel_loop3A_803] {strides = array<i32>} : memref<2x64x128xf32, #tpu.memory_space<vmem>>, vector<16xf32>,
        %parallel_loop3A_805 = arith.mulf %parallel_loop3A_799, %parallel_loop3A_804 : vector<16xf32>
        %parallel_loop3A_806 = arith.constant 0 : i32
        %parallel_loop3A_807 = arith.index_cast %parallel_loop3A_806 : i32 to index
        %parallel_loop3A_808 = arith.index_cast %parallel_loop3A_728 : i32 to index
        %parallel_loop3A_809 = arith.constant 112 : index
        %parallel_loop3A_810 = tpu.vector_load %arg11[%parallel_loop3A_807, %parallel_loop3A_808, %parallel_loop3A_809] {strides = array<i32>} : memref<2x64x128xf32, #tpu.memory_space<vmem>>, vector<16xf32>,
        %parallel_loop3A_811 = arith.constant 0 : i32
        %parallel_loop3A_812 = arith.index_cast %parallel_loop3A_811 : i32 to index
        %parallel_loop3A_813 = arith.index_cast %parallel_loop3A_728 : i32 to index
        %parallel_loop3A_814 = arith.constant 112 : index
        %parallel_loop3A_815 = tpu.vector_load %arg12[%parallel_loop3A_812, %parallel_loop3A_813, %parallel_loop3A_814] {strides = array<i32>} : memref<2x64x128xf32, #tpu.memory_space<vmem>>, vector<16xf32>,
        %parallel_loop3A_816 = arith.mulf %parallel_loop3A_810, %parallel_loop3A_815 : vector<16xf32>
        %parallel_loop3A_817 = arith.addf %parallel_loop3A_739, %parallel_loop3A_750 : vector<16xf32>
        %parallel_loop3A_818 = arith.addf %parallel_loop3A_761, %parallel_loop3A_772 : vector<16xf32>
        %parallel_loop3A_819 = arith.addf %parallel_loop3A_783, %parallel_loop3A_794 : vector<16xf32>
        %parallel_loop3A_820 = arith.addf %parallel_loop3A_805, %parallel_loop3A_816 : vector<16xf32>
        %parallel_loop3A_821 = arith.addf %parallel_loop3A_817, %parallel_loop3A_818 : vector<16xf32>
        %parallel_loop3A_822 = arith.addf %parallel_loop3A_819, %parallel_loop3A_820 : vector<16xf32>
        %parallel_loop3A_823 = arith.addf %parallel_loop3A_821, %parallel_loop3A_822 : vector<16xf32>
        %parallel_loop3A_824 = arith.constant 80 : i32
        %parallel_loop3A_825 = arith.addi %parallel_loop3A_209, %parallel_loop3A_824 : i32
        %parallel_loop3A_826 = arith.index_cast %parallel_loop3A_825 : i32 to index
        %parallel_loop3A_827 = tpu.vector_load %arg15[%parallel_loop3A_826] {strides = array<i32>} : memref<1024xf32, #tpu.memory_space<vmem>>, vector<16xf32>,
        tpu.vector_store %arg15[%parallel_loop3A_826], %parallel_loop3A_823 {strides = array<i32>} : memref<1024xf32, #tpu.memory_space<vmem>>, vector<16xf32>,
        %parallel_loop3A_828 = arith.constant 16 : i32
        %parallel_loop3A_829 = arith.muli %parallel_loop3A_207, %parallel_loop3A_828 : i32
        %parallel_loop3A_830 = arith.constant 6 : i32
        %parallel_loop3A_831 = arith.addi %parallel_loop3A_829, %parallel_loop3A_830 : i32
        %parallel_loop3A_832 = arith.constant 0 : i32
        %parallel_loop3A_833 = arith.index_cast %parallel_loop3A_832 : i32 to index
        %parallel_loop3A_834 = arith.index_cast %parallel_loop3A_831 : i32 to index
        %parallel_loop3A_835 = arith.constant 0 : index
        %parallel_loop3A_836 = tpu.vector_load %arg11[%parallel_loop3A_833, %parallel_loop3A_834, %parallel_loop3A_835] {strides = array<i32>} : memref<2x64x128xf32, #tpu.memory_space<vmem>>, vector<16xf32>,
        %parallel_loop3A_837 = arith.constant 0 : i32
        %parallel_loop3A_838 = arith.index_cast %parallel_loop3A_837 : i32 to index
        %parallel_loop3A_839 = arith.index_cast %parallel_loop3A_831 : i32 to index
        %parallel_loop3A_840 = arith.constant 0 : index
        %parallel_loop3A_841 = tpu.vector_load %arg12[%parallel_loop3A_838, %parallel_loop3A_839, %parallel_loop3A_840] {strides = array<i32>} : memref<2x64x128xf32, #tpu.memory_space<vmem>>, vector<16xf32>,
        %parallel_loop3A_842 = arith.mulf %parallel_loop3A_836, %parallel_loop3A_841 : vector<16xf32>
        %parallel_loop3A_843 = arith.constant 0 : i32
        %parallel_loop3A_844 = arith.index_cast %parallel_loop3A_843 : i32 to index
        %parallel_loop3A_845 = arith.index_cast %parallel_loop3A_831 : i32 to index
        %parallel_loop3A_846 = arith.constant 16 : index
        %parallel_loop3A_847 = tpu.vector_load %arg11[%parallel_loop3A_844, %parallel_loop3A_845, %parallel_loop3A_846] {strides = array<i32>} : memref<2x64x128xf32, #tpu.memory_space<vmem>>, vector<16xf32>,
        %parallel_loop3A_848 = arith.constant 0 : i32
        %parallel_loop3A_849 = arith.index_cast %parallel_loop3A_848 : i32 to index
        %parallel_loop3A_850 = arith.index_cast %parallel_loop3A_831 : i32 to index
        %parallel_loop3A_851 = arith.constant 16 : index
        %parallel_loop3A_852 = tpu.vector_load %arg12[%parallel_loop3A_849, %parallel_loop3A_850, %parallel_loop3A_851] {strides = array<i32>} : memref<2x64x128xf32, #tpu.memory_space<vmem>>, vector<16xf32>,
        %parallel_loop3A_853 = arith.mulf %parallel_loop3A_847, %parallel_loop3A_852 : vector<16xf32>
        %parallel_loop3A_854 = arith.constant 0 : i32
        %parallel_loop3A_855 = arith.index_cast %parallel_loop3A_854 : i32 to index
        %parallel_loop3A_856 = arith.index_cast %parallel_loop3A_831 : i32 to index
        %parallel_loop3A_857 = arith.constant 32 : index
        %parallel_loop3A_858 = tpu.vector_load %arg11[%parallel_loop3A_855, %parallel_loop3A_856, %parallel_loop3A_857] {strides = array<i32>} : memref<2x64x128xf32, #tpu.memory_space<vmem>>, vector<16xf32>,
        %parallel_loop3A_859 = arith.constant 0 : i32
        %parallel_loop3A_860 = arith.index_cast %parallel_loop3A_859 : i32 to index
        %parallel_loop3A_861 = arith.index_cast %parallel_loop3A_831 : i32 to index
        %parallel_loop3A_862 = arith.constant 32 : index
        %parallel_loop3A_863 = tpu.vector_load %arg12[%parallel_loop3A_860, %parallel_loop3A_861, %parallel_loop3A_862] {strides = array<i32>} : memref<2x64x128xf32, #tpu.memory_space<vmem>>, vector<16xf32>,
        %parallel_loop3A_864 = arith.mulf %parallel_loop3A_858, %parallel_loop3A_863 : vector<16xf32>
        %parallel_loop3A_865 = arith.constant 0 : i32
        %parallel_loop3A_866 = arith.index_cast %parallel_loop3A_865 : i32 to index
        %parallel_loop3A_867 = arith.index_cast %parallel_loop3A_831 : i32 to index
        %parallel_loop3A_868 = arith.constant 48 : index
        %parallel_loop3A_869 = tpu.vector_load %arg11[%parallel_loop3A_866, %parallel_loop3A_867, %parallel_loop3A_868] {strides = array<i32>} : memref<2x64x128xf32, #tpu.memory_space<vmem>>, vector<16xf32>,
        %parallel_loop3A_870 = arith.constant 0 : i32
        %parallel_loop3A_871 = arith.index_cast %parallel_loop3A_870 : i32 to index
        %parallel_loop3A_872 = arith.index_cast %parallel_loop3A_831 : i32 to index
        %parallel_loop3A_873 = arith.constant 48 : index
        %parallel_loop3A_874 = tpu.vector_load %arg12[%parallel_loop3A_871, %parallel_loop3A_872, %parallel_loop3A_873] {strides = array<i32>} : memref<2x64x128xf32, #tpu.memory_space<vmem>>, vector<16xf32>,
        %parallel_loop3A_875 = arith.mulf %parallel_loop3A_869, %parallel_loop3A_874 : vector<16xf32>
        %parallel_loop3A_876 = arith.constant 0 : i32
        %parallel_loop3A_877 = arith.index_cast %parallel_loop3A_876 : i32 to index
        %parallel_loop3A_878 = arith.index_cast %parallel_loop3A_831 : i32 to index
        %parallel_loop3A_879 = arith.constant 64 : index
        %parallel_loop3A_880 = tpu.vector_load %arg11[%parallel_loop3A_877, %parallel_loop3A_878, %parallel_loop3A_879] {strides = array<i32>} : memref<2x64x128xf32, #tpu.memory_space<vmem>>, vector<16xf32>,
        %parallel_loop3A_881 = arith.constant 0 : i32
        %parallel_loop3A_882 = arith.index_cast %parallel_loop3A_881 : i32 to index
        %parallel_loop3A_883 = arith.index_cast %parallel_loop3A_831 : i32 to index
        %parallel_loop3A_884 = arith.constant 64 : index
        %parallel_loop3A_885 = tpu.vector_load %arg12[%parallel_loop3A_882, %parallel_loop3A_883, %parallel_loop3A_884] {strides = array<i32>} : memref<2x64x128xf32, #tpu.memory_space<vmem>>, vector<16xf32>,
        %parallel_loop3A_886 = arith.mulf %parallel_loop3A_880, %parallel_loop3A_885 : vector<16xf32>
        %parallel_loop3A_887 = arith.constant 0 : i32
        %parallel_loop3A_888 = arith.index_cast %parallel_loop3A_887 : i32 to index
        %parallel_loop3A_889 = arith.index_cast %parallel_loop3A_831 : i32 to index
        %parallel_loop3A_890 = arith.constant 80 : index
        %parallel_loop3A_891 = tpu.vector_load %arg11[%parallel_loop3A_888, %parallel_loop3A_889, %parallel_loop3A_890] {strides = array<i32>} : memref<2x64x128xf32, #tpu.memory_space<vmem>>, vector<16xf32>,
        %parallel_loop3A_892 = arith.constant 0 : i32
        %parallel_loop3A_893 = arith.index_cast %parallel_loop3A_892 : i32 to index
        %parallel_loop3A_894 = arith.index_cast %parallel_loop3A_831 : i32 to index
        %parallel_loop3A_895 = arith.constant 80 : index
        %parallel_loop3A_896 = tpu.vector_load %arg12[%parallel_loop3A_893, %parallel_loop3A_894, %parallel_loop3A_895] {strides = array<i32>} : memref<2x64x128xf32, #tpu.memory_space<vmem>>, vector<16xf32>,
        %parallel_loop3A_897 = arith.mulf %parallel_loop3A_891, %parallel_loop3A_896 : vector<16xf32>
        %parallel_loop3A_898 = arith.constant 0 : i32
        %parallel_loop3A_899 = arith.index_cast %parallel_loop3A_898 : i32 to index
        %parallel_loop3A_900 = arith.index_cast %parallel_loop3A_831 : i32 to index
        %parallel_loop3A_901 = arith.constant 96 : index
        %parallel_loop3A_902 = tpu.vector_load %arg11[%parallel_loop3A_899, %parallel_loop3A_900, %parallel_loop3A_901] {strides = array<i32>} : memref<2x64x128xf32, #tpu.memory_space<vmem>>, vector<16xf32>,
        %parallel_loop3A_903 = arith.constant 0 : i32
        %parallel_loop3A_904 = arith.index_cast %parallel_loop3A_903 : i32 to index
        %parallel_loop3A_905 = arith.index_cast %parallel_loop3A_831 : i32 to index
        %parallel_loop3A_906 = arith.constant 96 : index
        %parallel_loop3A_907 = tpu.vector_load %arg12[%parallel_loop3A_904, %parallel_loop3A_905, %parallel_loop3A_906] {strides = array<i32>} : memref<2x64x128xf32, #tpu.memory_space<vmem>>, vector<16xf32>,
        %parallel_loop3A_908 = arith.mulf %parallel_loop3A_902, %parallel_loop3A_907 : vector<16xf32>
        %parallel_loop3A_909 = arith.constant 0 : i32
        %parallel_loop3A_910 = arith.index_cast %parallel_loop3A_909 : i32 to index
        %parallel_loop3A_911 = arith.index_cast %parallel_loop3A_831 : i32 to index
        %parallel_loop3A_912 = arith.constant 112 : index
        %parallel_loop3A_913 = tpu.vector_load %arg11[%parallel_loop3A_910, %parallel_loop3A_911, %parallel_loop3A_912] {strides = array<i32>} : memref<2x64x128xf32, #tpu.memory_space<vmem>>, vector<16xf32>,
        %parallel_loop3A_914 = arith.constant 0 : i32
        %parallel_loop3A_915 = arith.index_cast %parallel_loop3A_914 : i32 to index
        %parallel_loop3A_916 = arith.index_cast %parallel_loop3A_831 : i32 to index
        %parallel_loop3A_917 = arith.constant 112 : index
        %parallel_loop3A_918 = tpu.vector_load %arg12[%parallel_loop3A_915, %parallel_loop3A_916, %parallel_loop3A_917] {strides = array<i32>} : memref<2x64x128xf32, #tpu.memory_space<vmem>>, vector<16xf32>,
        %parallel_loop3A_919 = arith.mulf %parallel_loop3A_913, %parallel_loop3A_918 : vector<16xf32>
        %parallel_loop3A_920 = arith.addf %parallel_loop3A_842, %parallel_loop3A_853 : vector<16xf32>
        %parallel_loop3A_921 = arith.addf %parallel_loop3A_864, %parallel_loop3A_875 : vector<16xf32>
        %parallel_loop3A_922 = arith.addf %parallel_loop3A_886, %parallel_loop3A_897 : vector<16xf32>
        %parallel_loop3A_923 = arith.addf %parallel_loop3A_908, %parallel_loop3A_919 : vector<16xf32>
        %parallel_loop3A_924 = arith.addf %parallel_loop3A_920, %parallel_loop3A_921 : vector<16xf32>
        %parallel_loop3A_925 = arith.addf %parallel_loop3A_922, %parallel_loop3A_923 : vector<16xf32>
        %parallel_loop3A_926 = arith.addf %parallel_loop3A_924, %parallel_loop3A_925 : vector<16xf32>
        %parallel_loop3A_927 = arith.constant 96 : i32
        %parallel_loop3A_928 = arith.addi %parallel_loop3A_209, %parallel_loop3A_927 : i32
        %parallel_loop3A_929 = arith.index_cast %parallel_loop3A_928 : i32 to index
        %parallel_loop3A_930 = tpu.vector_load %arg15[%parallel_loop3A_929] {strides = array<i32>} : memref<1024xf32, #tpu.memory_space<vmem>>, vector<16xf32>,
        tpu.vector_store %arg15[%parallel_loop3A_929], %parallel_loop3A_926 {strides = array<i32>} : memref<1024xf32, #tpu.memory_space<vmem>>, vector<16xf32>,
        %parallel_loop3A_931 = arith.constant 16 : i32
        %parallel_loop3A_932 = arith.muli %parallel_loop3A_207, %parallel_loop3A_931 : i32
        %parallel_loop3A_933 = arith.constant 7 : i32
        %parallel_loop3A_934 = arith.addi %parallel_loop3A_932, %parallel_loop3A_933 : i32
        %parallel_loop3A_935 = arith.constant 0 : i32
        %parallel_loop3A_936 = arith.index_cast %parallel_loop3A_935 : i32 to index
        %parallel_loop3A_937 = arith.index_cast %parallel_loop3A_934 : i32 to index
        %parallel_loop3A_938 = arith.constant 0 : index
        %parallel_loop3A_939 = tpu.vector_load %arg11[%parallel_loop3A_936, %parallel_loop3A_937, %parallel_loop3A_938] {strides = array<i32>} : memref<2x64x128xf32, #tpu.memory_space<vmem>>, vector<16xf32>,
        %parallel_loop3A_940 = arith.constant 0 : i32
        %parallel_loop3A_941 = arith.index_cast %parallel_loop3A_940 : i32 to index
        %parallel_loop3A_942 = arith.index_cast %parallel_loop3A_934 : i32 to index
        %parallel_loop3A_943 = arith.constant 0 : index
        %parallel_loop3A_944 = tpu.vector_load %arg12[%parallel_loop3A_941, %parallel_loop3A_942, %parallel_loop3A_943] {strides = array<i32>} : memref<2x64x128xf32, #tpu.memory_space<vmem>>, vector<16xf32>,
        %parallel_loop3A_945 = arith.mulf %parallel_loop3A_939, %parallel_loop3A_944 : vector<16xf32>
        %parallel_loop3A_946 = arith.constant 0 : i32
        %parallel_loop3A_947 = arith.index_cast %parallel_loop3A_946 : i32 to index
        %parallel_loop3A_948 = arith.index_cast %parallel_loop3A_934 : i32 to index
        %parallel_loop3A_949 = arith.constant 16 : index
        %parallel_loop3A_950 = tpu.vector_load %arg11[%parallel_loop3A_947, %parallel_loop3A_948, %parallel_loop3A_949] {strides = array<i32>} : memref<2x64x128xf32, #tpu.memory_space<vmem>>, vector<16xf32>,
        %parallel_loop3A_951 = arith.constant 0 : i32
        %parallel_loop3A_952 = arith.index_cast %parallel_loop3A_951 : i32 to index
        %parallel_loop3A_953 = arith.index_cast %parallel_loop3A_934 : i32 to index
        %parallel_loop3A_954 = arith.constant 16 : index
        %parallel_loop3A_955 = tpu.vector_load %arg12[%parallel_loop3A_952, %parallel_loop3A_953, %parallel_loop3A_954] {strides = array<i32>} : memref<2x64x128xf32, #tpu.memory_space<vmem>>, vector<16xf32>,
        %parallel_loop3A_956 = arith.mulf %parallel_loop3A_950, %parallel_loop3A_955 : vector<16xf32>
        %parallel_loop3A_957 = arith.constant 0 : i32
        %parallel_loop3A_958 = arith.index_cast %parallel_loop3A_957 : i32 to index
        %parallel_loop3A_959 = arith.index_cast %parallel_loop3A_934 : i32 to index
        %parallel_loop3A_960 = arith.constant 32 : index
        %parallel_loop3A_961 = tpu.vector_load %arg11[%parallel_loop3A_958, %parallel_loop3A_959, %parallel_loop3A_960] {strides = array<i32>} : memref<2x64x128xf32, #tpu.memory_space<vmem>>, vector<16xf32>,
        %parallel_loop3A_962 = arith.constant 0 : i32
        %parallel_loop3A_963 = arith.index_cast %parallel_loop3A_962 : i32 to index
        %parallel_loop3A_964 = arith.index_cast %parallel_loop3A_934 : i32 to index
        %parallel_loop3A_965 = arith.constant 32 : index
        %parallel_loop3A_966 = tpu.vector_load %arg12[%parallel_loop3A_963, %parallel_loop3A_964, %parallel_loop3A_965] {strides = array<i32>} : memref<2x64x128xf32, #tpu.memory_space<vmem>>, vector<16xf32>,
        %parallel_loop3A_967 = arith.mulf %parallel_loop3A_961, %parallel_loop3A_966 : vector<16xf32>
        %parallel_loop3A_968 = arith.constant 0 : i32
        %parallel_loop3A_969 = arith.index_cast %parallel_loop3A_968 : i32 to index
        %parallel_loop3A_970 = arith.index_cast %parallel_loop3A_934 : i32 to index
        %parallel_loop3A_971 = arith.constant 48 : index
        %parallel_loop3A_972 = tpu.vector_load %arg11[%parallel_loop3A_969, %parallel_loop3A_970, %parallel_loop3A_971] {strides = array<i32>} : memref<2x64x128xf32, #tpu.memory_space<vmem>>, vector<16xf32>,
        %parallel_loop3A_973 = arith.constant 0 : i32
        %parallel_loop3A_974 = arith.index_cast %parallel_loop3A_973 : i32 to index
        %parallel_loop3A_975 = arith.index_cast %parallel_loop3A_934 : i32 to index
        %parallel_loop3A_976 = arith.constant 48 : index
        %parallel_loop3A_977 = tpu.vector_load %arg12[%parallel_loop3A_974, %parallel_loop3A_975, %parallel_loop3A_976] {strides = array<i32>} : memref<2x64x128xf32, #tpu.memory_space<vmem>>, vector<16xf32>,
        %parallel_loop3A_978 = arith.mulf %parallel_loop3A_972, %parallel_loop3A_977 : vector<16xf32>
        %parallel_loop3A_979 = arith.constant 0 : i32
        %parallel_loop3A_980 = arith.index_cast %parallel_loop3A_979 : i32 to index
        %parallel_loop3A_981 = arith.index_cast %parallel_loop3A_934 : i32 to index
        %parallel_loop3A_982 = arith.constant 64 : index
        %parallel_loop3A_983 = tpu.vector_load %arg11[%parallel_loop3A_980, %parallel_loop3A_981, %parallel_loop3A_982] {strides = array<i32>} : memref<2x64x128xf32, #tpu.memory_space<vmem>>, vector<16xf32>,
        %parallel_loop3A_984 = arith.constant 0 : i32
        %parallel_loop3A_985 = arith.index_cast %parallel_loop3A_984 : i32 to index
        %parallel_loop3A_986 = arith.index_cast %parallel_loop3A_934 : i32 to index
        %parallel_loop3A_987 = arith.constant 64 : index
        %parallel_loop3A_988 = tpu.vector_load %arg12[%parallel_loop3A_985, %parallel_loop3A_986, %parallel_loop3A_987] {strides = array<i32>} : memref<2x64x128xf32, #tpu.memory_space<vmem>>, vector<16xf32>,
        %parallel_loop3A_989 = arith.mulf %parallel_loop3A_983, %parallel_loop3A_988 : vector<16xf32>
        %parallel_loop3A_990 = arith.constant 0 : i32
        %parallel_loop3A_991 = arith.index_cast %parallel_loop3A_990 : i32 to index
        %parallel_loop3A_992 = arith.index_cast %parallel_loop3A_934 : i32 to index
        %parallel_loop3A_993 = arith.constant 80 : index
        %parallel_loop3A_994 = tpu.vector_load %arg11[%parallel_loop3A_991, %parallel_loop3A_992, %parallel_loop3A_993] {strides = array<i32>} : memref<2x64x128xf32, #tpu.memory_space<vmem>>, vector<16xf32>,
        %parallel_loop3A_995 = arith.constant 0 : i32
        %parallel_loop3A_996 = arith.index_cast %parallel_loop3A_995 : i32 to index
        %parallel_loop3A_997 = arith.index_cast %parallel_loop3A_934 : i32 to index
        %parallel_loop3A_998 = arith.constant 80 : index
        %parallel_loop3A_999 = tpu.vector_load %arg12[%parallel_loop3A_996, %parallel_loop3A_997, %parallel_loop3A_998] {strides = array<i32>} : memref<2x64x128xf32, #tpu.memory_space<vmem>>, vector<16xf32>,
        %parallel_loop3A_1000 = arith.mulf %parallel_loop3A_994, %parallel_loop3A_999 : vector<16xf32>
        %parallel_loop3A_1001 = arith.constant 0 : i32
        %parallel_loop3A_1002 = arith.index_cast %parallel_loop3A_1001 : i32 to index
        %parallel_loop3A_1003 = arith.index_cast %parallel_loop3A_934 : i32 to index
        %parallel_loop3A_1004 = arith.constant 96 : index
        %parallel_loop3A_1005 = tpu.vector_load %arg11[%parallel_loop3A_1002, %parallel_loop3A_1003, %parallel_loop3A_1004] {strides = array<i32>} : memref<2x64x128xf32, #tpu.memory_space<vmem>>, vector<16xf32>,
        %parallel_loop3A_1006 = arith.constant 0 : i32
        %parallel_loop3A_1007 = arith.index_cast %parallel_loop3A_1006 : i32 to index
        %parallel_loop3A_1008 = arith.index_cast %parallel_loop3A_934 : i32 to index
        %parallel_loop3A_1009 = arith.constant 96 : index
        %parallel_loop3A_1010 = tpu.vector_load %arg12[%parallel_loop3A_1007, %parallel_loop3A_1008, %parallel_loop3A_1009] {strides = array<i32>} : memref<2x64x128xf32, #tpu.memory_space<vmem>>, vector<16xf32>,
        %parallel_loop3A_1011 = arith.mulf %parallel_loop3A_1005, %parallel_loop3A_1010 : vector<16xf32>
        %parallel_loop3A_1012 = arith.constant 0 : i32
        %parallel_loop3A_1013 = arith.index_cast %parallel_loop3A_1012 : i32 to index
        %parallel_loop3A_1014 = arith.index_cast %parallel_loop3A_934 : i32 to index
        %parallel_loop3A_1015 = arith.constant 112 : index
        %parallel_loop3A_1016 = tpu.vector_load %arg11[%parallel_loop3A_1013, %parallel_loop3A_1014, %parallel_loop3A_1015] {strides = array<i32>} : memref<2x64x128xf32, #tpu.memory_space<vmem>>, vector<16xf32>,
        %parallel_loop3A_1017 = arith.constant 0 : i32
        %parallel_loop3A_1018 = arith.index_cast %parallel_loop3A_1017 : i32 to index
        %parallel_loop3A_1019 = arith.index_cast %parallel_loop3A_934 : i32 to index
        %parallel_loop3A_1020 = arith.constant 112 : index
        %parallel_loop3A_1021 = tpu.vector_load %arg12[%parallel_loop3A_1018, %parallel_loop3A_1019, %parallel_loop3A_1020] {strides = array<i32>} : memref<2x64x128xf32, #tpu.memory_space<vmem>>, vector<16xf32>,
        %parallel_loop3A_1022 = arith.mulf %parallel_loop3A_1016, %parallel_loop3A_1021 : vector<16xf32>
        %parallel_loop3A_1023 = arith.addf %parallel_loop3A_945, %parallel_loop3A_956 : vector<16xf32>
        %parallel_loop3A_1024 = arith.addf %parallel_loop3A_967, %parallel_loop3A_978 : vector<16xf32>
        %parallel_loop3A_1025 = arith.addf %parallel_loop3A_989, %parallel_loop3A_1000 : vector<16xf32>
        %parallel_loop3A_1026 = arith.addf %parallel_loop3A_1011, %parallel_loop3A_1022 : vector<16xf32>
        %parallel_loop3A_1027 = arith.addf %parallel_loop3A_1023, %parallel_loop3A_1024 : vector<16xf32>
        %parallel_loop3A_1028 = arith.addf %parallel_loop3A_1025, %parallel_loop3A_1026 : vector<16xf32>
        %parallel_loop3A_1029 = arith.addf %parallel_loop3A_1027, %parallel_loop3A_1028 : vector<16xf32>
        %parallel_loop3A_1030 = arith.constant 112 : i32
        %parallel_loop3A_1031 = arith.addi %parallel_loop3A_209, %parallel_loop3A_1030 : i32
        %parallel_loop3A_1032 = arith.index_cast %parallel_loop3A_1031 : i32 to index
        %parallel_loop3A_1033 = tpu.vector_load %arg15[%parallel_loop3A_1032] {strides = array<i32>} : memref<1024xf32, #tpu.memory_space<vmem>>, vector<16xf32>,
        tpu.vector_store %arg15[%parallel_loop3A_1032], %parallel_loop3A_1029 {strides = array<i32>} : memref<1024xf32, #tpu.memory_space<vmem>>, vector<16xf32>,
        %parallel_loop3A_1034 = arith.constant 16 : i32
        %parallel_loop3A_1035 = arith.muli %parallel_loop3A_207, %parallel_loop3A_1034 : i32
        %parallel_loop3A_1036 = arith.constant 8 : i32
        %parallel_loop3A_1037 = arith.addi %parallel_loop3A_1035, %parallel_loop3A_1036 : i32
        %parallel_loop3A_1038 = arith.constant 0 : i32
        %parallel_loop3A_1039 = arith.index_cast %parallel_loop3A_1038 : i32 to index
        %parallel_loop3A_1040 = arith.index_cast %parallel_loop3A_1037 : i32 to index
        %parallel_loop3A_1041 = arith.constant 0 : index
        %parallel_loop3A_1042 = tpu.vector_load %arg11[%parallel_loop3A_1039, %parallel_loop3A_1040, %parallel_loop3A_1041] {strides = array<i32>} : memref<2x64x128xf32, #tpu.memory_space<vmem>>, vector<16xf32>,
        %parallel_loop3A_1043 = arith.constant 0 : i32
        %parallel_loop3A_1044 = arith.index_cast %parallel_loop3A_1043 : i32 to index
        %parallel_loop3A_1045 = arith.index_cast %parallel_loop3A_1037 : i32 to index
        %parallel_loop3A_1046 = arith.constant 0 : index
        %parallel_loop3A_1047 = tpu.vector_load %arg12[%parallel_loop3A_1044, %parallel_loop3A_1045, %parallel_loop3A_1046] {strides = array<i32>} : memref<2x64x128xf32, #tpu.memory_space<vmem>>, vector<16xf32>,
        %parallel_loop3A_1048 = arith.mulf %parallel_loop3A_1042, %parallel_loop3A_1047 : vector<16xf32>
        %parallel_loop3A_1049 = arith.constant 0 : i32
        %parallel_loop3A_1050 = arith.index_cast %parallel_loop3A_1049 : i32 to index
        %parallel_loop3A_1051 = arith.index_cast %parallel_loop3A_1037 : i32 to index
        %parallel_loop3A_1052 = arith.constant 16 : index
        %parallel_loop3A_1053 = tpu.vector_load %arg11[%parallel_loop3A_1050, %parallel_loop3A_1051, %parallel_loop3A_1052] {strides = array<i32>} : memref<2x64x128xf32, #tpu.memory_space<vmem>>, vector<16xf32>,
        %parallel_loop3A_1054 = arith.constant 0 : i32
        %parallel_loop3A_1055 = arith.index_cast %parallel_loop3A_1054 : i32 to index
        %parallel_loop3A_1056 = arith.index_cast %parallel_loop3A_1037 : i32 to index
        %parallel_loop3A_1057 = arith.constant 16 : index
        %parallel_loop3A_1058 = tpu.vector_load %arg12[%parallel_loop3A_1055, %parallel_loop3A_1056, %parallel_loop3A_1057] {strides = array<i32>} : memref<2x64x128xf32, #tpu.memory_space<vmem>>, vector<16xf32>,
        %parallel_loop3A_1059 = arith.mulf %parallel_loop3A_1053, %parallel_loop3A_1058 : vector<16xf32>
        %parallel_loop3A_1060 = arith.constant 0 : i32
        %parallel_loop3A_1061 = arith.index_cast %parallel_loop3A_1060 : i32 to index
        %parallel_loop3A_1062 = arith.index_cast %parallel_loop3A_1037 : i32 to index
        %parallel_loop3A_1063 = arith.constant 32 : index
        %parallel_loop3A_1064 = tpu.vector_load %arg11[%parallel_loop3A_1061, %parallel_loop3A_1062, %parallel_loop3A_1063] {strides = array<i32>} : memref<2x64x128xf32, #tpu.memory_space<vmem>>, vector<16xf32>,
        %parallel_loop3A_1065 = arith.constant 0 : i32
        %parallel_loop3A_1066 = arith.index_cast %parallel_loop3A_1065 : i32 to index
        %parallel_loop3A_1067 = arith.index_cast %parallel_loop3A_1037 : i32 to index
        %parallel_loop3A_1068 = arith.constant 32 : index
        %parallel_loop3A_1069 = tpu.vector_load %arg12[%parallel_loop3A_1066, %parallel_loop3A_1067, %parallel_loop3A_1068] {strides = array<i32>} : memref<2x64x128xf32, #tpu.memory_space<vmem>>, vector<16xf32>,
        %parallel_loop3A_1070 = arith.mulf %parallel_loop3A_1064, %parallel_loop3A_1069 : vector<16xf32>
        %parallel_loop3A_1071 = arith.constant 0 : i32
        %parallel_loop3A_1072 = arith.index_cast %parallel_loop3A_1071 : i32 to index
        %parallel_loop3A_1073 = arith.index_cast %parallel_loop3A_1037 : i32 to index
        %parallel_loop3A_1074 = arith.constant 48 : index
        %parallel_loop3A_1075 = tpu.vector_load %arg11[%parallel_loop3A_1072, %parallel_loop3A_1073, %parallel_loop3A_1074] {strides = array<i32>} : memref<2x64x128xf32, #tpu.memory_space<vmem>>, vector<16xf32>,
        %parallel_loop3A_1076 = arith.constant 0 : i32
        %parallel_loop3A_1077 = arith.index_cast %parallel_loop3A_1076 : i32 to index
        %parallel_loop3A_1078 = arith.index_cast %parallel_loop3A_1037 : i32 to index
        %parallel_loop3A_1079 = arith.constant 48 : index
        %parallel_loop3A_1080 = tpu.vector_load %arg12[%parallel_loop3A_1077, %parallel_loop3A_1078, %parallel_loop3A_1079] {strides = array<i32>} : memref<2x64x128xf32, #tpu.memory_space<vmem>>, vector<16xf32>,
        %parallel_loop3A_1081 = arith.mulf %parallel_loop3A_1075, %parallel_loop3A_1080 : vector<16xf32>
        %parallel_loop3A_1082 = arith.constant 0 : i32
        %parallel_loop3A_1083 = arith.index_cast %parallel_loop3A_1082 : i32 to index
        %parallel_loop3A_1084 = arith.index_cast %parallel_loop3A_1037 : i32 to index
        %parallel_loop3A_1085 = arith.constant 64 : index
        %parallel_loop3A_1086 = tpu.vector_load %arg11[%parallel_loop3A_1083, %parallel_loop3A_1084, %parallel_loop3A_1085] {strides = array<i32>} : memref<2x64x128xf32, #tpu.memory_space<vmem>>, vector<16xf32>,
        %parallel_loop3A_1087 = arith.constant 0 : i32
        %parallel_loop3A_1088 = arith.index_cast %parallel_loop3A_1087 : i32 to index
        %parallel_loop3A_1089 = arith.index_cast %parallel_loop3A_1037 : i32 to index
        %parallel_loop3A_1090 = arith.constant 64 : index
        %parallel_loop3A_1091 = tpu.vector_load %arg12[%parallel_loop3A_1088, %parallel_loop3A_1089, %parallel_loop3A_1090] {strides = array<i32>} : memref<2x64x128xf32, #tpu.memory_space<vmem>>, vector<16xf32>,
        %parallel_loop3A_1092 = arith.mulf %parallel_loop3A_1086, %parallel_loop3A_1091 : vector<16xf32>
        %parallel_loop3A_1093 = arith.constant 0 : i32
        %parallel_loop3A_1094 = arith.index_cast %parallel_loop3A_1093 : i32 to index
        %parallel_loop3A_1095 = arith.index_cast %parallel_loop3A_1037 : i32 to index
        %parallel_loop3A_1096 = arith.constant 80 : index
        %parallel_loop3A_1097 = tpu.vector_load %arg11[%parallel_loop3A_1094, %parallel_loop3A_1095, %parallel_loop3A_1096] {strides = array<i32>} : memref<2x64x128xf32, #tpu.memory_space<vmem>>, vector<16xf32>,
        %parallel_loop3A_1098 = arith.constant 0 : i32
        %parallel_loop3A_1099 = arith.index_cast %parallel_loop3A_1098 : i32 to index
        %parallel_loop3A_1100 = arith.index_cast %parallel_loop3A_1037 : i32 to index
        %parallel_loop3A_1101 = arith.constant 80 : index
        %parallel_loop3A_1102 = tpu.vector_load %arg12[%parallel_loop3A_1099, %parallel_loop3A_1100, %parallel_loop3A_1101] {strides = array<i32>} : memref<2x64x128xf32, #tpu.memory_space<vmem>>, vector<16xf32>,
        %parallel_loop3A_1103 = arith.mulf %parallel_loop3A_1097, %parallel_loop3A_1102 : vector<16xf32>
        %parallel_loop3A_1104 = arith.constant 0 : i32
        %parallel_loop3A_1105 = arith.index_cast %parallel_loop3A_1104 : i32 to index
        %parallel_loop3A_1106 = arith.index_cast %parallel_loop3A_1037 : i32 to index
        %parallel_loop3A_1107 = arith.constant 96 : index
        %parallel_loop3A_1108 = tpu.vector_load %arg11[%parallel_loop3A_1105, %parallel_loop3A_1106, %parallel_loop3A_1107] {strides = array<i32>} : memref<2x64x128xf32, #tpu.memory_space<vmem>>, vector<16xf32>,
        %parallel_loop3A_1109 = arith.constant 0 : i32
        %parallel_loop3A_1110 = arith.index_cast %parallel_loop3A_1109 : i32 to index
        %parallel_loop3A_1111 = arith.index_cast %parallel_loop3A_1037 : i32 to index
        %parallel_loop3A_1112 = arith.constant 96 : index
        %parallel_loop3A_1113 = tpu.vector_load %arg12[%parallel_loop3A_1110, %parallel_loop3A_1111, %parallel_loop3A_1112] {strides = array<i32>} : memref<2x64x128xf32, #tpu.memory_space<vmem>>, vector<16xf32>,
        %parallel_loop3A_1114 = arith.mulf %parallel_loop3A_1108, %parallel_loop3A_1113 : vector<16xf32>
        %parallel_loop3A_1115 = arith.constant 0 : i32
        %parallel_loop3A_1116 = arith.index_cast %parallel_loop3A_1115 : i32 to index
        %parallel_loop3A_1117 = arith.index_cast %parallel_loop3A_1037 : i32 to index
        %parallel_loop3A_1118 = arith.constant 112 : index
        %parallel_loop3A_1119 = tpu.vector_load %arg11[%parallel_loop3A_1116, %parallel_loop3A_1117, %parallel_loop3A_1118] {strides = array<i32>} : memref<2x64x128xf32, #tpu.memory_space<vmem>>, vector<16xf32>,
        %parallel_loop3A_1120 = arith.constant 0 : i32
        %parallel_loop3A_1121 = arith.index_cast %parallel_loop3A_1120 : i32 to index
        %parallel_loop3A_1122 = arith.index_cast %parallel_loop3A_1037 : i32 to index
        %parallel_loop3A_1123 = arith.constant 112 : index
        %parallel_loop3A_1124 = tpu.vector_load %arg12[%parallel_loop3A_1121, %parallel_loop3A_1122, %parallel_loop3A_1123] {strides = array<i32>} : memref<2x64x128xf32, #tpu.memory_space<vmem>>, vector<16xf32>,
        %parallel_loop3A_1125 = arith.mulf %parallel_loop3A_1119, %parallel_loop3A_1124 : vector<16xf32>
        %parallel_loop3A_1126 = arith.addf %parallel_loop3A_1048, %parallel_loop3A_1059 : vector<16xf32>
        %parallel_loop3A_1127 = arith.addf %parallel_loop3A_1070, %parallel_loop3A_1081 : vector<16xf32>
        %parallel_loop3A_1128 = arith.addf %parallel_loop3A_1092, %parallel_loop3A_1103 : vector<16xf32>
        %parallel_loop3A_1129 = arith.addf %parallel_loop3A_1114, %parallel_loop3A_1125 : vector<16xf32>
        %parallel_loop3A_1130 = arith.addf %parallel_loop3A_1126, %parallel_loop3A_1127 : vector<16xf32>
        %parallel_loop3A_1131 = arith.addf %parallel_loop3A_1128, %parallel_loop3A_1129 : vector<16xf32>
        %parallel_loop3A_1132 = arith.addf %parallel_loop3A_1130, %parallel_loop3A_1131 : vector<16xf32>
        %parallel_loop3A_1133 = arith.constant 128 : i32
        %parallel_loop3A_1134 = arith.addi %parallel_loop3A_209, %parallel_loop3A_1133 : i32
        %parallel_loop3A_1135 = arith.index_cast %parallel_loop3A_1134 : i32 to index
        %parallel_loop3A_1136 = tpu.vector_load %arg15[%parallel_loop3A_1135] {strides = array<i32>} : memref<1024xf32, #tpu.memory_space<vmem>>, vector<16xf32>,
        tpu.vector_store %arg15[%parallel_loop3A_1135], %parallel_loop3A_1132 {strides = array<i32>} : memref<1024xf32, #tpu.memory_space<vmem>>, vector<16xf32>,
        %parallel_loop3A_1137 = arith.constant 16 : i32
        %parallel_loop3A_1138 = arith.muli %parallel_loop3A_207, %parallel_loop3A_1137 : i32
        %parallel_loop3A_1139 = arith.constant 9 : i32
        %parallel_loop3A_1140 = arith.addi %parallel_loop3A_1138, %parallel_loop3A_1139 : i32
        %parallel_loop3A_1141 = arith.constant 0 : i32
        %parallel_loop3A_1142 = arith.index_cast %parallel_loop3A_1141 : i32 to index
        %parallel_loop3A_1143 = arith.index_cast %parallel_loop3A_1140 : i32 to index
        %parallel_loop3A_1144 = arith.constant 0 : index
        %parallel_loop3A_1145 = tpu.vector_load %arg11[%parallel_loop3A_1142, %parallel_loop3A_1143, %parallel_loop3A_1144] {strides = array<i32>} : memref<2x64x128xf32, #tpu.memory_space<vmem>>, vector<16xf32>,
        %parallel_loop3A_1146 = arith.constant 0 : i32
        %parallel_loop3A_1147 = arith.index_cast %parallel_loop3A_1146 : i32 to index
        %parallel_loop3A_1148 = arith.index_cast %parallel_loop3A_1140 : i32 to index
        %parallel_loop3A_1149 = arith.constant 0 : index
        %parallel_loop3A_1150 = tpu.vector_load %arg12[%parallel_loop3A_1147, %parallel_loop3A_1148, %parallel_loop3A_1149] {strides = array<i32>} : memref<2x64x128xf32, #tpu.memory_space<vmem>>, vector<16xf32>,
        %parallel_loop3A_1151 = arith.mulf %parallel_loop3A_1145, %parallel_loop3A_1150 : vector<16xf32>
        %parallel_loop3A_1152 = arith.constant 0 : i32
        %parallel_loop3A_1153 = arith.index_cast %parallel_loop3A_1152 : i32 to index
        %parallel_loop3A_1154 = arith.index_cast %parallel_loop3A_1140 : i32 to index
        %parallel_loop3A_1155 = arith.constant 16 : index
        %parallel_loop3A_1156 = tpu.vector_load %arg11[%parallel_loop3A_1153, %parallel_loop3A_1154, %parallel_loop3A_1155] {strides = array<i32>} : memref<2x64x128xf32, #tpu.memory_space<vmem>>, vector<16xf32>,
        %parallel_loop3A_1157 = arith.constant 0 : i32
        %parallel_loop3A_1158 = arith.index_cast %parallel_loop3A_1157 : i32 to index
        %parallel_loop3A_1159 = arith.index_cast %parallel_loop3A_1140 : i32 to index
        %parallel_loop3A_1160 = arith.constant 16 : index
        %parallel_loop3A_1161 = tpu.vector_load %arg12[%parallel_loop3A_1158, %parallel_loop3A_1159, %parallel_loop3A_1160] {strides = array<i32>} : memref<2x64x128xf32, #tpu.memory_space<vmem>>, vector<16xf32>,
        %parallel_loop3A_1162 = arith.mulf %parallel_loop3A_1156, %parallel_loop3A_1161 : vector<16xf32>
        %parallel_loop3A_1163 = arith.constant 0 : i32
        %parallel_loop3A_1164 = arith.index_cast %parallel_loop3A_1163 : i32 to index
        %parallel_loop3A_1165 = arith.index_cast %parallel_loop3A_1140 : i32 to index
        %parallel_loop3A_1166 = arith.constant 32 : index
        %parallel_loop3A_1167 = tpu.vector_load %arg11[%parallel_loop3A_1164, %parallel_loop3A_1165, %parallel_loop3A_1166] {strides = array<i32>} : memref<2x64x128xf32, #tpu.memory_space<vmem>>, vector<16xf32>,
        %parallel_loop3A_1168 = arith.constant 0 : i32
        %parallel_loop3A_1169 = arith.index_cast %parallel_loop3A_1168 : i32 to index
        %parallel_loop3A_1170 = arith.index_cast %parallel_loop3A_1140 : i32 to index
        %parallel_loop3A_1171 = arith.constant 32 : index
        %parallel_loop3A_1172 = tpu.vector_load %arg12[%parallel_loop3A_1169, %parallel_loop3A_1170, %parallel_loop3A_1171] {strides = array<i32>} : memref<2x64x128xf32, #tpu.memory_space<vmem>>, vector<16xf32>,
        %parallel_loop3A_1173 = arith.mulf %parallel_loop3A_1167, %parallel_loop3A_1172 : vector<16xf32>
        %parallel_loop3A_1174 = arith.constant 0 : i32
        %parallel_loop3A_1175 = arith.index_cast %parallel_loop3A_1174 : i32 to index
        %parallel_loop3A_1176 = arith.index_cast %parallel_loop3A_1140 : i32 to index
        %parallel_loop3A_1177 = arith.constant 48 : index
        %parallel_loop3A_1178 = tpu.vector_load %arg11[%parallel_loop3A_1175, %parallel_loop3A_1176, %parallel_loop3A_1177] {strides = array<i32>} : memref<2x64x128xf32, #tpu.memory_space<vmem>>, vector<16xf32>,
        %parallel_loop3A_1179 = arith.constant 0 : i32
        %parallel_loop3A_1180 = arith.index_cast %parallel_loop3A_1179 : i32 to index
        %parallel_loop3A_1181 = arith.index_cast %parallel_loop3A_1140 : i32 to index
        %parallel_loop3A_1182 = arith.constant 48 : index
        %parallel_loop3A_1183 = tpu.vector_load %arg12[%parallel_loop3A_1180, %parallel_loop3A_1181, %parallel_loop3A_1182] {strides = array<i32>} : memref<2x64x128xf32, #tpu.memory_space<vmem>>, vector<16xf32>,
        %parallel_loop3A_1184 = arith.mulf %parallel_loop3A_1178, %parallel_loop3A_1183 : vector<16xf32>
        %parallel_loop3A_1185 = arith.constant 0 : i32
        %parallel_loop3A_1186 = arith.index_cast %parallel_loop3A_1185 : i32 to index
        %parallel_loop3A_1187 = arith.index_cast %parallel_loop3A_1140 : i32 to index
        %parallel_loop3A_1188 = arith.constant 64 : index
        %parallel_loop3A_1189 = tpu.vector_load %arg11[%parallel_loop3A_1186, %parallel_loop3A_1187, %parallel_loop3A_1188] {strides = array<i32>} : memref<2x64x128xf32, #tpu.memory_space<vmem>>, vector<16xf32>,
        %parallel_loop3A_1190 = arith.constant 0 : i32
        %parallel_loop3A_1191 = arith.index_cast %parallel_loop3A_1190 : i32 to index
        %parallel_loop3A_1192 = arith.index_cast %parallel_loop3A_1140 : i32 to index
        %parallel_loop3A_1193 = arith.constant 64 : index
        %parallel_loop3A_1194 = tpu.vector_load %arg12[%parallel_loop3A_1191, %parallel_loop3A_1192, %parallel_loop3A_1193] {strides = array<i32>} : memref<2x64x128xf32, #tpu.memory_space<vmem>>, vector<16xf32>,
        %parallel_loop3A_1195 = arith.mulf %parallel_loop3A_1189, %parallel_loop3A_1194 : vector<16xf32>
        %parallel_loop3A_1196 = arith.constant 0 : i32
        %parallel_loop3A_1197 = arith.index_cast %parallel_loop3A_1196 : i32 to index
        %parallel_loop3A_1198 = arith.index_cast %parallel_loop3A_1140 : i32 to index
        %parallel_loop3A_1199 = arith.constant 80 : index
        %parallel_loop3A_1200 = tpu.vector_load %arg11[%parallel_loop3A_1197, %parallel_loop3A_1198, %parallel_loop3A_1199] {strides = array<i32>} : memref<2x64x128xf32, #tpu.memory_space<vmem>>, vector<16xf32>,
        %parallel_loop3A_1201 = arith.constant 0 : i32
        %parallel_loop3A_1202 = arith.index_cast %parallel_loop3A_1201 : i32 to index
        %parallel_loop3A_1203 = arith.index_cast %parallel_loop3A_1140 : i32 to index
        %parallel_loop3A_1204 = arith.constant 80 : index
        %parallel_loop3A_1205 = tpu.vector_load %arg12[%parallel_loop3A_1202, %parallel_loop3A_1203, %parallel_loop3A_1204] {strides = array<i32>} : memref<2x64x128xf32, #tpu.memory_space<vmem>>, vector<16xf32>,
        %parallel_loop3A_1206 = arith.mulf %parallel_loop3A_1200, %parallel_loop3A_1205 : vector<16xf32>
        %parallel_loop3A_1207 = arith.constant 0 : i32
        %parallel_loop3A_1208 = arith.index_cast %parallel_loop3A_1207 : i32 to index
        %parallel_loop3A_1209 = arith.index_cast %parallel_loop3A_1140 : i32 to index
        %parallel_loop3A_1210 = arith.constant 96 : index
        %parallel_loop3A_1211 = tpu.vector_load %arg11[%parallel_loop3A_1208, %parallel_loop3A_1209, %parallel_loop3A_1210] {strides = array<i32>} : memref<2x64x128xf32, #tpu.memory_space<vmem>>, vector<16xf32>,
        %parallel_loop3A_1212 = arith.constant 0 : i32
        %parallel_loop3A_1213 = arith.index_cast %parallel_loop3A_1212 : i32 to index
        %parallel_loop3A_1214 = arith.index_cast %parallel_loop3A_1140 : i32 to index
        %parallel_loop3A_1215 = arith.constant 96 : index
        %parallel_loop3A_1216 = tpu.vector_load %arg12[%parallel_loop3A_1213, %parallel_loop3A_1214, %parallel_loop3A_1215] {strides = array<i32>} : memref<2x64x128xf32, #tpu.memory_space<vmem>>, vector<16xf32>,
        %parallel_loop3A_1217 = arith.mulf %parallel_loop3A_1211, %parallel_loop3A_1216 : vector<16xf32>
        %parallel_loop3A_1218 = arith.constant 0 : i32
        %parallel_loop3A_1219 = arith.index_cast %parallel_loop3A_1218 : i32 to index
        %parallel_loop3A_1220 = arith.index_cast %parallel_loop3A_1140 : i32 to index
        %parallel_loop3A_1221 = arith.constant 112 : index
        %parallel_loop3A_1222 = tpu.vector_load %arg11[%parallel_loop3A_1219, %parallel_loop3A_1220, %parallel_loop3A_1221] {strides = array<i32>} : memref<2x64x128xf32, #tpu.memory_space<vmem>>, vector<16xf32>,
        %parallel_loop3A_1223 = arith.constant 0 : i32
        %parallel_loop3A_1224 = arith.index_cast %parallel_loop3A_1223 : i32 to index
        %parallel_loop3A_1225 = arith.index_cast %parallel_loop3A_1140 : i32 to index
        %parallel_loop3A_1226 = arith.constant 112 : index
        %parallel_loop3A_1227 = tpu.vector_load %arg12[%parallel_loop3A_1224, %parallel_loop3A_1225, %parallel_loop3A_1226] {strides = array<i32>} : memref<2x64x128xf32, #tpu.memory_space<vmem>>, vector<16xf32>,
        %parallel_loop3A_1228 = arith.mulf %parallel_loop3A_1222, %parallel_loop3A_1227 : vector<16xf32>
        %parallel_loop3A_1229 = arith.addf %parallel_loop3A_1151, %parallel_loop3A_1162 : vector<16xf32>
        %parallel_loop3A_1230 = arith.addf %parallel_loop3A_1173, %parallel_loop3A_1184 : vector<16xf32>
        %parallel_loop3A_1231 = arith.addf %parallel_loop3A_1195, %parallel_loop3A_1206 : vector<16xf32>
        %parallel_loop3A_1232 = arith.addf %parallel_loop3A_1217, %parallel_loop3A_1228 : vector<16xf32>
        %parallel_loop3A_1233 = arith.addf %parallel_loop3A_1229, %parallel_loop3A_1230 : vector<16xf32>
        %parallel_loop3A_1234 = arith.addf %parallel_loop3A_1231, %parallel_loop3A_1232 : vector<16xf32>
        %parallel_loop3A_1235 = arith.addf %parallel_loop3A_1233, %parallel_loop3A_1234 : vector<16xf32>
        %parallel_loop3A_1236 = arith.constant 144 : i32
        %parallel_loop3A_1237 = arith.addi %parallel_loop3A_209, %parallel_loop3A_1236 : i32
        %parallel_loop3A_1238 = arith.index_cast %parallel_loop3A_1237 : i32 to index
        %parallel_loop3A_1239 = tpu.vector_load %arg15[%parallel_loop3A_1238] {strides = array<i32>} : memref<1024xf32, #tpu.memory_space<vmem>>, vector<16xf32>,
        tpu.vector_store %arg15[%parallel_loop3A_1238], %parallel_loop3A_1235 {strides = array<i32>} : memref<1024xf32, #tpu.memory_space<vmem>>, vector<16xf32>,
        %parallel_loop3A_1240 = arith.constant 16 : i32
        %parallel_loop3A_1241 = arith.muli %parallel_loop3A_207, %parallel_loop3A_1240 : i32
        %parallel_loop3A_1242 = arith.constant 10 : i32
        %parallel_loop3A_1243 = arith.addi %parallel_loop3A_1241, %parallel_loop3A_1242 : i32
        %parallel_loop3A_1244 = arith.constant 0 : i32
        %parallel_loop3A_1245 = arith.index_cast %parallel_loop3A_1244 : i32 to index
        %parallel_loop3A_1246 = arith.index_cast %parallel_loop3A_1243 : i32 to index
        %parallel_loop3A_1247 = arith.constant 0 : index
        %parallel_loop3A_1248 = tpu.vector_load %arg11[%parallel_loop3A_1245, %parallel_loop3A_1246, %parallel_loop3A_1247] {strides = array<i32>} : memref<2x64x128xf32, #tpu.memory_space<vmem>>, vector<16xf32>,
        %parallel_loop3A_1249 = arith.constant 0 : i32
        %parallel_loop3A_1250 = arith.index_cast %parallel_loop3A_1249 : i32 to index
        %parallel_loop3A_1251 = arith.index_cast %parallel_loop3A_1243 : i32 to index
        %parallel_loop3A_1252 = arith.constant 0 : index
        %parallel_loop3A_1253 = tpu.vector_load %arg12[%parallel_loop3A_1250, %parallel_loop3A_1251, %parallel_loop3A_1252] {strides = array<i32>} : memref<2x64x128xf32, #tpu.memory_space<vmem>>, vector<16xf32>,
        %parallel_loop3A_1254 = arith.mulf %parallel_loop3A_1248, %parallel_loop3A_1253 : vector<16xf32>
        %parallel_loop3A_1255 = arith.constant 0 : i32
        %parallel_loop3A_1256 = arith.index_cast %parallel_loop3A_1255 : i32 to index
        %parallel_loop3A_1257 = arith.index_cast %parallel_loop3A_1243 : i32 to index
        %parallel_loop3A_1258 = arith.constant 16 : index
        %parallel_loop3A_1259 = tpu.vector_load %arg11[%parallel_loop3A_1256, %parallel_loop3A_1257, %parallel_loop3A_1258] {strides = array<i32>} : memref<2x64x128xf32, #tpu.memory_space<vmem>>, vector<16xf32>,
        %parallel_loop3A_1260 = arith.constant 0 : i32
        %parallel_loop3A_1261 = arith.index_cast %parallel_loop3A_1260 : i32 to index
        %parallel_loop3A_1262 = arith.index_cast %parallel_loop3A_1243 : i32 to index
        %parallel_loop3A_1263 = arith.constant 16 : index
        %parallel_loop3A_1264 = tpu.vector_load %arg12[%parallel_loop3A_1261, %parallel_loop3A_1262, %parallel_loop3A_1263] {strides = array<i32>} : memref<2x64x128xf32, #tpu.memory_space<vmem>>, vector<16xf32>,
        %parallel_loop3A_1265 = arith.mulf %parallel_loop3A_1259, %parallel_loop3A_1264 : vector<16xf32>
        %parallel_loop3A_1266 = arith.constant 0 : i32
        %parallel_loop3A_1267 = arith.index_cast %parallel_loop3A_1266 : i32 to index
        %parallel_loop3A_1268 = arith.index_cast %parallel_loop3A_1243 : i32 to index
        %parallel_loop3A_1269 = arith.constant 32 : index
        %parallel_loop3A_1270 = tpu.vector_load %arg11[%parallel_loop3A_1267, %parallel_loop3A_1268, %parallel_loop3A_1269] {strides = array<i32>} : memref<2x64x128xf32, #tpu.memory_space<vmem>>, vector<16xf32>,
        %parallel_loop3A_1271 = arith.constant 0 : i32
        %parallel_loop3A_1272 = arith.index_cast %parallel_loop3A_1271 : i32 to index
        %parallel_loop3A_1273 = arith.index_cast %parallel_loop3A_1243 : i32 to index
        %parallel_loop3A_1274 = arith.constant 32 : index
        %parallel_loop3A_1275 = tpu.vector_load %arg12[%parallel_loop3A_1272, %parallel_loop3A_1273, %parallel_loop3A_1274] {strides = array<i32>} : memref<2x64x128xf32, #tpu.memory_space<vmem>>, vector<16xf32>,
        %parallel_loop3A_1276 = arith.mulf %parallel_loop3A_1270, %parallel_loop3A_1275 : vector<16xf32>
        %parallel_loop3A_1277 = arith.constant 0 : i32
        %parallel_loop3A_1278 = arith.index_cast %parallel_loop3A_1277 : i32 to index
        %parallel_loop3A_1279 = arith.index_cast %parallel_loop3A_1243 : i32 to index
        %parallel_loop3A_1280 = arith.constant 48 : index
        %parallel_loop3A_1281 = tpu.vector_load %arg11[%parallel_loop3A_1278, %parallel_loop3A_1279, %parallel_loop3A_1280] {strides = array<i32>} : memref<2x64x128xf32, #tpu.memory_space<vmem>>, vector<16xf32>,
        %parallel_loop3A_1282 = arith.constant 0 : i32
        %parallel_loop3A_1283 = arith.index_cast %parallel_loop3A_1282 : i32 to index
        %parallel_loop3A_1284 = arith.index_cast %parallel_loop3A_1243 : i32 to index
        %parallel_loop3A_1285 = arith.constant 48 : index
        %parallel_loop3A_1286 = tpu.vector_load %arg12[%parallel_loop3A_1283, %parallel_loop3A_1284, %parallel_loop3A_1285] {strides = array<i32>} : memref<2x64x128xf32, #tpu.memory_space<vmem>>, vector<16xf32>,
        %parallel_loop3A_1287 = arith.mulf %parallel_loop3A_1281, %parallel_loop3A_1286 : vector<16xf32>
        %parallel_loop3A_1288 = arith.constant 0 : i32
        %parallel_loop3A_1289 = arith.index_cast %parallel_loop3A_1288 : i32 to index
        %parallel_loop3A_1290 = arith.index_cast %parallel_loop3A_1243 : i32 to index
        %parallel_loop3A_1291 = arith.constant 64 : index
        %parallel_loop3A_1292 = tpu.vector_load %arg11[%parallel_loop3A_1289, %parallel_loop3A_1290, %parallel_loop3A_1291] {strides = array<i32>} : memref<2x64x128xf32, #tpu.memory_space<vmem>>, vector<16xf32>,
        %parallel_loop3A_1293 = arith.constant 0 : i32
        %parallel_loop3A_1294 = arith.index_cast %parallel_loop3A_1293 : i32 to index
        %parallel_loop3A_1295 = arith.index_cast %parallel_loop3A_1243 : i32 to index
        %parallel_loop3A_1296 = arith.constant 64 : index
        %parallel_loop3A_1297 = tpu.vector_load %arg12[%parallel_loop3A_1294, %parallel_loop3A_1295, %parallel_loop3A_1296] {strides = array<i32>} : memref<2x64x128xf32, #tpu.memory_space<vmem>>, vector<16xf32>,
        %parallel_loop3A_1298 = arith.mulf %parallel_loop3A_1292, %parallel_loop3A_1297 : vector<16xf32>
        %parallel_loop3A_1299 = arith.constant 0 : i32
        %parallel_loop3A_1300 = arith.index_cast %parallel_loop3A_1299 : i32 to index
        %parallel_loop3A_1301 = arith.index_cast %parallel_loop3A_1243 : i32 to index
        %parallel_loop3A_1302 = arith.constant 80 : index
        %parallel_loop3A_1303 = tpu.vector_load %arg11[%parallel_loop3A_1300, %parallel_loop3A_1301, %parallel_loop3A_1302] {strides = array<i32>} : memref<2x64x128xf32, #tpu.memory_space<vmem>>, vector<16xf32>,
        %parallel_loop3A_1304 = arith.constant 0 : i32
        %parallel_loop3A_1305 = arith.index_cast %parallel_loop3A_1304 : i32 to index
        %parallel_loop3A_1306 = arith.index_cast %parallel_loop3A_1243 : i32 to index
        %parallel_loop3A_1307 = arith.constant 80 : index
        %parallel_loop3A_1308 = tpu.vector_load %arg12[%parallel_loop3A_1305, %parallel_loop3A_1306, %parallel_loop3A_1307] {strides = array<i32>} : memref<2x64x128xf32, #tpu.memory_space<vmem>>, vector<16xf32>,
        %parallel_loop3A_1309 = arith.mulf %parallel_loop3A_1303, %parallel_loop3A_1308 : vector<16xf32>
        %parallel_loop3A_1310 = arith.constant 0 : i32
        %parallel_loop3A_1311 = arith.index_cast %parallel_loop3A_1310 : i32 to index
        %parallel_loop3A_1312 = arith.index_cast %parallel_loop3A_1243 : i32 to index
        %parallel_loop3A_1313 = arith.constant 96 : index
        %parallel_loop3A_1314 = tpu.vector_load %arg11[%parallel_loop3A_1311, %parallel_loop3A_1312, %parallel_loop3A_1313] {strides = array<i32>} : memref<2x64x128xf32, #tpu.memory_space<vmem>>, vector<16xf32>,
        %parallel_loop3A_1315 = arith.constant 0 : i32
        %parallel_loop3A_1316 = arith.index_cast %parallel_loop3A_1315 : i32 to index
        %parallel_loop3A_1317 = arith.index_cast %parallel_loop3A_1243 : i32 to index
        %parallel_loop3A_1318 = arith.constant 96 : index
        %parallel_loop3A_1319 = tpu.vector_load %arg12[%parallel_loop3A_1316, %parallel_loop3A_1317, %parallel_loop3A_1318] {strides = array<i32>} : memref<2x64x128xf32, #tpu.memory_space<vmem>>, vector<16xf32>,
        %parallel_loop3A_1320 = arith.mulf %parallel_loop3A_1314, %parallel_loop3A_1319 : vector<16xf32>
        %parallel_loop3A_1321 = arith.constant 0 : i32
        %parallel_loop3A_1322 = arith.index_cast %parallel_loop3A_1321 : i32 to index
        %parallel_loop3A_1323 = arith.index_cast %parallel_loop3A_1243 : i32 to index
        %parallel_loop3A_1324 = arith.constant 112 : index
        %parallel_loop3A_1325 = tpu.vector_load %arg11[%parallel_loop3A_1322, %parallel_loop3A_1323, %parallel_loop3A_1324] {strides = array<i32>} : memref<2x64x128xf32, #tpu.memory_space<vmem>>, vector<16xf32>,
        %parallel_loop3A_1326 = arith.constant 0 : i32
        %parallel_loop3A_1327 = arith.index_cast %parallel_loop3A_1326 : i32 to index
        %parallel_loop3A_1328 = arith.index_cast %parallel_loop3A_1243 : i32 to index
        %parallel_loop3A_1329 = arith.constant 112 : index
        %parallel_loop3A_1330 = tpu.vector_load %arg12[%parallel_loop3A_1327, %parallel_loop3A_1328, %parallel_loop3A_1329] {strides = array<i32>} : memref<2x64x128xf32, #tpu.memory_space<vmem>>, vector<16xf32>,
        %parallel_loop3A_1331 = arith.mulf %parallel_loop3A_1325, %parallel_loop3A_1330 : vector<16xf32>
        %parallel_loop3A_1332 = arith.addf %parallel_loop3A_1254, %parallel_loop3A_1265 : vector<16xf32>
        %parallel_loop3A_1333 = arith.addf %parallel_loop3A_1276, %parallel_loop3A_1287 : vector<16xf32>
        %parallel_loop3A_1334 = arith.addf %parallel_loop3A_1298, %parallel_loop3A_1309 : vector<16xf32>
        %parallel_loop3A_1335 = arith.addf %parallel_loop3A_1320, %parallel_loop3A_1331 : vector<16xf32>
        %parallel_loop3A_1336 = arith.addf %parallel_loop3A_1332, %parallel_loop3A_1333 : vector<16xf32>
        %parallel_loop3A_1337 = arith.addf %parallel_loop3A_1334, %parallel_loop3A_1335 : vector<16xf32>
        %parallel_loop3A_1338 = arith.addf %parallel_loop3A_1336, %parallel_loop3A_1337 : vector<16xf32>
        %parallel_loop3A_1339 = arith.constant 160 : i32
        %parallel_loop3A_1340 = arith.addi %parallel_loop3A_209, %parallel_loop3A_1339 : i32
        %parallel_loop3A_1341 = arith.index_cast %parallel_loop3A_1340 : i32 to index
        %parallel_loop3A_1342 = tpu.vector_load %arg15[%parallel_loop3A_1341] {strides = array<i32>} : memref<1024xf32, #tpu.memory_space<vmem>>, vector<16xf32>,
        tpu.vector_store %arg15[%parallel_loop3A_1341], %parallel_loop3A_1338 {strides = array<i32>} : memref<1024xf32, #tpu.memory_space<vmem>>, vector<16xf32>,
        %parallel_loop3A_1343 = arith.constant 16 : i32
        %parallel_loop3A_1344 = arith.muli %parallel_loop3A_207, %parallel_loop3A_1343 : i32
        %parallel_loop3A_1345 = arith.constant 11 : i32
        %parallel_loop3A_1346 = arith.addi %parallel_loop3A_1344, %parallel_loop3A_1345 : i32
        %parallel_loop3A_1347 = arith.constant 0 : i32
        %parallel_loop3A_1348 = arith.index_cast %parallel_loop3A_1347 : i32 to index
        %parallel_loop3A_1349 = arith.index_cast %parallel_loop3A_1346 : i32 to index
        %parallel_loop3A_1350 = arith.constant 0 : index
        %parallel_loop3A_1351 = tpu.vector_load %arg11[%parallel_loop3A_1348, %parallel_loop3A_1349, %parallel_loop3A_1350] {strides = array<i32>} : memref<2x64x128xf32, #tpu.memory_space<vmem>>, vector<16xf32>,
        %parallel_loop3A_1352 = arith.constant 0 : i32
        %parallel_loop3A_1353 = arith.index_cast %parallel_loop3A_1352 : i32 to index
        %parallel_loop3A_1354 = arith.index_cast %parallel_loop3A_1346 : i32 to index
        %parallel_loop3A_1355 = arith.constant 0 : index
        %parallel_loop3A_1356 = tpu.vector_load %arg12[%parallel_loop3A_1353, %parallel_loop3A_1354, %parallel_loop3A_1355] {strides = array<i32>} : memref<2x64x128xf32, #tpu.memory_space<vmem>>, vector<16xf32>,
        %parallel_loop3A_1357 = arith.mulf %parallel_loop3A_1351, %parallel_loop3A_1356 : vector<16xf32>
        %parallel_loop3A_1358 = arith.constant 0 : i32
        %parallel_loop3A_1359 = arith.index_cast %parallel_loop3A_1358 : i32 to index
        %parallel_loop3A_1360 = arith.index_cast %parallel_loop3A_1346 : i32 to index
        %parallel_loop3A_1361 = arith.constant 16 : index
        %parallel_loop3A_1362 = tpu.vector_load %arg11[%parallel_loop3A_1359, %parallel_loop3A_1360, %parallel_loop3A_1361] {strides = array<i32>} : memref<2x64x128xf32, #tpu.memory_space<vmem>>, vector<16xf32>,
        %parallel_loop3A_1363 = arith.constant 0 : i32
        %parallel_loop3A_1364 = arith.index_cast %parallel_loop3A_1363 : i32 to index
        %parallel_loop3A_1365 = arith.index_cast %parallel_loop3A_1346 : i32 to index
        %parallel_loop3A_1366 = arith.constant 16 : index
        %parallel_loop3A_1367 = tpu.vector_load %arg12[%parallel_loop3A_1364, %parallel_loop3A_1365, %parallel_loop3A_1366] {strides = array<i32>} : memref<2x64x128xf32, #tpu.memory_space<vmem>>, vector<16xf32>,
        %parallel_loop3A_1368 = arith.mulf %parallel_loop3A_1362, %parallel_loop3A_1367 : vector<16xf32>
        %parallel_loop3A_1369 = arith.constant 0 : i32
        %parallel_loop3A_1370 = arith.index_cast %parallel_loop3A_1369 : i32 to index
        %parallel_loop3A_1371 = arith.index_cast %parallel_loop3A_1346 : i32 to index
        %parallel_loop3A_1372 = arith.constant 32 : index
        %parallel_loop3A_1373 = tpu.vector_load %arg11[%parallel_loop3A_1370, %parallel_loop3A_1371, %parallel_loop3A_1372] {strides = array<i32>} : memref<2x64x128xf32, #tpu.memory_space<vmem>>, vector<16xf32>,
        %parallel_loop3A_1374 = arith.constant 0 : i32
        %parallel_loop3A_1375 = arith.index_cast %parallel_loop3A_1374 : i32 to index
        %parallel_loop3A_1376 = arith.index_cast %parallel_loop3A_1346 : i32 to index
        %parallel_loop3A_1377 = arith.constant 32 : index
        %parallel_loop3A_1378 = tpu.vector_load %arg12[%parallel_loop3A_1375, %parallel_loop3A_1376, %parallel_loop3A_1377] {strides = array<i32>} : memref<2x64x128xf32, #tpu.memory_space<vmem>>, vector<16xf32>,
        %parallel_loop3A_1379 = arith.mulf %parallel_loop3A_1373, %parallel_loop3A_1378 : vector<16xf32>
        %parallel_loop3A_1380 = arith.constant 0 : i32
        %parallel_loop3A_1381 = arith.index_cast %parallel_loop3A_1380 : i32 to index
        %parallel_loop3A_1382 = arith.index_cast %parallel_loop3A_1346 : i32 to index
        %parallel_loop3A_1383 = arith.constant 48 : index
        %parallel_loop3A_1384 = tpu.vector_load %arg11[%parallel_loop3A_1381, %parallel_loop3A_1382, %parallel_loop3A_1383] {strides = array<i32>} : memref<2x64x128xf32, #tpu.memory_space<vmem>>, vector<16xf32>,
        %parallel_loop3A_1385 = arith.constant 0 : i32
        %parallel_loop3A_1386 = arith.index_cast %parallel_loop3A_1385 : i32 to index
        %parallel_loop3A_1387 = arith.index_cast %parallel_loop3A_1346 : i32 to index
        %parallel_loop3A_1388 = arith.constant 48 : index
        %parallel_loop3A_1389 = tpu.vector_load %arg12[%parallel_loop3A_1386, %parallel_loop3A_1387, %parallel_loop3A_1388] {strides = array<i32>} : memref<2x64x128xf32, #tpu.memory_space<vmem>>, vector<16xf32>,
        %parallel_loop3A_1390 = arith.mulf %parallel_loop3A_1384, %parallel_loop3A_1389 : vector<16xf32>
        %parallel_loop3A_1391 = arith.constant 0 : i32
        %parallel_loop3A_1392 = arith.index_cast %parallel_loop3A_1391 : i32 to index
        %parallel_loop3A_1393 = arith.index_cast %parallel_loop3A_1346 : i32 to index
        %parallel_loop3A_1394 = arith.constant 64 : index
        %parallel_loop3A_1395 = tpu.vector_load %arg11[%parallel_loop3A_1392, %parallel_loop3A_1393, %parallel_loop3A_1394] {strides = array<i32>} : memref<2x64x128xf32, #tpu.memory_space<vmem>>, vector<16xf32>,
        %parallel_loop3A_1396 = arith.constant 0 : i32
        %parallel_loop3A_1397 = arith.index_cast %parallel_loop3A_1396 : i32 to index
        %parallel_loop3A_1398 = arith.index_cast %parallel_loop3A_1346 : i32 to index
        %parallel_loop3A_1399 = arith.constant 64 : index
        %parallel_loop3A_1400 = tpu.vector_load %arg12[%parallel_loop3A_1397, %parallel_loop3A_1398, %parallel_loop3A_1399] {strides = array<i32>} : memref<2x64x128xf32, #tpu.memory_space<vmem>>, vector<16xf32>,
        %parallel_loop3A_1401 = arith.mulf %parallel_loop3A_1395, %parallel_loop3A_1400 : vector<16xf32>
        %parallel_loop3A_1402 = arith.constant 0 : i32
        %parallel_loop3A_1403 = arith.index_cast %parallel_loop3A_1402 : i32 to index
        %parallel_loop3A_1404 = arith.index_cast %parallel_loop3A_1346 : i32 to index
        %parallel_loop3A_1405 = arith.constant 80 : index
        %parallel_loop3A_1406 = tpu.vector_load %arg11[%parallel_loop3A_1403, %parallel_loop3A_1404, %parallel_loop3A_1405] {strides = array<i32>} : memref<2x64x128xf32, #tpu.memory_space<vmem>>, vector<16xf32>,
        %parallel_loop3A_1407 = arith.constant 0 : i32
        %parallel_loop3A_1408 = arith.index_cast %parallel_loop3A_1407 : i32 to index
        %parallel_loop3A_1409 = arith.index_cast %parallel_loop3A_1346 : i32 to index
        %parallel_loop3A_1410 = arith.constant 80 : index
        %parallel_loop3A_1411 = tpu.vector_load %arg12[%parallel_loop3A_1408, %parallel_loop3A_1409, %parallel_loop3A_1410] {strides = array<i32>} : memref<2x64x128xf32, #tpu.memory_space<vmem>>, vector<16xf32>,
        %parallel_loop3A_1412 = arith.mulf %parallel_loop3A_1406, %parallel_loop3A_1411 : vector<16xf32>
        %parallel_loop3A_1413 = arith.constant 0 : i32
        %parallel_loop3A_1414 = arith.index_cast %parallel_loop3A_1413 : i32 to index
        %parallel_loop3A_1415 = arith.index_cast %parallel_loop3A_1346 : i32 to index
        %parallel_loop3A_1416 = arith.constant 96 : index
        %parallel_loop3A_1417 = tpu.vector_load %arg11[%parallel_loop3A_1414, %parallel_loop3A_1415, %parallel_loop3A_1416] {strides = array<i32>} : memref<2x64x128xf32, #tpu.memory_space<vmem>>, vector<16xf32>,
        %parallel_loop3A_1418 = arith.constant 0 : i32
        %parallel_loop3A_1419 = arith.index_cast %parallel_loop3A_1418 : i32 to index
        %parallel_loop3A_1420 = arith.index_cast %parallel_loop3A_1346 : i32 to index
        %parallel_loop3A_1421 = arith.constant 96 : index
        %parallel_loop3A_1422 = tpu.vector_load %arg12[%parallel_loop3A_1419, %parallel_loop3A_1420, %parallel_loop3A_1421] {strides = array<i32>} : memref<2x64x128xf32, #tpu.memory_space<vmem>>, vector<16xf32>,
        %parallel_loop3A_1423 = arith.mulf %parallel_loop3A_1417, %parallel_loop3A_1422 : vector<16xf32>
        %parallel_loop3A_1424 = arith.constant 0 : i32
        %parallel_loop3A_1425 = arith.index_cast %parallel_loop3A_1424 : i32 to index
        %parallel_loop3A_1426 = arith.index_cast %parallel_loop3A_1346 : i32 to index
        %parallel_loop3A_1427 = arith.constant 112 : index
        %parallel_loop3A_1428 = tpu.vector_load %arg11[%parallel_loop3A_1425, %parallel_loop3A_1426, %parallel_loop3A_1427] {strides = array<i32>} : memref<2x64x128xf32, #tpu.memory_space<vmem>>, vector<16xf32>,
        %parallel_loop3A_1429 = arith.constant 0 : i32
        %parallel_loop3A_1430 = arith.index_cast %parallel_loop3A_1429 : i32 to index
        %parallel_loop3A_1431 = arith.index_cast %parallel_loop3A_1346 : i32 to index
        %parallel_loop3A_1432 = arith.constant 112 : index
        %parallel_loop3A_1433 = tpu.vector_load %arg12[%parallel_loop3A_1430, %parallel_loop3A_1431, %parallel_loop3A_1432] {strides = array<i32>} : memref<2x64x128xf32, #tpu.memory_space<vmem>>, vector<16xf32>,
        %parallel_loop3A_1434 = arith.mulf %parallel_loop3A_1428, %parallel_loop3A_1433 : vector<16xf32>
        %parallel_loop3A_1435 = arith.addf %parallel_loop3A_1357, %parallel_loop3A_1368 : vector<16xf32>
        %parallel_loop3A_1436 = arith.addf %parallel_loop3A_1379, %parallel_loop3A_1390 : vector<16xf32>
        %parallel_loop3A_1437 = arith.addf %parallel_loop3A_1401, %parallel_loop3A_1412 : vector<16xf32>
        %parallel_loop3A_1438 = arith.addf %parallel_loop3A_1423, %parallel_loop3A_1434 : vector<16xf32>
        %parallel_loop3A_1439 = arith.addf %parallel_loop3A_1435, %parallel_loop3A_1436 : vector<16xf32>
        %parallel_loop3A_1440 = arith.addf %parallel_loop3A_1437, %parallel_loop3A_1438 : vector<16xf32>
        %parallel_loop3A_1441 = arith.addf %parallel_loop3A_1439, %parallel_loop3A_1440 : vector<16xf32>
        %parallel_loop3A_1442 = arith.constant 176 : i32
        %parallel_loop3A_1443 = arith.addi %parallel_loop3A_209, %parallel_loop3A_1442 : i32
        %parallel_loop3A_1444 = arith.index_cast %parallel_loop3A_1443 : i32 to index
        %parallel_loop3A_1445 = tpu.vector_load %arg15[%parallel_loop3A_1444] {strides = array<i32>} : memref<1024xf32, #tpu.memory_space<vmem>>, vector<16xf32>,
        tpu.vector_store %arg15[%parallel_loop3A_1444], %parallel_loop3A_1441 {strides = array<i32>} : memref<1024xf32, #tpu.memory_space<vmem>>, vector<16xf32>,
        %parallel_loop3A_1446 = arith.constant 16 : i32
        %parallel_loop3A_1447 = arith.muli %parallel_loop3A_207, %parallel_loop3A_1446 : i32
        %parallel_loop3A_1448 = arith.constant 12 : i32
        %parallel_loop3A_1449 = arith.addi %parallel_loop3A_1447, %parallel_loop3A_1448 : i32
        %parallel_loop3A_1450 = arith.constant 0 : i32
        %parallel_loop3A_1451 = arith.index_cast %parallel_loop3A_1450 : i32 to index
        %parallel_loop3A_1452 = arith.index_cast %parallel_loop3A_1449 : i32 to index
        %parallel_loop3A_1453 = arith.constant 0 : index
        %parallel_loop3A_1454 = tpu.vector_load %arg11[%parallel_loop3A_1451, %parallel_loop3A_1452, %parallel_loop3A_1453] {strides = array<i32>} : memref<2x64x128xf32, #tpu.memory_space<vmem>>, vector<16xf32>,
        %parallel_loop3A_1455 = arith.constant 0 : i32
        %parallel_loop3A_1456 = arith.index_cast %parallel_loop3A_1455 : i32 to index
        %parallel_loop3A_1457 = arith.index_cast %parallel_loop3A_1449 : i32 to index
        %parallel_loop3A_1458 = arith.constant 0 : index
        %parallel_loop3A_1459 = tpu.vector_load %arg12[%parallel_loop3A_1456, %parallel_loop3A_1457, %parallel_loop3A_1458] {strides = array<i32>} : memref<2x64x128xf32, #tpu.memory_space<vmem>>, vector<16xf32>,
        %parallel_loop3A_1460 = arith.mulf %parallel_loop3A_1454, %parallel_loop3A_1459 : vector<16xf32>
        %parallel_loop3A_1461 = arith.constant 0 : i32
        %parallel_loop3A_1462 = arith.index_cast %parallel_loop3A_1461 : i32 to index
        %parallel_loop3A_1463 = arith.index_cast %parallel_loop3A_1449 : i32 to index
        %parallel_loop3A_1464 = arith.constant 16 : index
        %parallel_loop3A_1465 = tpu.vector_load %arg11[%parallel_loop3A_1462, %parallel_loop3A_1463, %parallel_loop3A_1464] {strides = array<i32>} : memref<2x64x128xf32, #tpu.memory_space<vmem>>, vector<16xf32>,
        %parallel_loop3A_1466 = arith.constant 0 : i32
        %parallel_loop3A_1467 = arith.index_cast %parallel_loop3A_1466 : i32 to index
        %parallel_loop3A_1468 = arith.index_cast %parallel_loop3A_1449 : i32 to index
        %parallel_loop3A_1469 = arith.constant 16 : index
        %parallel_loop3A_1470 = tpu.vector_load %arg12[%parallel_loop3A_1467, %parallel_loop3A_1468, %parallel_loop3A_1469] {strides = array<i32>} : memref<2x64x128xf32, #tpu.memory_space<vmem>>, vector<16xf32>,
        %parallel_loop3A_1471 = arith.mulf %parallel_loop3A_1465, %parallel_loop3A_1470 : vector<16xf32>
        %parallel_loop3A_1472 = arith.constant 0 : i32
        %parallel_loop3A_1473 = arith.index_cast %parallel_loop3A_1472 : i32 to index
        %parallel_loop3A_1474 = arith.index_cast %parallel_loop3A_1449 : i32 to index
        %parallel_loop3A_1475 = arith.constant 32 : index
        %parallel_loop3A_1476 = tpu.vector_load %arg11[%parallel_loop3A_1473, %parallel_loop3A_1474, %parallel_loop3A_1475] {strides = array<i32>} : memref<2x64x128xf32, #tpu.memory_space<vmem>>, vector<16xf32>,
        %parallel_loop3A_1477 = arith.constant 0 : i32
        %parallel_loop3A_1478 = arith.index_cast %parallel_loop3A_1477 : i32 to index
        %parallel_loop3A_1479 = arith.index_cast %parallel_loop3A_1449 : i32 to index
        %parallel_loop3A_1480 = arith.constant 32 : index
        %parallel_loop3A_1481 = tpu.vector_load %arg12[%parallel_loop3A_1478, %parallel_loop3A_1479, %parallel_loop3A_1480] {strides = array<i32>} : memref<2x64x128xf32, #tpu.memory_space<vmem>>, vector<16xf32>,
        %parallel_loop3A_1482 = arith.mulf %parallel_loop3A_1476, %parallel_loop3A_1481 : vector<16xf32>
        %parallel_loop3A_1483 = arith.constant 0 : i32
        %parallel_loop3A_1484 = arith.index_cast %parallel_loop3A_1483 : i32 to index
        %parallel_loop3A_1485 = arith.index_cast %parallel_loop3A_1449 : i32 to index
        %parallel_loop3A_1486 = arith.constant 48 : index
        %parallel_loop3A_1487 = tpu.vector_load %arg11[%parallel_loop3A_1484, %parallel_loop3A_1485, %parallel_loop3A_1486] {strides = array<i32>} : memref<2x64x128xf32, #tpu.memory_space<vmem>>, vector<16xf32>,
        %parallel_loop3A_1488 = arith.constant 0 : i32
        %parallel_loop3A_1489 = arith.index_cast %parallel_loop3A_1488 : i32 to index
        %parallel_loop3A_1490 = arith.index_cast %parallel_loop3A_1449 : i32 to index
        %parallel_loop3A_1491 = arith.constant 48 : index
        %parallel_loop3A_1492 = tpu.vector_load %arg12[%parallel_loop3A_1489, %parallel_loop3A_1490, %parallel_loop3A_1491] {strides = array<i32>} : memref<2x64x128xf32, #tpu.memory_space<vmem>>, vector<16xf32>,
        %parallel_loop3A_1493 = arith.mulf %parallel_loop3A_1487, %parallel_loop3A_1492 : vector<16xf32>
        %parallel_loop3A_1494 = arith.constant 0 : i32
        %parallel_loop3A_1495 = arith.index_cast %parallel_loop3A_1494 : i32 to index
        %parallel_loop3A_1496 = arith.index_cast %parallel_loop3A_1449 : i32 to index
        %parallel_loop3A_1497 = arith.constant 64 : index
        %parallel_loop3A_1498 = tpu.vector_load %arg11[%parallel_loop3A_1495, %parallel_loop3A_1496, %parallel_loop3A_1497] {strides = array<i32>} : memref<2x64x128xf32, #tpu.memory_space<vmem>>, vector<16xf32>,
        %parallel_loop3A_1499 = arith.constant 0 : i32
        %parallel_loop3A_1500 = arith.index_cast %parallel_loop3A_1499 : i32 to index
        %parallel_loop3A_1501 = arith.index_cast %parallel_loop3A_1449 : i32 to index
        %parallel_loop3A_1502 = arith.constant 64 : index
        %parallel_loop3A_1503 = tpu.vector_load %arg12[%parallel_loop3A_1500, %parallel_loop3A_1501, %parallel_loop3A_1502] {strides = array<i32>} : memref<2x64x128xf32, #tpu.memory_space<vmem>>, vector<16xf32>,
        %parallel_loop3A_1504 = arith.mulf %parallel_loop3A_1498, %parallel_loop3A_1503 : vector<16xf32>
        %parallel_loop3A_1505 = arith.constant 0 : i32
        %parallel_loop3A_1506 = arith.index_cast %parallel_loop3A_1505 : i32 to index
        %parallel_loop3A_1507 = arith.index_cast %parallel_loop3A_1449 : i32 to index
        %parallel_loop3A_1508 = arith.constant 80 : index
        %parallel_loop3A_1509 = tpu.vector_load %arg11[%parallel_loop3A_1506, %parallel_loop3A_1507, %parallel_loop3A_1508] {strides = array<i32>} : memref<2x64x128xf32, #tpu.memory_space<vmem>>, vector<16xf32>,
        %parallel_loop3A_1510 = arith.constant 0 : i32
        %parallel_loop3A_1511 = arith.index_cast %parallel_loop3A_1510 : i32 to index
        %parallel_loop3A_1512 = arith.index_cast %parallel_loop3A_1449 : i32 to index
        %parallel_loop3A_1513 = arith.constant 80 : index
        %parallel_loop3A_1514 = tpu.vector_load %arg12[%parallel_loop3A_1511, %parallel_loop3A_1512, %parallel_loop3A_1513] {strides = array<i32>} : memref<2x64x128xf32, #tpu.memory_space<vmem>>, vector<16xf32>,
        %parallel_loop3A_1515 = arith.mulf %parallel_loop3A_1509, %parallel_loop3A_1514 : vector<16xf32>
        %parallel_loop3A_1516 = arith.constant 0 : i32
        %parallel_loop3A_1517 = arith.index_cast %parallel_loop3A_1516 : i32 to index
        %parallel_loop3A_1518 = arith.index_cast %parallel_loop3A_1449 : i32 to index
        %parallel_loop3A_1519 = arith.constant 96 : index
        %parallel_loop3A_1520 = tpu.vector_load %arg11[%parallel_loop3A_1517, %parallel_loop3A_1518, %parallel_loop3A_1519] {strides = array<i32>} : memref<2x64x128xf32, #tpu.memory_space<vmem>>, vector<16xf32>,
        %parallel_loop3A_1521 = arith.constant 0 : i32
        %parallel_loop3A_1522 = arith.index_cast %parallel_loop3A_1521 : i32 to index
        %parallel_loop3A_1523 = arith.index_cast %parallel_loop3A_1449 : i32 to index
        %parallel_loop3A_1524 = arith.constant 96 : index
        %parallel_loop3A_1525 = tpu.vector_load %arg12[%parallel_loop3A_1522, %parallel_loop3A_1523, %parallel_loop3A_1524] {strides = array<i32>} : memref<2x64x128xf32, #tpu.memory_space<vmem>>, vector<16xf32>,
        %parallel_loop3A_1526 = arith.mulf %parallel_loop3A_1520, %parallel_loop3A_1525 : vector<16xf32>
        %parallel_loop3A_1527 = arith.constant 0 : i32
        %parallel_loop3A_1528 = arith.index_cast %parallel_loop3A_1527 : i32 to index
        %parallel_loop3A_1529 = arith.index_cast %parallel_loop3A_1449 : i32 to index
        %parallel_loop3A_1530 = arith.constant 112 : index
        %parallel_loop3A_1531 = tpu.vector_load %arg11[%parallel_loop3A_1528, %parallel_loop3A_1529, %parallel_loop3A_1530] {strides = array<i32>} : memref<2x64x128xf32, #tpu.memory_space<vmem>>, vector<16xf32>,
        %parallel_loop3A_1532 = arith.constant 0 : i32
        %parallel_loop3A_1533 = arith.index_cast %parallel_loop3A_1532 : i32 to index
        %parallel_loop3A_1534 = arith.index_cast %parallel_loop3A_1449 : i32 to index
        %parallel_loop3A_1535 = arith.constant 112 : index
        %parallel_loop3A_1536 = tpu.vector_load %arg12[%parallel_loop3A_1533, %parallel_loop3A_1534, %parallel_loop3A_1535] {strides = array<i32>} : memref<2x64x128xf32, #tpu.memory_space<vmem>>, vector<16xf32>,
        %parallel_loop3A_1537 = arith.mulf %parallel_loop3A_1531, %parallel_loop3A_1536 : vector<16xf32>
        %parallel_loop3A_1538 = arith.addf %parallel_loop3A_1460, %parallel_loop3A_1471 : vector<16xf32>
        %parallel_loop3A_1539 = arith.addf %parallel_loop3A_1482, %parallel_loop3A_1493 : vector<16xf32>
        %parallel_loop3A_1540 = arith.addf %parallel_loop3A_1504, %parallel_loop3A_1515 : vector<16xf32>
        %parallel_loop3A_1541 = arith.addf %parallel_loop3A_1526, %parallel_loop3A_1537 : vector<16xf32>
        %parallel_loop3A_1542 = arith.addf %parallel_loop3A_1538, %parallel_loop3A_1539 : vector<16xf32>
        %parallel_loop3A_1543 = arith.addf %parallel_loop3A_1540, %parallel_loop3A_1541 : vector<16xf32>
        %parallel_loop3A_1544 = arith.addf %parallel_loop3A_1542, %parallel_loop3A_1543 : vector<16xf32>
        %parallel_loop3A_1545 = arith.constant 192 : i32
        %parallel_loop3A_1546 = arith.addi %parallel_loop3A_209, %parallel_loop3A_1545 : i32
        %parallel_loop3A_1547 = arith.index_cast %parallel_loop3A_1546 : i32 to index
        %parallel_loop3A_1548 = tpu.vector_load %arg15[%parallel_loop3A_1547] {strides = array<i32>} : memref<1024xf32, #tpu.memory_space<vmem>>, vector<16xf32>,
        tpu.vector_store %arg15[%parallel_loop3A_1547], %parallel_loop3A_1544 {strides = array<i32>} : memref<1024xf32, #tpu.memory_space<vmem>>, vector<16xf32>,
        %parallel_loop3A_1549 = arith.constant 16 : i32
        %parallel_loop3A_1550 = arith.muli %parallel_loop3A_207, %parallel_loop3A_1549 : i32
        %parallel_loop3A_1551 = arith.constant 13 : i32
        %parallel_loop3A_1552 = arith.addi %parallel_loop3A_1550, %parallel_loop3A_1551 : i32
        %parallel_loop3A_1553 = arith.constant 0 : i32
        %parallel_loop3A_1554 = arith.index_cast %parallel_loop3A_1553 : i32 to index
        %parallel_loop3A_1555 = arith.index_cast %parallel_loop3A_1552 : i32 to index
        %parallel_loop3A_1556 = arith.constant 0 : index
        %parallel_loop3A_1557 = tpu.vector_load %arg11[%parallel_loop3A_1554, %parallel_loop3A_1555, %parallel_loop3A_1556] {strides = array<i32>} : memref<2x64x128xf32, #tpu.memory_space<vmem>>, vector<16xf32>,
        %parallel_loop3A_1558 = arith.constant 0 : i32
        %parallel_loop3A_1559 = arith.index_cast %parallel_loop3A_1558 : i32 to index
        %parallel_loop3A_1560 = arith.index_cast %parallel_loop3A_1552 : i32 to index
        %parallel_loop3A_1561 = arith.constant 0 : index
        %parallel_loop3A_1562 = tpu.vector_load %arg12[%parallel_loop3A_1559, %parallel_loop3A_1560, %parallel_loop3A_1561] {strides = array<i32>} : memref<2x64x128xf32, #tpu.memory_space<vmem>>, vector<16xf32>,
        %parallel_loop3A_1563 = arith.mulf %parallel_loop3A_1557, %parallel_loop3A_1562 : vector<16xf32>
        %parallel_loop3A_1564 = arith.constant 0 : i32
        %parallel_loop3A_1565 = arith.index_cast %parallel_loop3A_1564 : i32 to index
        %parallel_loop3A_1566 = arith.index_cast %parallel_loop3A_1552 : i32 to index
        %parallel_loop3A_1567 = arith.constant 16 : index
        %parallel_loop3A_1568 = tpu.vector_load %arg11[%parallel_loop3A_1565, %parallel_loop3A_1566, %parallel_loop3A_1567] {strides = array<i32>} : memref<2x64x128xf32, #tpu.memory_space<vmem>>, vector<16xf32>,
        %parallel_loop3A_1569 = arith.constant 0 : i32
        %parallel_loop3A_1570 = arith.index_cast %parallel_loop3A_1569 : i32 to index
        %parallel_loop3A_1571 = arith.index_cast %parallel_loop3A_1552 : i32 to index
        %parallel_loop3A_1572 = arith.constant 16 : index
        %parallel_loop3A_1573 = tpu.vector_load %arg12[%parallel_loop3A_1570, %parallel_loop3A_1571, %parallel_loop3A_1572] {strides = array<i32>} : memref<2x64x128xf32, #tpu.memory_space<vmem>>, vector<16xf32>,
        %parallel_loop3A_1574 = arith.mulf %parallel_loop3A_1568, %parallel_loop3A_1573 : vector<16xf32>
        %parallel_loop3A_1575 = arith.constant 0 : i32
        %parallel_loop3A_1576 = arith.index_cast %parallel_loop3A_1575 : i32 to index
        %parallel_loop3A_1577 = arith.index_cast %parallel_loop3A_1552 : i32 to index
        %parallel_loop3A_1578 = arith.constant 32 : index
        %parallel_loop3A_1579 = tpu.vector_load %arg11[%parallel_loop3A_1576, %parallel_loop3A_1577, %parallel_loop3A_1578] {strides = array<i32>} : memref<2x64x128xf32, #tpu.memory_space<vmem>>, vector<16xf32>,
        %parallel_loop3A_1580 = arith.constant 0 : i32
        %parallel_loop3A_1581 = arith.index_cast %parallel_loop3A_1580 : i32 to index
        %parallel_loop3A_1582 = arith.index_cast %parallel_loop3A_1552 : i32 to index
        %parallel_loop3A_1583 = arith.constant 32 : index
        %parallel_loop3A_1584 = tpu.vector_load %arg12[%parallel_loop3A_1581, %parallel_loop3A_1582, %parallel_loop3A_1583] {strides = array<i32>} : memref<2x64x128xf32, #tpu.memory_space<vmem>>, vector<16xf32>,
        %parallel_loop3A_1585 = arith.mulf %parallel_loop3A_1579, %parallel_loop3A_1584 : vector<16xf32>
        %parallel_loop3A_1586 = arith.constant 0 : i32
        %parallel_loop3A_1587 = arith.index_cast %parallel_loop3A_1586 : i32 to index
        %parallel_loop3A_1588 = arith.index_cast %parallel_loop3A_1552 : i32 to index
        %parallel_loop3A_1589 = arith.constant 48 : index
        %parallel_loop3A_1590 = tpu.vector_load %arg11[%parallel_loop3A_1587, %parallel_loop3A_1588, %parallel_loop3A_1589] {strides = array<i32>} : memref<2x64x128xf32, #tpu.memory_space<vmem>>, vector<16xf32>,
        %parallel_loop3A_1591 = arith.constant 0 : i32
        %parallel_loop3A_1592 = arith.index_cast %parallel_loop3A_1591 : i32 to index
        %parallel_loop3A_1593 = arith.index_cast %parallel_loop3A_1552 : i32 to index
        %parallel_loop3A_1594 = arith.constant 48 : index
        %parallel_loop3A_1595 = tpu.vector_load %arg12[%parallel_loop3A_1592, %parallel_loop3A_1593, %parallel_loop3A_1594] {strides = array<i32>} : memref<2x64x128xf32, #tpu.memory_space<vmem>>, vector<16xf32>,
        %parallel_loop3A_1596 = arith.mulf %parallel_loop3A_1590, %parallel_loop3A_1595 : vector<16xf32>
        %parallel_loop3A_1597 = arith.constant 0 : i32
        %parallel_loop3A_1598 = arith.index_cast %parallel_loop3A_1597 : i32 to index
        %parallel_loop3A_1599 = arith.index_cast %parallel_loop3A_1552 : i32 to index
        %parallel_loop3A_1600 = arith.constant 64 : index
        %parallel_loop3A_1601 = tpu.vector_load %arg11[%parallel_loop3A_1598, %parallel_loop3A_1599, %parallel_loop3A_1600] {strides = array<i32>} : memref<2x64x128xf32, #tpu.memory_space<vmem>>, vector<16xf32>,
        %parallel_loop3A_1602 = arith.constant 0 : i32
        %parallel_loop3A_1603 = arith.index_cast %parallel_loop3A_1602 : i32 to index
        %parallel_loop3A_1604 = arith.index_cast %parallel_loop3A_1552 : i32 to index
        %parallel_loop3A_1605 = arith.constant 64 : index
        %parallel_loop3A_1606 = tpu.vector_load %arg12[%parallel_loop3A_1603, %parallel_loop3A_1604, %parallel_loop3A_1605] {strides = array<i32>} : memref<2x64x128xf32, #tpu.memory_space<vmem>>, vector<16xf32>,
        %parallel_loop3A_1607 = arith.mulf %parallel_loop3A_1601, %parallel_loop3A_1606 : vector<16xf32>
        %parallel_loop3A_1608 = arith.constant 0 : i32
        %parallel_loop3A_1609 = arith.index_cast %parallel_loop3A_1608 : i32 to index
        %parallel_loop3A_1610 = arith.index_cast %parallel_loop3A_1552 : i32 to index
        %parallel_loop3A_1611 = arith.constant 80 : index
        %parallel_loop3A_1612 = tpu.vector_load %arg11[%parallel_loop3A_1609, %parallel_loop3A_1610, %parallel_loop3A_1611] {strides = array<i32>} : memref<2x64x128xf32, #tpu.memory_space<vmem>>, vector<16xf32>,
        %parallel_loop3A_1613 = arith.constant 0 : i32
        %parallel_loop3A_1614 = arith.index_cast %parallel_loop3A_1613 : i32 to index
        %parallel_loop3A_1615 = arith.index_cast %parallel_loop3A_1552 : i32 to index
        %parallel_loop3A_1616 = arith.constant 80 : index
        %parallel_loop3A_1617 = tpu.vector_load %arg12[%parallel_loop3A_1614, %parallel_loop3A_1615, %parallel_loop3A_1616] {strides = array<i32>} : memref<2x64x128xf32, #tpu.memory_space<vmem>>, vector<16xf32>,
        %parallel_loop3A_1618 = arith.mulf %parallel_loop3A_1612, %parallel_loop3A_1617 : vector<16xf32>
        %parallel_loop3A_1619 = arith.constant 0 : i32
        %parallel_loop3A_1620 = arith.index_cast %parallel_loop3A_1619 : i32 to index
        %parallel_loop3A_1621 = arith.index_cast %parallel_loop3A_1552 : i32 to index
        %parallel_loop3A_1622 = arith.constant 96 : index
        %parallel_loop3A_1623 = tpu.vector_load %arg11[%parallel_loop3A_1620, %parallel_loop3A_1621, %parallel_loop3A_1622] {strides = array<i32>} : memref<2x64x128xf32, #tpu.memory_space<vmem>>, vector<16xf32>,
        %parallel_loop3A_1624 = arith.constant 0 : i32
        %parallel_loop3A_1625 = arith.index_cast %parallel_loop3A_1624 : i32 to index
        %parallel_loop3A_1626 = arith.index_cast %parallel_loop3A_1552 : i32 to index
        %parallel_loop3A_1627 = arith.constant 96 : index
        %parallel_loop3A_1628 = tpu.vector_load %arg12[%parallel_loop3A_1625, %parallel_loop3A_1626, %parallel_loop3A_1627] {strides = array<i32>} : memref<2x64x128xf32, #tpu.memory_space<vmem>>, vector<16xf32>,
        %parallel_loop3A_1629 = arith.mulf %parallel_loop3A_1623, %parallel_loop3A_1628 : vector<16xf32>
        %parallel_loop3A_1630 = arith.constant 0 : i32
        %parallel_loop3A_1631 = arith.index_cast %parallel_loop3A_1630 : i32 to index
        %parallel_loop3A_1632 = arith.index_cast %parallel_loop3A_1552 : i32 to index
        %parallel_loop3A_1633 = arith.constant 112 : index
        %parallel_loop3A_1634 = tpu.vector_load %arg11[%parallel_loop3A_1631, %parallel_loop3A_1632, %parallel_loop3A_1633] {strides = array<i32>} : memref<2x64x128xf32, #tpu.memory_space<vmem>>, vector<16xf32>,
        %parallel_loop3A_1635 = arith.constant 0 : i32
        %parallel_loop3A_1636 = arith.index_cast %parallel_loop3A_1635 : i32 to index
        %parallel_loop3A_1637 = arith.index_cast %parallel_loop3A_1552 : i32 to index
        %parallel_loop3A_1638 = arith.constant 112 : index
        %parallel_loop3A_1639 = tpu.vector_load %arg12[%parallel_loop3A_1636, %parallel_loop3A_1637, %parallel_loop3A_1638] {strides = array<i32>} : memref<2x64x128xf32, #tpu.memory_space<vmem>>, vector<16xf32>,
        %parallel_loop3A_1640 = arith.mulf %parallel_loop3A_1634, %parallel_loop3A_1639 : vector<16xf32>
        %parallel_loop3A_1641 = arith.addf %parallel_loop3A_1563, %parallel_loop3A_1574 : vector<16xf32>
        %parallel_loop3A_1642 = arith.addf %parallel_loop3A_1585, %parallel_loop3A_1596 : vector<16xf32>
        %parallel_loop3A_1643 = arith.addf %parallel_loop3A_1607, %parallel_loop3A_1618 : vector<16xf32>
        %parallel_loop3A_1644 = arith.addf %parallel_loop3A_1629, %parallel_loop3A_1640 : vector<16xf32>
        %parallel_loop3A_1645 = arith.addf %parallel_loop3A_1641, %parallel_loop3A_1642 : vector<16xf32>
        %parallel_loop3A_1646 = arith.addf %parallel_loop3A_1643, %parallel_loop3A_1644 : vector<16xf32>
        %parallel_loop3A_1647 = arith.addf %parallel_loop3A_1645, %parallel_loop3A_1646 : vector<16xf32>
        %parallel_loop3A_1648 = arith.constant 208 : i32
        %parallel_loop3A_1649 = arith.addi %parallel_loop3A_209, %parallel_loop3A_1648 : i32
        %parallel_loop3A_1650 = arith.index_cast %parallel_loop3A_1649 : i32 to index
        %parallel_loop3A_1651 = tpu.vector_load %arg15[%parallel_loop3A_1650] {strides = array<i32>} : memref<1024xf32, #tpu.memory_space<vmem>>, vector<16xf32>,
        tpu.vector_store %arg15[%parallel_loop3A_1650], %parallel_loop3A_1647 {strides = array<i32>} : memref<1024xf32, #tpu.memory_space<vmem>>, vector<16xf32>,
        %parallel_loop3A_1652 = arith.constant 16 : i32
        %parallel_loop3A_1653 = arith.muli %parallel_loop3A_207, %parallel_loop3A_1652 : i32
        %parallel_loop3A_1654 = arith.constant 14 : i32
        %parallel_loop3A_1655 = arith.addi %parallel_loop3A_1653, %parallel_loop3A_1654 : i32
        %parallel_loop3A_1656 = arith.constant 0 : i32
        %parallel_loop3A_1657 = arith.index_cast %parallel_loop3A_1656 : i32 to index
        %parallel_loop3A_1658 = arith.index_cast %parallel_loop3A_1655 : i32 to index
        %parallel_loop3A_1659 = arith.constant 0 : index
        %parallel_loop3A_1660 = tpu.vector_load %arg11[%parallel_loop3A_1657, %parallel_loop3A_1658, %parallel_loop3A_1659] {strides = array<i32>} : memref<2x64x128xf32, #tpu.memory_space<vmem>>, vector<16xf32>,
        %parallel_loop3A_1661 = arith.constant 0 : i32
        %parallel_loop3A_1662 = arith.index_cast %parallel_loop3A_1661 : i32 to index
        %parallel_loop3A_1663 = arith.index_cast %parallel_loop3A_1655 : i32 to index
        %parallel_loop3A_1664 = arith.constant 0 : index
        %parallel_loop3A_1665 = tpu.vector_load %arg12[%parallel_loop3A_1662, %parallel_loop3A_1663, %parallel_loop3A_1664] {strides = array<i32>} : memref<2x64x128xf32, #tpu.memory_space<vmem>>, vector<16xf32>,
        %parallel_loop3A_1666 = arith.mulf %parallel_loop3A_1660, %parallel_loop3A_1665 : vector<16xf32>
        %parallel_loop3A_1667 = arith.constant 0 : i32
        %parallel_loop3A_1668 = arith.index_cast %parallel_loop3A_1667 : i32 to index
        %parallel_loop3A_1669 = arith.index_cast %parallel_loop3A_1655 : i32 to index
        %parallel_loop3A_1670 = arith.constant 16 : index
        %parallel_loop3A_1671 = tpu.vector_load %arg11[%parallel_loop3A_1668, %parallel_loop3A_1669, %parallel_loop3A_1670] {strides = array<i32>} : memref<2x64x128xf32, #tpu.memory_space<vmem>>, vector<16xf32>,
        %parallel_loop3A_1672 = arith.constant 0 : i32
        %parallel_loop3A_1673 = arith.index_cast %parallel_loop3A_1672 : i32 to index
        %parallel_loop3A_1674 = arith.index_cast %parallel_loop3A_1655 : i32 to index
        %parallel_loop3A_1675 = arith.constant 16 : index
        %parallel_loop3A_1676 = tpu.vector_load %arg12[%parallel_loop3A_1673, %parallel_loop3A_1674, %parallel_loop3A_1675] {strides = array<i32>} : memref<2x64x128xf32, #tpu.memory_space<vmem>>, vector<16xf32>,
        %parallel_loop3A_1677 = arith.mulf %parallel_loop3A_1671, %parallel_loop3A_1676 : vector<16xf32>
        %parallel_loop3A_1678 = arith.constant 0 : i32
        %parallel_loop3A_1679 = arith.index_cast %parallel_loop3A_1678 : i32 to index
        %parallel_loop3A_1680 = arith.index_cast %parallel_loop3A_1655 : i32 to index
        %parallel_loop3A_1681 = arith.constant 32 : index
        %parallel_loop3A_1682 = tpu.vector_load %arg11[%parallel_loop3A_1679, %parallel_loop3A_1680, %parallel_loop3A_1681] {strides = array<i32>} : memref<2x64x128xf32, #tpu.memory_space<vmem>>, vector<16xf32>,
        %parallel_loop3A_1683 = arith.constant 0 : i32
        %parallel_loop3A_1684 = arith.index_cast %parallel_loop3A_1683 : i32 to index
        %parallel_loop3A_1685 = arith.index_cast %parallel_loop3A_1655 : i32 to index
        %parallel_loop3A_1686 = arith.constant 32 : index
        %parallel_loop3A_1687 = tpu.vector_load %arg12[%parallel_loop3A_1684, %parallel_loop3A_1685, %parallel_loop3A_1686] {strides = array<i32>} : memref<2x64x128xf32, #tpu.memory_space<vmem>>, vector<16xf32>,
        %parallel_loop3A_1688 = arith.mulf %parallel_loop3A_1682, %parallel_loop3A_1687 : vector<16xf32>
        %parallel_loop3A_1689 = arith.constant 0 : i32
        %parallel_loop3A_1690 = arith.index_cast %parallel_loop3A_1689 : i32 to index
        %parallel_loop3A_1691 = arith.index_cast %parallel_loop3A_1655 : i32 to index
        %parallel_loop3A_1692 = arith.constant 48 : index
        %parallel_loop3A_1693 = tpu.vector_load %arg11[%parallel_loop3A_1690, %parallel_loop3A_1691, %parallel_loop3A_1692] {strides = array<i32>} : memref<2x64x128xf32, #tpu.memory_space<vmem>>, vector<16xf32>,
        %parallel_loop3A_1694 = arith.constant 0 : i32
        %parallel_loop3A_1695 = arith.index_cast %parallel_loop3A_1694 : i32 to index
        %parallel_loop3A_1696 = arith.index_cast %parallel_loop3A_1655 : i32 to index
        %parallel_loop3A_1697 = arith.constant 48 : index
        %parallel_loop3A_1698 = tpu.vector_load %arg12[%parallel_loop3A_1695, %parallel_loop3A_1696, %parallel_loop3A_1697] {strides = array<i32>} : memref<2x64x128xf32, #tpu.memory_space<vmem>>, vector<16xf32>,
        %parallel_loop3A_1699 = arith.mulf %parallel_loop3A_1693, %parallel_loop3A_1698 : vector<16xf32>
        %parallel_loop3A_1700 = arith.constant 0 : i32
        %parallel_loop3A_1701 = arith.index_cast %parallel_loop3A_1700 : i32 to index
        %parallel_loop3A_1702 = arith.index_cast %parallel_loop3A_1655 : i32 to index
        %parallel_loop3A_1703 = arith.constant 64 : index
        %parallel_loop3A_1704 = tpu.vector_load %arg11[%parallel_loop3A_1701, %parallel_loop3A_1702, %parallel_loop3A_1703] {strides = array<i32>} : memref<2x64x128xf32, #tpu.memory_space<vmem>>, vector<16xf32>,
        %parallel_loop3A_1705 = arith.constant 0 : i32
        %parallel_loop3A_1706 = arith.index_cast %parallel_loop3A_1705 : i32 to index
        %parallel_loop3A_1707 = arith.index_cast %parallel_loop3A_1655 : i32 to index
        %parallel_loop3A_1708 = arith.constant 64 : index
        %parallel_loop3A_1709 = tpu.vector_load %arg12[%parallel_loop3A_1706, %parallel_loop3A_1707, %parallel_loop3A_1708] {strides = array<i32>} : memref<2x64x128xf32, #tpu.memory_space<vmem>>, vector<16xf32>,
        %parallel_loop3A_1710 = arith.mulf %parallel_loop3A_1704, %parallel_loop3A_1709 : vector<16xf32>
        %parallel_loop3A_1711 = arith.constant 0 : i32
        %parallel_loop3A_1712 = arith.index_cast %parallel_loop3A_1711 : i32 to index
        %parallel_loop3A_1713 = arith.index_cast %parallel_loop3A_1655 : i32 to index
        %parallel_loop3A_1714 = arith.constant 80 : index
        %parallel_loop3A_1715 = tpu.vector_load %arg11[%parallel_loop3A_1712, %parallel_loop3A_1713, %parallel_loop3A_1714] {strides = array<i32>} : memref<2x64x128xf32, #tpu.memory_space<vmem>>, vector<16xf32>,
        %parallel_loop3A_1716 = arith.constant 0 : i32
        %parallel_loop3A_1717 = arith.index_cast %parallel_loop3A_1716 : i32 to index
        %parallel_loop3A_1718 = arith.index_cast %parallel_loop3A_1655 : i32 to index
        %parallel_loop3A_1719 = arith.constant 80 : index
        %parallel_loop3A_1720 = tpu.vector_load %arg12[%parallel_loop3A_1717, %parallel_loop3A_1718, %parallel_loop3A_1719] {strides = array<i32>} : memref<2x64x128xf32, #tpu.memory_space<vmem>>, vector<16xf32>,
        %parallel_loop3A_1721 = arith.mulf %parallel_loop3A_1715, %parallel_loop3A_1720 : vector<16xf32>
        %parallel_loop3A_1722 = arith.constant 0 : i32
        %parallel_loop3A_1723 = arith.index_cast %parallel_loop3A_1722 : i32 to index
        %parallel_loop3A_1724 = arith.index_cast %parallel_loop3A_1655 : i32 to index
        %parallel_loop3A_1725 = arith.constant 96 : index
        %parallel_loop3A_1726 = tpu.vector_load %arg11[%parallel_loop3A_1723, %parallel_loop3A_1724, %parallel_loop3A_1725] {strides = array<i32>} : memref<2x64x128xf32, #tpu.memory_space<vmem>>, vector<16xf32>,
        %parallel_loop3A_1727 = arith.constant 0 : i32
        %parallel_loop3A_1728 = arith.index_cast %parallel_loop3A_1727 : i32 to index
        %parallel_loop3A_1729 = arith.index_cast %parallel_loop3A_1655 : i32 to index
        %parallel_loop3A_1730 = arith.constant 96 : index
        %parallel_loop3A_1731 = tpu.vector_load %arg12[%parallel_loop3A_1728, %parallel_loop3A_1729, %parallel_loop3A_1730] {strides = array<i32>} : memref<2x64x128xf32, #tpu.memory_space<vmem>>, vector<16xf32>,
        %parallel_loop3A_1732 = arith.mulf %parallel_loop3A_1726, %parallel_loop3A_1731 : vector<16xf32>
        %parallel_loop3A_1733 = arith.constant 0 : i32
        %parallel_loop3A_1734 = arith.index_cast %parallel_loop3A_1733 : i32 to index
        %parallel_loop3A_1735 = arith.index_cast %parallel_loop3A_1655 : i32 to index
        %parallel_loop3A_1736 = arith.constant 112 : index
        %parallel_loop3A_1737 = tpu.vector_load %arg11[%parallel_loop3A_1734, %parallel_loop3A_1735, %parallel_loop3A_1736] {strides = array<i32>} : memref<2x64x128xf32, #tpu.memory_space<vmem>>, vector<16xf32>,
        %parallel_loop3A_1738 = arith.constant 0 : i32
        %parallel_loop3A_1739 = arith.index_cast %parallel_loop3A_1738 : i32 to index
        %parallel_loop3A_1740 = arith.index_cast %parallel_loop3A_1655 : i32 to index
        %parallel_loop3A_1741 = arith.constant 112 : index
        %parallel_loop3A_1742 = tpu.vector_load %arg12[%parallel_loop3A_1739, %parallel_loop3A_1740, %parallel_loop3A_1741] {strides = array<i32>} : memref<2x64x128xf32, #tpu.memory_space<vmem>>, vector<16xf32>,
        %parallel_loop3A_1743 = arith.mulf %parallel_loop3A_1737, %parallel_loop3A_1742 : vector<16xf32>
        %parallel_loop3A_1744 = arith.addf %parallel_loop3A_1666, %parallel_loop3A_1677 : vector<16xf32>
        %parallel_loop3A_1745 = arith.addf %parallel_loop3A_1688, %parallel_loop3A_1699 : vector<16xf32>
        %parallel_loop3A_1746 = arith.addf %parallel_loop3A_1710, %parallel_loop3A_1721 : vector<16xf32>
        %parallel_loop3A_1747 = arith.addf %parallel_loop3A_1732, %parallel_loop3A_1743 : vector<16xf32>
        %parallel_loop3A_1748 = arith.addf %parallel_loop3A_1744, %parallel_loop3A_1745 : vector<16xf32>
        %parallel_loop3A_1749 = arith.addf %parallel_loop3A_1746, %parallel_loop3A_1747 : vector<16xf32>
        %parallel_loop3A_1750 = arith.addf %parallel_loop3A_1748, %parallel_loop3A_1749 : vector<16xf32>
        %parallel_loop3A_1751 = arith.constant 224 : i32
        %parallel_loop3A_1752 = arith.addi %parallel_loop3A_209, %parallel_loop3A_1751 : i32
        %parallel_loop3A_1753 = arith.index_cast %parallel_loop3A_1752 : i32 to index
        %parallel_loop3A_1754 = tpu.vector_load %arg15[%parallel_loop3A_1753] {strides = array<i32>} : memref<1024xf32, #tpu.memory_space<vmem>>, vector<16xf32>,
        tpu.vector_store %arg15[%parallel_loop3A_1753], %parallel_loop3A_1750 {strides = array<i32>} : memref<1024xf32, #tpu.memory_space<vmem>>, vector<16xf32>,
        %parallel_loop3A_1755 = arith.constant 16 : i32
        %parallel_loop3A_1756 = arith.muli %parallel_loop3A_207, %parallel_loop3A_1755 : i32
        %parallel_loop3A_1757 = arith.constant 15 : i32
        %parallel_loop3A_1758 = arith.addi %parallel_loop3A_1756, %parallel_loop3A_1757 : i32
        %parallel_loop3A_1759 = arith.constant 0 : i32
        %parallel_loop3A_1760 = arith.index_cast %parallel_loop3A_1759 : i32 to index
        %parallel_loop3A_1761 = arith.index_cast %parallel_loop3A_1758 : i32 to index
        %parallel_loop3A_1762 = arith.constant 0 : index
        %parallel_loop3A_1763 = tpu.vector_load %arg11[%parallel_loop3A_1760, %parallel_loop3A_1761, %parallel_loop3A_1762] {strides = array<i32>} : memref<2x64x128xf32, #tpu.memory_space<vmem>>, vector<16xf32>,
        %parallel_loop3A_1764 = arith.constant 0 : i32
        %parallel_loop3A_1765 = arith.index_cast %parallel_loop3A_1764 : i32 to index
        %parallel_loop3A_1766 = arith.index_cast %parallel_loop3A_1758 : i32 to index
        %parallel_loop3A_1767 = arith.constant 0 : index
        %parallel_loop3A_1768 = tpu.vector_load %arg12[%parallel_loop3A_1765, %parallel_loop3A_1766, %parallel_loop3A_1767] {strides = array<i32>} : memref<2x64x128xf32, #tpu.memory_space<vmem>>, vector<16xf32>,
        %parallel_loop3A_1769 = arith.mulf %parallel_loop3A_1763, %parallel_loop3A_1768 : vector<16xf32>
        %parallel_loop3A_1770 = arith.constant 0 : i32
        %parallel_loop3A_1771 = arith.index_cast %parallel_loop3A_1770 : i32 to index
        %parallel_loop3A_1772 = arith.index_cast %parallel_loop3A_1758 : i32 to index
        %parallel_loop3A_1773 = arith.constant 16 : index
        %parallel_loop3A_1774 = tpu.vector_load %arg11[%parallel_loop3A_1771, %parallel_loop3A_1772, %parallel_loop3A_1773] {strides = array<i32>} : memref<2x64x128xf32, #tpu.memory_space<vmem>>, vector<16xf32>,
        %parallel_loop3A_1775 = arith.constant 0 : i32
        %parallel_loop3A_1776 = arith.index_cast %parallel_loop3A_1775 : i32 to index
        %parallel_loop3A_1777 = arith.index_cast %parallel_loop3A_1758 : i32 to index
        %parallel_loop3A_1778 = arith.constant 16 : index
        %parallel_loop3A_1779 = tpu.vector_load %arg12[%parallel_loop3A_1776, %parallel_loop3A_1777, %parallel_loop3A_1778] {strides = array<i32>} : memref<2x64x128xf32, #tpu.memory_space<vmem>>, vector<16xf32>,
        %parallel_loop3A_1780 = arith.mulf %parallel_loop3A_1774, %parallel_loop3A_1779 : vector<16xf32>
        %parallel_loop3A_1781 = arith.constant 0 : i32
        %parallel_loop3A_1782 = arith.index_cast %parallel_loop3A_1781 : i32 to index
        %parallel_loop3A_1783 = arith.index_cast %parallel_loop3A_1758 : i32 to index
        %parallel_loop3A_1784 = arith.constant 32 : index
        %parallel_loop3A_1785 = tpu.vector_load %arg11[%parallel_loop3A_1782, %parallel_loop3A_1783, %parallel_loop3A_1784] {strides = array<i32>} : memref<2x64x128xf32, #tpu.memory_space<vmem>>, vector<16xf32>,
        %parallel_loop3A_1786 = arith.constant 0 : i32
        %parallel_loop3A_1787 = arith.index_cast %parallel_loop3A_1786 : i32 to index
        %parallel_loop3A_1788 = arith.index_cast %parallel_loop3A_1758 : i32 to index
        %parallel_loop3A_1789 = arith.constant 32 : index
        %parallel_loop3A_1790 = tpu.vector_load %arg12[%parallel_loop3A_1787, %parallel_loop3A_1788, %parallel_loop3A_1789] {strides = array<i32>} : memref<2x64x128xf32, #tpu.memory_space<vmem>>, vector<16xf32>,
        %parallel_loop3A_1791 = arith.mulf %parallel_loop3A_1785, %parallel_loop3A_1790 : vector<16xf32>
        %parallel_loop3A_1792 = arith.constant 0 : i32
        %parallel_loop3A_1793 = arith.index_cast %parallel_loop3A_1792 : i32 to index
        %parallel_loop3A_1794 = arith.index_cast %parallel_loop3A_1758 : i32 to index
        %parallel_loop3A_1795 = arith.constant 48 : index
        %parallel_loop3A_1796 = tpu.vector_load %arg11[%parallel_loop3A_1793, %parallel_loop3A_1794, %parallel_loop3A_1795] {strides = array<i32>} : memref<2x64x128xf32, #tpu.memory_space<vmem>>, vector<16xf32>,
        %parallel_loop3A_1797 = arith.constant 0 : i32
        %parallel_loop3A_1798 = arith.index_cast %parallel_loop3A_1797 : i32 to index
        %parallel_loop3A_1799 = arith.index_cast %parallel_loop3A_1758 : i32 to index
        %parallel_loop3A_1800 = arith.constant 48 : index
        %parallel_loop3A_1801 = tpu.vector_load %arg12[%parallel_loop3A_1798, %parallel_loop3A_1799, %parallel_loop3A_1800] {strides = array<i32>} : memref<2x64x128xf32, #tpu.memory_space<vmem>>, vector<16xf32>,
        %parallel_loop3A_1802 = arith.mulf %parallel_loop3A_1796, %parallel_loop3A_1801 : vector<16xf32>
        %parallel_loop3A_1803 = arith.constant 0 : i32
        %parallel_loop3A_1804 = arith.index_cast %parallel_loop3A_1803 : i32 to index
        %parallel_loop3A_1805 = arith.index_cast %parallel_loop3A_1758 : i32 to index
        %parallel_loop3A_1806 = arith.constant 64 : index
        %parallel_loop3A_1807 = tpu.vector_load %arg11[%parallel_loop3A_1804, %parallel_loop3A_1805, %parallel_loop3A_1806] {strides = array<i32>} : memref<2x64x128xf32, #tpu.memory_space<vmem>>, vector<16xf32>,
        %parallel_loop3A_1808 = arith.constant 0 : i32
        %parallel_loop3A_1809 = arith.index_cast %parallel_loop3A_1808 : i32 to index
        %parallel_loop3A_1810 = arith.index_cast %parallel_loop3A_1758 : i32 to index
        %parallel_loop3A_1811 = arith.constant 64 : index
        %parallel_loop3A_1812 = tpu.vector_load %arg12[%parallel_loop3A_1809, %parallel_loop3A_1810, %parallel_loop3A_1811] {strides = array<i32>} : memref<2x64x128xf32, #tpu.memory_space<vmem>>, vector<16xf32>,
        %parallel_loop3A_1813 = arith.mulf %parallel_loop3A_1807, %parallel_loop3A_1812 : vector<16xf32>
        %parallel_loop3A_1814 = arith.constant 0 : i32
        %parallel_loop3A_1815 = arith.index_cast %parallel_loop3A_1814 : i32 to index
        %parallel_loop3A_1816 = arith.index_cast %parallel_loop3A_1758 : i32 to index
        %parallel_loop3A_1817 = arith.constant 80 : index
        %parallel_loop3A_1818 = tpu.vector_load %arg11[%parallel_loop3A_1815, %parallel_loop3A_1816, %parallel_loop3A_1817] {strides = array<i32>} : memref<2x64x128xf32, #tpu.memory_space<vmem>>, vector<16xf32>,
        %parallel_loop3A_1819 = arith.constant 0 : i32
        %parallel_loop3A_1820 = arith.index_cast %parallel_loop3A_1819 : i32 to index
        %parallel_loop3A_1821 = arith.index_cast %parallel_loop3A_1758 : i32 to index
        %parallel_loop3A_1822 = arith.constant 80 : index
        %parallel_loop3A_1823 = tpu.vector_load %arg12[%parallel_loop3A_1820, %parallel_loop3A_1821, %parallel_loop3A_1822] {strides = array<i32>} : memref<2x64x128xf32, #tpu.memory_space<vmem>>, vector<16xf32>,
        %parallel_loop3A_1824 = arith.mulf %parallel_loop3A_1818, %parallel_loop3A_1823 : vector<16xf32>
        %parallel_loop3A_1825 = arith.constant 0 : i32
        %parallel_loop3A_1826 = arith.index_cast %parallel_loop3A_1825 : i32 to index
        %parallel_loop3A_1827 = arith.index_cast %parallel_loop3A_1758 : i32 to index
        %parallel_loop3A_1828 = arith.constant 96 : index
        %parallel_loop3A_1829 = tpu.vector_load %arg11[%parallel_loop3A_1826, %parallel_loop3A_1827, %parallel_loop3A_1828] {strides = array<i32>} : memref<2x64x128xf32, #tpu.memory_space<vmem>>, vector<16xf32>,
        %parallel_loop3A_1830 = arith.constant 0 : i32
        %parallel_loop3A_1831 = arith.index_cast %parallel_loop3A_1830 : i32 to index
        %parallel_loop3A_1832 = arith.index_cast %parallel_loop3A_1758 : i32 to index
        %parallel_loop3A_1833 = arith.constant 96 : index
        %parallel_loop3A_1834 = tpu.vector_load %arg12[%parallel_loop3A_1831, %parallel_loop3A_1832, %parallel_loop3A_1833] {strides = array<i32>} : memref<2x64x128xf32, #tpu.memory_space<vmem>>, vector<16xf32>,
        %parallel_loop3A_1835 = arith.mulf %parallel_loop3A_1829, %parallel_loop3A_1834 : vector<16xf32>
        %parallel_loop3A_1836 = arith.constant 0 : i32
        %parallel_loop3A_1837 = arith.index_cast %parallel_loop3A_1836 : i32 to index
        %parallel_loop3A_1838 = arith.index_cast %parallel_loop3A_1758 : i32 to index
        %parallel_loop3A_1839 = arith.constant 112 : index
        %parallel_loop3A_1840 = tpu.vector_load %arg11[%parallel_loop3A_1837, %parallel_loop3A_1838, %parallel_loop3A_1839] {strides = array<i32>} : memref<2x64x128xf32, #tpu.memory_space<vmem>>, vector<16xf32>,
        %parallel_loop3A_1841 = arith.constant 0 : i32
        %parallel_loop3A_1842 = arith.index_cast %parallel_loop3A_1841 : i32 to index
        %parallel_loop3A_1843 = arith.index_cast %parallel_loop3A_1758 : i32 to index
        %parallel_loop3A_1844 = arith.constant 112 : index
        %parallel_loop3A_1845 = tpu.vector_load %arg12[%parallel_loop3A_1842, %parallel_loop3A_1843, %parallel_loop3A_1844] {strides = array<i32>} : memref<2x64x128xf32, #tpu.memory_space<vmem>>, vector<16xf32>,
        %parallel_loop3A_1846 = arith.mulf %parallel_loop3A_1840, %parallel_loop3A_1845 : vector<16xf32>
        %parallel_loop3A_1847 = arith.addf %parallel_loop3A_1769, %parallel_loop3A_1780 : vector<16xf32>
        %parallel_loop3A_1848 = arith.addf %parallel_loop3A_1791, %parallel_loop3A_1802 : vector<16xf32>
        %parallel_loop3A_1849 = arith.addf %parallel_loop3A_1813, %parallel_loop3A_1824 : vector<16xf32>
        %parallel_loop3A_1850 = arith.addf %parallel_loop3A_1835, %parallel_loop3A_1846 : vector<16xf32>
        %parallel_loop3A_1851 = arith.addf %parallel_loop3A_1847, %parallel_loop3A_1848 : vector<16xf32>
        %parallel_loop3A_1852 = arith.addf %parallel_loop3A_1849, %parallel_loop3A_1850 : vector<16xf32>
        %parallel_loop3A_1853 = arith.addf %parallel_loop3A_1851, %parallel_loop3A_1852 : vector<16xf32>
        %parallel_loop3A_1854 = arith.constant 240 : i32
        %parallel_loop3A_1855 = arith.addi %parallel_loop3A_209, %parallel_loop3A_1854 : i32
        %parallel_loop3A_1856 = arith.index_cast %parallel_loop3A_1855 : i32 to index
        %parallel_loop3A_1857 = tpu.vector_load %arg15[%parallel_loop3A_1856] {strides = array<i32>} : memref<1024xf32, #tpu.memory_space<vmem>>, vector<16xf32>,
        tpu.vector_store %arg15[%parallel_loop3A_1856], %parallel_loop3A_1853 {strides = array<i32>} : memref<1024xf32, #tpu.memory_space<vmem>>, vector<16xf32>,
        %parallel_loop3A_1858 = arith.constant 16 : i32
        %parallel_loop3A_1859 = vector.broadcast %parallel_loop3A_1858 : i32 to vector<16xi32>
        %parallel_loop3A_1860 = arith.muli %iota3A, %parallel_loop3A_1859 : vector<16xi32>
        %parallel_loop3A_1861 = vector.broadcast %parallel_loop3A_209 : i32 to vector<16xi32>
        %parallel_loop3A_1862 = arith.addi %parallel_loop3A_1860, %parallel_loop3A_1861 : vector<16xi32>
        %parallel_loop3A_1863 = tpu.vector_load_idx %arg15[%parallel_loop3A_1862] : memref<1024xf32, #tpu.memory_space<vmem>>[vector<16xi32>], vector<16xf32>,
        %parallel_loop3A_1864 = arith.constant 1 : i32
        %parallel_loop3A_1865 = vector.broadcast %parallel_loop3A_1864 : i32 to vector<16xi32>
        %parallel_loop3A_1866 = arith.addi %parallel_loop3A_1862, %parallel_loop3A_1865 : vector<16xi32>
        %parallel_loop3A_1867 = tpu.vector_load_idx %arg15[%parallel_loop3A_1866] : memref<1024xf32, #tpu.memory_space<vmem>>[vector<16xi32>], vector<16xf32>,
        %parallel_loop3A_1868 = arith.addf %parallel_loop3A_1863, %parallel_loop3A_1867 : vector<16xf32>
        %parallel_loop3A_1869 = arith.constant 2 : i32
        %parallel_loop3A_1870 = vector.broadcast %parallel_loop3A_1869 : i32 to vector<16xi32>
        %parallel_loop3A_1871 = arith.addi %parallel_loop3A_1862, %parallel_loop3A_1870 : vector<16xi32>
        %parallel_loop3A_1872 = tpu.vector_load_idx %arg15[%parallel_loop3A_1871] : memref<1024xf32, #tpu.memory_space<vmem>>[vector<16xi32>], vector<16xf32>,
        %parallel_loop3A_1873 = arith.addf %parallel_loop3A_1868, %parallel_loop3A_1872 : vector<16xf32>
        %parallel_loop3A_1874 = arith.constant 3 : i32
        %parallel_loop3A_1875 = vector.broadcast %parallel_loop3A_1874 : i32 to vector<16xi32>
        %parallel_loop3A_1876 = arith.addi %parallel_loop3A_1862, %parallel_loop3A_1875 : vector<16xi32>
        %parallel_loop3A_1877 = tpu.vector_load_idx %arg15[%parallel_loop3A_1876] : memref<1024xf32, #tpu.memory_space<vmem>>[vector<16xi32>], vector<16xf32>,
        %parallel_loop3A_1878 = arith.addf %parallel_loop3A_1873, %parallel_loop3A_1877 : vector<16xf32>
        %parallel_loop3A_1879 = arith.constant 4 : i32
        %parallel_loop3A_1880 = vector.broadcast %parallel_loop3A_1879 : i32 to vector<16xi32>
        %parallel_loop3A_1881 = arith.addi %parallel_loop3A_1862, %parallel_loop3A_1880 : vector<16xi32>
        %parallel_loop3A_1882 = tpu.vector_load_idx %arg15[%parallel_loop3A_1881] : memref<1024xf32, #tpu.memory_space<vmem>>[vector<16xi32>], vector<16xf32>,
        %parallel_loop3A_1883 = arith.addf %parallel_loop3A_1878, %parallel_loop3A_1882 : vector<16xf32>
        %parallel_loop3A_1884 = arith.constant 5 : i32
        %parallel_loop3A_1885 = vector.broadcast %parallel_loop3A_1884 : i32 to vector<16xi32>
        %parallel_loop3A_1886 = arith.addi %parallel_loop3A_1862, %parallel_loop3A_1885 : vector<16xi32>
        %parallel_loop3A_1887 = tpu.vector_load_idx %arg15[%parallel_loop3A_1886] : memref<1024xf32, #tpu.memory_space<vmem>>[vector<16xi32>], vector<16xf32>,
        %parallel_loop3A_1888 = arith.addf %parallel_loop3A_1883, %parallel_loop3A_1887 : vector<16xf32>
        %parallel_loop3A_1889 = arith.constant 6 : i32
        %parallel_loop3A_1890 = vector.broadcast %parallel_loop3A_1889 : i32 to vector<16xi32>
        %parallel_loop3A_1891 = arith.addi %parallel_loop3A_1862, %parallel_loop3A_1890 : vector<16xi32>
        %parallel_loop3A_1892 = tpu.vector_load_idx %arg15[%parallel_loop3A_1891] : memref<1024xf32, #tpu.memory_space<vmem>>[vector<16xi32>], vector<16xf32>,
        %parallel_loop3A_1893 = arith.addf %parallel_loop3A_1888, %parallel_loop3A_1892 : vector<16xf32>
        %parallel_loop3A_1894 = arith.constant 7 : i32
        %parallel_loop3A_1895 = vector.broadcast %parallel_loop3A_1894 : i32 to vector<16xi32>
        %parallel_loop3A_1896 = arith.addi %parallel_loop3A_1862, %parallel_loop3A_1895 : vector<16xi32>
        %parallel_loop3A_1897 = tpu.vector_load_idx %arg15[%parallel_loop3A_1896] : memref<1024xf32, #tpu.memory_space<vmem>>[vector<16xi32>], vector<16xf32>,
        %parallel_loop3A_1898 = arith.addf %parallel_loop3A_1893, %parallel_loop3A_1897 : vector<16xf32>
        %parallel_loop3A_1899 = arith.constant 8 : i32
        %parallel_loop3A_1900 = vector.broadcast %parallel_loop3A_1899 : i32 to vector<16xi32>
        %parallel_loop3A_1901 = arith.addi %parallel_loop3A_1862, %parallel_loop3A_1900 : vector<16xi32>
        %parallel_loop3A_1902 = tpu.vector_load_idx %arg15[%parallel_loop3A_1901] : memref<1024xf32, #tpu.memory_space<vmem>>[vector<16xi32>], vector<16xf32>,
        %parallel_loop3A_1903 = arith.addf %parallel_loop3A_1898, %parallel_loop3A_1902 : vector<16xf32>
        %parallel_loop3A_1904 = arith.constant 9 : i32
        %parallel_loop3A_1905 = vector.broadcast %parallel_loop3A_1904 : i32 to vector<16xi32>
        %parallel_loop3A_1906 = arith.addi %parallel_loop3A_1862, %parallel_loop3A_1905 : vector<16xi32>
        %parallel_loop3A_1907 = tpu.vector_load_idx %arg15[%parallel_loop3A_1906] : memref<1024xf32, #tpu.memory_space<vmem>>[vector<16xi32>], vector<16xf32>,
        %parallel_loop3A_1908 = arith.addf %parallel_loop3A_1903, %parallel_loop3A_1907 : vector<16xf32>
        %parallel_loop3A_1909 = arith.constant 10 : i32
        %parallel_loop3A_1910 = vector.broadcast %parallel_loop3A_1909 : i32 to vector<16xi32>
        %parallel_loop3A_1911 = arith.addi %parallel_loop3A_1862, %parallel_loop3A_1910 : vector<16xi32>
        %parallel_loop3A_1912 = tpu.vector_load_idx %arg15[%parallel_loop3A_1911] : memref<1024xf32, #tpu.memory_space<vmem>>[vector<16xi32>], vector<16xf32>,
        %parallel_loop3A_1913 = arith.addf %parallel_loop3A_1908, %parallel_loop3A_1912 : vector<16xf32>
        %parallel_loop3A_1914 = arith.constant 11 : i32
        %parallel_loop3A_1915 = vector.broadcast %parallel_loop3A_1914 : i32 to vector<16xi32>
        %parallel_loop3A_1916 = arith.addi %parallel_loop3A_1862, %parallel_loop3A_1915 : vector<16xi32>
        %parallel_loop3A_1917 = tpu.vector_load_idx %arg15[%parallel_loop3A_1916] : memref<1024xf32, #tpu.memory_space<vmem>>[vector<16xi32>], vector<16xf32>,
        %parallel_loop3A_1918 = arith.addf %parallel_loop3A_1913, %parallel_loop3A_1917 : vector<16xf32>
        %parallel_loop3A_1919 = arith.constant 12 : i32
        %parallel_loop3A_1920 = vector.broadcast %parallel_loop3A_1919 : i32 to vector<16xi32>
        %parallel_loop3A_1921 = arith.addi %parallel_loop3A_1862, %parallel_loop3A_1920 : vector<16xi32>
        %parallel_loop3A_1922 = tpu.vector_load_idx %arg15[%parallel_loop3A_1921] : memref<1024xf32, #tpu.memory_space<vmem>>[vector<16xi32>], vector<16xf32>,
        %parallel_loop3A_1923 = arith.addf %parallel_loop3A_1918, %parallel_loop3A_1922 : vector<16xf32>
        %parallel_loop3A_1924 = arith.constant 13 : i32
        %parallel_loop3A_1925 = vector.broadcast %parallel_loop3A_1924 : i32 to vector<16xi32>
        %parallel_loop3A_1926 = arith.addi %parallel_loop3A_1862, %parallel_loop3A_1925 : vector<16xi32>
        %parallel_loop3A_1927 = tpu.vector_load_idx %arg15[%parallel_loop3A_1926] : memref<1024xf32, #tpu.memory_space<vmem>>[vector<16xi32>], vector<16xf32>,
        %parallel_loop3A_1928 = arith.addf %parallel_loop3A_1923, %parallel_loop3A_1927 : vector<16xf32>
        %parallel_loop3A_1929 = arith.constant 14 : i32
        %parallel_loop3A_1930 = vector.broadcast %parallel_loop3A_1929 : i32 to vector<16xi32>
        %parallel_loop3A_1931 = arith.addi %parallel_loop3A_1862, %parallel_loop3A_1930 : vector<16xi32>
        %parallel_loop3A_1932 = tpu.vector_load_idx %arg15[%parallel_loop3A_1931] : memref<1024xf32, #tpu.memory_space<vmem>>[vector<16xi32>], vector<16xf32>,
        %parallel_loop3A_1933 = arith.addf %parallel_loop3A_1928, %parallel_loop3A_1932 : vector<16xf32>
        %parallel_loop3A_1934 = arith.constant 15 : i32
        %parallel_loop3A_1935 = vector.broadcast %parallel_loop3A_1934 : i32 to vector<16xi32>
        %parallel_loop3A_1936 = arith.addi %parallel_loop3A_1862, %parallel_loop3A_1935 : vector<16xi32>
        %parallel_loop3A_1937 = tpu.vector_load_idx %arg15[%parallel_loop3A_1936] : memref<1024xf32, #tpu.memory_space<vmem>>[vector<16xi32>], vector<16xf32>,
        %parallel_loop3A_1938 = arith.addf %parallel_loop3A_1933, %parallel_loop3A_1937 : vector<16xf32>
        %parallel_loop3A_1939 = arith.constant 64 : i32
        %parallel_loop3A_1940 = arith.muli %add3A_146, %parallel_loop3A_1939 : i32
        %parallel_loop3A_1941 = arith.constant 16 : i32
        %parallel_loop3A_1942 = arith.muli %parallel_loop3A_207, %parallel_loop3A_1941 : i32
        %parallel_loop3A_1943 = arith.addi %parallel_loop3A_1940, %parallel_loop3A_1942 : i32
        %parallel_loop3A_1944 = arith.index_cast %parallel_loop3A_1943 : i32 to index
        %parallel_loop3A_1945 = tpu.vector_load %arg13[%parallel_loop3A_1944] {strides = array<i32>} : memref<512xf32, #tpu.memory_space<vmem>>, vector<16xf32>,
        %parallel_loop3A_1946 = arith.addf %parallel_loop3A_1938, %parallel_loop3A_1945 : vector<16xf32>
        %parallel_loop3A_1947 = arith.index_cast %parallel_loop3A_1943 : i32 to index
        %parallel_loop3A_1948 = tpu.vector_load %arg14[%parallel_loop3A_1947] {strides = array<i32>} : memref<512xf32, #tpu.memory_space<vmem>>, vector<16xf32>,
        %parallel_loop3A_1949 = arith.addf %parallel_loop3A_1946, %parallel_loop3A_1948 : vector<16xf32>
        %parallel_loop3A_1950 = arith.constant 0.000000e+00 : f32
        %parallel_loop3A_1951 = vector.broadcast %parallel_loop3A_1950 : f32 to vector<16xf32>
        %parallel_loop3A_1952 = arith.subf %parallel_loop3A_1951, %parallel_loop3A_1949 : vector<16xf32>
        %parallel_loop3A_1953 = math.exp %parallel_loop3A_1952 : vector<16xf32>
        %parallel_loop3A_1954 = arith.constant 1.000000e+00 : f32
        %parallel_loop3A_1955 = vector.broadcast %parallel_loop3A_1954 : f32 to vector<16xf32>
        %parallel_loop3A_1956 = arith.addf %parallel_loop3A_1955, %parallel_loop3A_1953 : vector<16xf32>
        %parallel_loop3A_1957 = arith.constant 5.000000e+00 : f32
        %parallel_loop3A_1958 = vector.broadcast %parallel_loop3A_1957 : f32 to vector<16xf32>
        %parallel_loop3A_1959 = arith.divf %parallel_loop3A_1958, %parallel_loop3A_1956 : vector<16xf32>
        %parallel_loop3A_1960 = arith.index_cast %parallel_loop3A_1943 : i32 to index
        %parallel_loop3A_1961 = tpu.vector_load %arg16[%parallel_loop3A_1960] {strides = array<i32>} : memref<512xf32, #tpu.memory_space<vmem>>, vector<16xf32>,
        tpu.vector_store %arg16[%parallel_loop3A_1960], %parallel_loop3A_1959 {strides = array<i32>} : memref<512xf32, #tpu.memory_space<vmem>>, vector<16xf32>,
      } {sc.loop_unroll_factor = 1 : i64, sc.parallel_access}
      %add3A_169 = arith.constant 2 : i32
      %add3A_170 = arith.addi %add3A_146, %add3A_169 : i32
      %lt3A = arith.constant 8 : i32
      %lt3A_171 = arith.cmpi slt, %add3A_170, %lt3A : i32
      %convert_element_type3A = arith.extui %lt3A_171 : i1 to i32
      %cond3A = arith.constant 0 : i32
      %cond3A_172 = arith.cmpi ne, %convert_element_type3A, %cond3A : i32
      scf.if %cond3A_172 {
        %add3A_207 = arith.constant 2 : i32
        %add3A_208 = arith.addi %add3A_146, %add3A_207 : i32
        %mul3A_209 = arith.constant 64 : i32
        %mul3A_210 = arith.muli %add3A_208, %mul3A_209 : i32
        %dma_start3A_211 = arith.constant 0 : i32
        %dma_start3A_212 = arith.constant 0 : i32
        %dma_start3A_213 = arith.constant 0 : i32
        %dma_start3A_214 = tpu.memref_slice %arg11[%dma_start3A_211, %dma_start3A_212, %dma_start3A_213] : memref<2x64x128xf32, #tpu.memory_space<vmem>> -> memref<1x64x128xf32, #tpu.memory_space<vmem>>
        %dma_start3A_215 = tpu.memref_squeeze %dma_start3A_214 : memref<1x64x128xf32, #tpu.memory_space<vmem>> -> memref<64x128xf32, #tpu.memory_space<vmem>>
        %dma_start3A_216 = tpu.memref_slice %arg9[%mul3A_210] : memref<512xi32, #tpu.memory_space<vmem>> -> memref<64xi32, #tpu.memory_space<vmem>>
        %dma_start3A_217 = arith.constant 0 : i32
        %dma_start3A_218 = arith.constant 0 : i32
        %dma_start3A_219 = tpu.memref_slice %arg4[%dma_start3A_217, %dma_start3A_218] : memref<100000x128xf32, #tpu.memory_space<hbm>> -> memref<100000x128xf32, #tpu.memory_space<hbm>>
        tpu.enqueue_indirect_dma source(%dma_start3A_219 : memref<100000x128xf32, #tpu.memory_space<hbm>>) target(%dma_start3A_215 : memref<64x128xf32, #tpu.memory_space<vmem>>) offsets(%dma_start3A_216 : memref<64xi32, #tpu.memory_space<vmem>>) semaphore(%arg17 : memref<!tpu.dma_semaphore, #tpu.memory_space<semaphore_mem>>)
        %dma_start3A_220 = arith.constant 0 : i32
        %dma_start3A_221 = arith.constant 0 : i32
        %dma_start3A_222 = arith.constant 0 : i32
        %dma_start3A_223 = tpu.memref_slice %arg12[%dma_start3A_220, %dma_start3A_221, %dma_start3A_222] : memref<2x64x128xf32, #tpu.memory_space<vmem>> -> memref<1x64x128xf32, #tpu.memory_space<vmem>>
        %dma_start3A_224 = tpu.memref_squeeze %dma_start3A_223 : memref<1x64x128xf32, #tpu.memory_space<vmem>> -> memref<64x128xf32, #tpu.memory_space<vmem>>
        %dma_start3A_225 = tpu.memref_slice %arg10[%mul3A_210] : memref<512xi32, #tpu.memory_space<vmem>> -> memref<64xi32, #tpu.memory_space<vmem>>
        %dma_start3A_226 = arith.constant 0 : i32
        %dma_start3A_227 = arith.constant 0 : i32
        %dma_start3A_228 = tpu.memref_slice %arg5[%dma_start3A_226, %dma_start3A_227] : memref<100000x128xf32, #tpu.memory_space<hbm>> -> memref<100000x128xf32, #tpu.memory_space<hbm>>
        tpu.enqueue_indirect_dma source(%dma_start3A_228 : memref<100000x128xf32, #tpu.memory_space<hbm>>) target(%dma_start3A_224 : memref<64x128xf32, #tpu.memory_space<vmem>>) offsets(%dma_start3A_225 : memref<64xi32, #tpu.memory_space<vmem>>) semaphore(%arg17 : memref<!tpu.dma_semaphore, #tpu.memory_space<semaphore_mem>>)
      } else {
      }
      %mul3A_173 = arith.constant 2 : i32
      %mul3A_174 = arith.muli %mul3A_173, %scan3A_142 : i32
      %add3A_175 = arith.constant 1 : i32
      %add3A_176 = arith.addi %mul3A_174, %add3A_175 : i32
      %mul3A_177 = arith.constant 64 : i32
      %mul3A_178 = arith.muli %add3A_176, %mul3A_177 : i32
      %dma_wait3A_179 = arith.constant 1 : i32
      %dma_wait3A_180 = arith.constant 0 : i32
      %dma_wait3A_181 = arith.constant 0 : i32
      %dma_wait3A_182 = tpu.memref_slice %arg11[%dma_wait3A_179, %dma_wait3A_180, %dma_wait3A_181] : memref<2x64x128xf32, #tpu.memory_space<vmem>> -> memref<1x64x128xf32, #tpu.memory_space<vmem>>
      %dma_wait3A_183 = tpu.memref_squeeze %dma_wait3A_182 : memref<1x64x128xf32, #tpu.memory_space<vmem>> -> memref<64x128xf32, #tpu.memory_space<vmem>>
      %dma_wait3A_184 = tpu.memref_slice %arg9[%mul3A_178] : memref<512xi32, #tpu.memory_space<vmem>> -> memref<64xi32, #tpu.memory_space<vmem>>
      %dma_wait3A_185 = arith.constant 0 : i32
      %dma_wait3A_186 = arith.constant 0 : i32
      %dma_wait3A_187 = tpu.memref_slice %arg4[%dma_wait3A_185, %dma_wait3A_186] : memref<100000x128xf32, #tpu.memory_space<hbm>> -> memref<100000x128xf32, #tpu.memory_space<hbm>>
      tpu.wait_indirect_dma semaphore(%arg18 : memref<!tpu.dma_semaphore, #tpu.memory_space<semaphore_mem>>) src(%dma_wait3A_187 : memref<100000x128xf32, #tpu.memory_space<hbm>>) dst(%dma_wait3A_183 : memref<64x128xf32, #tpu.memory_space<vmem>>)
      %dma_wait3A_188 = arith.constant 1 : i32
      %dma_wait3A_189 = arith.constant 0 : i32
      %dma_wait3A_190 = arith.constant 0 : i32
      %dma_wait3A_191 = tpu.memref_slice %arg12[%dma_wait3A_188, %dma_wait3A_189, %dma_wait3A_190] : memref<2x64x128xf32, #tpu.memory_space<vmem>> -> memref<1x64x128xf32, #tpu.memory_space<vmem>>
      %dma_wait3A_192 = tpu.memref_squeeze %dma_wait3A_191 : memref<1x64x128xf32, #tpu.memory_space<vmem>> -> memref<64x128xf32, #tpu.memory_space<vmem>>
      %dma_wait3A_193 = tpu.memref_slice %arg10[%mul3A_178] : memref<512xi32, #tpu.memory_space<vmem>> -> memref<64xi32, #tpu.memory_space<vmem>>
      %dma_wait3A_194 = arith.constant 0 : i32
      %dma_wait3A_195 = arith.constant 0 : i32
      %dma_wait3A_196 = tpu.memref_slice %arg5[%dma_wait3A_194, %dma_wait3A_195] : memref<100000x128xf32, #tpu.memory_space<hbm>> -> memref<100000x128xf32, #tpu.memory_space<hbm>>
      tpu.wait_indirect_dma semaphore(%arg18 : memref<!tpu.dma_semaphore, #tpu.memory_space<semaphore_mem>>) src(%dma_wait3A_196 : memref<100000x128xf32, #tpu.memory_space<hbm>>) dst(%dma_wait3A_192 : memref<64x128xf32, #tpu.memory_space<vmem>>)
      %parallel_loop3A_197 = arith.constant 0 : i32
      %parallel_loop3A_198 = arith.constant 4 : i32
      %parallel_loop3A_199 = arith.constant 1 : i32
      scf.for %parallel_loop3A_207 = %parallel_loop3A_197 to %parallel_loop3A_198 step %parallel_loop3A_199  : i32 {
        %parallel_loop3A_208 = arith.constant 256 : i32
        %parallel_loop3A_209 = arith.muli %parallel_loop3A_207, %parallel_loop3A_208 : i32
        %parallel_loop3A_210 = arith.constant 16 : i32
        %parallel_loop3A_211 = arith.muli %parallel_loop3A_207, %parallel_loop3A_210 : i32
        %parallel_loop3A_212 = arith.constant 0 : i32
        %parallel_loop3A_213 = arith.addi %parallel_loop3A_211, %parallel_loop3A_212 : i32
        %parallel_loop3A_214 = arith.constant 1 : i32
        %parallel_loop3A_215 = arith.index_cast %parallel_loop3A_214 : i32 to index
        %parallel_loop3A_216 = arith.index_cast %parallel_loop3A_213 : i32 to index
        %parallel_loop3A_217 = arith.constant 0 : index
        %parallel_loop3A_218 = tpu.vector_load %arg11[%parallel_loop3A_215, %parallel_loop3A_216, %parallel_loop3A_217] {strides = array<i32>} : memref<2x64x128xf32, #tpu.memory_space<vmem>>, vector<16xf32>,
        %parallel_loop3A_219 = arith.constant 1 : i32
        %parallel_loop3A_220 = arith.index_cast %parallel_loop3A_219 : i32 to index
        %parallel_loop3A_221 = arith.index_cast %parallel_loop3A_213 : i32 to index
        %parallel_loop3A_222 = arith.constant 0 : index
        %parallel_loop3A_223 = tpu.vector_load %arg12[%parallel_loop3A_220, %parallel_loop3A_221, %parallel_loop3A_222] {strides = array<i32>} : memref<2x64x128xf32, #tpu.memory_space<vmem>>, vector<16xf32>,
        %parallel_loop3A_224 = arith.mulf %parallel_loop3A_218, %parallel_loop3A_223 : vector<16xf32>
        %parallel_loop3A_225 = arith.constant 1 : i32
        %parallel_loop3A_226 = arith.index_cast %parallel_loop3A_225 : i32 to index
        %parallel_loop3A_227 = arith.index_cast %parallel_loop3A_213 : i32 to index
        %parallel_loop3A_228 = arith.constant 16 : index
        %parallel_loop3A_229 = tpu.vector_load %arg11[%parallel_loop3A_226, %parallel_loop3A_227, %parallel_loop3A_228] {strides = array<i32>} : memref<2x64x128xf32, #tpu.memory_space<vmem>>, vector<16xf32>,
        %parallel_loop3A_230 = arith.constant 1 : i32
        %parallel_loop3A_231 = arith.index_cast %parallel_loop3A_230 : i32 to index
        %parallel_loop3A_232 = arith.index_cast %parallel_loop3A_213 : i32 to index
        %parallel_loop3A_233 = arith.constant 16 : index
        %parallel_loop3A_234 = tpu.vector_load %arg12[%parallel_loop3A_231, %parallel_loop3A_232, %parallel_loop3A_233] {strides = array<i32>} : memref<2x64x128xf32, #tpu.memory_space<vmem>>, vector<16xf32>,
        %parallel_loop3A_235 = arith.mulf %parallel_loop3A_229, %parallel_loop3A_234 : vector<16xf32>
        %parallel_loop3A_236 = arith.constant 1 : i32
        %parallel_loop3A_237 = arith.index_cast %parallel_loop3A_236 : i32 to index
        %parallel_loop3A_238 = arith.index_cast %parallel_loop3A_213 : i32 to index
        %parallel_loop3A_239 = arith.constant 32 : index
        %parallel_loop3A_240 = tpu.vector_load %arg11[%parallel_loop3A_237, %parallel_loop3A_238, %parallel_loop3A_239] {strides = array<i32>} : memref<2x64x128xf32, #tpu.memory_space<vmem>>, vector<16xf32>,
        %parallel_loop3A_241 = arith.constant 1 : i32
        %parallel_loop3A_242 = arith.index_cast %parallel_loop3A_241 : i32 to index
        %parallel_loop3A_243 = arith.index_cast %parallel_loop3A_213 : i32 to index
        %parallel_loop3A_244 = arith.constant 32 : index
        %parallel_loop3A_245 = tpu.vector_load %arg12[%parallel_loop3A_242, %parallel_loop3A_243, %parallel_loop3A_244] {strides = array<i32>} : memref<2x64x128xf32, #tpu.memory_space<vmem>>, vector<16xf32>,
        %parallel_loop3A_246 = arith.mulf %parallel_loop3A_240, %parallel_loop3A_245 : vector<16xf32>
        %parallel_loop3A_247 = arith.constant 1 : i32
        %parallel_loop3A_248 = arith.index_cast %parallel_loop3A_247 : i32 to index
        %parallel_loop3A_249 = arith.index_cast %parallel_loop3A_213 : i32 to index
        %parallel_loop3A_250 = arith.constant 48 : index
        %parallel_loop3A_251 = tpu.vector_load %arg11[%parallel_loop3A_248, %parallel_loop3A_249, %parallel_loop3A_250] {strides = array<i32>} : memref<2x64x128xf32, #tpu.memory_space<vmem>>, vector<16xf32>,
        %parallel_loop3A_252 = arith.constant 1 : i32
        %parallel_loop3A_253 = arith.index_cast %parallel_loop3A_252 : i32 to index
        %parallel_loop3A_254 = arith.index_cast %parallel_loop3A_213 : i32 to index
        %parallel_loop3A_255 = arith.constant 48 : index
        %parallel_loop3A_256 = tpu.vector_load %arg12[%parallel_loop3A_253, %parallel_loop3A_254, %parallel_loop3A_255] {strides = array<i32>} : memref<2x64x128xf32, #tpu.memory_space<vmem>>, vector<16xf32>,
        %parallel_loop3A_257 = arith.mulf %parallel_loop3A_251, %parallel_loop3A_256 : vector<16xf32>
        %parallel_loop3A_258 = arith.constant 1 : i32
        %parallel_loop3A_259 = arith.index_cast %parallel_loop3A_258 : i32 to index
        %parallel_loop3A_260 = arith.index_cast %parallel_loop3A_213 : i32 to index
        %parallel_loop3A_261 = arith.constant 64 : index
        %parallel_loop3A_262 = tpu.vector_load %arg11[%parallel_loop3A_259, %parallel_loop3A_260, %parallel_loop3A_261] {strides = array<i32>} : memref<2x64x128xf32, #tpu.memory_space<vmem>>, vector<16xf32>,
        %parallel_loop3A_263 = arith.constant 1 : i32
        %parallel_loop3A_264 = arith.index_cast %parallel_loop3A_263 : i32 to index
        %parallel_loop3A_265 = arith.index_cast %parallel_loop3A_213 : i32 to index
        %parallel_loop3A_266 = arith.constant 64 : index
        %parallel_loop3A_267 = tpu.vector_load %arg12[%parallel_loop3A_264, %parallel_loop3A_265, %parallel_loop3A_266] {strides = array<i32>} : memref<2x64x128xf32, #tpu.memory_space<vmem>>, vector<16xf32>,
        %parallel_loop3A_268 = arith.mulf %parallel_loop3A_262, %parallel_loop3A_267 : vector<16xf32>
        %parallel_loop3A_269 = arith.constant 1 : i32
        %parallel_loop3A_270 = arith.index_cast %parallel_loop3A_269 : i32 to index
        %parallel_loop3A_271 = arith.index_cast %parallel_loop3A_213 : i32 to index
        %parallel_loop3A_272 = arith.constant 80 : index
        %parallel_loop3A_273 = tpu.vector_load %arg11[%parallel_loop3A_270, %parallel_loop3A_271, %parallel_loop3A_272] {strides = array<i32>} : memref<2x64x128xf32, #tpu.memory_space<vmem>>, vector<16xf32>,
        %parallel_loop3A_274 = arith.constant 1 : i32
        %parallel_loop3A_275 = arith.index_cast %parallel_loop3A_274 : i32 to index
        %parallel_loop3A_276 = arith.index_cast %parallel_loop3A_213 : i32 to index
        %parallel_loop3A_277 = arith.constant 80 : index
        %parallel_loop3A_278 = tpu.vector_load %arg12[%parallel_loop3A_275, %parallel_loop3A_276, %parallel_loop3A_277] {strides = array<i32>} : memref<2x64x128xf32, #tpu.memory_space<vmem>>, vector<16xf32>,
        %parallel_loop3A_279 = arith.mulf %parallel_loop3A_273, %parallel_loop3A_278 : vector<16xf32>
        %parallel_loop3A_280 = arith.constant 1 : i32
        %parallel_loop3A_281 = arith.index_cast %parallel_loop3A_280 : i32 to index
        %parallel_loop3A_282 = arith.index_cast %parallel_loop3A_213 : i32 to index
        %parallel_loop3A_283 = arith.constant 96 : index
        %parallel_loop3A_284 = tpu.vector_load %arg11[%parallel_loop3A_281, %parallel_loop3A_282, %parallel_loop3A_283] {strides = array<i32>} : memref<2x64x128xf32, #tpu.memory_space<vmem>>, vector<16xf32>,
        %parallel_loop3A_285 = arith.constant 1 : i32
        %parallel_loop3A_286 = arith.index_cast %parallel_loop3A_285 : i32 to index
        %parallel_loop3A_287 = arith.index_cast %parallel_loop3A_213 : i32 to index
        %parallel_loop3A_288 = arith.constant 96 : index
        %parallel_loop3A_289 = tpu.vector_load %arg12[%parallel_loop3A_286, %parallel_loop3A_287, %parallel_loop3A_288] {strides = array<i32>} : memref<2x64x128xf32, #tpu.memory_space<vmem>>, vector<16xf32>,
        %parallel_loop3A_290 = arith.mulf %parallel_loop3A_284, %parallel_loop3A_289 : vector<16xf32>
        %parallel_loop3A_291 = arith.constant 1 : i32
        %parallel_loop3A_292 = arith.index_cast %parallel_loop3A_291 : i32 to index
        %parallel_loop3A_293 = arith.index_cast %parallel_loop3A_213 : i32 to index
        %parallel_loop3A_294 = arith.constant 112 : index
        %parallel_loop3A_295 = tpu.vector_load %arg11[%parallel_loop3A_292, %parallel_loop3A_293, %parallel_loop3A_294] {strides = array<i32>} : memref<2x64x128xf32, #tpu.memory_space<vmem>>, vector<16xf32>,
        %parallel_loop3A_296 = arith.constant 1 : i32
        %parallel_loop3A_297 = arith.index_cast %parallel_loop3A_296 : i32 to index
        %parallel_loop3A_298 = arith.index_cast %parallel_loop3A_213 : i32 to index
        %parallel_loop3A_299 = arith.constant 112 : index
        %parallel_loop3A_300 = tpu.vector_load %arg12[%parallel_loop3A_297, %parallel_loop3A_298, %parallel_loop3A_299] {strides = array<i32>} : memref<2x64x128xf32, #tpu.memory_space<vmem>>, vector<16xf32>,
        %parallel_loop3A_301 = arith.mulf %parallel_loop3A_295, %parallel_loop3A_300 : vector<16xf32>
        %parallel_loop3A_302 = arith.addf %parallel_loop3A_224, %parallel_loop3A_235 : vector<16xf32>
        %parallel_loop3A_303 = arith.addf %parallel_loop3A_246, %parallel_loop3A_257 : vector<16xf32>
        %parallel_loop3A_304 = arith.addf %parallel_loop3A_268, %parallel_loop3A_279 : vector<16xf32>
        %parallel_loop3A_305 = arith.addf %parallel_loop3A_290, %parallel_loop3A_301 : vector<16xf32>
        %parallel_loop3A_306 = arith.addf %parallel_loop3A_302, %parallel_loop3A_303 : vector<16xf32>
        %parallel_loop3A_307 = arith.addf %parallel_loop3A_304, %parallel_loop3A_305 : vector<16xf32>
        %parallel_loop3A_308 = arith.addf %parallel_loop3A_306, %parallel_loop3A_307 : vector<16xf32>
        %parallel_loop3A_309 = arith.constant 0 : i32
        %parallel_loop3A_310 = arith.addi %parallel_loop3A_209, %parallel_loop3A_309 : i32
        %parallel_loop3A_311 = arith.index_cast %parallel_loop3A_310 : i32 to index
        %parallel_loop3A_312 = tpu.vector_load %arg15[%parallel_loop3A_311] {strides = array<i32>} : memref<1024xf32, #tpu.memory_space<vmem>>, vector<16xf32>,
        tpu.vector_store %arg15[%parallel_loop3A_311], %parallel_loop3A_308 {strides = array<i32>} : memref<1024xf32, #tpu.memory_space<vmem>>, vector<16xf32>,
        %parallel_loop3A_313 = arith.constant 16 : i32
        %parallel_loop3A_314 = arith.muli %parallel_loop3A_207, %parallel_loop3A_313 : i32
        %parallel_loop3A_315 = arith.constant 1 : i32
        %parallel_loop3A_316 = arith.addi %parallel_loop3A_314, %parallel_loop3A_315 : i32
        %parallel_loop3A_317 = arith.constant 1 : i32
        %parallel_loop3A_318 = arith.index_cast %parallel_loop3A_317 : i32 to index
        %parallel_loop3A_319 = arith.index_cast %parallel_loop3A_316 : i32 to index
        %parallel_loop3A_320 = arith.constant 0 : index
        %parallel_loop3A_321 = tpu.vector_load %arg11[%parallel_loop3A_318, %parallel_loop3A_319, %parallel_loop3A_320] {strides = array<i32>} : memref<2x64x128xf32, #tpu.memory_space<vmem>>, vector<16xf32>,
        %parallel_loop3A_322 = arith.constant 1 : i32
        %parallel_loop3A_323 = arith.index_cast %parallel_loop3A_322 : i32 to index
        %parallel_loop3A_324 = arith.index_cast %parallel_loop3A_316 : i32 to index
        %parallel_loop3A_325 = arith.constant 0 : index
        %parallel_loop3A_326 = tpu.vector_load %arg12[%parallel_loop3A_323, %parallel_loop3A_324, %parallel_loop3A_325] {strides = array<i32>} : memref<2x64x128xf32, #tpu.memory_space<vmem>>, vector<16xf32>,
        %parallel_loop3A_327 = arith.mulf %parallel_loop3A_321, %parallel_loop3A_326 : vector<16xf32>
        %parallel_loop3A_328 = arith.constant 1 : i32
        %parallel_loop3A_329 = arith.index_cast %parallel_loop3A_328 : i32 to index
        %parallel_loop3A_330 = arith.index_cast %parallel_loop3A_316 : i32 to index
        %parallel_loop3A_331 = arith.constant 16 : index
        %parallel_loop3A_332 = tpu.vector_load %arg11[%parallel_loop3A_329, %parallel_loop3A_330, %parallel_loop3A_331] {strides = array<i32>} : memref<2x64x128xf32, #tpu.memory_space<vmem>>, vector<16xf32>,
        %parallel_loop3A_333 = arith.constant 1 : i32
        %parallel_loop3A_334 = arith.index_cast %parallel_loop3A_333 : i32 to index
        %parallel_loop3A_335 = arith.index_cast %parallel_loop3A_316 : i32 to index
        %parallel_loop3A_336 = arith.constant 16 : index
        %parallel_loop3A_337 = tpu.vector_load %arg12[%parallel_loop3A_334, %parallel_loop3A_335, %parallel_loop3A_336] {strides = array<i32>} : memref<2x64x128xf32, #tpu.memory_space<vmem>>, vector<16xf32>,
        %parallel_loop3A_338 = arith.mulf %parallel_loop3A_332, %parallel_loop3A_337 : vector<16xf32>
        %parallel_loop3A_339 = arith.constant 1 : i32
        %parallel_loop3A_340 = arith.index_cast %parallel_loop3A_339 : i32 to index
        %parallel_loop3A_341 = arith.index_cast %parallel_loop3A_316 : i32 to index
        %parallel_loop3A_342 = arith.constant 32 : index
        %parallel_loop3A_343 = tpu.vector_load %arg11[%parallel_loop3A_340, %parallel_loop3A_341, %parallel_loop3A_342] {strides = array<i32>} : memref<2x64x128xf32, #tpu.memory_space<vmem>>, vector<16xf32>,
        %parallel_loop3A_344 = arith.constant 1 : i32
        %parallel_loop3A_345 = arith.index_cast %parallel_loop3A_344 : i32 to index
        %parallel_loop3A_346 = arith.index_cast %parallel_loop3A_316 : i32 to index
        %parallel_loop3A_347 = arith.constant 32 : index
        %parallel_loop3A_348 = tpu.vector_load %arg12[%parallel_loop3A_345, %parallel_loop3A_346, %parallel_loop3A_347] {strides = array<i32>} : memref<2x64x128xf32, #tpu.memory_space<vmem>>, vector<16xf32>,
        %parallel_loop3A_349 = arith.mulf %parallel_loop3A_343, %parallel_loop3A_348 : vector<16xf32>
        %parallel_loop3A_350 = arith.constant 1 : i32
        %parallel_loop3A_351 = arith.index_cast %parallel_loop3A_350 : i32 to index
        %parallel_loop3A_352 = arith.index_cast %parallel_loop3A_316 : i32 to index
        %parallel_loop3A_353 = arith.constant 48 : index
        %parallel_loop3A_354 = tpu.vector_load %arg11[%parallel_loop3A_351, %parallel_loop3A_352, %parallel_loop3A_353] {strides = array<i32>} : memref<2x64x128xf32, #tpu.memory_space<vmem>>, vector<16xf32>,
        %parallel_loop3A_355 = arith.constant 1 : i32
        %parallel_loop3A_356 = arith.index_cast %parallel_loop3A_355 : i32 to index
        %parallel_loop3A_357 = arith.index_cast %parallel_loop3A_316 : i32 to index
        %parallel_loop3A_358 = arith.constant 48 : index
        %parallel_loop3A_359 = tpu.vector_load %arg12[%parallel_loop3A_356, %parallel_loop3A_357, %parallel_loop3A_358] {strides = array<i32>} : memref<2x64x128xf32, #tpu.memory_space<vmem>>, vector<16xf32>,
        %parallel_loop3A_360 = arith.mulf %parallel_loop3A_354, %parallel_loop3A_359 : vector<16xf32>
        %parallel_loop3A_361 = arith.constant 1 : i32
        %parallel_loop3A_362 = arith.index_cast %parallel_loop3A_361 : i32 to index
        %parallel_loop3A_363 = arith.index_cast %parallel_loop3A_316 : i32 to index
        %parallel_loop3A_364 = arith.constant 64 : index
        %parallel_loop3A_365 = tpu.vector_load %arg11[%parallel_loop3A_362, %parallel_loop3A_363, %parallel_loop3A_364] {strides = array<i32>} : memref<2x64x128xf32, #tpu.memory_space<vmem>>, vector<16xf32>,
        %parallel_loop3A_366 = arith.constant 1 : i32
        %parallel_loop3A_367 = arith.index_cast %parallel_loop3A_366 : i32 to index
        %parallel_loop3A_368 = arith.index_cast %parallel_loop3A_316 : i32 to index
        %parallel_loop3A_369 = arith.constant 64 : index
        %parallel_loop3A_370 = tpu.vector_load %arg12[%parallel_loop3A_367, %parallel_loop3A_368, %parallel_loop3A_369] {strides = array<i32>} : memref<2x64x128xf32, #tpu.memory_space<vmem>>, vector<16xf32>,
        %parallel_loop3A_371 = arith.mulf %parallel_loop3A_365, %parallel_loop3A_370 : vector<16xf32>
        %parallel_loop3A_372 = arith.constant 1 : i32
        %parallel_loop3A_373 = arith.index_cast %parallel_loop3A_372 : i32 to index
        %parallel_loop3A_374 = arith.index_cast %parallel_loop3A_316 : i32 to index
        %parallel_loop3A_375 = arith.constant 80 : index
        %parallel_loop3A_376 = tpu.vector_load %arg11[%parallel_loop3A_373, %parallel_loop3A_374, %parallel_loop3A_375] {strides = array<i32>} : memref<2x64x128xf32, #tpu.memory_space<vmem>>, vector<16xf32>,
        %parallel_loop3A_377 = arith.constant 1 : i32
        %parallel_loop3A_378 = arith.index_cast %parallel_loop3A_377 : i32 to index
        %parallel_loop3A_379 = arith.index_cast %parallel_loop3A_316 : i32 to index
        %parallel_loop3A_380 = arith.constant 80 : index
        %parallel_loop3A_381 = tpu.vector_load %arg12[%parallel_loop3A_378, %parallel_loop3A_379, %parallel_loop3A_380] {strides = array<i32>} : memref<2x64x128xf32, #tpu.memory_space<vmem>>, vector<16xf32>,
        %parallel_loop3A_382 = arith.mulf %parallel_loop3A_376, %parallel_loop3A_381 : vector<16xf32>
        %parallel_loop3A_383 = arith.constant 1 : i32
        %parallel_loop3A_384 = arith.index_cast %parallel_loop3A_383 : i32 to index
        %parallel_loop3A_385 = arith.index_cast %parallel_loop3A_316 : i32 to index
        %parallel_loop3A_386 = arith.constant 96 : index
        %parallel_loop3A_387 = tpu.vector_load %arg11[%parallel_loop3A_384, %parallel_loop3A_385, %parallel_loop3A_386] {strides = array<i32>} : memref<2x64x128xf32, #tpu.memory_space<vmem>>, vector<16xf32>,
        %parallel_loop3A_388 = arith.constant 1 : i32
        %parallel_loop3A_389 = arith.index_cast %parallel_loop3A_388 : i32 to index
        %parallel_loop3A_390 = arith.index_cast %parallel_loop3A_316 : i32 to index
        %parallel_loop3A_391 = arith.constant 96 : index
        %parallel_loop3A_392 = tpu.vector_load %arg12[%parallel_loop3A_389, %parallel_loop3A_390, %parallel_loop3A_391] {strides = array<i32>} : memref<2x64x128xf32, #tpu.memory_space<vmem>>, vector<16xf32>,
        %parallel_loop3A_393 = arith.mulf %parallel_loop3A_387, %parallel_loop3A_392 : vector<16xf32>
        %parallel_loop3A_394 = arith.constant 1 : i32
        %parallel_loop3A_395 = arith.index_cast %parallel_loop3A_394 : i32 to index
        %parallel_loop3A_396 = arith.index_cast %parallel_loop3A_316 : i32 to index
        %parallel_loop3A_397 = arith.constant 112 : index
        %parallel_loop3A_398 = tpu.vector_load %arg11[%parallel_loop3A_395, %parallel_loop3A_396, %parallel_loop3A_397] {strides = array<i32>} : memref<2x64x128xf32, #tpu.memory_space<vmem>>, vector<16xf32>,
        %parallel_loop3A_399 = arith.constant 1 : i32
        %parallel_loop3A_400 = arith.index_cast %parallel_loop3A_399 : i32 to index
        %parallel_loop3A_401 = arith.index_cast %parallel_loop3A_316 : i32 to index
        %parallel_loop3A_402 = arith.constant 112 : index
        %parallel_loop3A_403 = tpu.vector_load %arg12[%parallel_loop3A_400, %parallel_loop3A_401, %parallel_loop3A_402] {strides = array<i32>} : memref<2x64x128xf32, #tpu.memory_space<vmem>>, vector<16xf32>,
        %parallel_loop3A_404 = arith.mulf %parallel_loop3A_398, %parallel_loop3A_403 : vector<16xf32>
        %parallel_loop3A_405 = arith.addf %parallel_loop3A_327, %parallel_loop3A_338 : vector<16xf32>
        %parallel_loop3A_406 = arith.addf %parallel_loop3A_349, %parallel_loop3A_360 : vector<16xf32>
        %parallel_loop3A_407 = arith.addf %parallel_loop3A_371, %parallel_loop3A_382 : vector<16xf32>
        %parallel_loop3A_408 = arith.addf %parallel_loop3A_393, %parallel_loop3A_404 : vector<16xf32>
        %parallel_loop3A_409 = arith.addf %parallel_loop3A_405, %parallel_loop3A_406 : vector<16xf32>
        %parallel_loop3A_410 = arith.addf %parallel_loop3A_407, %parallel_loop3A_408 : vector<16xf32>
        %parallel_loop3A_411 = arith.addf %parallel_loop3A_409, %parallel_loop3A_410 : vector<16xf32>
        %parallel_loop3A_412 = arith.constant 16 : i32
        %parallel_loop3A_413 = arith.addi %parallel_loop3A_209, %parallel_loop3A_412 : i32
        %parallel_loop3A_414 = arith.index_cast %parallel_loop3A_413 : i32 to index
        %parallel_loop3A_415 = tpu.vector_load %arg15[%parallel_loop3A_414] {strides = array<i32>} : memref<1024xf32, #tpu.memory_space<vmem>>, vector<16xf32>,
        tpu.vector_store %arg15[%parallel_loop3A_414], %parallel_loop3A_411 {strides = array<i32>} : memref<1024xf32, #tpu.memory_space<vmem>>, vector<16xf32>,
        %parallel_loop3A_416 = arith.constant 16 : i32
        %parallel_loop3A_417 = arith.muli %parallel_loop3A_207, %parallel_loop3A_416 : i32
        %parallel_loop3A_418 = arith.constant 2 : i32
        %parallel_loop3A_419 = arith.addi %parallel_loop3A_417, %parallel_loop3A_418 : i32
        %parallel_loop3A_420 = arith.constant 1 : i32
        %parallel_loop3A_421 = arith.index_cast %parallel_loop3A_420 : i32 to index
        %parallel_loop3A_422 = arith.index_cast %parallel_loop3A_419 : i32 to index
        %parallel_loop3A_423 = arith.constant 0 : index
        %parallel_loop3A_424 = tpu.vector_load %arg11[%parallel_loop3A_421, %parallel_loop3A_422, %parallel_loop3A_423] {strides = array<i32>} : memref<2x64x128xf32, #tpu.memory_space<vmem>>, vector<16xf32>,
        %parallel_loop3A_425 = arith.constant 1 : i32
        %parallel_loop3A_426 = arith.index_cast %parallel_loop3A_425 : i32 to index
        %parallel_loop3A_427 = arith.index_cast %parallel_loop3A_419 : i32 to index
        %parallel_loop3A_428 = arith.constant 0 : index
        %parallel_loop3A_429 = tpu.vector_load %arg12[%parallel_loop3A_426, %parallel_loop3A_427, %parallel_loop3A_428] {strides = array<i32>} : memref<2x64x128xf32, #tpu.memory_space<vmem>>, vector<16xf32>,
        %parallel_loop3A_430 = arith.mulf %parallel_loop3A_424, %parallel_loop3A_429 : vector<16xf32>
        %parallel_loop3A_431 = arith.constant 1 : i32
        %parallel_loop3A_432 = arith.index_cast %parallel_loop3A_431 : i32 to index
        %parallel_loop3A_433 = arith.index_cast %parallel_loop3A_419 : i32 to index
        %parallel_loop3A_434 = arith.constant 16 : index
        %parallel_loop3A_435 = tpu.vector_load %arg11[%parallel_loop3A_432, %parallel_loop3A_433, %parallel_loop3A_434] {strides = array<i32>} : memref<2x64x128xf32, #tpu.memory_space<vmem>>, vector<16xf32>,
        %parallel_loop3A_436 = arith.constant 1 : i32
        %parallel_loop3A_437 = arith.index_cast %parallel_loop3A_436 : i32 to index
        %parallel_loop3A_438 = arith.index_cast %parallel_loop3A_419 : i32 to index
        %parallel_loop3A_439 = arith.constant 16 : index
        %parallel_loop3A_440 = tpu.vector_load %arg12[%parallel_loop3A_437, %parallel_loop3A_438, %parallel_loop3A_439] {strides = array<i32>} : memref<2x64x128xf32, #tpu.memory_space<vmem>>, vector<16xf32>,
        %parallel_loop3A_441 = arith.mulf %parallel_loop3A_435, %parallel_loop3A_440 : vector<16xf32>
        %parallel_loop3A_442 = arith.constant 1 : i32
        %parallel_loop3A_443 = arith.index_cast %parallel_loop3A_442 : i32 to index
        %parallel_loop3A_444 = arith.index_cast %parallel_loop3A_419 : i32 to index
        %parallel_loop3A_445 = arith.constant 32 : index
        %parallel_loop3A_446 = tpu.vector_load %arg11[%parallel_loop3A_443, %parallel_loop3A_444, %parallel_loop3A_445] {strides = array<i32>} : memref<2x64x128xf32, #tpu.memory_space<vmem>>, vector<16xf32>,
        %parallel_loop3A_447 = arith.constant 1 : i32
        %parallel_loop3A_448 = arith.index_cast %parallel_loop3A_447 : i32 to index
        %parallel_loop3A_449 = arith.index_cast %parallel_loop3A_419 : i32 to index
        %parallel_loop3A_450 = arith.constant 32 : index
        %parallel_loop3A_451 = tpu.vector_load %arg12[%parallel_loop3A_448, %parallel_loop3A_449, %parallel_loop3A_450] {strides = array<i32>} : memref<2x64x128xf32, #tpu.memory_space<vmem>>, vector<16xf32>,
        %parallel_loop3A_452 = arith.mulf %parallel_loop3A_446, %parallel_loop3A_451 : vector<16xf32>
        %parallel_loop3A_453 = arith.constant 1 : i32
        %parallel_loop3A_454 = arith.index_cast %parallel_loop3A_453 : i32 to index
        %parallel_loop3A_455 = arith.index_cast %parallel_loop3A_419 : i32 to index
        %parallel_loop3A_456 = arith.constant 48 : index
        %parallel_loop3A_457 = tpu.vector_load %arg11[%parallel_loop3A_454, %parallel_loop3A_455, %parallel_loop3A_456] {strides = array<i32>} : memref<2x64x128xf32, #tpu.memory_space<vmem>>, vector<16xf32>,
        %parallel_loop3A_458 = arith.constant 1 : i32
        %parallel_loop3A_459 = arith.index_cast %parallel_loop3A_458 : i32 to index
        %parallel_loop3A_460 = arith.index_cast %parallel_loop3A_419 : i32 to index
        %parallel_loop3A_461 = arith.constant 48 : index
        %parallel_loop3A_462 = tpu.vector_load %arg12[%parallel_loop3A_459, %parallel_loop3A_460, %parallel_loop3A_461] {strides = array<i32>} : memref<2x64x128xf32, #tpu.memory_space<vmem>>, vector<16xf32>,
        %parallel_loop3A_463 = arith.mulf %parallel_loop3A_457, %parallel_loop3A_462 : vector<16xf32>
        %parallel_loop3A_464 = arith.constant 1 : i32
        %parallel_loop3A_465 = arith.index_cast %parallel_loop3A_464 : i32 to index
        %parallel_loop3A_466 = arith.index_cast %parallel_loop3A_419 : i32 to index
        %parallel_loop3A_467 = arith.constant 64 : index
        %parallel_loop3A_468 = tpu.vector_load %arg11[%parallel_loop3A_465, %parallel_loop3A_466, %parallel_loop3A_467] {strides = array<i32>} : memref<2x64x128xf32, #tpu.memory_space<vmem>>, vector<16xf32>,
        %parallel_loop3A_469 = arith.constant 1 : i32
        %parallel_loop3A_470 = arith.index_cast %parallel_loop3A_469 : i32 to index
        %parallel_loop3A_471 = arith.index_cast %parallel_loop3A_419 : i32 to index
        %parallel_loop3A_472 = arith.constant 64 : index
        %parallel_loop3A_473 = tpu.vector_load %arg12[%parallel_loop3A_470, %parallel_loop3A_471, %parallel_loop3A_472] {strides = array<i32>} : memref<2x64x128xf32, #tpu.memory_space<vmem>>, vector<16xf32>,
        %parallel_loop3A_474 = arith.mulf %parallel_loop3A_468, %parallel_loop3A_473 : vector<16xf32>
        %parallel_loop3A_475 = arith.constant 1 : i32
        %parallel_loop3A_476 = arith.index_cast %parallel_loop3A_475 : i32 to index
        %parallel_loop3A_477 = arith.index_cast %parallel_loop3A_419 : i32 to index
        %parallel_loop3A_478 = arith.constant 80 : index
        %parallel_loop3A_479 = tpu.vector_load %arg11[%parallel_loop3A_476, %parallel_loop3A_477, %parallel_loop3A_478] {strides = array<i32>} : memref<2x64x128xf32, #tpu.memory_space<vmem>>, vector<16xf32>,
        %parallel_loop3A_480 = arith.constant 1 : i32
        %parallel_loop3A_481 = arith.index_cast %parallel_loop3A_480 : i32 to index
        %parallel_loop3A_482 = arith.index_cast %parallel_loop3A_419 : i32 to index
        %parallel_loop3A_483 = arith.constant 80 : index
        %parallel_loop3A_484 = tpu.vector_load %arg12[%parallel_loop3A_481, %parallel_loop3A_482, %parallel_loop3A_483] {strides = array<i32>} : memref<2x64x128xf32, #tpu.memory_space<vmem>>, vector<16xf32>,
        %parallel_loop3A_485 = arith.mulf %parallel_loop3A_479, %parallel_loop3A_484 : vector<16xf32>
        %parallel_loop3A_486 = arith.constant 1 : i32
        %parallel_loop3A_487 = arith.index_cast %parallel_loop3A_486 : i32 to index
        %parallel_loop3A_488 = arith.index_cast %parallel_loop3A_419 : i32 to index
        %parallel_loop3A_489 = arith.constant 96 : index
        %parallel_loop3A_490 = tpu.vector_load %arg11[%parallel_loop3A_487, %parallel_loop3A_488, %parallel_loop3A_489] {strides = array<i32>} : memref<2x64x128xf32, #tpu.memory_space<vmem>>, vector<16xf32>,
        %parallel_loop3A_491 = arith.constant 1 : i32
        %parallel_loop3A_492 = arith.index_cast %parallel_loop3A_491 : i32 to index
        %parallel_loop3A_493 = arith.index_cast %parallel_loop3A_419 : i32 to index
        %parallel_loop3A_494 = arith.constant 96 : index
        %parallel_loop3A_495 = tpu.vector_load %arg12[%parallel_loop3A_492, %parallel_loop3A_493, %parallel_loop3A_494] {strides = array<i32>} : memref<2x64x128xf32, #tpu.memory_space<vmem>>, vector<16xf32>,
        %parallel_loop3A_496 = arith.mulf %parallel_loop3A_490, %parallel_loop3A_495 : vector<16xf32>
        %parallel_loop3A_497 = arith.constant 1 : i32
        %parallel_loop3A_498 = arith.index_cast %parallel_loop3A_497 : i32 to index
        %parallel_loop3A_499 = arith.index_cast %parallel_loop3A_419 : i32 to index
        %parallel_loop3A_500 = arith.constant 112 : index
        %parallel_loop3A_501 = tpu.vector_load %arg11[%parallel_loop3A_498, %parallel_loop3A_499, %parallel_loop3A_500] {strides = array<i32>} : memref<2x64x128xf32, #tpu.memory_space<vmem>>, vector<16xf32>,
        %parallel_loop3A_502 = arith.constant 1 : i32
        %parallel_loop3A_503 = arith.index_cast %parallel_loop3A_502 : i32 to index
        %parallel_loop3A_504 = arith.index_cast %parallel_loop3A_419 : i32 to index
        %parallel_loop3A_505 = arith.constant 112 : index
        %parallel_loop3A_506 = tpu.vector_load %arg12[%parallel_loop3A_503, %parallel_loop3A_504, %parallel_loop3A_505] {strides = array<i32>} : memref<2x64x128xf32, #tpu.memory_space<vmem>>, vector<16xf32>,
        %parallel_loop3A_507 = arith.mulf %parallel_loop3A_501, %parallel_loop3A_506 : vector<16xf32>
        %parallel_loop3A_508 = arith.addf %parallel_loop3A_430, %parallel_loop3A_441 : vector<16xf32>
        %parallel_loop3A_509 = arith.addf %parallel_loop3A_452, %parallel_loop3A_463 : vector<16xf32>
        %parallel_loop3A_510 = arith.addf %parallel_loop3A_474, %parallel_loop3A_485 : vector<16xf32>
        %parallel_loop3A_511 = arith.addf %parallel_loop3A_496, %parallel_loop3A_507 : vector<16xf32>
        %parallel_loop3A_512 = arith.addf %parallel_loop3A_508, %parallel_loop3A_509 : vector<16xf32>
        %parallel_loop3A_513 = arith.addf %parallel_loop3A_510, %parallel_loop3A_511 : vector<16xf32>
        %parallel_loop3A_514 = arith.addf %parallel_loop3A_512, %parallel_loop3A_513 : vector<16xf32>
        %parallel_loop3A_515 = arith.constant 32 : i32
        %parallel_loop3A_516 = arith.addi %parallel_loop3A_209, %parallel_loop3A_515 : i32
        %parallel_loop3A_517 = arith.index_cast %parallel_loop3A_516 : i32 to index
        %parallel_loop3A_518 = tpu.vector_load %arg15[%parallel_loop3A_517] {strides = array<i32>} : memref<1024xf32, #tpu.memory_space<vmem>>, vector<16xf32>,
        tpu.vector_store %arg15[%parallel_loop3A_517], %parallel_loop3A_514 {strides = array<i32>} : memref<1024xf32, #tpu.memory_space<vmem>>, vector<16xf32>,
        %parallel_loop3A_519 = arith.constant 16 : i32
        %parallel_loop3A_520 = arith.muli %parallel_loop3A_207, %parallel_loop3A_519 : i32
        %parallel_loop3A_521 = arith.constant 3 : i32
        %parallel_loop3A_522 = arith.addi %parallel_loop3A_520, %parallel_loop3A_521 : i32
        %parallel_loop3A_523 = arith.constant 1 : i32
        %parallel_loop3A_524 = arith.index_cast %parallel_loop3A_523 : i32 to index
        %parallel_loop3A_525 = arith.index_cast %parallel_loop3A_522 : i32 to index
        %parallel_loop3A_526 = arith.constant 0 : index
        %parallel_loop3A_527 = tpu.vector_load %arg11[%parallel_loop3A_524, %parallel_loop3A_525, %parallel_loop3A_526] {strides = array<i32>} : memref<2x64x128xf32, #tpu.memory_space<vmem>>, vector<16xf32>,
        %parallel_loop3A_528 = arith.constant 1 : i32
        %parallel_loop3A_529 = arith.index_cast %parallel_loop3A_528 : i32 to index
        %parallel_loop3A_530 = arith.index_cast %parallel_loop3A_522 : i32 to index
        %parallel_loop3A_531 = arith.constant 0 : index
        %parallel_loop3A_532 = tpu.vector_load %arg12[%parallel_loop3A_529, %parallel_loop3A_530, %parallel_loop3A_531] {strides = array<i32>} : memref<2x64x128xf32, #tpu.memory_space<vmem>>, vector<16xf32>,
        %parallel_loop3A_533 = arith.mulf %parallel_loop3A_527, %parallel_loop3A_532 : vector<16xf32>
        %parallel_loop3A_534 = arith.constant 1 : i32
        %parallel_loop3A_535 = arith.index_cast %parallel_loop3A_534 : i32 to index
        %parallel_loop3A_536 = arith.index_cast %parallel_loop3A_522 : i32 to index
        %parallel_loop3A_537 = arith.constant 16 : index
        %parallel_loop3A_538 = tpu.vector_load %arg11[%parallel_loop3A_535, %parallel_loop3A_536, %parallel_loop3A_537] {strides = array<i32>} : memref<2x64x128xf32, #tpu.memory_space<vmem>>, vector<16xf32>,
        %parallel_loop3A_539 = arith.constant 1 : i32
        %parallel_loop3A_540 = arith.index_cast %parallel_loop3A_539 : i32 to index
        %parallel_loop3A_541 = arith.index_cast %parallel_loop3A_522 : i32 to index
        %parallel_loop3A_542 = arith.constant 16 : index
        %parallel_loop3A_543 = tpu.vector_load %arg12[%parallel_loop3A_540, %parallel_loop3A_541, %parallel_loop3A_542] {strides = array<i32>} : memref<2x64x128xf32, #tpu.memory_space<vmem>>, vector<16xf32>,
        %parallel_loop3A_544 = arith.mulf %parallel_loop3A_538, %parallel_loop3A_543 : vector<16xf32>
        %parallel_loop3A_545 = arith.constant 1 : i32
        %parallel_loop3A_546 = arith.index_cast %parallel_loop3A_545 : i32 to index
        %parallel_loop3A_547 = arith.index_cast %parallel_loop3A_522 : i32 to index
        %parallel_loop3A_548 = arith.constant 32 : index
        %parallel_loop3A_549 = tpu.vector_load %arg11[%parallel_loop3A_546, %parallel_loop3A_547, %parallel_loop3A_548] {strides = array<i32>} : memref<2x64x128xf32, #tpu.memory_space<vmem>>, vector<16xf32>,
        %parallel_loop3A_550 = arith.constant 1 : i32
        %parallel_loop3A_551 = arith.index_cast %parallel_loop3A_550 : i32 to index
        %parallel_loop3A_552 = arith.index_cast %parallel_loop3A_522 : i32 to index
        %parallel_loop3A_553 = arith.constant 32 : index
        %parallel_loop3A_554 = tpu.vector_load %arg12[%parallel_loop3A_551, %parallel_loop3A_552, %parallel_loop3A_553] {strides = array<i32>} : memref<2x64x128xf32, #tpu.memory_space<vmem>>, vector<16xf32>,
        %parallel_loop3A_555 = arith.mulf %parallel_loop3A_549, %parallel_loop3A_554 : vector<16xf32>
        %parallel_loop3A_556 = arith.constant 1 : i32
        %parallel_loop3A_557 = arith.index_cast %parallel_loop3A_556 : i32 to index
        %parallel_loop3A_558 = arith.index_cast %parallel_loop3A_522 : i32 to index
        %parallel_loop3A_559 = arith.constant 48 : index
        %parallel_loop3A_560 = tpu.vector_load %arg11[%parallel_loop3A_557, %parallel_loop3A_558, %parallel_loop3A_559] {strides = array<i32>} : memref<2x64x128xf32, #tpu.memory_space<vmem>>, vector<16xf32>,
        %parallel_loop3A_561 = arith.constant 1 : i32
        %parallel_loop3A_562 = arith.index_cast %parallel_loop3A_561 : i32 to index
        %parallel_loop3A_563 = arith.index_cast %parallel_loop3A_522 : i32 to index
        %parallel_loop3A_564 = arith.constant 48 : index
        %parallel_loop3A_565 = tpu.vector_load %arg12[%parallel_loop3A_562, %parallel_loop3A_563, %parallel_loop3A_564] {strides = array<i32>} : memref<2x64x128xf32, #tpu.memory_space<vmem>>, vector<16xf32>,
        %parallel_loop3A_566 = arith.mulf %parallel_loop3A_560, %parallel_loop3A_565 : vector<16xf32>
        %parallel_loop3A_567 = arith.constant 1 : i32
        %parallel_loop3A_568 = arith.index_cast %parallel_loop3A_567 : i32 to index
        %parallel_loop3A_569 = arith.index_cast %parallel_loop3A_522 : i32 to index
        %parallel_loop3A_570 = arith.constant 64 : index
        %parallel_loop3A_571 = tpu.vector_load %arg11[%parallel_loop3A_568, %parallel_loop3A_569, %parallel_loop3A_570] {strides = array<i32>} : memref<2x64x128xf32, #tpu.memory_space<vmem>>, vector<16xf32>,
        %parallel_loop3A_572 = arith.constant 1 : i32
        %parallel_loop3A_573 = arith.index_cast %parallel_loop3A_572 : i32 to index
        %parallel_loop3A_574 = arith.index_cast %parallel_loop3A_522 : i32 to index
        %parallel_loop3A_575 = arith.constant 64 : index
        %parallel_loop3A_576 = tpu.vector_load %arg12[%parallel_loop3A_573, %parallel_loop3A_574, %parallel_loop3A_575] {strides = array<i32>} : memref<2x64x128xf32, #tpu.memory_space<vmem>>, vector<16xf32>,
        %parallel_loop3A_577 = arith.mulf %parallel_loop3A_571, %parallel_loop3A_576 : vector<16xf32>
        %parallel_loop3A_578 = arith.constant 1 : i32
        %parallel_loop3A_579 = arith.index_cast %parallel_loop3A_578 : i32 to index
        %parallel_loop3A_580 = arith.index_cast %parallel_loop3A_522 : i32 to index
        %parallel_loop3A_581 = arith.constant 80 : index
        %parallel_loop3A_582 = tpu.vector_load %arg11[%parallel_loop3A_579, %parallel_loop3A_580, %parallel_loop3A_581] {strides = array<i32>} : memref<2x64x128xf32, #tpu.memory_space<vmem>>, vector<16xf32>,
        %parallel_loop3A_583 = arith.constant 1 : i32
        %parallel_loop3A_584 = arith.index_cast %parallel_loop3A_583 : i32 to index
        %parallel_loop3A_585 = arith.index_cast %parallel_loop3A_522 : i32 to index
        %parallel_loop3A_586 = arith.constant 80 : index
        %parallel_loop3A_587 = tpu.vector_load %arg12[%parallel_loop3A_584, %parallel_loop3A_585, %parallel_loop3A_586] {strides = array<i32>} : memref<2x64x128xf32, #tpu.memory_space<vmem>>, vector<16xf32>,
        %parallel_loop3A_588 = arith.mulf %parallel_loop3A_582, %parallel_loop3A_587 : vector<16xf32>
        %parallel_loop3A_589 = arith.constant 1 : i32
        %parallel_loop3A_590 = arith.index_cast %parallel_loop3A_589 : i32 to index
        %parallel_loop3A_591 = arith.index_cast %parallel_loop3A_522 : i32 to index
        %parallel_loop3A_592 = arith.constant 96 : index
        %parallel_loop3A_593 = tpu.vector_load %arg11[%parallel_loop3A_590, %parallel_loop3A_591, %parallel_loop3A_592] {strides = array<i32>} : memref<2x64x128xf32, #tpu.memory_space<vmem>>, vector<16xf32>,
        %parallel_loop3A_594 = arith.constant 1 : i32
        %parallel_loop3A_595 = arith.index_cast %parallel_loop3A_594 : i32 to index
        %parallel_loop3A_596 = arith.index_cast %parallel_loop3A_522 : i32 to index
        %parallel_loop3A_597 = arith.constant 96 : index
        %parallel_loop3A_598 = tpu.vector_load %arg12[%parallel_loop3A_595, %parallel_loop3A_596, %parallel_loop3A_597] {strides = array<i32>} : memref<2x64x128xf32, #tpu.memory_space<vmem>>, vector<16xf32>,
        %parallel_loop3A_599 = arith.mulf %parallel_loop3A_593, %parallel_loop3A_598 : vector<16xf32>
        %parallel_loop3A_600 = arith.constant 1 : i32
        %parallel_loop3A_601 = arith.index_cast %parallel_loop3A_600 : i32 to index
        %parallel_loop3A_602 = arith.index_cast %parallel_loop3A_522 : i32 to index
        %parallel_loop3A_603 = arith.constant 112 : index
        %parallel_loop3A_604 = tpu.vector_load %arg11[%parallel_loop3A_601, %parallel_loop3A_602, %parallel_loop3A_603] {strides = array<i32>} : memref<2x64x128xf32, #tpu.memory_space<vmem>>, vector<16xf32>,
        %parallel_loop3A_605 = arith.constant 1 : i32
        %parallel_loop3A_606 = arith.index_cast %parallel_loop3A_605 : i32 to index
        %parallel_loop3A_607 = arith.index_cast %parallel_loop3A_522 : i32 to index
        %parallel_loop3A_608 = arith.constant 112 : index
        %parallel_loop3A_609 = tpu.vector_load %arg12[%parallel_loop3A_606, %parallel_loop3A_607, %parallel_loop3A_608] {strides = array<i32>} : memref<2x64x128xf32, #tpu.memory_space<vmem>>, vector<16xf32>,
        %parallel_loop3A_610 = arith.mulf %parallel_loop3A_604, %parallel_loop3A_609 : vector<16xf32>
        %parallel_loop3A_611 = arith.addf %parallel_loop3A_533, %parallel_loop3A_544 : vector<16xf32>
        %parallel_loop3A_612 = arith.addf %parallel_loop3A_555, %parallel_loop3A_566 : vector<16xf32>
        %parallel_loop3A_613 = arith.addf %parallel_loop3A_577, %parallel_loop3A_588 : vector<16xf32>
        %parallel_loop3A_614 = arith.addf %parallel_loop3A_599, %parallel_loop3A_610 : vector<16xf32>
        %parallel_loop3A_615 = arith.addf %parallel_loop3A_611, %parallel_loop3A_612 : vector<16xf32>
        %parallel_loop3A_616 = arith.addf %parallel_loop3A_613, %parallel_loop3A_614 : vector<16xf32>
        %parallel_loop3A_617 = arith.addf %parallel_loop3A_615, %parallel_loop3A_616 : vector<16xf32>
        %parallel_loop3A_618 = arith.constant 48 : i32
        %parallel_loop3A_619 = arith.addi %parallel_loop3A_209, %parallel_loop3A_618 : i32
        %parallel_loop3A_620 = arith.index_cast %parallel_loop3A_619 : i32 to index
        %parallel_loop3A_621 = tpu.vector_load %arg15[%parallel_loop3A_620] {strides = array<i32>} : memref<1024xf32, #tpu.memory_space<vmem>>, vector<16xf32>,
        tpu.vector_store %arg15[%parallel_loop3A_620], %parallel_loop3A_617 {strides = array<i32>} : memref<1024xf32, #tpu.memory_space<vmem>>, vector<16xf32>,
        %parallel_loop3A_622 = arith.constant 16 : i32
        %parallel_loop3A_623 = arith.muli %parallel_loop3A_207, %parallel_loop3A_622 : i32
        %parallel_loop3A_624 = arith.constant 4 : i32
        %parallel_loop3A_625 = arith.addi %parallel_loop3A_623, %parallel_loop3A_624 : i32
        %parallel_loop3A_626 = arith.constant 1 : i32
        %parallel_loop3A_627 = arith.index_cast %parallel_loop3A_626 : i32 to index
        %parallel_loop3A_628 = arith.index_cast %parallel_loop3A_625 : i32 to index
        %parallel_loop3A_629 = arith.constant 0 : index
        %parallel_loop3A_630 = tpu.vector_load %arg11[%parallel_loop3A_627, %parallel_loop3A_628, %parallel_loop3A_629] {strides = array<i32>} : memref<2x64x128xf32, #tpu.memory_space<vmem>>, vector<16xf32>,
        %parallel_loop3A_631 = arith.constant 1 : i32
        %parallel_loop3A_632 = arith.index_cast %parallel_loop3A_631 : i32 to index
        %parallel_loop3A_633 = arith.index_cast %parallel_loop3A_625 : i32 to index
        %parallel_loop3A_634 = arith.constant 0 : index
        %parallel_loop3A_635 = tpu.vector_load %arg12[%parallel_loop3A_632, %parallel_loop3A_633, %parallel_loop3A_634] {strides = array<i32>} : memref<2x64x128xf32, #tpu.memory_space<vmem>>, vector<16xf32>,
        %parallel_loop3A_636 = arith.mulf %parallel_loop3A_630, %parallel_loop3A_635 : vector<16xf32>
        %parallel_loop3A_637 = arith.constant 1 : i32
        %parallel_loop3A_638 = arith.index_cast %parallel_loop3A_637 : i32 to index
        %parallel_loop3A_639 = arith.index_cast %parallel_loop3A_625 : i32 to index
        %parallel_loop3A_640 = arith.constant 16 : index
        %parallel_loop3A_641 = tpu.vector_load %arg11[%parallel_loop3A_638, %parallel_loop3A_639, %parallel_loop3A_640] {strides = array<i32>} : memref<2x64x128xf32, #tpu.memory_space<vmem>>, vector<16xf32>,
        %parallel_loop3A_642 = arith.constant 1 : i32
        %parallel_loop3A_643 = arith.index_cast %parallel_loop3A_642 : i32 to index
        %parallel_loop3A_644 = arith.index_cast %parallel_loop3A_625 : i32 to index
        %parallel_loop3A_645 = arith.constant 16 : index
        %parallel_loop3A_646 = tpu.vector_load %arg12[%parallel_loop3A_643, %parallel_loop3A_644, %parallel_loop3A_645] {strides = array<i32>} : memref<2x64x128xf32, #tpu.memory_space<vmem>>, vector<16xf32>,
        %parallel_loop3A_647 = arith.mulf %parallel_loop3A_641, %parallel_loop3A_646 : vector<16xf32>
        %parallel_loop3A_648 = arith.constant 1 : i32
        %parallel_loop3A_649 = arith.index_cast %parallel_loop3A_648 : i32 to index
        %parallel_loop3A_650 = arith.index_cast %parallel_loop3A_625 : i32 to index
        %parallel_loop3A_651 = arith.constant 32 : index
        %parallel_loop3A_652 = tpu.vector_load %arg11[%parallel_loop3A_649, %parallel_loop3A_650, %parallel_loop3A_651] {strides = array<i32>} : memref<2x64x128xf32, #tpu.memory_space<vmem>>, vector<16xf32>,
        %parallel_loop3A_653 = arith.constant 1 : i32
        %parallel_loop3A_654 = arith.index_cast %parallel_loop3A_653 : i32 to index
        %parallel_loop3A_655 = arith.index_cast %parallel_loop3A_625 : i32 to index
        %parallel_loop3A_656 = arith.constant 32 : index
        %parallel_loop3A_657 = tpu.vector_load %arg12[%parallel_loop3A_654, %parallel_loop3A_655, %parallel_loop3A_656] {strides = array<i32>} : memref<2x64x128xf32, #tpu.memory_space<vmem>>, vector<16xf32>,
        %parallel_loop3A_658 = arith.mulf %parallel_loop3A_652, %parallel_loop3A_657 : vector<16xf32>
        %parallel_loop3A_659 = arith.constant 1 : i32
        %parallel_loop3A_660 = arith.index_cast %parallel_loop3A_659 : i32 to index
        %parallel_loop3A_661 = arith.index_cast %parallel_loop3A_625 : i32 to index
        %parallel_loop3A_662 = arith.constant 48 : index
        %parallel_loop3A_663 = tpu.vector_load %arg11[%parallel_loop3A_660, %parallel_loop3A_661, %parallel_loop3A_662] {strides = array<i32>} : memref<2x64x128xf32, #tpu.memory_space<vmem>>, vector<16xf32>,
        %parallel_loop3A_664 = arith.constant 1 : i32
        %parallel_loop3A_665 = arith.index_cast %parallel_loop3A_664 : i32 to index
        %parallel_loop3A_666 = arith.index_cast %parallel_loop3A_625 : i32 to index
        %parallel_loop3A_667 = arith.constant 48 : index
        %parallel_loop3A_668 = tpu.vector_load %arg12[%parallel_loop3A_665, %parallel_loop3A_666, %parallel_loop3A_667] {strides = array<i32>} : memref<2x64x128xf32, #tpu.memory_space<vmem>>, vector<16xf32>,
        %parallel_loop3A_669 = arith.mulf %parallel_loop3A_663, %parallel_loop3A_668 : vector<16xf32>
        %parallel_loop3A_670 = arith.constant 1 : i32
        %parallel_loop3A_671 = arith.index_cast %parallel_loop3A_670 : i32 to index
        %parallel_loop3A_672 = arith.index_cast %parallel_loop3A_625 : i32 to index
        %parallel_loop3A_673 = arith.constant 64 : index
        %parallel_loop3A_674 = tpu.vector_load %arg11[%parallel_loop3A_671, %parallel_loop3A_672, %parallel_loop3A_673] {strides = array<i32>} : memref<2x64x128xf32, #tpu.memory_space<vmem>>, vector<16xf32>,
        %parallel_loop3A_675 = arith.constant 1 : i32
        %parallel_loop3A_676 = arith.index_cast %parallel_loop3A_675 : i32 to index
        %parallel_loop3A_677 = arith.index_cast %parallel_loop3A_625 : i32 to index
        %parallel_loop3A_678 = arith.constant 64 : index
        %parallel_loop3A_679 = tpu.vector_load %arg12[%parallel_loop3A_676, %parallel_loop3A_677, %parallel_loop3A_678] {strides = array<i32>} : memref<2x64x128xf32, #tpu.memory_space<vmem>>, vector<16xf32>,
        %parallel_loop3A_680 = arith.mulf %parallel_loop3A_674, %parallel_loop3A_679 : vector<16xf32>
        %parallel_loop3A_681 = arith.constant 1 : i32
        %parallel_loop3A_682 = arith.index_cast %parallel_loop3A_681 : i32 to index
        %parallel_loop3A_683 = arith.index_cast %parallel_loop3A_625 : i32 to index
        %parallel_loop3A_684 = arith.constant 80 : index
        %parallel_loop3A_685 = tpu.vector_load %arg11[%parallel_loop3A_682, %parallel_loop3A_683, %parallel_loop3A_684] {strides = array<i32>} : memref<2x64x128xf32, #tpu.memory_space<vmem>>, vector<16xf32>,
        %parallel_loop3A_686 = arith.constant 1 : i32
        %parallel_loop3A_687 = arith.index_cast %parallel_loop3A_686 : i32 to index
        %parallel_loop3A_688 = arith.index_cast %parallel_loop3A_625 : i32 to index
        %parallel_loop3A_689 = arith.constant 80 : index
        %parallel_loop3A_690 = tpu.vector_load %arg12[%parallel_loop3A_687, %parallel_loop3A_688, %parallel_loop3A_689] {strides = array<i32>} : memref<2x64x128xf32, #tpu.memory_space<vmem>>, vector<16xf32>,
        %parallel_loop3A_691 = arith.mulf %parallel_loop3A_685, %parallel_loop3A_690 : vector<16xf32>
        %parallel_loop3A_692 = arith.constant 1 : i32
        %parallel_loop3A_693 = arith.index_cast %parallel_loop3A_692 : i32 to index
        %parallel_loop3A_694 = arith.index_cast %parallel_loop3A_625 : i32 to index
        %parallel_loop3A_695 = arith.constant 96 : index
        %parallel_loop3A_696 = tpu.vector_load %arg11[%parallel_loop3A_693, %parallel_loop3A_694, %parallel_loop3A_695] {strides = array<i32>} : memref<2x64x128xf32, #tpu.memory_space<vmem>>, vector<16xf32>,
        %parallel_loop3A_697 = arith.constant 1 : i32
        %parallel_loop3A_698 = arith.index_cast %parallel_loop3A_697 : i32 to index
        %parallel_loop3A_699 = arith.index_cast %parallel_loop3A_625 : i32 to index
        %parallel_loop3A_700 = arith.constant 96 : index
        %parallel_loop3A_701 = tpu.vector_load %arg12[%parallel_loop3A_698, %parallel_loop3A_699, %parallel_loop3A_700] {strides = array<i32>} : memref<2x64x128xf32, #tpu.memory_space<vmem>>, vector<16xf32>,
        %parallel_loop3A_702 = arith.mulf %parallel_loop3A_696, %parallel_loop3A_701 : vector<16xf32>
        %parallel_loop3A_703 = arith.constant 1 : i32
        %parallel_loop3A_704 = arith.index_cast %parallel_loop3A_703 : i32 to index
        %parallel_loop3A_705 = arith.index_cast %parallel_loop3A_625 : i32 to index
        %parallel_loop3A_706 = arith.constant 112 : index
        %parallel_loop3A_707 = tpu.vector_load %arg11[%parallel_loop3A_704, %parallel_loop3A_705, %parallel_loop3A_706] {strides = array<i32>} : memref<2x64x128xf32, #tpu.memory_space<vmem>>, vector<16xf32>,
        %parallel_loop3A_708 = arith.constant 1 : i32
        %parallel_loop3A_709 = arith.index_cast %parallel_loop3A_708 : i32 to index
        %parallel_loop3A_710 = arith.index_cast %parallel_loop3A_625 : i32 to index
        %parallel_loop3A_711 = arith.constant 112 : index
        %parallel_loop3A_712 = tpu.vector_load %arg12[%parallel_loop3A_709, %parallel_loop3A_710, %parallel_loop3A_711] {strides = array<i32>} : memref<2x64x128xf32, #tpu.memory_space<vmem>>, vector<16xf32>,
        %parallel_loop3A_713 = arith.mulf %parallel_loop3A_707, %parallel_loop3A_712 : vector<16xf32>
        %parallel_loop3A_714 = arith.addf %parallel_loop3A_636, %parallel_loop3A_647 : vector<16xf32>
        %parallel_loop3A_715 = arith.addf %parallel_loop3A_658, %parallel_loop3A_669 : vector<16xf32>
        %parallel_loop3A_716 = arith.addf %parallel_loop3A_680, %parallel_loop3A_691 : vector<16xf32>
        %parallel_loop3A_717 = arith.addf %parallel_loop3A_702, %parallel_loop3A_713 : vector<16xf32>
        %parallel_loop3A_718 = arith.addf %parallel_loop3A_714, %parallel_loop3A_715 : vector<16xf32>
        %parallel_loop3A_719 = arith.addf %parallel_loop3A_716, %parallel_loop3A_717 : vector<16xf32>
        %parallel_loop3A_720 = arith.addf %parallel_loop3A_718, %parallel_loop3A_719 : vector<16xf32>
        %parallel_loop3A_721 = arith.constant 64 : i32
        %parallel_loop3A_722 = arith.addi %parallel_loop3A_209, %parallel_loop3A_721 : i32
        %parallel_loop3A_723 = arith.index_cast %parallel_loop3A_722 : i32 to index
        %parallel_loop3A_724 = tpu.vector_load %arg15[%parallel_loop3A_723] {strides = array<i32>} : memref<1024xf32, #tpu.memory_space<vmem>>, vector<16xf32>,
        tpu.vector_store %arg15[%parallel_loop3A_723], %parallel_loop3A_720 {strides = array<i32>} : memref<1024xf32, #tpu.memory_space<vmem>>, vector<16xf32>,
        %parallel_loop3A_725 = arith.constant 16 : i32
        %parallel_loop3A_726 = arith.muli %parallel_loop3A_207, %parallel_loop3A_725 : i32
        %parallel_loop3A_727 = arith.constant 5 : i32
        %parallel_loop3A_728 = arith.addi %parallel_loop3A_726, %parallel_loop3A_727 : i32
        %parallel_loop3A_729 = arith.constant 1 : i32
        %parallel_loop3A_730 = arith.index_cast %parallel_loop3A_729 : i32 to index
        %parallel_loop3A_731 = arith.index_cast %parallel_loop3A_728 : i32 to index
        %parallel_loop3A_732 = arith.constant 0 : index
        %parallel_loop3A_733 = tpu.vector_load %arg11[%parallel_loop3A_730, %parallel_loop3A_731, %parallel_loop3A_732] {strides = array<i32>} : memref<2x64x128xf32, #tpu.memory_space<vmem>>, vector<16xf32>,
        %parallel_loop3A_734 = arith.constant 1 : i32
        %parallel_loop3A_735 = arith.index_cast %parallel_loop3A_734 : i32 to index
        %parallel_loop3A_736 = arith.index_cast %parallel_loop3A_728 : i32 to index
        %parallel_loop3A_737 = arith.constant 0 : index
        %parallel_loop3A_738 = tpu.vector_load %arg12[%parallel_loop3A_735, %parallel_loop3A_736, %parallel_loop3A_737] {strides = array<i32>} : memref<2x64x128xf32, #tpu.memory_space<vmem>>, vector<16xf32>,
        %parallel_loop3A_739 = arith.mulf %parallel_loop3A_733, %parallel_loop3A_738 : vector<16xf32>
        %parallel_loop3A_740 = arith.constant 1 : i32
        %parallel_loop3A_741 = arith.index_cast %parallel_loop3A_740 : i32 to index
        %parallel_loop3A_742 = arith.index_cast %parallel_loop3A_728 : i32 to index
        %parallel_loop3A_743 = arith.constant 16 : index
        %parallel_loop3A_744 = tpu.vector_load %arg11[%parallel_loop3A_741, %parallel_loop3A_742, %parallel_loop3A_743] {strides = array<i32>} : memref<2x64x128xf32, #tpu.memory_space<vmem>>, vector<16xf32>,
        %parallel_loop3A_745 = arith.constant 1 : i32
        %parallel_loop3A_746 = arith.index_cast %parallel_loop3A_745 : i32 to index
        %parallel_loop3A_747 = arith.index_cast %parallel_loop3A_728 : i32 to index
        %parallel_loop3A_748 = arith.constant 16 : index
        %parallel_loop3A_749 = tpu.vector_load %arg12[%parallel_loop3A_746, %parallel_loop3A_747, %parallel_loop3A_748] {strides = array<i32>} : memref<2x64x128xf32, #tpu.memory_space<vmem>>, vector<16xf32>,
        %parallel_loop3A_750 = arith.mulf %parallel_loop3A_744, %parallel_loop3A_749 : vector<16xf32>
        %parallel_loop3A_751 = arith.constant 1 : i32
        %parallel_loop3A_752 = arith.index_cast %parallel_loop3A_751 : i32 to index
        %parallel_loop3A_753 = arith.index_cast %parallel_loop3A_728 : i32 to index
        %parallel_loop3A_754 = arith.constant 32 : index
        %parallel_loop3A_755 = tpu.vector_load %arg11[%parallel_loop3A_752, %parallel_loop3A_753, %parallel_loop3A_754] {strides = array<i32>} : memref<2x64x128xf32, #tpu.memory_space<vmem>>, vector<16xf32>,
        %parallel_loop3A_756 = arith.constant 1 : i32
        %parallel_loop3A_757 = arith.index_cast %parallel_loop3A_756 : i32 to index
        %parallel_loop3A_758 = arith.index_cast %parallel_loop3A_728 : i32 to index
        %parallel_loop3A_759 = arith.constant 32 : index
        %parallel_loop3A_760 = tpu.vector_load %arg12[%parallel_loop3A_757, %parallel_loop3A_758, %parallel_loop3A_759] {strides = array<i32>} : memref<2x64x128xf32, #tpu.memory_space<vmem>>, vector<16xf32>,
        %parallel_loop3A_761 = arith.mulf %parallel_loop3A_755, %parallel_loop3A_760 : vector<16xf32>
        %parallel_loop3A_762 = arith.constant 1 : i32
        %parallel_loop3A_763 = arith.index_cast %parallel_loop3A_762 : i32 to index
        %parallel_loop3A_764 = arith.index_cast %parallel_loop3A_728 : i32 to index
        %parallel_loop3A_765 = arith.constant 48 : index
        %parallel_loop3A_766 = tpu.vector_load %arg11[%parallel_loop3A_763, %parallel_loop3A_764, %parallel_loop3A_765] {strides = array<i32>} : memref<2x64x128xf32, #tpu.memory_space<vmem>>, vector<16xf32>,
        %parallel_loop3A_767 = arith.constant 1 : i32
        %parallel_loop3A_768 = arith.index_cast %parallel_loop3A_767 : i32 to index
        %parallel_loop3A_769 = arith.index_cast %parallel_loop3A_728 : i32 to index
        %parallel_loop3A_770 = arith.constant 48 : index
        %parallel_loop3A_771 = tpu.vector_load %arg12[%parallel_loop3A_768, %parallel_loop3A_769, %parallel_loop3A_770] {strides = array<i32>} : memref<2x64x128xf32, #tpu.memory_space<vmem>>, vector<16xf32>,
        %parallel_loop3A_772 = arith.mulf %parallel_loop3A_766, %parallel_loop3A_771 : vector<16xf32>
        %parallel_loop3A_773 = arith.constant 1 : i32
        %parallel_loop3A_774 = arith.index_cast %parallel_loop3A_773 : i32 to index
        %parallel_loop3A_775 = arith.index_cast %parallel_loop3A_728 : i32 to index
        %parallel_loop3A_776 = arith.constant 64 : index
        %parallel_loop3A_777 = tpu.vector_load %arg11[%parallel_loop3A_774, %parallel_loop3A_775, %parallel_loop3A_776] {strides = array<i32>} : memref<2x64x128xf32, #tpu.memory_space<vmem>>, vector<16xf32>,
        %parallel_loop3A_778 = arith.constant 1 : i32
        %parallel_loop3A_779 = arith.index_cast %parallel_loop3A_778 : i32 to index
        %parallel_loop3A_780 = arith.index_cast %parallel_loop3A_728 : i32 to index
        %parallel_loop3A_781 = arith.constant 64 : index
        %parallel_loop3A_782 = tpu.vector_load %arg12[%parallel_loop3A_779, %parallel_loop3A_780, %parallel_loop3A_781] {strides = array<i32>} : memref<2x64x128xf32, #tpu.memory_space<vmem>>, vector<16xf32>,
        %parallel_loop3A_783 = arith.mulf %parallel_loop3A_777, %parallel_loop3A_782 : vector<16xf32>
        %parallel_loop3A_784 = arith.constant 1 : i32
        %parallel_loop3A_785 = arith.index_cast %parallel_loop3A_784 : i32 to index
        %parallel_loop3A_786 = arith.index_cast %parallel_loop3A_728 : i32 to index
        %parallel_loop3A_787 = arith.constant 80 : index
        %parallel_loop3A_788 = tpu.vector_load %arg11[%parallel_loop3A_785, %parallel_loop3A_786, %parallel_loop3A_787] {strides = array<i32>} : memref<2x64x128xf32, #tpu.memory_space<vmem>>, vector<16xf32>,
        %parallel_loop3A_789 = arith.constant 1 : i32
        %parallel_loop3A_790 = arith.index_cast %parallel_loop3A_789 : i32 to index
        %parallel_loop3A_791 = arith.index_cast %parallel_loop3A_728 : i32 to index
        %parallel_loop3A_792 = arith.constant 80 : index
        %parallel_loop3A_793 = tpu.vector_load %arg12[%parallel_loop3A_790, %parallel_loop3A_791, %parallel_loop3A_792] {strides = array<i32>} : memref<2x64x128xf32, #tpu.memory_space<vmem>>, vector<16xf32>,
        %parallel_loop3A_794 = arith.mulf %parallel_loop3A_788, %parallel_loop3A_793 : vector<16xf32>
        %parallel_loop3A_795 = arith.constant 1 : i32
        %parallel_loop3A_796 = arith.index_cast %parallel_loop3A_795 : i32 to index
        %parallel_loop3A_797 = arith.index_cast %parallel_loop3A_728 : i32 to index
        %parallel_loop3A_798 = arith.constant 96 : index
        %parallel_loop3A_799 = tpu.vector_load %arg11[%parallel_loop3A_796, %parallel_loop3A_797, %parallel_loop3A_798] {strides = array<i32>} : memref<2x64x128xf32, #tpu.memory_space<vmem>>, vector<16xf32>,
        %parallel_loop3A_800 = arith.constant 1 : i32
        %parallel_loop3A_801 = arith.index_cast %parallel_loop3A_800 : i32 to index
        %parallel_loop3A_802 = arith.index_cast %parallel_loop3A_728 : i32 to index
        %parallel_loop3A_803 = arith.constant 96 : index
        %parallel_loop3A_804 = tpu.vector_load %arg12[%parallel_loop3A_801, %parallel_loop3A_802, %parallel_loop3A_803] {strides = array<i32>} : memref<2x64x128xf32, #tpu.memory_space<vmem>>, vector<16xf32>,
        %parallel_loop3A_805 = arith.mulf %parallel_loop3A_799, %parallel_loop3A_804 : vector<16xf32>
        %parallel_loop3A_806 = arith.constant 1 : i32
        %parallel_loop3A_807 = arith.index_cast %parallel_loop3A_806 : i32 to index
        %parallel_loop3A_808 = arith.index_cast %parallel_loop3A_728 : i32 to index
        %parallel_loop3A_809 = arith.constant 112 : index
        %parallel_loop3A_810 = tpu.vector_load %arg11[%parallel_loop3A_807, %parallel_loop3A_808, %parallel_loop3A_809] {strides = array<i32>} : memref<2x64x128xf32, #tpu.memory_space<vmem>>, vector<16xf32>,
        %parallel_loop3A_811 = arith.constant 1 : i32
        %parallel_loop3A_812 = arith.index_cast %parallel_loop3A_811 : i32 to index
        %parallel_loop3A_813 = arith.index_cast %parallel_loop3A_728 : i32 to index
        %parallel_loop3A_814 = arith.constant 112 : index
        %parallel_loop3A_815 = tpu.vector_load %arg12[%parallel_loop3A_812, %parallel_loop3A_813, %parallel_loop3A_814] {strides = array<i32>} : memref<2x64x128xf32, #tpu.memory_space<vmem>>, vector<16xf32>,
        %parallel_loop3A_816 = arith.mulf %parallel_loop3A_810, %parallel_loop3A_815 : vector<16xf32>
        %parallel_loop3A_817 = arith.addf %parallel_loop3A_739, %parallel_loop3A_750 : vector<16xf32>
        %parallel_loop3A_818 = arith.addf %parallel_loop3A_761, %parallel_loop3A_772 : vector<16xf32>
        %parallel_loop3A_819 = arith.addf %parallel_loop3A_783, %parallel_loop3A_794 : vector<16xf32>
        %parallel_loop3A_820 = arith.addf %parallel_loop3A_805, %parallel_loop3A_816 : vector<16xf32>
        %parallel_loop3A_821 = arith.addf %parallel_loop3A_817, %parallel_loop3A_818 : vector<16xf32>
        %parallel_loop3A_822 = arith.addf %parallel_loop3A_819, %parallel_loop3A_820 : vector<16xf32>
        %parallel_loop3A_823 = arith.addf %parallel_loop3A_821, %parallel_loop3A_822 : vector<16xf32>
        %parallel_loop3A_824 = arith.constant 80 : i32
        %parallel_loop3A_825 = arith.addi %parallel_loop3A_209, %parallel_loop3A_824 : i32
        %parallel_loop3A_826 = arith.index_cast %parallel_loop3A_825 : i32 to index
        %parallel_loop3A_827 = tpu.vector_load %arg15[%parallel_loop3A_826] {strides = array<i32>} : memref<1024xf32, #tpu.memory_space<vmem>>, vector<16xf32>,
        tpu.vector_store %arg15[%parallel_loop3A_826], %parallel_loop3A_823 {strides = array<i32>} : memref<1024xf32, #tpu.memory_space<vmem>>, vector<16xf32>,
        %parallel_loop3A_828 = arith.constant 16 : i32
        %parallel_loop3A_829 = arith.muli %parallel_loop3A_207, %parallel_loop3A_828 : i32
        %parallel_loop3A_830 = arith.constant 6 : i32
        %parallel_loop3A_831 = arith.addi %parallel_loop3A_829, %parallel_loop3A_830 : i32
        %parallel_loop3A_832 = arith.constant 1 : i32
        %parallel_loop3A_833 = arith.index_cast %parallel_loop3A_832 : i32 to index
        %parallel_loop3A_834 = arith.index_cast %parallel_loop3A_831 : i32 to index
        %parallel_loop3A_835 = arith.constant 0 : index
        %parallel_loop3A_836 = tpu.vector_load %arg11[%parallel_loop3A_833, %parallel_loop3A_834, %parallel_loop3A_835] {strides = array<i32>} : memref<2x64x128xf32, #tpu.memory_space<vmem>>, vector<16xf32>,
        %parallel_loop3A_837 = arith.constant 1 : i32
        %parallel_loop3A_838 = arith.index_cast %parallel_loop3A_837 : i32 to index
        %parallel_loop3A_839 = arith.index_cast %parallel_loop3A_831 : i32 to index
        %parallel_loop3A_840 = arith.constant 0 : index
        %parallel_loop3A_841 = tpu.vector_load %arg12[%parallel_loop3A_838, %parallel_loop3A_839, %parallel_loop3A_840] {strides = array<i32>} : memref<2x64x128xf32, #tpu.memory_space<vmem>>, vector<16xf32>,
        %parallel_loop3A_842 = arith.mulf %parallel_loop3A_836, %parallel_loop3A_841 : vector<16xf32>
        %parallel_loop3A_843 = arith.constant 1 : i32
        %parallel_loop3A_844 = arith.index_cast %parallel_loop3A_843 : i32 to index
        %parallel_loop3A_845 = arith.index_cast %parallel_loop3A_831 : i32 to index
        %parallel_loop3A_846 = arith.constant 16 : index
        %parallel_loop3A_847 = tpu.vector_load %arg11[%parallel_loop3A_844, %parallel_loop3A_845, %parallel_loop3A_846] {strides = array<i32>} : memref<2x64x128xf32, #tpu.memory_space<vmem>>, vector<16xf32>,
        %parallel_loop3A_848 = arith.constant 1 : i32
        %parallel_loop3A_849 = arith.index_cast %parallel_loop3A_848 : i32 to index
        %parallel_loop3A_850 = arith.index_cast %parallel_loop3A_831 : i32 to index
        %parallel_loop3A_851 = arith.constant 16 : index
        %parallel_loop3A_852 = tpu.vector_load %arg12[%parallel_loop3A_849, %parallel_loop3A_850, %parallel_loop3A_851] {strides = array<i32>} : memref<2x64x128xf32, #tpu.memory_space<vmem>>, vector<16xf32>,
        %parallel_loop3A_853 = arith.mulf %parallel_loop3A_847, %parallel_loop3A_852 : vector<16xf32>
        %parallel_loop3A_854 = arith.constant 1 : i32
        %parallel_loop3A_855 = arith.index_cast %parallel_loop3A_854 : i32 to index
        %parallel_loop3A_856 = arith.index_cast %parallel_loop3A_831 : i32 to index
        %parallel_loop3A_857 = arith.constant 32 : index
        %parallel_loop3A_858 = tpu.vector_load %arg11[%parallel_loop3A_855, %parallel_loop3A_856, %parallel_loop3A_857] {strides = array<i32>} : memref<2x64x128xf32, #tpu.memory_space<vmem>>, vector<16xf32>,
        %parallel_loop3A_859 = arith.constant 1 : i32
        %parallel_loop3A_860 = arith.index_cast %parallel_loop3A_859 : i32 to index
        %parallel_loop3A_861 = arith.index_cast %parallel_loop3A_831 : i32 to index
        %parallel_loop3A_862 = arith.constant 32 : index
        %parallel_loop3A_863 = tpu.vector_load %arg12[%parallel_loop3A_860, %parallel_loop3A_861, %parallel_loop3A_862] {strides = array<i32>} : memref<2x64x128xf32, #tpu.memory_space<vmem>>, vector<16xf32>,
        %parallel_loop3A_864 = arith.mulf %parallel_loop3A_858, %parallel_loop3A_863 : vector<16xf32>
        %parallel_loop3A_865 = arith.constant 1 : i32
        %parallel_loop3A_866 = arith.index_cast %parallel_loop3A_865 : i32 to index
        %parallel_loop3A_867 = arith.index_cast %parallel_loop3A_831 : i32 to index
        %parallel_loop3A_868 = arith.constant 48 : index
        %parallel_loop3A_869 = tpu.vector_load %arg11[%parallel_loop3A_866, %parallel_loop3A_867, %parallel_loop3A_868] {strides = array<i32>} : memref<2x64x128xf32, #tpu.memory_space<vmem>>, vector<16xf32>,
        %parallel_loop3A_870 = arith.constant 1 : i32
        %parallel_loop3A_871 = arith.index_cast %parallel_loop3A_870 : i32 to index
        %parallel_loop3A_872 = arith.index_cast %parallel_loop3A_831 : i32 to index
        %parallel_loop3A_873 = arith.constant 48 : index
        %parallel_loop3A_874 = tpu.vector_load %arg12[%parallel_loop3A_871, %parallel_loop3A_872, %parallel_loop3A_873] {strides = array<i32>} : memref<2x64x128xf32, #tpu.memory_space<vmem>>, vector<16xf32>,
        %parallel_loop3A_875 = arith.mulf %parallel_loop3A_869, %parallel_loop3A_874 : vector<16xf32>
        %parallel_loop3A_876 = arith.constant 1 : i32
        %parallel_loop3A_877 = arith.index_cast %parallel_loop3A_876 : i32 to index
        %parallel_loop3A_878 = arith.index_cast %parallel_loop3A_831 : i32 to index
        %parallel_loop3A_879 = arith.constant 64 : index
        %parallel_loop3A_880 = tpu.vector_load %arg11[%parallel_loop3A_877, %parallel_loop3A_878, %parallel_loop3A_879] {strides = array<i32>} : memref<2x64x128xf32, #tpu.memory_space<vmem>>, vector<16xf32>,
        %parallel_loop3A_881 = arith.constant 1 : i32
        %parallel_loop3A_882 = arith.index_cast %parallel_loop3A_881 : i32 to index
        %parallel_loop3A_883 = arith.index_cast %parallel_loop3A_831 : i32 to index
        %parallel_loop3A_884 = arith.constant 64 : index
        %parallel_loop3A_885 = tpu.vector_load %arg12[%parallel_loop3A_882, %parallel_loop3A_883, %parallel_loop3A_884] {strides = array<i32>} : memref<2x64x128xf32, #tpu.memory_space<vmem>>, vector<16xf32>,
        %parallel_loop3A_886 = arith.mulf %parallel_loop3A_880, %parallel_loop3A_885 : vector<16xf32>
        %parallel_loop3A_887 = arith.constant 1 : i32
        %parallel_loop3A_888 = arith.index_cast %parallel_loop3A_887 : i32 to index
        %parallel_loop3A_889 = arith.index_cast %parallel_loop3A_831 : i32 to index
        %parallel_loop3A_890 = arith.constant 80 : index
        %parallel_loop3A_891 = tpu.vector_load %arg11[%parallel_loop3A_888, %parallel_loop3A_889, %parallel_loop3A_890] {strides = array<i32>} : memref<2x64x128xf32, #tpu.memory_space<vmem>>, vector<16xf32>,
        %parallel_loop3A_892 = arith.constant 1 : i32
        %parallel_loop3A_893 = arith.index_cast %parallel_loop3A_892 : i32 to index
        %parallel_loop3A_894 = arith.index_cast %parallel_loop3A_831 : i32 to index
        %parallel_loop3A_895 = arith.constant 80 : index
        %parallel_loop3A_896 = tpu.vector_load %arg12[%parallel_loop3A_893, %parallel_loop3A_894, %parallel_loop3A_895] {strides = array<i32>} : memref<2x64x128xf32, #tpu.memory_space<vmem>>, vector<16xf32>,
        %parallel_loop3A_897 = arith.mulf %parallel_loop3A_891, %parallel_loop3A_896 : vector<16xf32>
        %parallel_loop3A_898 = arith.constant 1 : i32
        %parallel_loop3A_899 = arith.index_cast %parallel_loop3A_898 : i32 to index
        %parallel_loop3A_900 = arith.index_cast %parallel_loop3A_831 : i32 to index
        %parallel_loop3A_901 = arith.constant 96 : index
        %parallel_loop3A_902 = tpu.vector_load %arg11[%parallel_loop3A_899, %parallel_loop3A_900, %parallel_loop3A_901] {strides = array<i32>} : memref<2x64x128xf32, #tpu.memory_space<vmem>>, vector<16xf32>,
        %parallel_loop3A_903 = arith.constant 1 : i32
        %parallel_loop3A_904 = arith.index_cast %parallel_loop3A_903 : i32 to index
        %parallel_loop3A_905 = arith.index_cast %parallel_loop3A_831 : i32 to index
        %parallel_loop3A_906 = arith.constant 96 : index
        %parallel_loop3A_907 = tpu.vector_load %arg12[%parallel_loop3A_904, %parallel_loop3A_905, %parallel_loop3A_906] {strides = array<i32>} : memref<2x64x128xf32, #tpu.memory_space<vmem>>, vector<16xf32>,
        %parallel_loop3A_908 = arith.mulf %parallel_loop3A_902, %parallel_loop3A_907 : vector<16xf32>
        %parallel_loop3A_909 = arith.constant 1 : i32
        %parallel_loop3A_910 = arith.index_cast %parallel_loop3A_909 : i32 to index
        %parallel_loop3A_911 = arith.index_cast %parallel_loop3A_831 : i32 to index
        %parallel_loop3A_912 = arith.constant 112 : index
        %parallel_loop3A_913 = tpu.vector_load %arg11[%parallel_loop3A_910, %parallel_loop3A_911, %parallel_loop3A_912] {strides = array<i32>} : memref<2x64x128xf32, #tpu.memory_space<vmem>>, vector<16xf32>,
        %parallel_loop3A_914 = arith.constant 1 : i32
        %parallel_loop3A_915 = arith.index_cast %parallel_loop3A_914 : i32 to index
        %parallel_loop3A_916 = arith.index_cast %parallel_loop3A_831 : i32 to index
        %parallel_loop3A_917 = arith.constant 112 : index
        %parallel_loop3A_918 = tpu.vector_load %arg12[%parallel_loop3A_915, %parallel_loop3A_916, %parallel_loop3A_917] {strides = array<i32>} : memref<2x64x128xf32, #tpu.memory_space<vmem>>, vector<16xf32>,
        %parallel_loop3A_919 = arith.mulf %parallel_loop3A_913, %parallel_loop3A_918 : vector<16xf32>
        %parallel_loop3A_920 = arith.addf %parallel_loop3A_842, %parallel_loop3A_853 : vector<16xf32>
        %parallel_loop3A_921 = arith.addf %parallel_loop3A_864, %parallel_loop3A_875 : vector<16xf32>
        %parallel_loop3A_922 = arith.addf %parallel_loop3A_886, %parallel_loop3A_897 : vector<16xf32>
        %parallel_loop3A_923 = arith.addf %parallel_loop3A_908, %parallel_loop3A_919 : vector<16xf32>
        %parallel_loop3A_924 = arith.addf %parallel_loop3A_920, %parallel_loop3A_921 : vector<16xf32>
        %parallel_loop3A_925 = arith.addf %parallel_loop3A_922, %parallel_loop3A_923 : vector<16xf32>
        %parallel_loop3A_926 = arith.addf %parallel_loop3A_924, %parallel_loop3A_925 : vector<16xf32>
        %parallel_loop3A_927 = arith.constant 96 : i32
        %parallel_loop3A_928 = arith.addi %parallel_loop3A_209, %parallel_loop3A_927 : i32
        %parallel_loop3A_929 = arith.index_cast %parallel_loop3A_928 : i32 to index
        %parallel_loop3A_930 = tpu.vector_load %arg15[%parallel_loop3A_929] {strides = array<i32>} : memref<1024xf32, #tpu.memory_space<vmem>>, vector<16xf32>,
        tpu.vector_store %arg15[%parallel_loop3A_929], %parallel_loop3A_926 {strides = array<i32>} : memref<1024xf32, #tpu.memory_space<vmem>>, vector<16xf32>,
        %parallel_loop3A_931 = arith.constant 16 : i32
        %parallel_loop3A_932 = arith.muli %parallel_loop3A_207, %parallel_loop3A_931 : i32
        %parallel_loop3A_933 = arith.constant 7 : i32
        %parallel_loop3A_934 = arith.addi %parallel_loop3A_932, %parallel_loop3A_933 : i32
        %parallel_loop3A_935 = arith.constant 1 : i32
        %parallel_loop3A_936 = arith.index_cast %parallel_loop3A_935 : i32 to index
        %parallel_loop3A_937 = arith.index_cast %parallel_loop3A_934 : i32 to index
        %parallel_loop3A_938 = arith.constant 0 : index
        %parallel_loop3A_939 = tpu.vector_load %arg11[%parallel_loop3A_936, %parallel_loop3A_937, %parallel_loop3A_938] {strides = array<i32>} : memref<2x64x128xf32, #tpu.memory_space<vmem>>, vector<16xf32>,
        %parallel_loop3A_940 = arith.constant 1 : i32
        %parallel_loop3A_941 = arith.index_cast %parallel_loop3A_940 : i32 to index
        %parallel_loop3A_942 = arith.index_cast %parallel_loop3A_934 : i32 to index
        %parallel_loop3A_943 = arith.constant 0 : index
        %parallel_loop3A_944 = tpu.vector_load %arg12[%parallel_loop3A_941, %parallel_loop3A_942, %parallel_loop3A_943] {strides = array<i32>} : memref<2x64x128xf32, #tpu.memory_space<vmem>>, vector<16xf32>,
        %parallel_loop3A_945 = arith.mulf %parallel_loop3A_939, %parallel_loop3A_944 : vector<16xf32>
        %parallel_loop3A_946 = arith.constant 1 : i32
        %parallel_loop3A_947 = arith.index_cast %parallel_loop3A_946 : i32 to index
        %parallel_loop3A_948 = arith.index_cast %parallel_loop3A_934 : i32 to index
        %parallel_loop3A_949 = arith.constant 16 : index
        %parallel_loop3A_950 = tpu.vector_load %arg11[%parallel_loop3A_947, %parallel_loop3A_948, %parallel_loop3A_949] {strides = array<i32>} : memref<2x64x128xf32, #tpu.memory_space<vmem>>, vector<16xf32>,
        %parallel_loop3A_951 = arith.constant 1 : i32
        %parallel_loop3A_952 = arith.index_cast %parallel_loop3A_951 : i32 to index
        %parallel_loop3A_953 = arith.index_cast %parallel_loop3A_934 : i32 to index
        %parallel_loop3A_954 = arith.constant 16 : index
        %parallel_loop3A_955 = tpu.vector_load %arg12[%parallel_loop3A_952, %parallel_loop3A_953, %parallel_loop3A_954] {strides = array<i32>} : memref<2x64x128xf32, #tpu.memory_space<vmem>>, vector<16xf32>,
        %parallel_loop3A_956 = arith.mulf %parallel_loop3A_950, %parallel_loop3A_955 : vector<16xf32>
        %parallel_loop3A_957 = arith.constant 1 : i32
        %parallel_loop3A_958 = arith.index_cast %parallel_loop3A_957 : i32 to index
        %parallel_loop3A_959 = arith.index_cast %parallel_loop3A_934 : i32 to index
        %parallel_loop3A_960 = arith.constant 32 : index
        %parallel_loop3A_961 = tpu.vector_load %arg11[%parallel_loop3A_958, %parallel_loop3A_959, %parallel_loop3A_960] {strides = array<i32>} : memref<2x64x128xf32, #tpu.memory_space<vmem>>, vector<16xf32>,
        %parallel_loop3A_962 = arith.constant 1 : i32
        %parallel_loop3A_963 = arith.index_cast %parallel_loop3A_962 : i32 to index
        %parallel_loop3A_964 = arith.index_cast %parallel_loop3A_934 : i32 to index
        %parallel_loop3A_965 = arith.constant 32 : index
        %parallel_loop3A_966 = tpu.vector_load %arg12[%parallel_loop3A_963, %parallel_loop3A_964, %parallel_loop3A_965] {strides = array<i32>} : memref<2x64x128xf32, #tpu.memory_space<vmem>>, vector<16xf32>,
        %parallel_loop3A_967 = arith.mulf %parallel_loop3A_961, %parallel_loop3A_966 : vector<16xf32>
        %parallel_loop3A_968 = arith.constant 1 : i32
        %parallel_loop3A_969 = arith.index_cast %parallel_loop3A_968 : i32 to index
        %parallel_loop3A_970 = arith.index_cast %parallel_loop3A_934 : i32 to index
        %parallel_loop3A_971 = arith.constant 48 : index
        %parallel_loop3A_972 = tpu.vector_load %arg11[%parallel_loop3A_969, %parallel_loop3A_970, %parallel_loop3A_971] {strides = array<i32>} : memref<2x64x128xf32, #tpu.memory_space<vmem>>, vector<16xf32>,
        %parallel_loop3A_973 = arith.constant 1 : i32
        %parallel_loop3A_974 = arith.index_cast %parallel_loop3A_973 : i32 to index
        %parallel_loop3A_975 = arith.index_cast %parallel_loop3A_934 : i32 to index
        %parallel_loop3A_976 = arith.constant 48 : index
        %parallel_loop3A_977 = tpu.vector_load %arg12[%parallel_loop3A_974, %parallel_loop3A_975, %parallel_loop3A_976] {strides = array<i32>} : memref<2x64x128xf32, #tpu.memory_space<vmem>>, vector<16xf32>,
        %parallel_loop3A_978 = arith.mulf %parallel_loop3A_972, %parallel_loop3A_977 : vector<16xf32>
        %parallel_loop3A_979 = arith.constant 1 : i32
        %parallel_loop3A_980 = arith.index_cast %parallel_loop3A_979 : i32 to index
        %parallel_loop3A_981 = arith.index_cast %parallel_loop3A_934 : i32 to index
        %parallel_loop3A_982 = arith.constant 64 : index
        %parallel_loop3A_983 = tpu.vector_load %arg11[%parallel_loop3A_980, %parallel_loop3A_981, %parallel_loop3A_982] {strides = array<i32>} : memref<2x64x128xf32, #tpu.memory_space<vmem>>, vector<16xf32>,
        %parallel_loop3A_984 = arith.constant 1 : i32
        %parallel_loop3A_985 = arith.index_cast %parallel_loop3A_984 : i32 to index
        %parallel_loop3A_986 = arith.index_cast %parallel_loop3A_934 : i32 to index
        %parallel_loop3A_987 = arith.constant 64 : index
        %parallel_loop3A_988 = tpu.vector_load %arg12[%parallel_loop3A_985, %parallel_loop3A_986, %parallel_loop3A_987] {strides = array<i32>} : memref<2x64x128xf32, #tpu.memory_space<vmem>>, vector<16xf32>,
        %parallel_loop3A_989 = arith.mulf %parallel_loop3A_983, %parallel_loop3A_988 : vector<16xf32>
        %parallel_loop3A_990 = arith.constant 1 : i32
        %parallel_loop3A_991 = arith.index_cast %parallel_loop3A_990 : i32 to index
        %parallel_loop3A_992 = arith.index_cast %parallel_loop3A_934 : i32 to index
        %parallel_loop3A_993 = arith.constant 80 : index
        %parallel_loop3A_994 = tpu.vector_load %arg11[%parallel_loop3A_991, %parallel_loop3A_992, %parallel_loop3A_993] {strides = array<i32>} : memref<2x64x128xf32, #tpu.memory_space<vmem>>, vector<16xf32>,
        %parallel_loop3A_995 = arith.constant 1 : i32
        %parallel_loop3A_996 = arith.index_cast %parallel_loop3A_995 : i32 to index
        %parallel_loop3A_997 = arith.index_cast %parallel_loop3A_934 : i32 to index
        %parallel_loop3A_998 = arith.constant 80 : index
        %parallel_loop3A_999 = tpu.vector_load %arg12[%parallel_loop3A_996, %parallel_loop3A_997, %parallel_loop3A_998] {strides = array<i32>} : memref<2x64x128xf32, #tpu.memory_space<vmem>>, vector<16xf32>,
        %parallel_loop3A_1000 = arith.mulf %parallel_loop3A_994, %parallel_loop3A_999 : vector<16xf32>
        %parallel_loop3A_1001 = arith.constant 1 : i32
        %parallel_loop3A_1002 = arith.index_cast %parallel_loop3A_1001 : i32 to index
        %parallel_loop3A_1003 = arith.index_cast %parallel_loop3A_934 : i32 to index
        %parallel_loop3A_1004 = arith.constant 96 : index
        %parallel_loop3A_1005 = tpu.vector_load %arg11[%parallel_loop3A_1002, %parallel_loop3A_1003, %parallel_loop3A_1004] {strides = array<i32>} : memref<2x64x128xf32, #tpu.memory_space<vmem>>, vector<16xf32>,
        %parallel_loop3A_1006 = arith.constant 1 : i32
        %parallel_loop3A_1007 = arith.index_cast %parallel_loop3A_1006 : i32 to index
        %parallel_loop3A_1008 = arith.index_cast %parallel_loop3A_934 : i32 to index
        %parallel_loop3A_1009 = arith.constant 96 : index
        %parallel_loop3A_1010 = tpu.vector_load %arg12[%parallel_loop3A_1007, %parallel_loop3A_1008, %parallel_loop3A_1009] {strides = array<i32>} : memref<2x64x128xf32, #tpu.memory_space<vmem>>, vector<16xf32>,
        %parallel_loop3A_1011 = arith.mulf %parallel_loop3A_1005, %parallel_loop3A_1010 : vector<16xf32>
        %parallel_loop3A_1012 = arith.constant 1 : i32
        %parallel_loop3A_1013 = arith.index_cast %parallel_loop3A_1012 : i32 to index
        %parallel_loop3A_1014 = arith.index_cast %parallel_loop3A_934 : i32 to index
        %parallel_loop3A_1015 = arith.constant 112 : index
        %parallel_loop3A_1016 = tpu.vector_load %arg11[%parallel_loop3A_1013, %parallel_loop3A_1014, %parallel_loop3A_1015] {strides = array<i32>} : memref<2x64x128xf32, #tpu.memory_space<vmem>>, vector<16xf32>,
        %parallel_loop3A_1017 = arith.constant 1 : i32
        %parallel_loop3A_1018 = arith.index_cast %parallel_loop3A_1017 : i32 to index
        %parallel_loop3A_1019 = arith.index_cast %parallel_loop3A_934 : i32 to index
        %parallel_loop3A_1020 = arith.constant 112 : index
        %parallel_loop3A_1021 = tpu.vector_load %arg12[%parallel_loop3A_1018, %parallel_loop3A_1019, %parallel_loop3A_1020] {strides = array<i32>} : memref<2x64x128xf32, #tpu.memory_space<vmem>>, vector<16xf32>,
        %parallel_loop3A_1022 = arith.mulf %parallel_loop3A_1016, %parallel_loop3A_1021 : vector<16xf32>
        %parallel_loop3A_1023 = arith.addf %parallel_loop3A_945, %parallel_loop3A_956 : vector<16xf32>
        %parallel_loop3A_1024 = arith.addf %parallel_loop3A_967, %parallel_loop3A_978 : vector<16xf32>
        %parallel_loop3A_1025 = arith.addf %parallel_loop3A_989, %parallel_loop3A_1000 : vector<16xf32>
        %parallel_loop3A_1026 = arith.addf %parallel_loop3A_1011, %parallel_loop3A_1022 : vector<16xf32>
        %parallel_loop3A_1027 = arith.addf %parallel_loop3A_1023, %parallel_loop3A_1024 : vector<16xf32>
        %parallel_loop3A_1028 = arith.addf %parallel_loop3A_1025, %parallel_loop3A_1026 : vector<16xf32>
        %parallel_loop3A_1029 = arith.addf %parallel_loop3A_1027, %parallel_loop3A_1028 : vector<16xf32>
        %parallel_loop3A_1030 = arith.constant 112 : i32
        %parallel_loop3A_1031 = arith.addi %parallel_loop3A_209, %parallel_loop3A_1030 : i32
        %parallel_loop3A_1032 = arith.index_cast %parallel_loop3A_1031 : i32 to index
        %parallel_loop3A_1033 = tpu.vector_load %arg15[%parallel_loop3A_1032] {strides = array<i32>} : memref<1024xf32, #tpu.memory_space<vmem>>, vector<16xf32>,
        tpu.vector_store %arg15[%parallel_loop3A_1032], %parallel_loop3A_1029 {strides = array<i32>} : memref<1024xf32, #tpu.memory_space<vmem>>, vector<16xf32>,
        %parallel_loop3A_1034 = arith.constant 16 : i32
        %parallel_loop3A_1035 = arith.muli %parallel_loop3A_207, %parallel_loop3A_1034 : i32
        %parallel_loop3A_1036 = arith.constant 8 : i32
        %parallel_loop3A_1037 = arith.addi %parallel_loop3A_1035, %parallel_loop3A_1036 : i32
        %parallel_loop3A_1038 = arith.constant 1 : i32
        %parallel_loop3A_1039 = arith.index_cast %parallel_loop3A_1038 : i32 to index
        %parallel_loop3A_1040 = arith.index_cast %parallel_loop3A_1037 : i32 to index
        %parallel_loop3A_1041 = arith.constant 0 : index
        %parallel_loop3A_1042 = tpu.vector_load %arg11[%parallel_loop3A_1039, %parallel_loop3A_1040, %parallel_loop3A_1041] {strides = array<i32>} : memref<2x64x128xf32, #tpu.memory_space<vmem>>, vector<16xf32>,
        %parallel_loop3A_1043 = arith.constant 1 : i32
        %parallel_loop3A_1044 = arith.index_cast %parallel_loop3A_1043 : i32 to index
        %parallel_loop3A_1045 = arith.index_cast %parallel_loop3A_1037 : i32 to index
        %parallel_loop3A_1046 = arith.constant 0 : index
        %parallel_loop3A_1047 = tpu.vector_load %arg12[%parallel_loop3A_1044, %parallel_loop3A_1045, %parallel_loop3A_1046] {strides = array<i32>} : memref<2x64x128xf32, #tpu.memory_space<vmem>>, vector<16xf32>,
        %parallel_loop3A_1048 = arith.mulf %parallel_loop3A_1042, %parallel_loop3A_1047 : vector<16xf32>
        %parallel_loop3A_1049 = arith.constant 1 : i32
        %parallel_loop3A_1050 = arith.index_cast %parallel_loop3A_1049 : i32 to index
        %parallel_loop3A_1051 = arith.index_cast %parallel_loop3A_1037 : i32 to index
        %parallel_loop3A_1052 = arith.constant 16 : index
        %parallel_loop3A_1053 = tpu.vector_load %arg11[%parallel_loop3A_1050, %parallel_loop3A_1051, %parallel_loop3A_1052] {strides = array<i32>} : memref<2x64x128xf32, #tpu.memory_space<vmem>>, vector<16xf32>,
        %parallel_loop3A_1054 = arith.constant 1 : i32
        %parallel_loop3A_1055 = arith.index_cast %parallel_loop3A_1054 : i32 to index
        %parallel_loop3A_1056 = arith.index_cast %parallel_loop3A_1037 : i32 to index
        %parallel_loop3A_1057 = arith.constant 16 : index
        %parallel_loop3A_1058 = tpu.vector_load %arg12[%parallel_loop3A_1055, %parallel_loop3A_1056, %parallel_loop3A_1057] {strides = array<i32>} : memref<2x64x128xf32, #tpu.memory_space<vmem>>, vector<16xf32>,
        %parallel_loop3A_1059 = arith.mulf %parallel_loop3A_1053, %parallel_loop3A_1058 : vector<16xf32>
        %parallel_loop3A_1060 = arith.constant 1 : i32
        %parallel_loop3A_1061 = arith.index_cast %parallel_loop3A_1060 : i32 to index
        %parallel_loop3A_1062 = arith.index_cast %parallel_loop3A_1037 : i32 to index
        %parallel_loop3A_1063 = arith.constant 32 : index
        %parallel_loop3A_1064 = tpu.vector_load %arg11[%parallel_loop3A_1061, %parallel_loop3A_1062, %parallel_loop3A_1063] {strides = array<i32>} : memref<2x64x128xf32, #tpu.memory_space<vmem>>, vector<16xf32>,
        %parallel_loop3A_1065 = arith.constant 1 : i32
        %parallel_loop3A_1066 = arith.index_cast %parallel_loop3A_1065 : i32 to index
        %parallel_loop3A_1067 = arith.index_cast %parallel_loop3A_1037 : i32 to index
        %parallel_loop3A_1068 = arith.constant 32 : index
        %parallel_loop3A_1069 = tpu.vector_load %arg12[%parallel_loop3A_1066, %parallel_loop3A_1067, %parallel_loop3A_1068] {strides = array<i32>} : memref<2x64x128xf32, #tpu.memory_space<vmem>>, vector<16xf32>,
        %parallel_loop3A_1070 = arith.mulf %parallel_loop3A_1064, %parallel_loop3A_1069 : vector<16xf32>
        %parallel_loop3A_1071 = arith.constant 1 : i32
        %parallel_loop3A_1072 = arith.index_cast %parallel_loop3A_1071 : i32 to index
        %parallel_loop3A_1073 = arith.index_cast %parallel_loop3A_1037 : i32 to index
        %parallel_loop3A_1074 = arith.constant 48 : index
        %parallel_loop3A_1075 = tpu.vector_load %arg11[%parallel_loop3A_1072, %parallel_loop3A_1073, %parallel_loop3A_1074] {strides = array<i32>} : memref<2x64x128xf32, #tpu.memory_space<vmem>>, vector<16xf32>,
        %parallel_loop3A_1076 = arith.constant 1 : i32
        %parallel_loop3A_1077 = arith.index_cast %parallel_loop3A_1076 : i32 to index
        %parallel_loop3A_1078 = arith.index_cast %parallel_loop3A_1037 : i32 to index
        %parallel_loop3A_1079 = arith.constant 48 : index
        %parallel_loop3A_1080 = tpu.vector_load %arg12[%parallel_loop3A_1077, %parallel_loop3A_1078, %parallel_loop3A_1079] {strides = array<i32>} : memref<2x64x128xf32, #tpu.memory_space<vmem>>, vector<16xf32>,
        %parallel_loop3A_1081 = arith.mulf %parallel_loop3A_1075, %parallel_loop3A_1080 : vector<16xf32>
        %parallel_loop3A_1082 = arith.constant 1 : i32
        %parallel_loop3A_1083 = arith.index_cast %parallel_loop3A_1082 : i32 to index
        %parallel_loop3A_1084 = arith.index_cast %parallel_loop3A_1037 : i32 to index
        %parallel_loop3A_1085 = arith.constant 64 : index
        %parallel_loop3A_1086 = tpu.vector_load %arg11[%parallel_loop3A_1083, %parallel_loop3A_1084, %parallel_loop3A_1085] {strides = array<i32>} : memref<2x64x128xf32, #tpu.memory_space<vmem>>, vector<16xf32>,
        %parallel_loop3A_1087 = arith.constant 1 : i32
        %parallel_loop3A_1088 = arith.index_cast %parallel_loop3A_1087 : i32 to index
        %parallel_loop3A_1089 = arith.index_cast %parallel_loop3A_1037 : i32 to index
        %parallel_loop3A_1090 = arith.constant 64 : index
        %parallel_loop3A_1091 = tpu.vector_load %arg12[%parallel_loop3A_1088, %parallel_loop3A_1089, %parallel_loop3A_1090] {strides = array<i32>} : memref<2x64x128xf32, #tpu.memory_space<vmem>>, vector<16xf32>,
        %parallel_loop3A_1092 = arith.mulf %parallel_loop3A_1086, %parallel_loop3A_1091 : vector<16xf32>
        %parallel_loop3A_1093 = arith.constant 1 : i32
        %parallel_loop3A_1094 = arith.index_cast %parallel_loop3A_1093 : i32 to index
        %parallel_loop3A_1095 = arith.index_cast %parallel_loop3A_1037 : i32 to index
        %parallel_loop3A_1096 = arith.constant 80 : index
        %parallel_loop3A_1097 = tpu.vector_load %arg11[%parallel_loop3A_1094, %parallel_loop3A_1095, %parallel_loop3A_1096] {strides = array<i32>} : memref<2x64x128xf32, #tpu.memory_space<vmem>>, vector<16xf32>,
        %parallel_loop3A_1098 = arith.constant 1 : i32
        %parallel_loop3A_1099 = arith.index_cast %parallel_loop3A_1098 : i32 to index
        %parallel_loop3A_1100 = arith.index_cast %parallel_loop3A_1037 : i32 to index
        %parallel_loop3A_1101 = arith.constant 80 : index
        %parallel_loop3A_1102 = tpu.vector_load %arg12[%parallel_loop3A_1099, %parallel_loop3A_1100, %parallel_loop3A_1101] {strides = array<i32>} : memref<2x64x128xf32, #tpu.memory_space<vmem>>, vector<16xf32>,
        %parallel_loop3A_1103 = arith.mulf %parallel_loop3A_1097, %parallel_loop3A_1102 : vector<16xf32>
        %parallel_loop3A_1104 = arith.constant 1 : i32
        %parallel_loop3A_1105 = arith.index_cast %parallel_loop3A_1104 : i32 to index
        %parallel_loop3A_1106 = arith.index_cast %parallel_loop3A_1037 : i32 to index
        %parallel_loop3A_1107 = arith.constant 96 : index
        %parallel_loop3A_1108 = tpu.vector_load %arg11[%parallel_loop3A_1105, %parallel_loop3A_1106, %parallel_loop3A_1107] {strides = array<i32>} : memref<2x64x128xf32, #tpu.memory_space<vmem>>, vector<16xf32>,
        %parallel_loop3A_1109 = arith.constant 1 : i32
        %parallel_loop3A_1110 = arith.index_cast %parallel_loop3A_1109 : i32 to index
        %parallel_loop3A_1111 = arith.index_cast %parallel_loop3A_1037 : i32 to index
        %parallel_loop3A_1112 = arith.constant 96 : index
        %parallel_loop3A_1113 = tpu.vector_load %arg12[%parallel_loop3A_1110, %parallel_loop3A_1111, %parallel_loop3A_1112] {strides = array<i32>} : memref<2x64x128xf32, #tpu.memory_space<vmem>>, vector<16xf32>,
        %parallel_loop3A_1114 = arith.mulf %parallel_loop3A_1108, %parallel_loop3A_1113 : vector<16xf32>
        %parallel_loop3A_1115 = arith.constant 1 : i32
        %parallel_loop3A_1116 = arith.index_cast %parallel_loop3A_1115 : i32 to index
        %parallel_loop3A_1117 = arith.index_cast %parallel_loop3A_1037 : i32 to index
        %parallel_loop3A_1118 = arith.constant 112 : index
        %parallel_loop3A_1119 = tpu.vector_load %arg11[%parallel_loop3A_1116, %parallel_loop3A_1117, %parallel_loop3A_1118] {strides = array<i32>} : memref<2x64x128xf32, #tpu.memory_space<vmem>>, vector<16xf32>,
        %parallel_loop3A_1120 = arith.constant 1 : i32
        %parallel_loop3A_1121 = arith.index_cast %parallel_loop3A_1120 : i32 to index
        %parallel_loop3A_1122 = arith.index_cast %parallel_loop3A_1037 : i32 to index
        %parallel_loop3A_1123 = arith.constant 112 : index
        %parallel_loop3A_1124 = tpu.vector_load %arg12[%parallel_loop3A_1121, %parallel_loop3A_1122, %parallel_loop3A_1123] {strides = array<i32>} : memref<2x64x128xf32, #tpu.memory_space<vmem>>, vector<16xf32>,
        %parallel_loop3A_1125 = arith.mulf %parallel_loop3A_1119, %parallel_loop3A_1124 : vector<16xf32>
        %parallel_loop3A_1126 = arith.addf %parallel_loop3A_1048, %parallel_loop3A_1059 : vector<16xf32>
        %parallel_loop3A_1127 = arith.addf %parallel_loop3A_1070, %parallel_loop3A_1081 : vector<16xf32>
        %parallel_loop3A_1128 = arith.addf %parallel_loop3A_1092, %parallel_loop3A_1103 : vector<16xf32>
        %parallel_loop3A_1129 = arith.addf %parallel_loop3A_1114, %parallel_loop3A_1125 : vector<16xf32>
        %parallel_loop3A_1130 = arith.addf %parallel_loop3A_1126, %parallel_loop3A_1127 : vector<16xf32>
        %parallel_loop3A_1131 = arith.addf %parallel_loop3A_1128, %parallel_loop3A_1129 : vector<16xf32>
        %parallel_loop3A_1132 = arith.addf %parallel_loop3A_1130, %parallel_loop3A_1131 : vector<16xf32>
        %parallel_loop3A_1133 = arith.constant 128 : i32
        %parallel_loop3A_1134 = arith.addi %parallel_loop3A_209, %parallel_loop3A_1133 : i32
        %parallel_loop3A_1135 = arith.index_cast %parallel_loop3A_1134 : i32 to index
        %parallel_loop3A_1136 = tpu.vector_load %arg15[%parallel_loop3A_1135] {strides = array<i32>} : memref<1024xf32, #tpu.memory_space<vmem>>, vector<16xf32>,
        tpu.vector_store %arg15[%parallel_loop3A_1135], %parallel_loop3A_1132 {strides = array<i32>} : memref<1024xf32, #tpu.memory_space<vmem>>, vector<16xf32>,
        %parallel_loop3A_1137 = arith.constant 16 : i32
        %parallel_loop3A_1138 = arith.muli %parallel_loop3A_207, %parallel_loop3A_1137 : i32
        %parallel_loop3A_1139 = arith.constant 9 : i32
        %parallel_loop3A_1140 = arith.addi %parallel_loop3A_1138, %parallel_loop3A_1139 : i32
        %parallel_loop3A_1141 = arith.constant 1 : i32
        %parallel_loop3A_1142 = arith.index_cast %parallel_loop3A_1141 : i32 to index
        %parallel_loop3A_1143 = arith.index_cast %parallel_loop3A_1140 : i32 to index
        %parallel_loop3A_1144 = arith.constant 0 : index
        %parallel_loop3A_1145 = tpu.vector_load %arg11[%parallel_loop3A_1142, %parallel_loop3A_1143, %parallel_loop3A_1144] {strides = array<i32>} : memref<2x64x128xf32, #tpu.memory_space<vmem>>, vector<16xf32>,
        %parallel_loop3A_1146 = arith.constant 1 : i32
        %parallel_loop3A_1147 = arith.index_cast %parallel_loop3A_1146 : i32 to index
        %parallel_loop3A_1148 = arith.index_cast %parallel_loop3A_1140 : i32 to index
        %parallel_loop3A_1149 = arith.constant 0 : index
        %parallel_loop3A_1150 = tpu.vector_load %arg12[%parallel_loop3A_1147, %parallel_loop3A_1148, %parallel_loop3A_1149] {strides = array<i32>} : memref<2x64x128xf32, #tpu.memory_space<vmem>>, vector<16xf32>,
        %parallel_loop3A_1151 = arith.mulf %parallel_loop3A_1145, %parallel_loop3A_1150 : vector<16xf32>
        %parallel_loop3A_1152 = arith.constant 1 : i32
        %parallel_loop3A_1153 = arith.index_cast %parallel_loop3A_1152 : i32 to index
        %parallel_loop3A_1154 = arith.index_cast %parallel_loop3A_1140 : i32 to index
        %parallel_loop3A_1155 = arith.constant 16 : index
        %parallel_loop3A_1156 = tpu.vector_load %arg11[%parallel_loop3A_1153, %parallel_loop3A_1154, %parallel_loop3A_1155] {strides = array<i32>} : memref<2x64x128xf32, #tpu.memory_space<vmem>>, vector<16xf32>,
        %parallel_loop3A_1157 = arith.constant 1 : i32
        %parallel_loop3A_1158 = arith.index_cast %parallel_loop3A_1157 : i32 to index
        %parallel_loop3A_1159 = arith.index_cast %parallel_loop3A_1140 : i32 to index
        %parallel_loop3A_1160 = arith.constant 16 : index
        %parallel_loop3A_1161 = tpu.vector_load %arg12[%parallel_loop3A_1158, %parallel_loop3A_1159, %parallel_loop3A_1160] {strides = array<i32>} : memref<2x64x128xf32, #tpu.memory_space<vmem>>, vector<16xf32>,
        %parallel_loop3A_1162 = arith.mulf %parallel_loop3A_1156, %parallel_loop3A_1161 : vector<16xf32>
        %parallel_loop3A_1163 = arith.constant 1 : i32
        %parallel_loop3A_1164 = arith.index_cast %parallel_loop3A_1163 : i32 to index
        %parallel_loop3A_1165 = arith.index_cast %parallel_loop3A_1140 : i32 to index
        %parallel_loop3A_1166 = arith.constant 32 : index
        %parallel_loop3A_1167 = tpu.vector_load %arg11[%parallel_loop3A_1164, %parallel_loop3A_1165, %parallel_loop3A_1166] {strides = array<i32>} : memref<2x64x128xf32, #tpu.memory_space<vmem>>, vector<16xf32>,
        %parallel_loop3A_1168 = arith.constant 1 : i32
        %parallel_loop3A_1169 = arith.index_cast %parallel_loop3A_1168 : i32 to index
        %parallel_loop3A_1170 = arith.index_cast %parallel_loop3A_1140 : i32 to index
        %parallel_loop3A_1171 = arith.constant 32 : index
        %parallel_loop3A_1172 = tpu.vector_load %arg12[%parallel_loop3A_1169, %parallel_loop3A_1170, %parallel_loop3A_1171] {strides = array<i32>} : memref<2x64x128xf32, #tpu.memory_space<vmem>>, vector<16xf32>,
        %parallel_loop3A_1173 = arith.mulf %parallel_loop3A_1167, %parallel_loop3A_1172 : vector<16xf32>
        %parallel_loop3A_1174 = arith.constant 1 : i32
        %parallel_loop3A_1175 = arith.index_cast %parallel_loop3A_1174 : i32 to index
        %parallel_loop3A_1176 = arith.index_cast %parallel_loop3A_1140 : i32 to index
        %parallel_loop3A_1177 = arith.constant 48 : index
        %parallel_loop3A_1178 = tpu.vector_load %arg11[%parallel_loop3A_1175, %parallel_loop3A_1176, %parallel_loop3A_1177] {strides = array<i32>} : memref<2x64x128xf32, #tpu.memory_space<vmem>>, vector<16xf32>,
        %parallel_loop3A_1179 = arith.constant 1 : i32
        %parallel_loop3A_1180 = arith.index_cast %parallel_loop3A_1179 : i32 to index
        %parallel_loop3A_1181 = arith.index_cast %parallel_loop3A_1140 : i32 to index
        %parallel_loop3A_1182 = arith.constant 48 : index
        %parallel_loop3A_1183 = tpu.vector_load %arg12[%parallel_loop3A_1180, %parallel_loop3A_1181, %parallel_loop3A_1182] {strides = array<i32>} : memref<2x64x128xf32, #tpu.memory_space<vmem>>, vector<16xf32>,
        %parallel_loop3A_1184 = arith.mulf %parallel_loop3A_1178, %parallel_loop3A_1183 : vector<16xf32>
        %parallel_loop3A_1185 = arith.constant 1 : i32
        %parallel_loop3A_1186 = arith.index_cast %parallel_loop3A_1185 : i32 to index
        %parallel_loop3A_1187 = arith.index_cast %parallel_loop3A_1140 : i32 to index
        %parallel_loop3A_1188 = arith.constant 64 : index
        %parallel_loop3A_1189 = tpu.vector_load %arg11[%parallel_loop3A_1186, %parallel_loop3A_1187, %parallel_loop3A_1188] {strides = array<i32>} : memref<2x64x128xf32, #tpu.memory_space<vmem>>, vector<16xf32>,
        %parallel_loop3A_1190 = arith.constant 1 : i32
        %parallel_loop3A_1191 = arith.index_cast %parallel_loop3A_1190 : i32 to index
        %parallel_loop3A_1192 = arith.index_cast %parallel_loop3A_1140 : i32 to index
        %parallel_loop3A_1193 = arith.constant 64 : index
        %parallel_loop3A_1194 = tpu.vector_load %arg12[%parallel_loop3A_1191, %parallel_loop3A_1192, %parallel_loop3A_1193] {strides = array<i32>} : memref<2x64x128xf32, #tpu.memory_space<vmem>>, vector<16xf32>,
        %parallel_loop3A_1195 = arith.mulf %parallel_loop3A_1189, %parallel_loop3A_1194 : vector<16xf32>
        %parallel_loop3A_1196 = arith.constant 1 : i32
        %parallel_loop3A_1197 = arith.index_cast %parallel_loop3A_1196 : i32 to index
        %parallel_loop3A_1198 = arith.index_cast %parallel_loop3A_1140 : i32 to index
        %parallel_loop3A_1199 = arith.constant 80 : index
        %parallel_loop3A_1200 = tpu.vector_load %arg11[%parallel_loop3A_1197, %parallel_loop3A_1198, %parallel_loop3A_1199] {strides = array<i32>} : memref<2x64x128xf32, #tpu.memory_space<vmem>>, vector<16xf32>,
        %parallel_loop3A_1201 = arith.constant 1 : i32
        %parallel_loop3A_1202 = arith.index_cast %parallel_loop3A_1201 : i32 to index
        %parallel_loop3A_1203 = arith.index_cast %parallel_loop3A_1140 : i32 to index
        %parallel_loop3A_1204 = arith.constant 80 : index
        %parallel_loop3A_1205 = tpu.vector_load %arg12[%parallel_loop3A_1202, %parallel_loop3A_1203, %parallel_loop3A_1204] {strides = array<i32>} : memref<2x64x128xf32, #tpu.memory_space<vmem>>, vector<16xf32>,
        %parallel_loop3A_1206 = arith.mulf %parallel_loop3A_1200, %parallel_loop3A_1205 : vector<16xf32>
        %parallel_loop3A_1207 = arith.constant 1 : i32
        %parallel_loop3A_1208 = arith.index_cast %parallel_loop3A_1207 : i32 to index
        %parallel_loop3A_1209 = arith.index_cast %parallel_loop3A_1140 : i32 to index
        %parallel_loop3A_1210 = arith.constant 96 : index
        %parallel_loop3A_1211 = tpu.vector_load %arg11[%parallel_loop3A_1208, %parallel_loop3A_1209, %parallel_loop3A_1210] {strides = array<i32>} : memref<2x64x128xf32, #tpu.memory_space<vmem>>, vector<16xf32>,
        %parallel_loop3A_1212 = arith.constant 1 : i32
        %parallel_loop3A_1213 = arith.index_cast %parallel_loop3A_1212 : i32 to index
        %parallel_loop3A_1214 = arith.index_cast %parallel_loop3A_1140 : i32 to index
        %parallel_loop3A_1215 = arith.constant 96 : index
        %parallel_loop3A_1216 = tpu.vector_load %arg12[%parallel_loop3A_1213, %parallel_loop3A_1214, %parallel_loop3A_1215] {strides = array<i32>} : memref<2x64x128xf32, #tpu.memory_space<vmem>>, vector<16xf32>,
        %parallel_loop3A_1217 = arith.mulf %parallel_loop3A_1211, %parallel_loop3A_1216 : vector<16xf32>
        %parallel_loop3A_1218 = arith.constant 1 : i32
        %parallel_loop3A_1219 = arith.index_cast %parallel_loop3A_1218 : i32 to index
        %parallel_loop3A_1220 = arith.index_cast %parallel_loop3A_1140 : i32 to index
        %parallel_loop3A_1221 = arith.constant 112 : index
        %parallel_loop3A_1222 = tpu.vector_load %arg11[%parallel_loop3A_1219, %parallel_loop3A_1220, %parallel_loop3A_1221] {strides = array<i32>} : memref<2x64x128xf32, #tpu.memory_space<vmem>>, vector<16xf32>,
        %parallel_loop3A_1223 = arith.constant 1 : i32
        %parallel_loop3A_1224 = arith.index_cast %parallel_loop3A_1223 : i32 to index
        %parallel_loop3A_1225 = arith.index_cast %parallel_loop3A_1140 : i32 to index
        %parallel_loop3A_1226 = arith.constant 112 : index
        %parallel_loop3A_1227 = tpu.vector_load %arg12[%parallel_loop3A_1224, %parallel_loop3A_1225, %parallel_loop3A_1226] {strides = array<i32>} : memref<2x64x128xf32, #tpu.memory_space<vmem>>, vector<16xf32>,
        %parallel_loop3A_1228 = arith.mulf %parallel_loop3A_1222, %parallel_loop3A_1227 : vector<16xf32>
        %parallel_loop3A_1229 = arith.addf %parallel_loop3A_1151, %parallel_loop3A_1162 : vector<16xf32>
        %parallel_loop3A_1230 = arith.addf %parallel_loop3A_1173, %parallel_loop3A_1184 : vector<16xf32>
        %parallel_loop3A_1231 = arith.addf %parallel_loop3A_1195, %parallel_loop3A_1206 : vector<16xf32>
        %parallel_loop3A_1232 = arith.addf %parallel_loop3A_1217, %parallel_loop3A_1228 : vector<16xf32>
        %parallel_loop3A_1233 = arith.addf %parallel_loop3A_1229, %parallel_loop3A_1230 : vector<16xf32>
        %parallel_loop3A_1234 = arith.addf %parallel_loop3A_1231, %parallel_loop3A_1232 : vector<16xf32>
        %parallel_loop3A_1235 = arith.addf %parallel_loop3A_1233, %parallel_loop3A_1234 : vector<16xf32>
        %parallel_loop3A_1236 = arith.constant 144 : i32
        %parallel_loop3A_1237 = arith.addi %parallel_loop3A_209, %parallel_loop3A_1236 : i32
        %parallel_loop3A_1238 = arith.index_cast %parallel_loop3A_1237 : i32 to index
        %parallel_loop3A_1239 = tpu.vector_load %arg15[%parallel_loop3A_1238] {strides = array<i32>} : memref<1024xf32, #tpu.memory_space<vmem>>, vector<16xf32>,
        tpu.vector_store %arg15[%parallel_loop3A_1238], %parallel_loop3A_1235 {strides = array<i32>} : memref<1024xf32, #tpu.memory_space<vmem>>, vector<16xf32>,
        %parallel_loop3A_1240 = arith.constant 16 : i32
        %parallel_loop3A_1241 = arith.muli %parallel_loop3A_207, %parallel_loop3A_1240 : i32
        %parallel_loop3A_1242 = arith.constant 10 : i32
        %parallel_loop3A_1243 = arith.addi %parallel_loop3A_1241, %parallel_loop3A_1242 : i32
        %parallel_loop3A_1244 = arith.constant 1 : i32
        %parallel_loop3A_1245 = arith.index_cast %parallel_loop3A_1244 : i32 to index
        %parallel_loop3A_1246 = arith.index_cast %parallel_loop3A_1243 : i32 to index
        %parallel_loop3A_1247 = arith.constant 0 : index
        %parallel_loop3A_1248 = tpu.vector_load %arg11[%parallel_loop3A_1245, %parallel_loop3A_1246, %parallel_loop3A_1247] {strides = array<i32>} : memref<2x64x128xf32, #tpu.memory_space<vmem>>, vector<16xf32>,
        %parallel_loop3A_1249 = arith.constant 1 : i32
        %parallel_loop3A_1250 = arith.index_cast %parallel_loop3A_1249 : i32 to index
        %parallel_loop3A_1251 = arith.index_cast %parallel_loop3A_1243 : i32 to index
        %parallel_loop3A_1252 = arith.constant 0 : index
        %parallel_loop3A_1253 = tpu.vector_load %arg12[%parallel_loop3A_1250, %parallel_loop3A_1251, %parallel_loop3A_1252] {strides = array<i32>} : memref<2x64x128xf32, #tpu.memory_space<vmem>>, vector<16xf32>,
        %parallel_loop3A_1254 = arith.mulf %parallel_loop3A_1248, %parallel_loop3A_1253 : vector<16xf32>
        %parallel_loop3A_1255 = arith.constant 1 : i32
        %parallel_loop3A_1256 = arith.index_cast %parallel_loop3A_1255 : i32 to index
        %parallel_loop3A_1257 = arith.index_cast %parallel_loop3A_1243 : i32 to index
        %parallel_loop3A_1258 = arith.constant 16 : index
        %parallel_loop3A_1259 = tpu.vector_load %arg11[%parallel_loop3A_1256, %parallel_loop3A_1257, %parallel_loop3A_1258] {strides = array<i32>} : memref<2x64x128xf32, #tpu.memory_space<vmem>>, vector<16xf32>,
        %parallel_loop3A_1260 = arith.constant 1 : i32
        %parallel_loop3A_1261 = arith.index_cast %parallel_loop3A_1260 : i32 to index
        %parallel_loop3A_1262 = arith.index_cast %parallel_loop3A_1243 : i32 to index
        %parallel_loop3A_1263 = arith.constant 16 : index
        %parallel_loop3A_1264 = tpu.vector_load %arg12[%parallel_loop3A_1261, %parallel_loop3A_1262, %parallel_loop3A_1263] {strides = array<i32>} : memref<2x64x128xf32, #tpu.memory_space<vmem>>, vector<16xf32>,
        %parallel_loop3A_1265 = arith.mulf %parallel_loop3A_1259, %parallel_loop3A_1264 : vector<16xf32>
        %parallel_loop3A_1266 = arith.constant 1 : i32
        %parallel_loop3A_1267 = arith.index_cast %parallel_loop3A_1266 : i32 to index
        %parallel_loop3A_1268 = arith.index_cast %parallel_loop3A_1243 : i32 to index
        %parallel_loop3A_1269 = arith.constant 32 : index
        %parallel_loop3A_1270 = tpu.vector_load %arg11[%parallel_loop3A_1267, %parallel_loop3A_1268, %parallel_loop3A_1269] {strides = array<i32>} : memref<2x64x128xf32, #tpu.memory_space<vmem>>, vector<16xf32>,
        %parallel_loop3A_1271 = arith.constant 1 : i32
        %parallel_loop3A_1272 = arith.index_cast %parallel_loop3A_1271 : i32 to index
        %parallel_loop3A_1273 = arith.index_cast %parallel_loop3A_1243 : i32 to index
        %parallel_loop3A_1274 = arith.constant 32 : index
        %parallel_loop3A_1275 = tpu.vector_load %arg12[%parallel_loop3A_1272, %parallel_loop3A_1273, %parallel_loop3A_1274] {strides = array<i32>} : memref<2x64x128xf32, #tpu.memory_space<vmem>>, vector<16xf32>,
        %parallel_loop3A_1276 = arith.mulf %parallel_loop3A_1270, %parallel_loop3A_1275 : vector<16xf32>
        %parallel_loop3A_1277 = arith.constant 1 : i32
        %parallel_loop3A_1278 = arith.index_cast %parallel_loop3A_1277 : i32 to index
        %parallel_loop3A_1279 = arith.index_cast %parallel_loop3A_1243 : i32 to index
        %parallel_loop3A_1280 = arith.constant 48 : index
        %parallel_loop3A_1281 = tpu.vector_load %arg11[%parallel_loop3A_1278, %parallel_loop3A_1279, %parallel_loop3A_1280] {strides = array<i32>} : memref<2x64x128xf32, #tpu.memory_space<vmem>>, vector<16xf32>,
        %parallel_loop3A_1282 = arith.constant 1 : i32
        %parallel_loop3A_1283 = arith.index_cast %parallel_loop3A_1282 : i32 to index
        %parallel_loop3A_1284 = arith.index_cast %parallel_loop3A_1243 : i32 to index
        %parallel_loop3A_1285 = arith.constant 48 : index
        %parallel_loop3A_1286 = tpu.vector_load %arg12[%parallel_loop3A_1283, %parallel_loop3A_1284, %parallel_loop3A_1285] {strides = array<i32>} : memref<2x64x128xf32, #tpu.memory_space<vmem>>, vector<16xf32>,
        %parallel_loop3A_1287 = arith.mulf %parallel_loop3A_1281, %parallel_loop3A_1286 : vector<16xf32>
        %parallel_loop3A_1288 = arith.constant 1 : i32
        %parallel_loop3A_1289 = arith.index_cast %parallel_loop3A_1288 : i32 to index
        %parallel_loop3A_1290 = arith.index_cast %parallel_loop3A_1243 : i32 to index
        %parallel_loop3A_1291 = arith.constant 64 : index
        %parallel_loop3A_1292 = tpu.vector_load %arg11[%parallel_loop3A_1289, %parallel_loop3A_1290, %parallel_loop3A_1291] {strides = array<i32>} : memref<2x64x128xf32, #tpu.memory_space<vmem>>, vector<16xf32>,
        %parallel_loop3A_1293 = arith.constant 1 : i32
        %parallel_loop3A_1294 = arith.index_cast %parallel_loop3A_1293 : i32 to index
        %parallel_loop3A_1295 = arith.index_cast %parallel_loop3A_1243 : i32 to index
        %parallel_loop3A_1296 = arith.constant 64 : index
        %parallel_loop3A_1297 = tpu.vector_load %arg12[%parallel_loop3A_1294, %parallel_loop3A_1295, %parallel_loop3A_1296] {strides = array<i32>} : memref<2x64x128xf32, #tpu.memory_space<vmem>>, vector<16xf32>,
        %parallel_loop3A_1298 = arith.mulf %parallel_loop3A_1292, %parallel_loop3A_1297 : vector<16xf32>
        %parallel_loop3A_1299 = arith.constant 1 : i32
        %parallel_loop3A_1300 = arith.index_cast %parallel_loop3A_1299 : i32 to index
        %parallel_loop3A_1301 = arith.index_cast %parallel_loop3A_1243 : i32 to index
        %parallel_loop3A_1302 = arith.constant 80 : index
        %parallel_loop3A_1303 = tpu.vector_load %arg11[%parallel_loop3A_1300, %parallel_loop3A_1301, %parallel_loop3A_1302] {strides = array<i32>} : memref<2x64x128xf32, #tpu.memory_space<vmem>>, vector<16xf32>,
        %parallel_loop3A_1304 = arith.constant 1 : i32
        %parallel_loop3A_1305 = arith.index_cast %parallel_loop3A_1304 : i32 to index
        %parallel_loop3A_1306 = arith.index_cast %parallel_loop3A_1243 : i32 to index
        %parallel_loop3A_1307 = arith.constant 80 : index
        %parallel_loop3A_1308 = tpu.vector_load %arg12[%parallel_loop3A_1305, %parallel_loop3A_1306, %parallel_loop3A_1307] {strides = array<i32>} : memref<2x64x128xf32, #tpu.memory_space<vmem>>, vector<16xf32>,
        %parallel_loop3A_1309 = arith.mulf %parallel_loop3A_1303, %parallel_loop3A_1308 : vector<16xf32>
        %parallel_loop3A_1310 = arith.constant 1 : i32
        %parallel_loop3A_1311 = arith.index_cast %parallel_loop3A_1310 : i32 to index
        %parallel_loop3A_1312 = arith.index_cast %parallel_loop3A_1243 : i32 to index
        %parallel_loop3A_1313 = arith.constant 96 : index
        %parallel_loop3A_1314 = tpu.vector_load %arg11[%parallel_loop3A_1311, %parallel_loop3A_1312, %parallel_loop3A_1313] {strides = array<i32>} : memref<2x64x128xf32, #tpu.memory_space<vmem>>, vector<16xf32>,
        %parallel_loop3A_1315 = arith.constant 1 : i32
        %parallel_loop3A_1316 = arith.index_cast %parallel_loop3A_1315 : i32 to index
        %parallel_loop3A_1317 = arith.index_cast %parallel_loop3A_1243 : i32 to index
        %parallel_loop3A_1318 = arith.constant 96 : index
        %parallel_loop3A_1319 = tpu.vector_load %arg12[%parallel_loop3A_1316, %parallel_loop3A_1317, %parallel_loop3A_1318] {strides = array<i32>} : memref<2x64x128xf32, #tpu.memory_space<vmem>>, vector<16xf32>,
        %parallel_loop3A_1320 = arith.mulf %parallel_loop3A_1314, %parallel_loop3A_1319 : vector<16xf32>
        %parallel_loop3A_1321 = arith.constant 1 : i32
        %parallel_loop3A_1322 = arith.index_cast %parallel_loop3A_1321 : i32 to index
        %parallel_loop3A_1323 = arith.index_cast %parallel_loop3A_1243 : i32 to index
        %parallel_loop3A_1324 = arith.constant 112 : index
        %parallel_loop3A_1325 = tpu.vector_load %arg11[%parallel_loop3A_1322, %parallel_loop3A_1323, %parallel_loop3A_1324] {strides = array<i32>} : memref<2x64x128xf32, #tpu.memory_space<vmem>>, vector<16xf32>,
        %parallel_loop3A_1326 = arith.constant 1 : i32
        %parallel_loop3A_1327 = arith.index_cast %parallel_loop3A_1326 : i32 to index
        %parallel_loop3A_1328 = arith.index_cast %parallel_loop3A_1243 : i32 to index
        %parallel_loop3A_1329 = arith.constant 112 : index
        %parallel_loop3A_1330 = tpu.vector_load %arg12[%parallel_loop3A_1327, %parallel_loop3A_1328, %parallel_loop3A_1329] {strides = array<i32>} : memref<2x64x128xf32, #tpu.memory_space<vmem>>, vector<16xf32>,
        %parallel_loop3A_1331 = arith.mulf %parallel_loop3A_1325, %parallel_loop3A_1330 : vector<16xf32>
        %parallel_loop3A_1332 = arith.addf %parallel_loop3A_1254, %parallel_loop3A_1265 : vector<16xf32>
        %parallel_loop3A_1333 = arith.addf %parallel_loop3A_1276, %parallel_loop3A_1287 : vector<16xf32>
        %parallel_loop3A_1334 = arith.addf %parallel_loop3A_1298, %parallel_loop3A_1309 : vector<16xf32>
        %parallel_loop3A_1335 = arith.addf %parallel_loop3A_1320, %parallel_loop3A_1331 : vector<16xf32>
        %parallel_loop3A_1336 = arith.addf %parallel_loop3A_1332, %parallel_loop3A_1333 : vector<16xf32>
        %parallel_loop3A_1337 = arith.addf %parallel_loop3A_1334, %parallel_loop3A_1335 : vector<16xf32>
        %parallel_loop3A_1338 = arith.addf %parallel_loop3A_1336, %parallel_loop3A_1337 : vector<16xf32>
        %parallel_loop3A_1339 = arith.constant 160 : i32
        %parallel_loop3A_1340 = arith.addi %parallel_loop3A_209, %parallel_loop3A_1339 : i32
        %parallel_loop3A_1341 = arith.index_cast %parallel_loop3A_1340 : i32 to index
        %parallel_loop3A_1342 = tpu.vector_load %arg15[%parallel_loop3A_1341] {strides = array<i32>} : memref<1024xf32, #tpu.memory_space<vmem>>, vector<16xf32>,
        tpu.vector_store %arg15[%parallel_loop3A_1341], %parallel_loop3A_1338 {strides = array<i32>} : memref<1024xf32, #tpu.memory_space<vmem>>, vector<16xf32>,
        %parallel_loop3A_1343 = arith.constant 16 : i32
        %parallel_loop3A_1344 = arith.muli %parallel_loop3A_207, %parallel_loop3A_1343 : i32
        %parallel_loop3A_1345 = arith.constant 11 : i32
        %parallel_loop3A_1346 = arith.addi %parallel_loop3A_1344, %parallel_loop3A_1345 : i32
        %parallel_loop3A_1347 = arith.constant 1 : i32
        %parallel_loop3A_1348 = arith.index_cast %parallel_loop3A_1347 : i32 to index
        %parallel_loop3A_1349 = arith.index_cast %parallel_loop3A_1346 : i32 to index
        %parallel_loop3A_1350 = arith.constant 0 : index
        %parallel_loop3A_1351 = tpu.vector_load %arg11[%parallel_loop3A_1348, %parallel_loop3A_1349, %parallel_loop3A_1350] {strides = array<i32>} : memref<2x64x128xf32, #tpu.memory_space<vmem>>, vector<16xf32>,
        %parallel_loop3A_1352 = arith.constant 1 : i32
        %parallel_loop3A_1353 = arith.index_cast %parallel_loop3A_1352 : i32 to index
        %parallel_loop3A_1354 = arith.index_cast %parallel_loop3A_1346 : i32 to index
        %parallel_loop3A_1355 = arith.constant 0 : index
        %parallel_loop3A_1356 = tpu.vector_load %arg12[%parallel_loop3A_1353, %parallel_loop3A_1354, %parallel_loop3A_1355] {strides = array<i32>} : memref<2x64x128xf32, #tpu.memory_space<vmem>>, vector<16xf32>,
        %parallel_loop3A_1357 = arith.mulf %parallel_loop3A_1351, %parallel_loop3A_1356 : vector<16xf32>
        %parallel_loop3A_1358 = arith.constant 1 : i32
        %parallel_loop3A_1359 = arith.index_cast %parallel_loop3A_1358 : i32 to index
        %parallel_loop3A_1360 = arith.index_cast %parallel_loop3A_1346 : i32 to index
        %parallel_loop3A_1361 = arith.constant 16 : index
        %parallel_loop3A_1362 = tpu.vector_load %arg11[%parallel_loop3A_1359, %parallel_loop3A_1360, %parallel_loop3A_1361] {strides = array<i32>} : memref<2x64x128xf32, #tpu.memory_space<vmem>>, vector<16xf32>,
        %parallel_loop3A_1363 = arith.constant 1 : i32
        %parallel_loop3A_1364 = arith.index_cast %parallel_loop3A_1363 : i32 to index
        %parallel_loop3A_1365 = arith.index_cast %parallel_loop3A_1346 : i32 to index
        %parallel_loop3A_1366 = arith.constant 16 : index
        %parallel_loop3A_1367 = tpu.vector_load %arg12[%parallel_loop3A_1364, %parallel_loop3A_1365, %parallel_loop3A_1366] {strides = array<i32>} : memref<2x64x128xf32, #tpu.memory_space<vmem>>, vector<16xf32>,
        %parallel_loop3A_1368 = arith.mulf %parallel_loop3A_1362, %parallel_loop3A_1367 : vector<16xf32>
        %parallel_loop3A_1369 = arith.constant 1 : i32
        %parallel_loop3A_1370 = arith.index_cast %parallel_loop3A_1369 : i32 to index
        %parallel_loop3A_1371 = arith.index_cast %parallel_loop3A_1346 : i32 to index
        %parallel_loop3A_1372 = arith.constant 32 : index
        %parallel_loop3A_1373 = tpu.vector_load %arg11[%parallel_loop3A_1370, %parallel_loop3A_1371, %parallel_loop3A_1372] {strides = array<i32>} : memref<2x64x128xf32, #tpu.memory_space<vmem>>, vector<16xf32>,
        %parallel_loop3A_1374 = arith.constant 1 : i32
        %parallel_loop3A_1375 = arith.index_cast %parallel_loop3A_1374 : i32 to index
        %parallel_loop3A_1376 = arith.index_cast %parallel_loop3A_1346 : i32 to index
        %parallel_loop3A_1377 = arith.constant 32 : index
        %parallel_loop3A_1378 = tpu.vector_load %arg12[%parallel_loop3A_1375, %parallel_loop3A_1376, %parallel_loop3A_1377] {strides = array<i32>} : memref<2x64x128xf32, #tpu.memory_space<vmem>>, vector<16xf32>,
        %parallel_loop3A_1379 = arith.mulf %parallel_loop3A_1373, %parallel_loop3A_1378 : vector<16xf32>
        %parallel_loop3A_1380 = arith.constant 1 : i32
        %parallel_loop3A_1381 = arith.index_cast %parallel_loop3A_1380 : i32 to index
        %parallel_loop3A_1382 = arith.index_cast %parallel_loop3A_1346 : i32 to index
        %parallel_loop3A_1383 = arith.constant 48 : index
        %parallel_loop3A_1384 = tpu.vector_load %arg11[%parallel_loop3A_1381, %parallel_loop3A_1382, %parallel_loop3A_1383] {strides = array<i32>} : memref<2x64x128xf32, #tpu.memory_space<vmem>>, vector<16xf32>,
        %parallel_loop3A_1385 = arith.constant 1 : i32
        %parallel_loop3A_1386 = arith.index_cast %parallel_loop3A_1385 : i32 to index
        %parallel_loop3A_1387 = arith.index_cast %parallel_loop3A_1346 : i32 to index
        %parallel_loop3A_1388 = arith.constant 48 : index
        %parallel_loop3A_1389 = tpu.vector_load %arg12[%parallel_loop3A_1386, %parallel_loop3A_1387, %parallel_loop3A_1388] {strides = array<i32>} : memref<2x64x128xf32, #tpu.memory_space<vmem>>, vector<16xf32>,
        %parallel_loop3A_1390 = arith.mulf %parallel_loop3A_1384, %parallel_loop3A_1389 : vector<16xf32>
        %parallel_loop3A_1391 = arith.constant 1 : i32
        %parallel_loop3A_1392 = arith.index_cast %parallel_loop3A_1391 : i32 to index
        %parallel_loop3A_1393 = arith.index_cast %parallel_loop3A_1346 : i32 to index
        %parallel_loop3A_1394 = arith.constant 64 : index
        %parallel_loop3A_1395 = tpu.vector_load %arg11[%parallel_loop3A_1392, %parallel_loop3A_1393, %parallel_loop3A_1394] {strides = array<i32>} : memref<2x64x128xf32, #tpu.memory_space<vmem>>, vector<16xf32>,
        %parallel_loop3A_1396 = arith.constant 1 : i32
        %parallel_loop3A_1397 = arith.index_cast %parallel_loop3A_1396 : i32 to index
        %parallel_loop3A_1398 = arith.index_cast %parallel_loop3A_1346 : i32 to index
        %parallel_loop3A_1399 = arith.constant 64 : index
        %parallel_loop3A_1400 = tpu.vector_load %arg12[%parallel_loop3A_1397, %parallel_loop3A_1398, %parallel_loop3A_1399] {strides = array<i32>} : memref<2x64x128xf32, #tpu.memory_space<vmem>>, vector<16xf32>,
        %parallel_loop3A_1401 = arith.mulf %parallel_loop3A_1395, %parallel_loop3A_1400 : vector<16xf32>
        %parallel_loop3A_1402 = arith.constant 1 : i32
        %parallel_loop3A_1403 = arith.index_cast %parallel_loop3A_1402 : i32 to index
        %parallel_loop3A_1404 = arith.index_cast %parallel_loop3A_1346 : i32 to index
        %parallel_loop3A_1405 = arith.constant 80 : index
        %parallel_loop3A_1406 = tpu.vector_load %arg11[%parallel_loop3A_1403, %parallel_loop3A_1404, %parallel_loop3A_1405] {strides = array<i32>} : memref<2x64x128xf32, #tpu.memory_space<vmem>>, vector<16xf32>,
        %parallel_loop3A_1407 = arith.constant 1 : i32
        %parallel_loop3A_1408 = arith.index_cast %parallel_loop3A_1407 : i32 to index
        %parallel_loop3A_1409 = arith.index_cast %parallel_loop3A_1346 : i32 to index
        %parallel_loop3A_1410 = arith.constant 80 : index
        %parallel_loop3A_1411 = tpu.vector_load %arg12[%parallel_loop3A_1408, %parallel_loop3A_1409, %parallel_loop3A_1410] {strides = array<i32>} : memref<2x64x128xf32, #tpu.memory_space<vmem>>, vector<16xf32>,
        %parallel_loop3A_1412 = arith.mulf %parallel_loop3A_1406, %parallel_loop3A_1411 : vector<16xf32>
        %parallel_loop3A_1413 = arith.constant 1 : i32
        %parallel_loop3A_1414 = arith.index_cast %parallel_loop3A_1413 : i32 to index
        %parallel_loop3A_1415 = arith.index_cast %parallel_loop3A_1346 : i32 to index
        %parallel_loop3A_1416 = arith.constant 96 : index
        %parallel_loop3A_1417 = tpu.vector_load %arg11[%parallel_loop3A_1414, %parallel_loop3A_1415, %parallel_loop3A_1416] {strides = array<i32>} : memref<2x64x128xf32, #tpu.memory_space<vmem>>, vector<16xf32>,
        %parallel_loop3A_1418 = arith.constant 1 : i32
        %parallel_loop3A_1419 = arith.index_cast %parallel_loop3A_1418 : i32 to index
        %parallel_loop3A_1420 = arith.index_cast %parallel_loop3A_1346 : i32 to index
        %parallel_loop3A_1421 = arith.constant 96 : index
        %parallel_loop3A_1422 = tpu.vector_load %arg12[%parallel_loop3A_1419, %parallel_loop3A_1420, %parallel_loop3A_1421] {strides = array<i32>} : memref<2x64x128xf32, #tpu.memory_space<vmem>>, vector<16xf32>,
        %parallel_loop3A_1423 = arith.mulf %parallel_loop3A_1417, %parallel_loop3A_1422 : vector<16xf32>
        %parallel_loop3A_1424 = arith.constant 1 : i32
        %parallel_loop3A_1425 = arith.index_cast %parallel_loop3A_1424 : i32 to index
        %parallel_loop3A_1426 = arith.index_cast %parallel_loop3A_1346 : i32 to index
        %parallel_loop3A_1427 = arith.constant 112 : index
        %parallel_loop3A_1428 = tpu.vector_load %arg11[%parallel_loop3A_1425, %parallel_loop3A_1426, %parallel_loop3A_1427] {strides = array<i32>} : memref<2x64x128xf32, #tpu.memory_space<vmem>>, vector<16xf32>,
        %parallel_loop3A_1429 = arith.constant 1 : i32
        %parallel_loop3A_1430 = arith.index_cast %parallel_loop3A_1429 : i32 to index
        %parallel_loop3A_1431 = arith.index_cast %parallel_loop3A_1346 : i32 to index
        %parallel_loop3A_1432 = arith.constant 112 : index
        %parallel_loop3A_1433 = tpu.vector_load %arg12[%parallel_loop3A_1430, %parallel_loop3A_1431, %parallel_loop3A_1432] {strides = array<i32>} : memref<2x64x128xf32, #tpu.memory_space<vmem>>, vector<16xf32>,
        %parallel_loop3A_1434 = arith.mulf %parallel_loop3A_1428, %parallel_loop3A_1433 : vector<16xf32>
        %parallel_loop3A_1435 = arith.addf %parallel_loop3A_1357, %parallel_loop3A_1368 : vector<16xf32>
        %parallel_loop3A_1436 = arith.addf %parallel_loop3A_1379, %parallel_loop3A_1390 : vector<16xf32>
        %parallel_loop3A_1437 = arith.addf %parallel_loop3A_1401, %parallel_loop3A_1412 : vector<16xf32>
        %parallel_loop3A_1438 = arith.addf %parallel_loop3A_1423, %parallel_loop3A_1434 : vector<16xf32>
        %parallel_loop3A_1439 = arith.addf %parallel_loop3A_1435, %parallel_loop3A_1436 : vector<16xf32>
        %parallel_loop3A_1440 = arith.addf %parallel_loop3A_1437, %parallel_loop3A_1438 : vector<16xf32>
        %parallel_loop3A_1441 = arith.addf %parallel_loop3A_1439, %parallel_loop3A_1440 : vector<16xf32>
        %parallel_loop3A_1442 = arith.constant 176 : i32
        %parallel_loop3A_1443 = arith.addi %parallel_loop3A_209, %parallel_loop3A_1442 : i32
        %parallel_loop3A_1444 = arith.index_cast %parallel_loop3A_1443 : i32 to index
        %parallel_loop3A_1445 = tpu.vector_load %arg15[%parallel_loop3A_1444] {strides = array<i32>} : memref<1024xf32, #tpu.memory_space<vmem>>, vector<16xf32>,
        tpu.vector_store %arg15[%parallel_loop3A_1444], %parallel_loop3A_1441 {strides = array<i32>} : memref<1024xf32, #tpu.memory_space<vmem>>, vector<16xf32>,
        %parallel_loop3A_1446 = arith.constant 16 : i32
        %parallel_loop3A_1447 = arith.muli %parallel_loop3A_207, %parallel_loop3A_1446 : i32
        %parallel_loop3A_1448 = arith.constant 12 : i32
        %parallel_loop3A_1449 = arith.addi %parallel_loop3A_1447, %parallel_loop3A_1448 : i32
        %parallel_loop3A_1450 = arith.constant 1 : i32
        %parallel_loop3A_1451 = arith.index_cast %parallel_loop3A_1450 : i32 to index
        %parallel_loop3A_1452 = arith.index_cast %parallel_loop3A_1449 : i32 to index
        %parallel_loop3A_1453 = arith.constant 0 : index
        %parallel_loop3A_1454 = tpu.vector_load %arg11[%parallel_loop3A_1451, %parallel_loop3A_1452, %parallel_loop3A_1453] {strides = array<i32>} : memref<2x64x128xf32, #tpu.memory_space<vmem>>, vector<16xf32>,
        %parallel_loop3A_1455 = arith.constant 1 : i32
        %parallel_loop3A_1456 = arith.index_cast %parallel_loop3A_1455 : i32 to index
        %parallel_loop3A_1457 = arith.index_cast %parallel_loop3A_1449 : i32 to index
        %parallel_loop3A_1458 = arith.constant 0 : index
        %parallel_loop3A_1459 = tpu.vector_load %arg12[%parallel_loop3A_1456, %parallel_loop3A_1457, %parallel_loop3A_1458] {strides = array<i32>} : memref<2x64x128xf32, #tpu.memory_space<vmem>>, vector<16xf32>,
        %parallel_loop3A_1460 = arith.mulf %parallel_loop3A_1454, %parallel_loop3A_1459 : vector<16xf32>
        %parallel_loop3A_1461 = arith.constant 1 : i32
        %parallel_loop3A_1462 = arith.index_cast %parallel_loop3A_1461 : i32 to index
        %parallel_loop3A_1463 = arith.index_cast %parallel_loop3A_1449 : i32 to index
        %parallel_loop3A_1464 = arith.constant 16 : index
        %parallel_loop3A_1465 = tpu.vector_load %arg11[%parallel_loop3A_1462, %parallel_loop3A_1463, %parallel_loop3A_1464] {strides = array<i32>} : memref<2x64x128xf32, #tpu.memory_space<vmem>>, vector<16xf32>,
        %parallel_loop3A_1466 = arith.constant 1 : i32
        %parallel_loop3A_1467 = arith.index_cast %parallel_loop3A_1466 : i32 to index
        %parallel_loop3A_1468 = arith.index_cast %parallel_loop3A_1449 : i32 to index
        %parallel_loop3A_1469 = arith.constant 16 : index
        %parallel_loop3A_1470 = tpu.vector_load %arg12[%parallel_loop3A_1467, %parallel_loop3A_1468, %parallel_loop3A_1469] {strides = array<i32>} : memref<2x64x128xf32, #tpu.memory_space<vmem>>, vector<16xf32>,
        %parallel_loop3A_1471 = arith.mulf %parallel_loop3A_1465, %parallel_loop3A_1470 : vector<16xf32>
        %parallel_loop3A_1472 = arith.constant 1 : i32
        %parallel_loop3A_1473 = arith.index_cast %parallel_loop3A_1472 : i32 to index
        %parallel_loop3A_1474 = arith.index_cast %parallel_loop3A_1449 : i32 to index
        %parallel_loop3A_1475 = arith.constant 32 : index
        %parallel_loop3A_1476 = tpu.vector_load %arg11[%parallel_loop3A_1473, %parallel_loop3A_1474, %parallel_loop3A_1475] {strides = array<i32>} : memref<2x64x128xf32, #tpu.memory_space<vmem>>, vector<16xf32>,
        %parallel_loop3A_1477 = arith.constant 1 : i32
        %parallel_loop3A_1478 = arith.index_cast %parallel_loop3A_1477 : i32 to index
        %parallel_loop3A_1479 = arith.index_cast %parallel_loop3A_1449 : i32 to index
        %parallel_loop3A_1480 = arith.constant 32 : index
        %parallel_loop3A_1481 = tpu.vector_load %arg12[%parallel_loop3A_1478, %parallel_loop3A_1479, %parallel_loop3A_1480] {strides = array<i32>} : memref<2x64x128xf32, #tpu.memory_space<vmem>>, vector<16xf32>,
        %parallel_loop3A_1482 = arith.mulf %parallel_loop3A_1476, %parallel_loop3A_1481 : vector<16xf32>
        %parallel_loop3A_1483 = arith.constant 1 : i32
        %parallel_loop3A_1484 = arith.index_cast %parallel_loop3A_1483 : i32 to index
        %parallel_loop3A_1485 = arith.index_cast %parallel_loop3A_1449 : i32 to index
        %parallel_loop3A_1486 = arith.constant 48 : index
        %parallel_loop3A_1487 = tpu.vector_load %arg11[%parallel_loop3A_1484, %parallel_loop3A_1485, %parallel_loop3A_1486] {strides = array<i32>} : memref<2x64x128xf32, #tpu.memory_space<vmem>>, vector<16xf32>,
        %parallel_loop3A_1488 = arith.constant 1 : i32
        %parallel_loop3A_1489 = arith.index_cast %parallel_loop3A_1488 : i32 to index
        %parallel_loop3A_1490 = arith.index_cast %parallel_loop3A_1449 : i32 to index
        %parallel_loop3A_1491 = arith.constant 48 : index
        %parallel_loop3A_1492 = tpu.vector_load %arg12[%parallel_loop3A_1489, %parallel_loop3A_1490, %parallel_loop3A_1491] {strides = array<i32>} : memref<2x64x128xf32, #tpu.memory_space<vmem>>, vector<16xf32>,
        %parallel_loop3A_1493 = arith.mulf %parallel_loop3A_1487, %parallel_loop3A_1492 : vector<16xf32>
        %parallel_loop3A_1494 = arith.constant 1 : i32
        %parallel_loop3A_1495 = arith.index_cast %parallel_loop3A_1494 : i32 to index
        %parallel_loop3A_1496 = arith.index_cast %parallel_loop3A_1449 : i32 to index
        %parallel_loop3A_1497 = arith.constant 64 : index
        %parallel_loop3A_1498 = tpu.vector_load %arg11[%parallel_loop3A_1495, %parallel_loop3A_1496, %parallel_loop3A_1497] {strides = array<i32>} : memref<2x64x128xf32, #tpu.memory_space<vmem>>, vector<16xf32>,
        %parallel_loop3A_1499 = arith.constant 1 : i32
        %parallel_loop3A_1500 = arith.index_cast %parallel_loop3A_1499 : i32 to index
        %parallel_loop3A_1501 = arith.index_cast %parallel_loop3A_1449 : i32 to index
        %parallel_loop3A_1502 = arith.constant 64 : index
        %parallel_loop3A_1503 = tpu.vector_load %arg12[%parallel_loop3A_1500, %parallel_loop3A_1501, %parallel_loop3A_1502] {strides = array<i32>} : memref<2x64x128xf32, #tpu.memory_space<vmem>>, vector<16xf32>,
        %parallel_loop3A_1504 = arith.mulf %parallel_loop3A_1498, %parallel_loop3A_1503 : vector<16xf32>
        %parallel_loop3A_1505 = arith.constant 1 : i32
        %parallel_loop3A_1506 = arith.index_cast %parallel_loop3A_1505 : i32 to index
        %parallel_loop3A_1507 = arith.index_cast %parallel_loop3A_1449 : i32 to index
        %parallel_loop3A_1508 = arith.constant 80 : index
        %parallel_loop3A_1509 = tpu.vector_load %arg11[%parallel_loop3A_1506, %parallel_loop3A_1507, %parallel_loop3A_1508] {strides = array<i32>} : memref<2x64x128xf32, #tpu.memory_space<vmem>>, vector<16xf32>,
        %parallel_loop3A_1510 = arith.constant 1 : i32
        %parallel_loop3A_1511 = arith.index_cast %parallel_loop3A_1510 : i32 to index
        %parallel_loop3A_1512 = arith.index_cast %parallel_loop3A_1449 : i32 to index
        %parallel_loop3A_1513 = arith.constant 80 : index
        %parallel_loop3A_1514 = tpu.vector_load %arg12[%parallel_loop3A_1511, %parallel_loop3A_1512, %parallel_loop3A_1513] {strides = array<i32>} : memref<2x64x128xf32, #tpu.memory_space<vmem>>, vector<16xf32>,
        %parallel_loop3A_1515 = arith.mulf %parallel_loop3A_1509, %parallel_loop3A_1514 : vector<16xf32>
        %parallel_loop3A_1516 = arith.constant 1 : i32
        %parallel_loop3A_1517 = arith.index_cast %parallel_loop3A_1516 : i32 to index
        %parallel_loop3A_1518 = arith.index_cast %parallel_loop3A_1449 : i32 to index
        %parallel_loop3A_1519 = arith.constant 96 : index
        %parallel_loop3A_1520 = tpu.vector_load %arg11[%parallel_loop3A_1517, %parallel_loop3A_1518, %parallel_loop3A_1519] {strides = array<i32>} : memref<2x64x128xf32, #tpu.memory_space<vmem>>, vector<16xf32>,
        %parallel_loop3A_1521 = arith.constant 1 : i32
        %parallel_loop3A_1522 = arith.index_cast %parallel_loop3A_1521 : i32 to index
        %parallel_loop3A_1523 = arith.index_cast %parallel_loop3A_1449 : i32 to index
        %parallel_loop3A_1524 = arith.constant 96 : index
        %parallel_loop3A_1525 = tpu.vector_load %arg12[%parallel_loop3A_1522, %parallel_loop3A_1523, %parallel_loop3A_1524] {strides = array<i32>} : memref<2x64x128xf32, #tpu.memory_space<vmem>>, vector<16xf32>,
        %parallel_loop3A_1526 = arith.mulf %parallel_loop3A_1520, %parallel_loop3A_1525 : vector<16xf32>
        %parallel_loop3A_1527 = arith.constant 1 : i32
        %parallel_loop3A_1528 = arith.index_cast %parallel_loop3A_1527 : i32 to index
        %parallel_loop3A_1529 = arith.index_cast %parallel_loop3A_1449 : i32 to index
        %parallel_loop3A_1530 = arith.constant 112 : index
        %parallel_loop3A_1531 = tpu.vector_load %arg11[%parallel_loop3A_1528, %parallel_loop3A_1529, %parallel_loop3A_1530] {strides = array<i32>} : memref<2x64x128xf32, #tpu.memory_space<vmem>>, vector<16xf32>,
        %parallel_loop3A_1532 = arith.constant 1 : i32
        %parallel_loop3A_1533 = arith.index_cast %parallel_loop3A_1532 : i32 to index
        %parallel_loop3A_1534 = arith.index_cast %parallel_loop3A_1449 : i32 to index
        %parallel_loop3A_1535 = arith.constant 112 : index
        %parallel_loop3A_1536 = tpu.vector_load %arg12[%parallel_loop3A_1533, %parallel_loop3A_1534, %parallel_loop3A_1535] {strides = array<i32>} : memref<2x64x128xf32, #tpu.memory_space<vmem>>, vector<16xf32>,
        %parallel_loop3A_1537 = arith.mulf %parallel_loop3A_1531, %parallel_loop3A_1536 : vector<16xf32>
        %parallel_loop3A_1538 = arith.addf %parallel_loop3A_1460, %parallel_loop3A_1471 : vector<16xf32>
        %parallel_loop3A_1539 = arith.addf %parallel_loop3A_1482, %parallel_loop3A_1493 : vector<16xf32>
        %parallel_loop3A_1540 = arith.addf %parallel_loop3A_1504, %parallel_loop3A_1515 : vector<16xf32>
        %parallel_loop3A_1541 = arith.addf %parallel_loop3A_1526, %parallel_loop3A_1537 : vector<16xf32>
        %parallel_loop3A_1542 = arith.addf %parallel_loop3A_1538, %parallel_loop3A_1539 : vector<16xf32>
        %parallel_loop3A_1543 = arith.addf %parallel_loop3A_1540, %parallel_loop3A_1541 : vector<16xf32>
        %parallel_loop3A_1544 = arith.addf %parallel_loop3A_1542, %parallel_loop3A_1543 : vector<16xf32>
        %parallel_loop3A_1545 = arith.constant 192 : i32
        %parallel_loop3A_1546 = arith.addi %parallel_loop3A_209, %parallel_loop3A_1545 : i32
        %parallel_loop3A_1547 = arith.index_cast %parallel_loop3A_1546 : i32 to index
        %parallel_loop3A_1548 = tpu.vector_load %arg15[%parallel_loop3A_1547] {strides = array<i32>} : memref<1024xf32, #tpu.memory_space<vmem>>, vector<16xf32>,
        tpu.vector_store %arg15[%parallel_loop3A_1547], %parallel_loop3A_1544 {strides = array<i32>} : memref<1024xf32, #tpu.memory_space<vmem>>, vector<16xf32>,
        %parallel_loop3A_1549 = arith.constant 16 : i32
        %parallel_loop3A_1550 = arith.muli %parallel_loop3A_207, %parallel_loop3A_1549 : i32
        %parallel_loop3A_1551 = arith.constant 13 : i32
        %parallel_loop3A_1552 = arith.addi %parallel_loop3A_1550, %parallel_loop3A_1551 : i32
        %parallel_loop3A_1553 = arith.constant 1 : i32
        %parallel_loop3A_1554 = arith.index_cast %parallel_loop3A_1553 : i32 to index
        %parallel_loop3A_1555 = arith.index_cast %parallel_loop3A_1552 : i32 to index
        %parallel_loop3A_1556 = arith.constant 0 : index
        %parallel_loop3A_1557 = tpu.vector_load %arg11[%parallel_loop3A_1554, %parallel_loop3A_1555, %parallel_loop3A_1556] {strides = array<i32>} : memref<2x64x128xf32, #tpu.memory_space<vmem>>, vector<16xf32>,
        %parallel_loop3A_1558 = arith.constant 1 : i32
        %parallel_loop3A_1559 = arith.index_cast %parallel_loop3A_1558 : i32 to index
        %parallel_loop3A_1560 = arith.index_cast %parallel_loop3A_1552 : i32 to index
        %parallel_loop3A_1561 = arith.constant 0 : index
        %parallel_loop3A_1562 = tpu.vector_load %arg12[%parallel_loop3A_1559, %parallel_loop3A_1560, %parallel_loop3A_1561] {strides = array<i32>} : memref<2x64x128xf32, #tpu.memory_space<vmem>>, vector<16xf32>,
        %parallel_loop3A_1563 = arith.mulf %parallel_loop3A_1557, %parallel_loop3A_1562 : vector<16xf32>
        %parallel_loop3A_1564 = arith.constant 1 : i32
        %parallel_loop3A_1565 = arith.index_cast %parallel_loop3A_1564 : i32 to index
        %parallel_loop3A_1566 = arith.index_cast %parallel_loop3A_1552 : i32 to index
        %parallel_loop3A_1567 = arith.constant 16 : index
        %parallel_loop3A_1568 = tpu.vector_load %arg11[%parallel_loop3A_1565, %parallel_loop3A_1566, %parallel_loop3A_1567] {strides = array<i32>} : memref<2x64x128xf32, #tpu.memory_space<vmem>>, vector<16xf32>,
        %parallel_loop3A_1569 = arith.constant 1 : i32
        %parallel_loop3A_1570 = arith.index_cast %parallel_loop3A_1569 : i32 to index
        %parallel_loop3A_1571 = arith.index_cast %parallel_loop3A_1552 : i32 to index
        %parallel_loop3A_1572 = arith.constant 16 : index
        %parallel_loop3A_1573 = tpu.vector_load %arg12[%parallel_loop3A_1570, %parallel_loop3A_1571, %parallel_loop3A_1572] {strides = array<i32>} : memref<2x64x128xf32, #tpu.memory_space<vmem>>, vector<16xf32>,
        %parallel_loop3A_1574 = arith.mulf %parallel_loop3A_1568, %parallel_loop3A_1573 : vector<16xf32>
        %parallel_loop3A_1575 = arith.constant 1 : i32
        %parallel_loop3A_1576 = arith.index_cast %parallel_loop3A_1575 : i32 to index
        %parallel_loop3A_1577 = arith.index_cast %parallel_loop3A_1552 : i32 to index
        %parallel_loop3A_1578 = arith.constant 32 : index
        %parallel_loop3A_1579 = tpu.vector_load %arg11[%parallel_loop3A_1576, %parallel_loop3A_1577, %parallel_loop3A_1578] {strides = array<i32>} : memref<2x64x128xf32, #tpu.memory_space<vmem>>, vector<16xf32>,
        %parallel_loop3A_1580 = arith.constant 1 : i32
        %parallel_loop3A_1581 = arith.index_cast %parallel_loop3A_1580 : i32 to index
        %parallel_loop3A_1582 = arith.index_cast %parallel_loop3A_1552 : i32 to index
        %parallel_loop3A_1583 = arith.constant 32 : index
        %parallel_loop3A_1584 = tpu.vector_load %arg12[%parallel_loop3A_1581, %parallel_loop3A_1582, %parallel_loop3A_1583] {strides = array<i32>} : memref<2x64x128xf32, #tpu.memory_space<vmem>>, vector<16xf32>,
        %parallel_loop3A_1585 = arith.mulf %parallel_loop3A_1579, %parallel_loop3A_1584 : vector<16xf32>
        %parallel_loop3A_1586 = arith.constant 1 : i32
        %parallel_loop3A_1587 = arith.index_cast %parallel_loop3A_1586 : i32 to index
        %parallel_loop3A_1588 = arith.index_cast %parallel_loop3A_1552 : i32 to index
        %parallel_loop3A_1589 = arith.constant 48 : index
        %parallel_loop3A_1590 = tpu.vector_load %arg11[%parallel_loop3A_1587, %parallel_loop3A_1588, %parallel_loop3A_1589] {strides = array<i32>} : memref<2x64x128xf32, #tpu.memory_space<vmem>>, vector<16xf32>,
        %parallel_loop3A_1591 = arith.constant 1 : i32
        %parallel_loop3A_1592 = arith.index_cast %parallel_loop3A_1591 : i32 to index
        %parallel_loop3A_1593 = arith.index_cast %parallel_loop3A_1552 : i32 to index
        %parallel_loop3A_1594 = arith.constant 48 : index
        %parallel_loop3A_1595 = tpu.vector_load %arg12[%parallel_loop3A_1592, %parallel_loop3A_1593, %parallel_loop3A_1594] {strides = array<i32>} : memref<2x64x128xf32, #tpu.memory_space<vmem>>, vector<16xf32>,
        %parallel_loop3A_1596 = arith.mulf %parallel_loop3A_1590, %parallel_loop3A_1595 : vector<16xf32>
        %parallel_loop3A_1597 = arith.constant 1 : i32
        %parallel_loop3A_1598 = arith.index_cast %parallel_loop3A_1597 : i32 to index
        %parallel_loop3A_1599 = arith.index_cast %parallel_loop3A_1552 : i32 to index
        %parallel_loop3A_1600 = arith.constant 64 : index
        %parallel_loop3A_1601 = tpu.vector_load %arg11[%parallel_loop3A_1598, %parallel_loop3A_1599, %parallel_loop3A_1600] {strides = array<i32>} : memref<2x64x128xf32, #tpu.memory_space<vmem>>, vector<16xf32>,
        %parallel_loop3A_1602 = arith.constant 1 : i32
        %parallel_loop3A_1603 = arith.index_cast %parallel_loop3A_1602 : i32 to index
        %parallel_loop3A_1604 = arith.index_cast %parallel_loop3A_1552 : i32 to index
        %parallel_loop3A_1605 = arith.constant 64 : index
        %parallel_loop3A_1606 = tpu.vector_load %arg12[%parallel_loop3A_1603, %parallel_loop3A_1604, %parallel_loop3A_1605] {strides = array<i32>} : memref<2x64x128xf32, #tpu.memory_space<vmem>>, vector<16xf32>,
        %parallel_loop3A_1607 = arith.mulf %parallel_loop3A_1601, %parallel_loop3A_1606 : vector<16xf32>
        %parallel_loop3A_1608 = arith.constant 1 : i32
        %parallel_loop3A_1609 = arith.index_cast %parallel_loop3A_1608 : i32 to index
        %parallel_loop3A_1610 = arith.index_cast %parallel_loop3A_1552 : i32 to index
        %parallel_loop3A_1611 = arith.constant 80 : index
        %parallel_loop3A_1612 = tpu.vector_load %arg11[%parallel_loop3A_1609, %parallel_loop3A_1610, %parallel_loop3A_1611] {strides = array<i32>} : memref<2x64x128xf32, #tpu.memory_space<vmem>>, vector<16xf32>,
        %parallel_loop3A_1613 = arith.constant 1 : i32
        %parallel_loop3A_1614 = arith.index_cast %parallel_loop3A_1613 : i32 to index
        %parallel_loop3A_1615 = arith.index_cast %parallel_loop3A_1552 : i32 to index
        %parallel_loop3A_1616 = arith.constant 80 : index
        %parallel_loop3A_1617 = tpu.vector_load %arg12[%parallel_loop3A_1614, %parallel_loop3A_1615, %parallel_loop3A_1616] {strides = array<i32>} : memref<2x64x128xf32, #tpu.memory_space<vmem>>, vector<16xf32>,
        %parallel_loop3A_1618 = arith.mulf %parallel_loop3A_1612, %parallel_loop3A_1617 : vector<16xf32>
        %parallel_loop3A_1619 = arith.constant 1 : i32
        %parallel_loop3A_1620 = arith.index_cast %parallel_loop3A_1619 : i32 to index
        %parallel_loop3A_1621 = arith.index_cast %parallel_loop3A_1552 : i32 to index
        %parallel_loop3A_1622 = arith.constant 96 : index
        %parallel_loop3A_1623 = tpu.vector_load %arg11[%parallel_loop3A_1620, %parallel_loop3A_1621, %parallel_loop3A_1622] {strides = array<i32>} : memref<2x64x128xf32, #tpu.memory_space<vmem>>, vector<16xf32>,
        %parallel_loop3A_1624 = arith.constant 1 : i32
        %parallel_loop3A_1625 = arith.index_cast %parallel_loop3A_1624 : i32 to index
        %parallel_loop3A_1626 = arith.index_cast %parallel_loop3A_1552 : i32 to index
        %parallel_loop3A_1627 = arith.constant 96 : index
        %parallel_loop3A_1628 = tpu.vector_load %arg12[%parallel_loop3A_1625, %parallel_loop3A_1626, %parallel_loop3A_1627] {strides = array<i32>} : memref<2x64x128xf32, #tpu.memory_space<vmem>>, vector<16xf32>,
        %parallel_loop3A_1629 = arith.mulf %parallel_loop3A_1623, %parallel_loop3A_1628 : vector<16xf32>
        %parallel_loop3A_1630 = arith.constant 1 : i32
        %parallel_loop3A_1631 = arith.index_cast %parallel_loop3A_1630 : i32 to index
        %parallel_loop3A_1632 = arith.index_cast %parallel_loop3A_1552 : i32 to index
        %parallel_loop3A_1633 = arith.constant 112 : index
        %parallel_loop3A_1634 = tpu.vector_load %arg11[%parallel_loop3A_1631, %parallel_loop3A_1632, %parallel_loop3A_1633] {strides = array<i32>} : memref<2x64x128xf32, #tpu.memory_space<vmem>>, vector<16xf32>,
        %parallel_loop3A_1635 = arith.constant 1 : i32
        %parallel_loop3A_1636 = arith.index_cast %parallel_loop3A_1635 : i32 to index
        %parallel_loop3A_1637 = arith.index_cast %parallel_loop3A_1552 : i32 to index
        %parallel_loop3A_1638 = arith.constant 112 : index
        %parallel_loop3A_1639 = tpu.vector_load %arg12[%parallel_loop3A_1636, %parallel_loop3A_1637, %parallel_loop3A_1638] {strides = array<i32>} : memref<2x64x128xf32, #tpu.memory_space<vmem>>, vector<16xf32>,
        %parallel_loop3A_1640 = arith.mulf %parallel_loop3A_1634, %parallel_loop3A_1639 : vector<16xf32>
        %parallel_loop3A_1641 = arith.addf %parallel_loop3A_1563, %parallel_loop3A_1574 : vector<16xf32>
        %parallel_loop3A_1642 = arith.addf %parallel_loop3A_1585, %parallel_loop3A_1596 : vector<16xf32>
        %parallel_loop3A_1643 = arith.addf %parallel_loop3A_1607, %parallel_loop3A_1618 : vector<16xf32>
        %parallel_loop3A_1644 = arith.addf %parallel_loop3A_1629, %parallel_loop3A_1640 : vector<16xf32>
        %parallel_loop3A_1645 = arith.addf %parallel_loop3A_1641, %parallel_loop3A_1642 : vector<16xf32>
        %parallel_loop3A_1646 = arith.addf %parallel_loop3A_1643, %parallel_loop3A_1644 : vector<16xf32>
        %parallel_loop3A_1647 = arith.addf %parallel_loop3A_1645, %parallel_loop3A_1646 : vector<16xf32>
        %parallel_loop3A_1648 = arith.constant 208 : i32
        %parallel_loop3A_1649 = arith.addi %parallel_loop3A_209, %parallel_loop3A_1648 : i32
        %parallel_loop3A_1650 = arith.index_cast %parallel_loop3A_1649 : i32 to index
        %parallel_loop3A_1651 = tpu.vector_load %arg15[%parallel_loop3A_1650] {strides = array<i32>} : memref<1024xf32, #tpu.memory_space<vmem>>, vector<16xf32>,
        tpu.vector_store %arg15[%parallel_loop3A_1650], %parallel_loop3A_1647 {strides = array<i32>} : memref<1024xf32, #tpu.memory_space<vmem>>, vector<16xf32>,
        %parallel_loop3A_1652 = arith.constant 16 : i32
        %parallel_loop3A_1653 = arith.muli %parallel_loop3A_207, %parallel_loop3A_1652 : i32
        %parallel_loop3A_1654 = arith.constant 14 : i32
        %parallel_loop3A_1655 = arith.addi %parallel_loop3A_1653, %parallel_loop3A_1654 : i32
        %parallel_loop3A_1656 = arith.constant 1 : i32
        %parallel_loop3A_1657 = arith.index_cast %parallel_loop3A_1656 : i32 to index
        %parallel_loop3A_1658 = arith.index_cast %parallel_loop3A_1655 : i32 to index
        %parallel_loop3A_1659 = arith.constant 0 : index
        %parallel_loop3A_1660 = tpu.vector_load %arg11[%parallel_loop3A_1657, %parallel_loop3A_1658, %parallel_loop3A_1659] {strides = array<i32>} : memref<2x64x128xf32, #tpu.memory_space<vmem>>, vector<16xf32>,
        %parallel_loop3A_1661 = arith.constant 1 : i32
        %parallel_loop3A_1662 = arith.index_cast %parallel_loop3A_1661 : i32 to index
        %parallel_loop3A_1663 = arith.index_cast %parallel_loop3A_1655 : i32 to index
        %parallel_loop3A_1664 = arith.constant 0 : index
        %parallel_loop3A_1665 = tpu.vector_load %arg12[%parallel_loop3A_1662, %parallel_loop3A_1663, %parallel_loop3A_1664] {strides = array<i32>} : memref<2x64x128xf32, #tpu.memory_space<vmem>>, vector<16xf32>,
        %parallel_loop3A_1666 = arith.mulf %parallel_loop3A_1660, %parallel_loop3A_1665 : vector<16xf32>
        %parallel_loop3A_1667 = arith.constant 1 : i32
        %parallel_loop3A_1668 = arith.index_cast %parallel_loop3A_1667 : i32 to index
        %parallel_loop3A_1669 = arith.index_cast %parallel_loop3A_1655 : i32 to index
        %parallel_loop3A_1670 = arith.constant 16 : index
        %parallel_loop3A_1671 = tpu.vector_load %arg11[%parallel_loop3A_1668, %parallel_loop3A_1669, %parallel_loop3A_1670] {strides = array<i32>} : memref<2x64x128xf32, #tpu.memory_space<vmem>>, vector<16xf32>,
        %parallel_loop3A_1672 = arith.constant 1 : i32
        %parallel_loop3A_1673 = arith.index_cast %parallel_loop3A_1672 : i32 to index
        %parallel_loop3A_1674 = arith.index_cast %parallel_loop3A_1655 : i32 to index
        %parallel_loop3A_1675 = arith.constant 16 : index
        %parallel_loop3A_1676 = tpu.vector_load %arg12[%parallel_loop3A_1673, %parallel_loop3A_1674, %parallel_loop3A_1675] {strides = array<i32>} : memref<2x64x128xf32, #tpu.memory_space<vmem>>, vector<16xf32>,
        %parallel_loop3A_1677 = arith.mulf %parallel_loop3A_1671, %parallel_loop3A_1676 : vector<16xf32>
        %parallel_loop3A_1678 = arith.constant 1 : i32
        %parallel_loop3A_1679 = arith.index_cast %parallel_loop3A_1678 : i32 to index
        %parallel_loop3A_1680 = arith.index_cast %parallel_loop3A_1655 : i32 to index
        %parallel_loop3A_1681 = arith.constant 32 : index
        %parallel_loop3A_1682 = tpu.vector_load %arg11[%parallel_loop3A_1679, %parallel_loop3A_1680, %parallel_loop3A_1681] {strides = array<i32>} : memref<2x64x128xf32, #tpu.memory_space<vmem>>, vector<16xf32>,
        %parallel_loop3A_1683 = arith.constant 1 : i32
        %parallel_loop3A_1684 = arith.index_cast %parallel_loop3A_1683 : i32 to index
        %parallel_loop3A_1685 = arith.index_cast %parallel_loop3A_1655 : i32 to index
        %parallel_loop3A_1686 = arith.constant 32 : index
        %parallel_loop3A_1687 = tpu.vector_load %arg12[%parallel_loop3A_1684, %parallel_loop3A_1685, %parallel_loop3A_1686] {strides = array<i32>} : memref<2x64x128xf32, #tpu.memory_space<vmem>>, vector<16xf32>,
        %parallel_loop3A_1688 = arith.mulf %parallel_loop3A_1682, %parallel_loop3A_1687 : vector<16xf32>
        %parallel_loop3A_1689 = arith.constant 1 : i32
        %parallel_loop3A_1690 = arith.index_cast %parallel_loop3A_1689 : i32 to index
        %parallel_loop3A_1691 = arith.index_cast %parallel_loop3A_1655 : i32 to index
        %parallel_loop3A_1692 = arith.constant 48 : index
        %parallel_loop3A_1693 = tpu.vector_load %arg11[%parallel_loop3A_1690, %parallel_loop3A_1691, %parallel_loop3A_1692] {strides = array<i32>} : memref<2x64x128xf32, #tpu.memory_space<vmem>>, vector<16xf32>,
        %parallel_loop3A_1694 = arith.constant 1 : i32
        %parallel_loop3A_1695 = arith.index_cast %parallel_loop3A_1694 : i32 to index
        %parallel_loop3A_1696 = arith.index_cast %parallel_loop3A_1655 : i32 to index
        %parallel_loop3A_1697 = arith.constant 48 : index
        %parallel_loop3A_1698 = tpu.vector_load %arg12[%parallel_loop3A_1695, %parallel_loop3A_1696, %parallel_loop3A_1697] {strides = array<i32>} : memref<2x64x128xf32, #tpu.memory_space<vmem>>, vector<16xf32>,
        %parallel_loop3A_1699 = arith.mulf %parallel_loop3A_1693, %parallel_loop3A_1698 : vector<16xf32>
        %parallel_loop3A_1700 = arith.constant 1 : i32
        %parallel_loop3A_1701 = arith.index_cast %parallel_loop3A_1700 : i32 to index
        %parallel_loop3A_1702 = arith.index_cast %parallel_loop3A_1655 : i32 to index
        %parallel_loop3A_1703 = arith.constant 64 : index
        %parallel_loop3A_1704 = tpu.vector_load %arg11[%parallel_loop3A_1701, %parallel_loop3A_1702, %parallel_loop3A_1703] {strides = array<i32>} : memref<2x64x128xf32, #tpu.memory_space<vmem>>, vector<16xf32>,
        %parallel_loop3A_1705 = arith.constant 1 : i32
        %parallel_loop3A_1706 = arith.index_cast %parallel_loop3A_1705 : i32 to index
        %parallel_loop3A_1707 = arith.index_cast %parallel_loop3A_1655 : i32 to index
        %parallel_loop3A_1708 = arith.constant 64 : index
        %parallel_loop3A_1709 = tpu.vector_load %arg12[%parallel_loop3A_1706, %parallel_loop3A_1707, %parallel_loop3A_1708] {strides = array<i32>} : memref<2x64x128xf32, #tpu.memory_space<vmem>>, vector<16xf32>,
        %parallel_loop3A_1710 = arith.mulf %parallel_loop3A_1704, %parallel_loop3A_1709 : vector<16xf32>
        %parallel_loop3A_1711 = arith.constant 1 : i32
        %parallel_loop3A_1712 = arith.index_cast %parallel_loop3A_1711 : i32 to index
        %parallel_loop3A_1713 = arith.index_cast %parallel_loop3A_1655 : i32 to index
        %parallel_loop3A_1714 = arith.constant 80 : index
        %parallel_loop3A_1715 = tpu.vector_load %arg11[%parallel_loop3A_1712, %parallel_loop3A_1713, %parallel_loop3A_1714] {strides = array<i32>} : memref<2x64x128xf32, #tpu.memory_space<vmem>>, vector<16xf32>,
        %parallel_loop3A_1716 = arith.constant 1 : i32
        %parallel_loop3A_1717 = arith.index_cast %parallel_loop3A_1716 : i32 to index
        %parallel_loop3A_1718 = arith.index_cast %parallel_loop3A_1655 : i32 to index
        %parallel_loop3A_1719 = arith.constant 80 : index
        %parallel_loop3A_1720 = tpu.vector_load %arg12[%parallel_loop3A_1717, %parallel_loop3A_1718, %parallel_loop3A_1719] {strides = array<i32>} : memref<2x64x128xf32, #tpu.memory_space<vmem>>, vector<16xf32>,
        %parallel_loop3A_1721 = arith.mulf %parallel_loop3A_1715, %parallel_loop3A_1720 : vector<16xf32>
        %parallel_loop3A_1722 = arith.constant 1 : i32
        %parallel_loop3A_1723 = arith.index_cast %parallel_loop3A_1722 : i32 to index
        %parallel_loop3A_1724 = arith.index_cast %parallel_loop3A_1655 : i32 to index
        %parallel_loop3A_1725 = arith.constant 96 : index
        %parallel_loop3A_1726 = tpu.vector_load %arg11[%parallel_loop3A_1723, %parallel_loop3A_1724, %parallel_loop3A_1725] {strides = array<i32>} : memref<2x64x128xf32, #tpu.memory_space<vmem>>, vector<16xf32>,
        %parallel_loop3A_1727 = arith.constant 1 : i32
        %parallel_loop3A_1728 = arith.index_cast %parallel_loop3A_1727 : i32 to index
        %parallel_loop3A_1729 = arith.index_cast %parallel_loop3A_1655 : i32 to index
        %parallel_loop3A_1730 = arith.constant 96 : index
        %parallel_loop3A_1731 = tpu.vector_load %arg12[%parallel_loop3A_1728, %parallel_loop3A_1729, %parallel_loop3A_1730] {strides = array<i32>} : memref<2x64x128xf32, #tpu.memory_space<vmem>>, vector<16xf32>,
        %parallel_loop3A_1732 = arith.mulf %parallel_loop3A_1726, %parallel_loop3A_1731 : vector<16xf32>
        %parallel_loop3A_1733 = arith.constant 1 : i32
        %parallel_loop3A_1734 = arith.index_cast %parallel_loop3A_1733 : i32 to index
        %parallel_loop3A_1735 = arith.index_cast %parallel_loop3A_1655 : i32 to index
        %parallel_loop3A_1736 = arith.constant 112 : index
        %parallel_loop3A_1737 = tpu.vector_load %arg11[%parallel_loop3A_1734, %parallel_loop3A_1735, %parallel_loop3A_1736] {strides = array<i32>} : memref<2x64x128xf32, #tpu.memory_space<vmem>>, vector<16xf32>,
        %parallel_loop3A_1738 = arith.constant 1 : i32
        %parallel_loop3A_1739 = arith.index_cast %parallel_loop3A_1738 : i32 to index
        %parallel_loop3A_1740 = arith.index_cast %parallel_loop3A_1655 : i32 to index
        %parallel_loop3A_1741 = arith.constant 112 : index
        %parallel_loop3A_1742 = tpu.vector_load %arg12[%parallel_loop3A_1739, %parallel_loop3A_1740, %parallel_loop3A_1741] {strides = array<i32>} : memref<2x64x128xf32, #tpu.memory_space<vmem>>, vector<16xf32>,
        %parallel_loop3A_1743 = arith.mulf %parallel_loop3A_1737, %parallel_loop3A_1742 : vector<16xf32>
        %parallel_loop3A_1744 = arith.addf %parallel_loop3A_1666, %parallel_loop3A_1677 : vector<16xf32>
        %parallel_loop3A_1745 = arith.addf %parallel_loop3A_1688, %parallel_loop3A_1699 : vector<16xf32>
        %parallel_loop3A_1746 = arith.addf %parallel_loop3A_1710, %parallel_loop3A_1721 : vector<16xf32>
        %parallel_loop3A_1747 = arith.addf %parallel_loop3A_1732, %parallel_loop3A_1743 : vector<16xf32>
        %parallel_loop3A_1748 = arith.addf %parallel_loop3A_1744, %parallel_loop3A_1745 : vector<16xf32>
        %parallel_loop3A_1749 = arith.addf %parallel_loop3A_1746, %parallel_loop3A_1747 : vector<16xf32>
        %parallel_loop3A_1750 = arith.addf %parallel_loop3A_1748, %parallel_loop3A_1749 : vector<16xf32>
        %parallel_loop3A_1751 = arith.constant 224 : i32
        %parallel_loop3A_1752 = arith.addi %parallel_loop3A_209, %parallel_loop3A_1751 : i32
        %parallel_loop3A_1753 = arith.index_cast %parallel_loop3A_1752 : i32 to index
        %parallel_loop3A_1754 = tpu.vector_load %arg15[%parallel_loop3A_1753] {strides = array<i32>} : memref<1024xf32, #tpu.memory_space<vmem>>, vector<16xf32>,
        tpu.vector_store %arg15[%parallel_loop3A_1753], %parallel_loop3A_1750 {strides = array<i32>} : memref<1024xf32, #tpu.memory_space<vmem>>, vector<16xf32>,
        %parallel_loop3A_1755 = arith.constant 16 : i32
        %parallel_loop3A_1756 = arith.muli %parallel_loop3A_207, %parallel_loop3A_1755 : i32
        %parallel_loop3A_1757 = arith.constant 15 : i32
        %parallel_loop3A_1758 = arith.addi %parallel_loop3A_1756, %parallel_loop3A_1757 : i32
        %parallel_loop3A_1759 = arith.constant 1 : i32
        %parallel_loop3A_1760 = arith.index_cast %parallel_loop3A_1759 : i32 to index
        %parallel_loop3A_1761 = arith.index_cast %parallel_loop3A_1758 : i32 to index
        %parallel_loop3A_1762 = arith.constant 0 : index
        %parallel_loop3A_1763 = tpu.vector_load %arg11[%parallel_loop3A_1760, %parallel_loop3A_1761, %parallel_loop3A_1762] {strides = array<i32>} : memref<2x64x128xf32, #tpu.memory_space<vmem>>, vector<16xf32>,
        %parallel_loop3A_1764 = arith.constant 1 : i32
        %parallel_loop3A_1765 = arith.index_cast %parallel_loop3A_1764 : i32 to index
        %parallel_loop3A_1766 = arith.index_cast %parallel_loop3A_1758 : i32 to index
        %parallel_loop3A_1767 = arith.constant 0 : index
        %parallel_loop3A_1768 = tpu.vector_load %arg12[%parallel_loop3A_1765, %parallel_loop3A_1766, %parallel_loop3A_1767] {strides = array<i32>} : memref<2x64x128xf32, #tpu.memory_space<vmem>>, vector<16xf32>,
        %parallel_loop3A_1769 = arith.mulf %parallel_loop3A_1763, %parallel_loop3A_1768 : vector<16xf32>
        %parallel_loop3A_1770 = arith.constant 1 : i32
        %parallel_loop3A_1771 = arith.index_cast %parallel_loop3A_1770 : i32 to index
        %parallel_loop3A_1772 = arith.index_cast %parallel_loop3A_1758 : i32 to index
        %parallel_loop3A_1773 = arith.constant 16 : index
        %parallel_loop3A_1774 = tpu.vector_load %arg11[%parallel_loop3A_1771, %parallel_loop3A_1772, %parallel_loop3A_1773] {strides = array<i32>} : memref<2x64x128xf32, #tpu.memory_space<vmem>>, vector<16xf32>,
        %parallel_loop3A_1775 = arith.constant 1 : i32
        %parallel_loop3A_1776 = arith.index_cast %parallel_loop3A_1775 : i32 to index
        %parallel_loop3A_1777 = arith.index_cast %parallel_loop3A_1758 : i32 to index
        %parallel_loop3A_1778 = arith.constant 16 : index
        %parallel_loop3A_1779 = tpu.vector_load %arg12[%parallel_loop3A_1776, %parallel_loop3A_1777, %parallel_loop3A_1778] {strides = array<i32>} : memref<2x64x128xf32, #tpu.memory_space<vmem>>, vector<16xf32>,
        %parallel_loop3A_1780 = arith.mulf %parallel_loop3A_1774, %parallel_loop3A_1779 : vector<16xf32>
        %parallel_loop3A_1781 = arith.constant 1 : i32
        %parallel_loop3A_1782 = arith.index_cast %parallel_loop3A_1781 : i32 to index
        %parallel_loop3A_1783 = arith.index_cast %parallel_loop3A_1758 : i32 to index
        %parallel_loop3A_1784 = arith.constant 32 : index
        %parallel_loop3A_1785 = tpu.vector_load %arg11[%parallel_loop3A_1782, %parallel_loop3A_1783, %parallel_loop3A_1784] {strides = array<i32>} : memref<2x64x128xf32, #tpu.memory_space<vmem>>, vector<16xf32>,
        %parallel_loop3A_1786 = arith.constant 1 : i32
        %parallel_loop3A_1787 = arith.index_cast %parallel_loop3A_1786 : i32 to index
        %parallel_loop3A_1788 = arith.index_cast %parallel_loop3A_1758 : i32 to index
        %parallel_loop3A_1789 = arith.constant 32 : index
        %parallel_loop3A_1790 = tpu.vector_load %arg12[%parallel_loop3A_1787, %parallel_loop3A_1788, %parallel_loop3A_1789] {strides = array<i32>} : memref<2x64x128xf32, #tpu.memory_space<vmem>>, vector<16xf32>,
        %parallel_loop3A_1791 = arith.mulf %parallel_loop3A_1785, %parallel_loop3A_1790 : vector<16xf32>
        %parallel_loop3A_1792 = arith.constant 1 : i32
        %parallel_loop3A_1793 = arith.index_cast %parallel_loop3A_1792 : i32 to index
        %parallel_loop3A_1794 = arith.index_cast %parallel_loop3A_1758 : i32 to index
        %parallel_loop3A_1795 = arith.constant 48 : index
        %parallel_loop3A_1796 = tpu.vector_load %arg11[%parallel_loop3A_1793, %parallel_loop3A_1794, %parallel_loop3A_1795] {strides = array<i32>} : memref<2x64x128xf32, #tpu.memory_space<vmem>>, vector<16xf32>,
        %parallel_loop3A_1797 = arith.constant 1 : i32
        %parallel_loop3A_1798 = arith.index_cast %parallel_loop3A_1797 : i32 to index
        %parallel_loop3A_1799 = arith.index_cast %parallel_loop3A_1758 : i32 to index
        %parallel_loop3A_1800 = arith.constant 48 : index
        %parallel_loop3A_1801 = tpu.vector_load %arg12[%parallel_loop3A_1798, %parallel_loop3A_1799, %parallel_loop3A_1800] {strides = array<i32>} : memref<2x64x128xf32, #tpu.memory_space<vmem>>, vector<16xf32>,
        %parallel_loop3A_1802 = arith.mulf %parallel_loop3A_1796, %parallel_loop3A_1801 : vector<16xf32>
        %parallel_loop3A_1803 = arith.constant 1 : i32
        %parallel_loop3A_1804 = arith.index_cast %parallel_loop3A_1803 : i32 to index
        %parallel_loop3A_1805 = arith.index_cast %parallel_loop3A_1758 : i32 to index
        %parallel_loop3A_1806 = arith.constant 64 : index
        %parallel_loop3A_1807 = tpu.vector_load %arg11[%parallel_loop3A_1804, %parallel_loop3A_1805, %parallel_loop3A_1806] {strides = array<i32>} : memref<2x64x128xf32, #tpu.memory_space<vmem>>, vector<16xf32>,
        %parallel_loop3A_1808 = arith.constant 1 : i32
        %parallel_loop3A_1809 = arith.index_cast %parallel_loop3A_1808 : i32 to index
        %parallel_loop3A_1810 = arith.index_cast %parallel_loop3A_1758 : i32 to index
        %parallel_loop3A_1811 = arith.constant 64 : index
        %parallel_loop3A_1812 = tpu.vector_load %arg12[%parallel_loop3A_1809, %parallel_loop3A_1810, %parallel_loop3A_1811] {strides = array<i32>} : memref<2x64x128xf32, #tpu.memory_space<vmem>>, vector<16xf32>,
        %parallel_loop3A_1813 = arith.mulf %parallel_loop3A_1807, %parallel_loop3A_1812 : vector<16xf32>
        %parallel_loop3A_1814 = arith.constant 1 : i32
        %parallel_loop3A_1815 = arith.index_cast %parallel_loop3A_1814 : i32 to index
        %parallel_loop3A_1816 = arith.index_cast %parallel_loop3A_1758 : i32 to index
        %parallel_loop3A_1817 = arith.constant 80 : index
        %parallel_loop3A_1818 = tpu.vector_load %arg11[%parallel_loop3A_1815, %parallel_loop3A_1816, %parallel_loop3A_1817] {strides = array<i32>} : memref<2x64x128xf32, #tpu.memory_space<vmem>>, vector<16xf32>,
        %parallel_loop3A_1819 = arith.constant 1 : i32
        %parallel_loop3A_1820 = arith.index_cast %parallel_loop3A_1819 : i32 to index
        %parallel_loop3A_1821 = arith.index_cast %parallel_loop3A_1758 : i32 to index
        %parallel_loop3A_1822 = arith.constant 80 : index
        %parallel_loop3A_1823 = tpu.vector_load %arg12[%parallel_loop3A_1820, %parallel_loop3A_1821, %parallel_loop3A_1822] {strides = array<i32>} : memref<2x64x128xf32, #tpu.memory_space<vmem>>, vector<16xf32>,
        %parallel_loop3A_1824 = arith.mulf %parallel_loop3A_1818, %parallel_loop3A_1823 : vector<16xf32>
        %parallel_loop3A_1825 = arith.constant 1 : i32
        %parallel_loop3A_1826 = arith.index_cast %parallel_loop3A_1825 : i32 to index
        %parallel_loop3A_1827 = arith.index_cast %parallel_loop3A_1758 : i32 to index
        %parallel_loop3A_1828 = arith.constant 96 : index
        %parallel_loop3A_1829 = tpu.vector_load %arg11[%parallel_loop3A_1826, %parallel_loop3A_1827, %parallel_loop3A_1828] {strides = array<i32>} : memref<2x64x128xf32, #tpu.memory_space<vmem>>, vector<16xf32>,
        %parallel_loop3A_1830 = arith.constant 1 : i32
        %parallel_loop3A_1831 = arith.index_cast %parallel_loop3A_1830 : i32 to index
        %parallel_loop3A_1832 = arith.index_cast %parallel_loop3A_1758 : i32 to index
        %parallel_loop3A_1833 = arith.constant 96 : index
        %parallel_loop3A_1834 = tpu.vector_load %arg12[%parallel_loop3A_1831, %parallel_loop3A_1832, %parallel_loop3A_1833] {strides = array<i32>} : memref<2x64x128xf32, #tpu.memory_space<vmem>>, vector<16xf32>,
        %parallel_loop3A_1835 = arith.mulf %parallel_loop3A_1829, %parallel_loop3A_1834 : vector<16xf32>
        %parallel_loop3A_1836 = arith.constant 1 : i32
        %parallel_loop3A_1837 = arith.index_cast %parallel_loop3A_1836 : i32 to index
        %parallel_loop3A_1838 = arith.index_cast %parallel_loop3A_1758 : i32 to index
        %parallel_loop3A_1839 = arith.constant 112 : index
        %parallel_loop3A_1840 = tpu.vector_load %arg11[%parallel_loop3A_1837, %parallel_loop3A_1838, %parallel_loop3A_1839] {strides = array<i32>} : memref<2x64x128xf32, #tpu.memory_space<vmem>>, vector<16xf32>,
        %parallel_loop3A_1841 = arith.constant 1 : i32
        %parallel_loop3A_1842 = arith.index_cast %parallel_loop3A_1841 : i32 to index
        %parallel_loop3A_1843 = arith.index_cast %parallel_loop3A_1758 : i32 to index
        %parallel_loop3A_1844 = arith.constant 112 : index
        %parallel_loop3A_1845 = tpu.vector_load %arg12[%parallel_loop3A_1842, %parallel_loop3A_1843, %parallel_loop3A_1844] {strides = array<i32>} : memref<2x64x128xf32, #tpu.memory_space<vmem>>, vector<16xf32>,
        %parallel_loop3A_1846 = arith.mulf %parallel_loop3A_1840, %parallel_loop3A_1845 : vector<16xf32>
        %parallel_loop3A_1847 = arith.addf %parallel_loop3A_1769, %parallel_loop3A_1780 : vector<16xf32>
        %parallel_loop3A_1848 = arith.addf %parallel_loop3A_1791, %parallel_loop3A_1802 : vector<16xf32>
        %parallel_loop3A_1849 = arith.addf %parallel_loop3A_1813, %parallel_loop3A_1824 : vector<16xf32>
        %parallel_loop3A_1850 = arith.addf %parallel_loop3A_1835, %parallel_loop3A_1846 : vector<16xf32>
        %parallel_loop3A_1851 = arith.addf %parallel_loop3A_1847, %parallel_loop3A_1848 : vector<16xf32>
        %parallel_loop3A_1852 = arith.addf %parallel_loop3A_1849, %parallel_loop3A_1850 : vector<16xf32>
        %parallel_loop3A_1853 = arith.addf %parallel_loop3A_1851, %parallel_loop3A_1852 : vector<16xf32>
        %parallel_loop3A_1854 = arith.constant 240 : i32
        %parallel_loop3A_1855 = arith.addi %parallel_loop3A_209, %parallel_loop3A_1854 : i32
        %parallel_loop3A_1856 = arith.index_cast %parallel_loop3A_1855 : i32 to index
        %parallel_loop3A_1857 = tpu.vector_load %arg15[%parallel_loop3A_1856] {strides = array<i32>} : memref<1024xf32, #tpu.memory_space<vmem>>, vector<16xf32>,
        tpu.vector_store %arg15[%parallel_loop3A_1856], %parallel_loop3A_1853 {strides = array<i32>} : memref<1024xf32, #tpu.memory_space<vmem>>, vector<16xf32>,
        %parallel_loop3A_1858 = arith.constant 16 : i32
        %parallel_loop3A_1859 = vector.broadcast %parallel_loop3A_1858 : i32 to vector<16xi32>
        %parallel_loop3A_1860 = arith.muli %iota3A, %parallel_loop3A_1859 : vector<16xi32>
        %parallel_loop3A_1861 = vector.broadcast %parallel_loop3A_209 : i32 to vector<16xi32>
        %parallel_loop3A_1862 = arith.addi %parallel_loop3A_1860, %parallel_loop3A_1861 : vector<16xi32>
        %parallel_loop3A_1863 = tpu.vector_load_idx %arg15[%parallel_loop3A_1862] : memref<1024xf32, #tpu.memory_space<vmem>>[vector<16xi32>], vector<16xf32>,
        %parallel_loop3A_1864 = arith.constant 1 : i32
        %parallel_loop3A_1865 = vector.broadcast %parallel_loop3A_1864 : i32 to vector<16xi32>
        %parallel_loop3A_1866 = arith.addi %parallel_loop3A_1862, %parallel_loop3A_1865 : vector<16xi32>
        %parallel_loop3A_1867 = tpu.vector_load_idx %arg15[%parallel_loop3A_1866] : memref<1024xf32, #tpu.memory_space<vmem>>[vector<16xi32>], vector<16xf32>,
        %parallel_loop3A_1868 = arith.addf %parallel_loop3A_1863, %parallel_loop3A_1867 : vector<16xf32>
        %parallel_loop3A_1869 = arith.constant 2 : i32
        %parallel_loop3A_1870 = vector.broadcast %parallel_loop3A_1869 : i32 to vector<16xi32>
        %parallel_loop3A_1871 = arith.addi %parallel_loop3A_1862, %parallel_loop3A_1870 : vector<16xi32>
        %parallel_loop3A_1872 = tpu.vector_load_idx %arg15[%parallel_loop3A_1871] : memref<1024xf32, #tpu.memory_space<vmem>>[vector<16xi32>], vector<16xf32>,
        %parallel_loop3A_1873 = arith.addf %parallel_loop3A_1868, %parallel_loop3A_1872 : vector<16xf32>
        %parallel_loop3A_1874 = arith.constant 3 : i32
        %parallel_loop3A_1875 = vector.broadcast %parallel_loop3A_1874 : i32 to vector<16xi32>
        %parallel_loop3A_1876 = arith.addi %parallel_loop3A_1862, %parallel_loop3A_1875 : vector<16xi32>
        %parallel_loop3A_1877 = tpu.vector_load_idx %arg15[%parallel_loop3A_1876] : memref<1024xf32, #tpu.memory_space<vmem>>[vector<16xi32>], vector<16xf32>,
        %parallel_loop3A_1878 = arith.addf %parallel_loop3A_1873, %parallel_loop3A_1877 : vector<16xf32>
        %parallel_loop3A_1879 = arith.constant 4 : i32
        %parallel_loop3A_1880 = vector.broadcast %parallel_loop3A_1879 : i32 to vector<16xi32>
        %parallel_loop3A_1881 = arith.addi %parallel_loop3A_1862, %parallel_loop3A_1880 : vector<16xi32>
        %parallel_loop3A_1882 = tpu.vector_load_idx %arg15[%parallel_loop3A_1881] : memref<1024xf32, #tpu.memory_space<vmem>>[vector<16xi32>], vector<16xf32>,
        %parallel_loop3A_1883 = arith.addf %parallel_loop3A_1878, %parallel_loop3A_1882 : vector<16xf32>
        %parallel_loop3A_1884 = arith.constant 5 : i32
        %parallel_loop3A_1885 = vector.broadcast %parallel_loop3A_1884 : i32 to vector<16xi32>
        %parallel_loop3A_1886 = arith.addi %parallel_loop3A_1862, %parallel_loop3A_1885 : vector<16xi32>
        %parallel_loop3A_1887 = tpu.vector_load_idx %arg15[%parallel_loop3A_1886] : memref<1024xf32, #tpu.memory_space<vmem>>[vector<16xi32>], vector<16xf32>,
        %parallel_loop3A_1888 = arith.addf %parallel_loop3A_1883, %parallel_loop3A_1887 : vector<16xf32>
        %parallel_loop3A_1889 = arith.constant 6 : i32
        %parallel_loop3A_1890 = vector.broadcast %parallel_loop3A_1889 : i32 to vector<16xi32>
        %parallel_loop3A_1891 = arith.addi %parallel_loop3A_1862, %parallel_loop3A_1890 : vector<16xi32>
        %parallel_loop3A_1892 = tpu.vector_load_idx %arg15[%parallel_loop3A_1891] : memref<1024xf32, #tpu.memory_space<vmem>>[vector<16xi32>], vector<16xf32>,
        %parallel_loop3A_1893 = arith.addf %parallel_loop3A_1888, %parallel_loop3A_1892 : vector<16xf32>
        %parallel_loop3A_1894 = arith.constant 7 : i32
        %parallel_loop3A_1895 = vector.broadcast %parallel_loop3A_1894 : i32 to vector<16xi32>
        %parallel_loop3A_1896 = arith.addi %parallel_loop3A_1862, %parallel_loop3A_1895 : vector<16xi32>
        %parallel_loop3A_1897 = tpu.vector_load_idx %arg15[%parallel_loop3A_1896] : memref<1024xf32, #tpu.memory_space<vmem>>[vector<16xi32>], vector<16xf32>,
        %parallel_loop3A_1898 = arith.addf %parallel_loop3A_1893, %parallel_loop3A_1897 : vector<16xf32>
        %parallel_loop3A_1899 = arith.constant 8 : i32
        %parallel_loop3A_1900 = vector.broadcast %parallel_loop3A_1899 : i32 to vector<16xi32>
        %parallel_loop3A_1901 = arith.addi %parallel_loop3A_1862, %parallel_loop3A_1900 : vector<16xi32>
        %parallel_loop3A_1902 = tpu.vector_load_idx %arg15[%parallel_loop3A_1901] : memref<1024xf32, #tpu.memory_space<vmem>>[vector<16xi32>], vector<16xf32>,
        %parallel_loop3A_1903 = arith.addf %parallel_loop3A_1898, %parallel_loop3A_1902 : vector<16xf32>
        %parallel_loop3A_1904 = arith.constant 9 : i32
        %parallel_loop3A_1905 = vector.broadcast %parallel_loop3A_1904 : i32 to vector<16xi32>
        %parallel_loop3A_1906 = arith.addi %parallel_loop3A_1862, %parallel_loop3A_1905 : vector<16xi32>
        %parallel_loop3A_1907 = tpu.vector_load_idx %arg15[%parallel_loop3A_1906] : memref<1024xf32, #tpu.memory_space<vmem>>[vector<16xi32>], vector<16xf32>,
        %parallel_loop3A_1908 = arith.addf %parallel_loop3A_1903, %parallel_loop3A_1907 : vector<16xf32>
        %parallel_loop3A_1909 = arith.constant 10 : i32
        %parallel_loop3A_1910 = vector.broadcast %parallel_loop3A_1909 : i32 to vector<16xi32>
        %parallel_loop3A_1911 = arith.addi %parallel_loop3A_1862, %parallel_loop3A_1910 : vector<16xi32>
        %parallel_loop3A_1912 = tpu.vector_load_idx %arg15[%parallel_loop3A_1911] : memref<1024xf32, #tpu.memory_space<vmem>>[vector<16xi32>], vector<16xf32>,
        %parallel_loop3A_1913 = arith.addf %parallel_loop3A_1908, %parallel_loop3A_1912 : vector<16xf32>
        %parallel_loop3A_1914 = arith.constant 11 : i32
        %parallel_loop3A_1915 = vector.broadcast %parallel_loop3A_1914 : i32 to vector<16xi32>
        %parallel_loop3A_1916 = arith.addi %parallel_loop3A_1862, %parallel_loop3A_1915 : vector<16xi32>
        %parallel_loop3A_1917 = tpu.vector_load_idx %arg15[%parallel_loop3A_1916] : memref<1024xf32, #tpu.memory_space<vmem>>[vector<16xi32>], vector<16xf32>,
        %parallel_loop3A_1918 = arith.addf %parallel_loop3A_1913, %parallel_loop3A_1917 : vector<16xf32>
        %parallel_loop3A_1919 = arith.constant 12 : i32
        %parallel_loop3A_1920 = vector.broadcast %parallel_loop3A_1919 : i32 to vector<16xi32>
        %parallel_loop3A_1921 = arith.addi %parallel_loop3A_1862, %parallel_loop3A_1920 : vector<16xi32>
        %parallel_loop3A_1922 = tpu.vector_load_idx %arg15[%parallel_loop3A_1921] : memref<1024xf32, #tpu.memory_space<vmem>>[vector<16xi32>], vector<16xf32>,
        %parallel_loop3A_1923 = arith.addf %parallel_loop3A_1918, %parallel_loop3A_1922 : vector<16xf32>
        %parallel_loop3A_1924 = arith.constant 13 : i32
        %parallel_loop3A_1925 = vector.broadcast %parallel_loop3A_1924 : i32 to vector<16xi32>
        %parallel_loop3A_1926 = arith.addi %parallel_loop3A_1862, %parallel_loop3A_1925 : vector<16xi32>
        %parallel_loop3A_1927 = tpu.vector_load_idx %arg15[%parallel_loop3A_1926] : memref<1024xf32, #tpu.memory_space<vmem>>[vector<16xi32>], vector<16xf32>,
        %parallel_loop3A_1928 = arith.addf %parallel_loop3A_1923, %parallel_loop3A_1927 : vector<16xf32>
        %parallel_loop3A_1929 = arith.constant 14 : i32
        %parallel_loop3A_1930 = vector.broadcast %parallel_loop3A_1929 : i32 to vector<16xi32>
        %parallel_loop3A_1931 = arith.addi %parallel_loop3A_1862, %parallel_loop3A_1930 : vector<16xi32>
        %parallel_loop3A_1932 = tpu.vector_load_idx %arg15[%parallel_loop3A_1931] : memref<1024xf32, #tpu.memory_space<vmem>>[vector<16xi32>], vector<16xf32>,
        %parallel_loop3A_1933 = arith.addf %parallel_loop3A_1928, %parallel_loop3A_1932 : vector<16xf32>
        %parallel_loop3A_1934 = arith.constant 15 : i32
        %parallel_loop3A_1935 = vector.broadcast %parallel_loop3A_1934 : i32 to vector<16xi32>
        %parallel_loop3A_1936 = arith.addi %parallel_loop3A_1862, %parallel_loop3A_1935 : vector<16xi32>
        %parallel_loop3A_1937 = tpu.vector_load_idx %arg15[%parallel_loop3A_1936] : memref<1024xf32, #tpu.memory_space<vmem>>[vector<16xi32>], vector<16xf32>,
        %parallel_loop3A_1938 = arith.addf %parallel_loop3A_1933, %parallel_loop3A_1937 : vector<16xf32>
        %parallel_loop3A_1939 = arith.constant 64 : i32
        %parallel_loop3A_1940 = arith.muli %add3A_176, %parallel_loop3A_1939 : i32
        %parallel_loop3A_1941 = arith.constant 16 : i32
        %parallel_loop3A_1942 = arith.muli %parallel_loop3A_207, %parallel_loop3A_1941 : i32
        %parallel_loop3A_1943 = arith.addi %parallel_loop3A_1940, %parallel_loop3A_1942 : i32
        %parallel_loop3A_1944 = arith.index_cast %parallel_loop3A_1943 : i32 to index
        %parallel_loop3A_1945 = tpu.vector_load %arg13[%parallel_loop3A_1944] {strides = array<i32>} : memref<512xf32, #tpu.memory_space<vmem>>, vector<16xf32>,
        %parallel_loop3A_1946 = arith.addf %parallel_loop3A_1938, %parallel_loop3A_1945 : vector<16xf32>
        %parallel_loop3A_1947 = arith.index_cast %parallel_loop3A_1943 : i32 to index
        %parallel_loop3A_1948 = tpu.vector_load %arg14[%parallel_loop3A_1947] {strides = array<i32>} : memref<512xf32, #tpu.memory_space<vmem>>, vector<16xf32>,
        %parallel_loop3A_1949 = arith.addf %parallel_loop3A_1946, %parallel_loop3A_1948 : vector<16xf32>
        %parallel_loop3A_1950 = arith.constant 0.000000e+00 : f32
        %parallel_loop3A_1951 = vector.broadcast %parallel_loop3A_1950 : f32 to vector<16xf32>
        %parallel_loop3A_1952 = arith.subf %parallel_loop3A_1951, %parallel_loop3A_1949 : vector<16xf32>
        %parallel_loop3A_1953 = math.exp %parallel_loop3A_1952 : vector<16xf32>
        %parallel_loop3A_1954 = arith.constant 1.000000e+00 : f32
        %parallel_loop3A_1955 = vector.broadcast %parallel_loop3A_1954 : f32 to vector<16xf32>
        %parallel_loop3A_1956 = arith.addf %parallel_loop3A_1955, %parallel_loop3A_1953 : vector<16xf32>
        %parallel_loop3A_1957 = arith.constant 5.000000e+00 : f32
        %parallel_loop3A_1958 = vector.broadcast %parallel_loop3A_1957 : f32 to vector<16xf32>
        %parallel_loop3A_1959 = arith.divf %parallel_loop3A_1958, %parallel_loop3A_1956 : vector<16xf32>
        %parallel_loop3A_1960 = arith.index_cast %parallel_loop3A_1943 : i32 to index
        %parallel_loop3A_1961 = tpu.vector_load %arg16[%parallel_loop3A_1960] {strides = array<i32>} : memref<512xf32, #tpu.memory_space<vmem>>, vector<16xf32>,
        tpu.vector_store %arg16[%parallel_loop3A_1960], %parallel_loop3A_1959 {strides = array<i32>} : memref<512xf32, #tpu.memory_space<vmem>>, vector<16xf32>,
      } {sc.loop_unroll_factor = 1 : i64, sc.parallel_access}
      %add3A_200 = arith.constant 2 : i32
      %add3A_201 = arith.addi %add3A_176, %add3A_200 : i32
      %lt3A_202 = arith.constant 8 : i32
      %lt3A_203 = arith.cmpi slt, %add3A_201, %lt3A_202 : i32
      %convert_element_type3A_204 = arith.extui %lt3A_203 : i1 to i32
      %cond3A_205 = arith.constant 0 : i32
      %cond3A_206 = arith.cmpi ne, %convert_element_type3A_204, %cond3A_205 : i32
      scf.if %cond3A_206 {
        %add3A_207 = arith.constant 2 : i32
        %add3A_208 = arith.addi %add3A_176, %add3A_207 : i32
        %mul3A_209 = arith.constant 64 : i32
        %mul3A_210 = arith.muli %add3A_208, %mul3A_209 : i32
        %dma_start3A_211 = arith.constant 1 : i32
        %dma_start3A_212 = arith.constant 0 : i32
        %dma_start3A_213 = arith.constant 0 : i32
        %dma_start3A_214 = tpu.memref_slice %arg11[%dma_start3A_211, %dma_start3A_212, %dma_start3A_213] : memref<2x64x128xf32, #tpu.memory_space<vmem>> -> memref<1x64x128xf32, #tpu.memory_space<vmem>>
        %dma_start3A_215 = tpu.memref_squeeze %dma_start3A_214 : memref<1x64x128xf32, #tpu.memory_space<vmem>> -> memref<64x128xf32, #tpu.memory_space<vmem>>
        %dma_start3A_216 = tpu.memref_slice %arg9[%mul3A_210] : memref<512xi32, #tpu.memory_space<vmem>> -> memref<64xi32, #tpu.memory_space<vmem>>
        %dma_start3A_217 = arith.constant 0 : i32
        %dma_start3A_218 = arith.constant 0 : i32
        %dma_start3A_219 = tpu.memref_slice %arg4[%dma_start3A_217, %dma_start3A_218] : memref<100000x128xf32, #tpu.memory_space<hbm>> -> memref<100000x128xf32, #tpu.memory_space<hbm>>
        tpu.enqueue_indirect_dma source(%dma_start3A_219 : memref<100000x128xf32, #tpu.memory_space<hbm>>) target(%dma_start3A_215 : memref<64x128xf32, #tpu.memory_space<vmem>>) offsets(%dma_start3A_216 : memref<64xi32, #tpu.memory_space<vmem>>) semaphore(%arg18 : memref<!tpu.dma_semaphore, #tpu.memory_space<semaphore_mem>>)
        %dma_start3A_220 = arith.constant 1 : i32
        %dma_start3A_221 = arith.constant 0 : i32
        %dma_start3A_222 = arith.constant 0 : i32
        %dma_start3A_223 = tpu.memref_slice %arg12[%dma_start3A_220, %dma_start3A_221, %dma_start3A_222] : memref<2x64x128xf32, #tpu.memory_space<vmem>> -> memref<1x64x128xf32, #tpu.memory_space<vmem>>
        %dma_start3A_224 = tpu.memref_squeeze %dma_start3A_223 : memref<1x64x128xf32, #tpu.memory_space<vmem>> -> memref<64x128xf32, #tpu.memory_space<vmem>>
        %dma_start3A_225 = tpu.memref_slice %arg10[%mul3A_210] : memref<512xi32, #tpu.memory_space<vmem>> -> memref<64xi32, #tpu.memory_space<vmem>>
        %dma_start3A_226 = arith.constant 0 : i32
        %dma_start3A_227 = arith.constant 0 : i32
        %dma_start3A_228 = tpu.memref_slice %arg5[%dma_start3A_226, %dma_start3A_227] : memref<100000x128xf32, #tpu.memory_space<hbm>> -> memref<100000x128xf32, #tpu.memory_space<hbm>>
        tpu.enqueue_indirect_dma source(%dma_start3A_228 : memref<100000x128xf32, #tpu.memory_space<hbm>>) target(%dma_start3A_224 : memref<64x128xf32, #tpu.memory_space<vmem>>) offsets(%dma_start3A_225 : memref<64xi32, #tpu.memory_space<vmem>>) semaphore(%arg18 : memref<!tpu.dma_semaphore, #tpu.memory_space<semaphore_mem>>)
      } else {
      }
    }
    %scan3A_141 = arith.constant 4 : i32
    "tpu.region"() ({
      %run_scoped3A = tpu.sem_alloc : memref<!tpu.dma_semaphore, #tpu.memory_space<semaphore_mem>>
      %dma_start3A_142 = tpu.memref_slice %arg8[%mul3A_2] : memref<16384xf32, #tpu.memory_space<hbm>> -> memref<512xf32, #tpu.memory_space<hbm>>
      %dma_start3A_143 = tpu.memref_slice %arg8[%mul3A_2] : memref<16384xf32, #tpu.memory_space<hbm>> -> memref<512xf32, #tpu.memory_space<hbm>>
      tpu.enqueue_dma source(%arg16 : memref<512xf32, #tpu.memory_space<vmem>>) target(%dma_start3A_143 : memref<512xf32, #tpu.memory_space<hbm>>) target_semaphore(%run_scoped3A : memref<!tpu.dma_semaphore, #tpu.memory_space<semaphore_mem>>)
      %dma_wait3A_144 = tpu.memref_slice %arg8[%mul3A_2] : memref<16384xf32, #tpu.memory_space<hbm>> -> memref<512xf32, #tpu.memory_space<hbm>>
      %dma_wait3A_145 = tpu.memref_slice %arg8[%mul3A_2] : memref<16384xf32, #tpu.memory_space<hbm>> -> memref<512xf32, #tpu.memory_space<hbm>>
      tpu.wait_dma2 semaphore(%run_scoped3A : memref<!tpu.dma_semaphore, #tpu.memory_space<semaphore_mem>>) src(%arg16 : memref<512xf32, #tpu.memory_space<vmem>>) dst(%dma_wait3A_145 : memref<512xf32, #tpu.memory_space<hbm>>)
      tpu.yield
    }) : () -> ()
    return
  }
}

</mosaic_0001>

<sc_bundles>
// kernel: _run.3.cloned.1.call-start
scs
__scs_entry_jumppad:
0x0: {  	(pc) =	sbr.rel $0x88, $3  }
0x1: {  	(tag) =	ssettag $0x0;
	lr =	simm.s32 $0x1  }
0x2: {  	[smem:$0x3F9B] =	sst lr;
	_ =	strace $0xD0000000  }
0x3: {  	_ = 	snop  }
0x4: {  	_ = 	snop  }
0x5: {  	_ = 	snop  }
0x6: {  	_ = 	snop  }
0x7: {  	_ = 	snop  }
__scs_overlays_trampoline_lowered:
0x8: {  	[smem:$0x3FAA] =	sst s0  }
0x9: {  	[smem:$0x3FAB] =	sst s1  }
0xa: {  	[smem:$0x3FAC] =	sst s2  }
0xb: {  	[smem:$0x3FAD] =	sst s3  }
0xc: {  	[smem:$0x3FAE] =	sst s4  }
0xd: {  	[smem:$0x3FAF] =	sst s5  }
0xe: {  	[smem:$0x3FB0] =	sst s6  }
0xf: {  	[smem:$0x3FB1] =	sst s7  }
0x10: {  	[smem:$0x3FB2] =	sst s8  }
0x11: {  	[smem:$0x3FB3] =	sst s9;
	s0 =	simm.s32 @!p0 $0x0  }
0x12: {  	s1 =	sld [smem:$0x3F99];
	s0 =	simm.s32 @p0 $0x1  }
0x13: {  	[smem:$0x3FB4] =	sst s0;
	s0 =	simm.s32 @!p1 $0x0  }
0x14: {  	s2 =	sld [smem:$0x3F98];
	s0 =	simm.s32 @p1 $0x1  }
0x15: {  	[smem:$0x3FB5] =	sst s0;
	s0 =	simm.s32 @!p2 $0x0  }
0x16: {  	s3 =	sld [smem:$0x3FDB];
	s0 =	simm.s32 @p2 $0x1  }
0x17: {  	s4 =	simm.s32 $0x1BF5;
	[smem:$0x3FB7] =	sst s0  }
0x18: {  	s0 =	sld [smem:$0x3F9A];
	_ =	swait.ge [sflag:s4], $0x0  }
0x19: {  	s7 =	sld [smem:$0x3F9B]  }
0x1a: {  	s8 =	sadd.s32 $0xFFFFE003, lr  }
0x1b: {  	s9 =	sadd.s32 $0xFFFFFEF7, lr;
	s5 =	simm.s32 $0xFFFFFFFF;
	p2 =	slt.u32 s8, $0xFFFFF086  }
0x1c: {  	p1 =	slt.u32 s9, $0xF7A;
	s5 =	simm.s32 @!p2 $0x0  }
0x1d: {  	s5 =	simm.s32 @p1 $0x1;
	p0 =	seq.s32 s7, s2  }
0x1e: {  	s7 =	smul.u32 @!p0 $0xF7A, s2;
	p2 =	seq.s32 @!p0 s5, $0x0  }
0x1f: {  	s9 =	smul.u32 $0xF7A, s1;
	s8 =	simm.s32 @!p0 $0x1BF5;
	p2 =	por !p2, p0  }
0x20: {  	[sflag:s8] =	ssyncset.s32 @!p0 $0xFFFFF086;
	s6 =	sadd.s32 @!p0 s3, s7;
	s7 =	simm.s32 @!p0 $0x108  }
0x21: {  	s3 =	sadd.s32 s3, s9;
	s6 =	sadd.s32 @!p0 $0x88, s6;
	s7 =	simm.s32 @p2 $0x1082  }
0x22: {  	[simem:s7], [sflag:s8] =	dma.local @!p0 [hbm:s6], $0xF7A  }
0x23: {  	s9 =	sor.u32 $0xD0000000, s2;
	s6 =	simm.s32 $0x108;
	_ =	swait.ge @!p0 [sflag:s8], $0x0  }
0x24: {  	s3 =	sadd.s32 $0x88, s3;
	s6 =	simm.s32 @!p1 $0x1082;
	[sflag:s4] =	ssyncset.s32 $0xFFFFF086  }
0x25: {  	[simem:s6], [sflag:s4] =	dma.local [hbm:s3], $0xF7A  }
0x26: {  	[smem:$0x3F9B] =	sst s1;
	(tag) =	ssettag s2;
	_ =	strace s9  }
0x27: {  	s1 =	sld [smem:$0x3FAB]  }
0x28: {  	s2 =	sld [smem:$0x3FAC]  }
0x29: {  	s4 =	sld [smem:$0x3FAE]  }
0x2a: {  	p0 =	seq.s32 s5, $0x0;
	s5 =	sld [smem:$0x3FAF]  }
0x2b: {  	s6 =	sld [smem:$0x3FB0]  }
0x2c: {  	s7 =	sld [smem:$0x3FB1]  }
0x2d: {  	s3 =	simm.s32 $0x108;
	s8 =	sld [smem:$0x3FB2]  }
0x2e: {  	s3 =	simm.s32 @!p0 $0x1082;
	s9 =	sld [smem:$0x3FB3]  }
0x2f: {  	lr =	sadd.s32 s0, s3;
	s0 =	sld [smem:$0x3FAA]  }
0x30: {  	s3 =	sld [smem:$0x3FAD]  }
0x31: {  	[smem:$0x3FB6] =	sst s10  }
0x32: {  	s10 =	sld [smem:$0x3FB4];
	_ =	sdelay $0x3  }
0x33: {  	p0 =	seq.s32 s10, $0x1;
	s10 =	sld [smem:$0x3FB6];
	_ =	sdelay $0x3  }
0x34: {  	[smem:$0x3FB6] =	sst s10  }
0x35: {  	s10 =	sld [smem:$0x3FB5];
	_ =	sdelay $0x3  }
0x36: {  	p1 =	seq.s32 s10, $0x1;
	s10 =	sld [smem:$0x3FB6];
	_ =	sdelay $0x3  }
0x37: {  	[smem:$0x3FB6] =	sst s10  }
0x38: {  	s10 =	sld [smem:$0x3FB7]  }
0x39: {  	_ = 	snop;
	(pc) =	sbr.ind lr, $3  }
0x3a: {  	_ = 	snop  }
0x3b: {  	_ = 	snop  }
0x3c: {  	p2 =	seq.s32 s10, $0x1;
	s10 =	sld [smem:$0x3FB6]  }
0x3d: {  	_ =	shalt  }
0x3e: {  	_ =	shalt  }
0x3f: {  	_ =	shalt  }
0x40: {  	_ =	shalt  }
0x41: {  	_ =	shalt  }
0x42: {  	_ =	shalt  }
0x43: {  	_ =	shalt  }
0x44: {  	_ =	shalt  }
0x45: {  	_ =	shalt  }
0x46: {  	_ =	shalt  }
0x47: {  	_ =	shalt  }
0x48: {  	_ =	shalt  }
0x49: {  	_ =	shalt  }
0x4a: {  	_ =	shalt  }
0x4b: {  	_ =	shalt  }
0x4c: {  	_ =	shalt  }
0x4d: {  	_ =	shalt  }
0x4e: {  	_ =	shalt  }
0x4f: {  	_ =	shalt  }
0x50: {  	_ =	shalt  }
0x51: {  	_ =	shalt  }
0x52: {  	_ =	shalt  }
0x53: {  	_ =	shalt  }
0x54: {  	_ =	shalt  }
0x55: {  	_ =	shalt  }
0x56: {  	_ =	shalt  }
0x57: {  	_ =	shalt  }
0x58: {  	_ =	shalt  }
0x59: {  	_ =	shalt  }
0x5a: {  	_ =	shalt  }
0x5b: {  	_ =	shalt  }
0x5c: {  	_ =	shalt  }
0x5d: {  	_ =	shalt  }
0x5e: {  	_ =	shalt  }
0x5f: {  	_ =	shalt  }
0x60: {  	_ =	shalt  }
0x61: {  	_ =	shalt  }
0x62: {  	_ =	shalt  }
0x63: {  	_ =	shalt  }
0x64: {  	_ =	shalt  }
0x65: {  	_ =	shalt  }
0x66: {  	_ =	shalt  }
0x67: {  	_ =	shalt  }
0x68: {  	_ =	shalt  }
0x69: {  	_ =	shalt  }
0x6a: {  	_ =	shalt  }
0x6b: {  	_ =	shalt  }
0x6c: {  	_ =	shalt  }
0x6d: {  	_ =	shalt  }
0x6e: {  	_ =	shalt  }
0x6f: {  	_ =	shalt  }
0x70: {  	_ =	shalt  }
0x71: {  	_ =	shalt  }
0x72: {  	_ =	shalt  }
0x73: {  	_ =	shalt  }
0x74: {  	_ =	shalt  }
0x75: {  	_ =	shalt  }
0x76: {  	_ =	shalt  }
0x77: {  	_ =	shalt  }
0x78: {  	_ =	shalt  }
0x79: {  	_ =	shalt  }
0x7a: {  	_ =	shalt  }
0x7b: {  	_ =	shalt  }
0x7c: {  	_ =	shalt  }
0x7d: {  	_ =	shalt  }
0x7e: {  	_ =	shalt  }
0x7f: {  	_ =	shalt  }
0x80: {  	_ =	shalt  }
0x81: {  	_ =	shalt  }
0x82: {  	_ =	shalt  }
0x83: {  	_ =	shalt  }
0x84: {  	_ =	shalt  }
0x85: {  	_ =	shalt  }
0x86: {  	_ =	shalt  }
0x87: {  	_ =	shalt  }
.Lfunc_end0:
.L_simem_size_0:
called_computation_lowered:
.L_overlay_start_0:
0x88: {  	s2 =	sld [smem:$0x3FD9]  }
0x89: {  	s3 =	sld [smem:$0x3FFE];
	_ =	sdelay $0x1  }
0x8a: {  	s1 =	srdreg.scid  }
0x8b: {  	s0 =	sand.u32 $0x1, s1  }
0x8c: {  	s18 =	sshll.u32 s0, $0xA;
	s2 =	sadd.s32 s3, s2  }
0x8d: {  	s2 =	sadd.s32 s2, s18  }
0x8e: {  	[smem:$0x3FC2] =	sst s2  }
0x8f: {  	_ = 	snop  }
0x90: {  	s2 =	sld [smem:$0x3FC9]  }
0x91: {  	s19 =	sld [smem:$0x3FC8]  }
0x92: {  	s4 =	sld [smem:$0x3FC7]  }
0x93: {  	s5 =	sld [smem:$0x3FC6]  }
0x94: {  	s6 =	sld [smem:$0x3FC5]  }
0x95: {  	s7 =	sld [smem:$0x3FC4]  }
0x96: {  	s8 =	sld [smem:$0x3FD0];
	(tm) =	ssettm $0x1  }
0x97: {  	s9 =	sld [smem:$0x3FFB];
	_ =	sdelay $0x3  }
0x98: {  	_ =	strace s9  }
0x99: {  	s9 =	sld [smem:$0x3FFC];
	_ =	sdelay $0x3  }
0x9a: {  	_ =	strace s9  }
0x9b: {  	s9 =	sld [smem:$0x3FFD];
	_ =	sdelay $0x3  }
0x9c: {  	_ =	strace s9  }
0x9d: {  	_ =	strace $0x8FFFFFFF  }
0x9e: {  	s20 =	sld [smem:$0x3FDB];
	_ =	sdelay $0x1  }
0x9f: {  	s10 =	simm.s32 $_scs_section_size  }
0xa0: {  	s11 =	simm.s32 $_size__tile_overlayer_lowered;
	s12 =	simm.s32 $_tile_overlayer_lowered  }
0xa1: {  	s23 =	simm.s32 $0x1BFF;
	s22 =	sshll.u32 s12, $0x1;
	s9 =	sadd.s32 s10, s20  }
0xa2: {  	s13 =	simm.s32 $0x0;
	s21 =	sshll.u32 s11, $0x1;
	s11 =	sadd.s32 s22, s9  }
0xa3: {  	[timem:s13], [sflag:s23] =	dma.local [hbm:s11], s21  }
0xa4: {  	_ =	swait.ge [sflag:s23], s21  }
0xa5: {  	s10 =	ssub.s32 $0x0, s21;
	[sflag:s23] =	ssyncset.done $0x0  }
0xa6: {  	[sflag:s23] =	ssyncadd.s32 s10;
	_ =	sdelay $0x1  }
0xa7: {  	s24 =	simm.s32 $0x1B8B  }
0xa8: {  	_ =	swait.ge [sflag:s24], $0x1  }
0xa9: {  	[sflag:s24] =	ssyncset.done $0x0  }
0xaa: {  	s25 =	simm.s32 $0x1B8E;
	[sflag:s24] =	ssyncadd.s32 $0xFFFFFFFF  }
0xab: {  	s26 =	simm.s32 $execute0_lowered;
	[smem:$0x3FD2] =	sst s25  }
0xac: {  	s10 =	sshll.u32 s26, $0x1;
	_ =	strace $0x80000046;
	[dreg:$0x1] =	wrdreg $0xFFFFFFFF  }
0xad: {  	s28 =	simm.s32 $_size_execute0_lowered;
	s9 =	sadd.s32 s9, s10;
	[dreg:$0x0] =	wrdreg $0x0  }
0xae: {  	s10 =	sshll.u32 s28, $0x1;
	[dreg:$0x2] =	wrdreg s9  }
0xaf: {  	[dreg:$0x3] =	wrdreg s10  }
0xb0: {  	[dreg:$0x4] =	wrdreg $0xC0  }
0xb1: {  	_ =	task [dreg:s13], $0x5FFFF  }
0xb2: {  	[dreg:$0x1] =	wrdreg $0xFFFFFFFF  }
0xb3: {  	[dreg:$0x0] =	wrdreg $0x60  }
0xb4: {  	[dreg:$0x2] =	wrdreg s2  }
0xb5: {  	[dreg:$0x3] =	wrdreg s19  }
0xb6: {  	[dreg:$0x4] =	wrdreg s4  }
0xb7: {  	[dreg:$0x5] =	wrdreg s5  }
0xb8: {  	[dreg:$0x6] =	wrdreg s6  }
0xb9: {  	[dreg:$0x7] =	wrdreg s7  }
0xba: {  	[dreg:$0x8] =	wrdreg s8  }
0xbb: {  	[dreg:$0x9] =	wrdreg $0x9  }
0xbc: {  	_ =	task.clear_ibuf [dreg:s13], $0xAFFFF;
	_ =	strace $0x90000046  }
0xbd: {  	s29 =	simm.s32 $0x9;
	_ =	strace $0x80000048  }
0xbe: {  	_ =	swait.ge [sflag:s29], $0x1  }
0xbf: {  	[sflag:s29] =	ssyncadd.s32 $0xFFFFFFFF  }
0xc0: {  	_ =	strace $0x90000048  }
0xc1: {  	_ =	sfence  }
0xc2: {  	s30 =	sld [smem:$0x0];
	_ =	sdelay $0x2  }
0xc3: {  	s31 =	sshll.u32 s1, $0xD;
	s1 =	sshrl.u32 s1, $0x2  }
0xc4: {  	s3 =	sand.u32 $0x4000, s31;
	s1 =	sadd.s32 s1, s30  }
0xc5: {  	s0 =	sor.u32 s3, s0;
	s1 =	sshll.u32 s1, $0x11  }
0xc6: {  	s0 =	sor.u32 s1, s0  }
0xc7: {  	s0 =	sadd.s32 $0x8F2B, s0  }
0xc8: {  	[sflag:s0] =	ssyncadd.remote.s32 $0x1  }
0xc9: {  	_ =	sfence.sel $0xFFFF  }
0xca: {  	[dreg:$0x0] =	wrdreg $0xFFFFFFFF;
	(pc) =	sbr.abs _section_cstart, $3  }
0xcb: {  	[dreg:$0x1] =	wrdreg $0xFFFFFFFF  }
0xcc: {  	_ =	task.clear_ibuf [dreg:s13], $0x2FFFF;
	_ =	strace $0x9FFFFFFF  }
0xcd: {  	(tm) =	ssettm $0x7FFFFFFF  }
tec
execute0_lowered:
.L_overlay_start_1:
0x0: {  	(tag) =	ssettag $0x1  }
0x1: {  	s0 =	rddreg [dreg:$0x0]  }
0x2: {  	s5 =	rddreg [dreg:$0x1]  }
0x3: {  	s1 =	rddreg [dreg:$0x2]  }
0x4: {  	s2 =	rddreg [dreg:$0x3]  }
0x5: {  	s3 =	rddreg [dreg:$0x4]  }
0x6: {  	s4 =	rddreg [dreg:$0x5]  }
0x7: {  	s9 =	rddreg [dreg:$0x6]  }
0x8: {  	s6 =	simm.s32 $0x0;
	s7 =	srdreg.scid;
	s10 =	stileid.u32  }
0x9: {  	s12 =	simm.s32 $0x200;
	s13 =	simm.s32 $0x80;
	s26 =	simm.s32 $0x8780  }
0xa: {  	v0 =	vlaneseq.u32;
	s28 =	simm.s32 $0x40;
	s29 =	simm.s32 $0x400;
	s30 =	simm.s32 $0x4400  }
0xb: {  	s31 =	simm.s32 $0x2400;
	s14 =	simm.s32 $0x3;
	s15 =	simm.s32 $0x1;
	v1 =	vand.u32 $0x7, v0;
	v0 =	vmul.u32 $0x10, v0  }
0xc: {  	s16 =	simm.s32 $0x8800;
	s17 =	simm.s32 $0x2;
	s18 =	simm.s32 $0x8C00  }
0xd: {  	s19 =	simm.s32 $0x0;
	s7 =	sand.u32 $0x1, s7;
	s10 =	sshll.u32 s10, $0x7;
	v1 =	vmul.u32 $0x10, v1;
	v2 =	vor.u32 $0x1, v0  }
.Ltmp0:
0xe: {  	s8 =	ssub.s32 $0x2, s7;
	s7 =	sshll.u32 s7, $0x6;
	v3 =	vor.u32 $0x2, v0;
	v4 =	vor.u32 $0x3, v0;
	v5 =	vor.u32 $0x4, v0;
	(pc) =	sbr.rel .LBB2_1-.Ltmp0, $4  }
0xf: {  	[smem:$0x7FF] =	sst s6;
	s11 =	sshrl.u32 s8, $0x1;
	s10 =	sor.u32 s7, s10;
	v6 =	vor.u32 $0x5, v0;
	v7 =	vor.u32 $0x6, v0;
	v8 =	vor.u32 $0x7, v0  }
0x10: {  	_ =	strace $0x80000047;
	v9 =	vor.u32 $0x8, v0;
	v10 =	vor.u32 $0x9, v0;
	v11 =	vor.u32 $0xA, v0;
	s11 =	ssub.s32 s8, s11;
	s7 =	sadd.s32 s0, s10  }
0x11: {  	v12 =	vor.u32 $0xB, v0;
	v13 =	vor.u32 $0xC, v0;
	v14 =	vor.u32 $0xD, v0;
	s8 =	sadd.s32 s5, s10;
	s9 =	sadd.s32 s9, s10;
	s0 =	simm.s32 $0x240  }
0x12: {  	v15 =	vor.u32 $0xE, v0;
	v16 =	vor.u32 $0xF, v0;
	v1 =	vor.u32 $0xFFFFFF80, v1;
	s5 =	simm.s32 $0x6400;
	s10 =	smax.u32 s11, $0x1;
	s11 =	simm.s32 $0x4  }
.LBB2_8:
0x13: {  	s19 =	sadd.s32 $0x1, s19  }
0x14: {  	p0 =	sne.s32 s19, s10  }
.Ltmp1:
0x15: {  	_ = 	snop;
	(pc) =	sbr.rel @!p0 .LBB2_9-.Ltmp1, $4  }
0x16: {  	[hbm4b:s9+s6] =	stream.linear.scatter [tilespmem:s18], [sflag:$0x4], $0x200, $0x38;
	[tilespmem:$0x8E00] =	vst v63  }
0x17: {  	_ =	swait.ge [sflag:s11], $0x200  }
0x18: {  	[sflag:s11] =	ssyncset.done $0x0  }
0x19: {  	[sflag:s11] =	ssyncadd.s32 $0xFFFFFE00  }
.LBB2_1:
0x1a: {  	[tilespmem:s6], [sflag:$0x4] =	stream.linear.gather [hbm4b:s7+s6], $0x200, $0x38;
	[tilespmem:$0x8E00] =	vst v63  }
0x1b: {  	_ =	swait.ge [sflag:s11], $0x200  }
0x1c: {  	[sflag:s11] =	ssyncset.done $0x0  }
0x1d: {  	[sflag:s11] =	ssyncadd.s32 $0xFFFFFE00  }
0x1e: {  	[tilespmem:s12], [sflag:$0x4] =	stream.linear.gather [hbm4b:s8+s6], $0x200, $0x38;
	[tilespmem:$0x8E00] =	vst v63  }
0x1f: {  	_ =	swait.ge [sflag:s11], $0x200  }
0x20: {  	[sflag:s11] =	ssyncset.done $0x0  }
0x21: {  	s20 =	simm.s32 $0x8400;
	[sflag:s11] =	ssyncadd.s32 $0xFFFFFE00  }
0x22: {  	[tilespmem:s20], [sflag:$0x3] =	stream.indirect.gather [hbm4b:s3+s13], $0x1, s6, s13, $0xb8;
	[tilespmem:$0x8E00] =	vst v63  }
0x23: {  	s21 =	simm.s32 $0x8600  }
0x24: {  	[tilespmem:s21], [sflag:$0x3] =	stream.indirect.gather [hbm4b:s4+s13], $0x1, s12, s13, $0xb8;
	[tilespmem:$0x8E00] =	vst v63  }
0x25: {  	s22 =	simm.s32 $0x8480  }
0x26: {  	[tilespmem:s22], [sflag:$0x3] =	stream.indirect.gather [hbm4b:s3+s13], $0x1, s13, s13, $0xb8;
	[tilespmem:$0x8E00] =	vst v63  }
0x27: {  	s23 =	simm.s32 $0x280;
	s21 =	simm.s32 $0x8680  }
0x28: {  	[tilespmem:s21], [sflag:$0x3] =	stream.indirect.gather [hbm4b:s4+s13], $0x1, s23, s13, $0xb8;
	[tilespmem:$0x8E00] =	vst v63  }
0x29: {  	s24 =	simm.s32 $0x100;
	s25 =	simm.s32 $0x8500  }
0x2a: {  	[tilespmem:s25], [sflag:$0x3] =	stream.indirect.gather [hbm4b:s3+s13], $0x1, s24, s13, $0xb8;
	[tilespmem:$0x8E00] =	vst v63  }
0x2b: {  	s22 =	simm.s32 $0x8700;
	s21 =	simm.s32 $0x300  }
0x2c: {  	[tilespmem:s22], [sflag:$0x3] =	stream.indirect.gather [hbm4b:s4+s13], $0x1, s21, s13, $0xb8;
	[tilespmem:$0x8E00] =	vst v63  }
0x2d: {  	s23 =	simm.s32 $0x180;
	s24 =	simm.s32 $0x8580  }
0x2e: {  	[tilespmem:s24], [sflag:$0x3] =	stream.indirect.gather [hbm4b:s3+s13], $0x1, s23, s13, $0xb8;
	[tilespmem:$0x8E00] =	vst v63  }
0x2f: {  	s25 =	simm.s32 $0x380  }
0x30: {  	[tilespmem:s26], [sflag:$0x3] =	stream.indirect.gather [hbm4b:s4+s13], $0x1, s25, s13, $0xb8;
	[tilespmem:$0x8E00] =	vst v63  }
0x31: {  	_ = 	snop  }
0x32: {  	[tilespmem:s29], [sflag:$0x1] =	stream.indirect.gather [hbm4b:s1+s28], $0x80, s6, s28, $0xb8;
	[tilespmem:$0x8E00] =	vst v63  }
0x33: {  	_ = 	snop  }
0x34: {  	[tilespmem:s30], [sflag:$0x1] =	stream.indirect.gather [hbm4b:s2+s28], $0x80, s12, s28, $0xb8;
	[tilespmem:$0x8E00] =	vst v63  }
0x35: {  	_ = 	snop  }
0x36: {  	[tilespmem:s31], [sflag:$0x2] =	stream.indirect.gather [hbm4b:s1+s28], $0x80, s28, s28, $0xb8;
	[tilespmem:$0x8E00] =	vst v63  }
0x37: {  	_ = 	snop  }
0x38: {  	[tilespmem:s5], [sflag:$0x2] =	stream.indirect.gather [hbm4b:s2+s28], $0x80, s0, s28, $0xb8;
	[tilespmem:$0x8E00] =	vst v63  }
0x39: {  	_ =	swait.ge [sflag:s14], $0x80  }
0x3a: {  	[sflag:s14] =	ssyncset.done $0x0  }
0x3b: {  	[sflag:s14] =	ssyncadd.s32 $0xFFFFFF80  }
0x3c: {  	_ =	swait.ge [sflag:s14], $0x80  }
0x3d: {  	[sflag:s14] =	ssyncset.done $0x0  }
0x3e: {  	[sflag:s14] =	ssyncadd.s32 $0xFFFFFF80  }
0x3f: {  	_ =	swait.ge [sflag:s14], $0x80  }
0x40: {  	[sflag:s14] =	ssyncset.done $0x0  }
0x41: {  	[sflag:s14] =	ssyncadd.s32 $0xFFFFFF80  }
0x42: {  	_ =	swait.ge [sflag:s14], $0x80  }
0x43: {  	[sflag:s14] =	ssyncset.done $0x0  }
0x44: {  	[sflag:s14] =	ssyncadd.s32 $0xFFFFFF80  }
0x45: {  	_ =	swait.ge [sflag:s14], $0x80  }
0x46: {  	[sflag:s14] =	ssyncset.done $0x0  }
0x47: {  	[sflag:s14] =	ssyncadd.s32 $0xFFFFFF80  }
0x48: {  	_ =	swait.ge [sflag:s14], $0x80  }
0x49: {  	[sflag:s14] =	ssyncset.done $0x0  }
0x4a: {  	[sflag:s14] =	ssyncadd.s32 $0xFFFFFF80  }
0x4b: {  	_ =	swait.ge [sflag:s14], $0x80  }
0x4c: {  	[sflag:s14] =	ssyncset.done $0x0  }
0x4d: {  	[sflag:s14] =	ssyncadd.s32 $0xFFFFFF80  }
0x4e: {  	_ =	swait.ge [sflag:s14], $0x80  }
0x4f: {  	[sflag:s14] =	ssyncset.done $0x0  }
0x50: {  	s20 =	simm.s32 $0x0;
	[sflag:s14] =	ssyncadd.s32 $0xFFFFFF80  }
.LBB2_2:
0x51: {  	_ =	swait.ge [sflag:s15], $0x2000  }
0x52: {  	[sflag:s15] =	ssyncset.done $0x0  }
0x53: {  	[sflag:s15] =	ssyncadd.s32 $0xFFFFE000  }
0x54: {  	_ =	swait.ge [sflag:s15], $0x2000  }
0x55: {  	s21 =	sshll.u32 s20, $0x7;
	[sflag:s15] =	ssyncset.done $0x0  }
0x56: {  	s22 =	simm.s32 $0x0;
	v17 =	vmov s21;
	[sflag:s15] =	ssyncadd.s32 $0xFFFFE000  }
.LBB2_3:
0x57: {  	s24 =	sshll.u32 s22, $0xB  }
0x58: {  	v18 =	vld [tilespmem:s24+$0x400]  }
0x59: {  	v19 =	vld [tilespmem:s24+$0x4400]  }
0x5a: {  	v20 =	vld [tilespmem:s24+$0x410]  }
0x5b: {  	v21 =	vld [tilespmem:s24+$0x4410]  }
0x5c: {  	v22 =	vld [tilespmem:s24+$0x420]  }
0x5d: {  	v23 =	vld [tilespmem:s24+$0x4420]  }
0x5e: {  	v24 =	vld [tilespmem:s24+$0x430]  }
0x5f: {  	v25 =	vld [tilespmem:s24+$0x4430]  }
0x60: {  	v26 =	vld [tilespmem:s24+$0x440]  }
0x61: {  	v27 =	vld [tilespmem:s24+$0x4440]  }
0x62: {  	v28 =	vld [tilespmem:s24+$0x450]  }
0x63: {  	v29 =	vld [tilespmem:s24+$0x4450]  }
0x64: {  	v30 =	vld [tilespmem:s24+$0x460]  }
0x65: {  	v31 =	vld [tilespmem:s24+$0x4460]  }
0x66: {  	v32 =	vld [tilespmem:s24+$0x470]  }
0x67: {  	v33 =	vld [tilespmem:s24+$0x4470];
	_ =	sdelay $0x1  }
0x68: {  	v18 =	vmul.f32 v19, v18;
	v19 =	vmul.f32 v21, v20  }
0x69: {  	v61 =	vmul.f32 v23, v22;
	v62 =	vmul.f32 v25, v24  }
0x6a: {  	v63 =	vmul.f32 v27, v26;
	v29 =	vmul.f32 v29, v28  }
0x6b: {  	v31 =	vmul.f32 v31, v30;
	v34 =	vmul.f32 v33, v32  }
0x6c: {  	v18 =	vadd.f32 v19, v18;
	v19 =	vadd.f32 v62, v61  }
0x6d: {  	v35 =	vadd.f32 v29, v63;
	v36 =	vadd.f32 v34, v31;
	_ =	sdelay $0x1  }
0x6e: {  	v18 =	vadd.f32 v19, v18;
	v19 =	vadd.f32 v36, v35;
	_ =	sdelay $0x1  }
0x6f: {  	v18 =	vadd.f32 v19, v18  }
0x70: {  	s23 =	sshll.u32 s22, $0x8  }
0x71: {  	[tilespmem:s23+$0x8800] =	vst v18  }
0x72: {  	v18 =	vld [tilespmem:s24+$0x480]  }
0x73: {  	v19 =	vld [tilespmem:s24+$0x4480]  }
0x74: {  	v37 =	vld [tilespmem:s24+$0x490]  }
0x75: {  	v38 =	vld [tilespmem:s24+$0x4490]  }
0x76: {  	v39 =	vld [tilespmem:s24+$0x4A0]  }
0x77: {  	v40 =	vld [tilespmem:s24+$0x44A0]  }
0x78: {  	v41 =	vld [tilespmem:s24+$0x4B0]  }
0x79: {  	v42 =	vld [tilespmem:s24+$0x44B0]  }
0x7a: {  	v43 =	vld [tilespmem:s24+$0x4C0]  }
0x7b: {  	v44 =	vld [tilespmem:s24+$0x44C0]  }
0x7c: {  	v45 =	vld [tilespmem:s24+$0x4D0]  }
0x7d: {  	v46 =	vld [tilespmem:s24+$0x44D0]  }
0x7e: {  	v47 =	vld [tilespmem:s24+$0x4E0]  }
0x7f: {  	v48 =	vld [tilespmem:s24+$0x44E0]  }
0x80: {  	v49 =	vld [tilespmem:s24+$0x4F0]  }
0x81: {  	v50 =	vld [tilespmem:s24+$0x44F0];
	_ =	sdelay $0x1  }
0x82: {  	v18 =	vmul.f32 v19, v18;
	v19 =	vmul.f32 v38, v37  }
0x83: {  	v51 =	vmul.f32 v40, v39;
	v52 =	vmul.f32 v42, v41  }
0x84: {  	v53 =	vmul.f32 v44, v43;
	v54 =	vmul.f32 v46, v45  }
0x85: {  	v55 =	vmul.f32 v48, v47;
	v56 =	vmul.f32 v50, v49  }
0x86: {  	v18 =	vadd.f32 v19, v18;
	v19 =	vadd.f32 v52, v51  }
0x87: {  	v57 =	vadd.f32 v54, v53;
	v58 =	vadd.f32 v56, v55;
	_ =	sdelay $0x1  }
0x88: {  	v18 =	vadd.f32 v19, v18;
	v19 =	vadd.f32 v58, v57;
	_ =	sdelay $0x1  }
0x89: {  	v18 =	vadd.f32 v19, v18;
	_ =	sdelay $0x1  }
0x8a: {  	[tilespmem:s23+$0x8810] =	vst v18  }
0x8b: {  	v18 =	vld [tilespmem:s24+$0x500]  }
0x8c: {  	v19 =	vld [tilespmem:s24+$0x4500]  }
0x8d: {  	v59 =	vld [tilespmem:s24+$0x510]  }
0x8e: {  	v60 =	vld [tilespmem:s24+$0x4510]  }
0x8f: {  	v61 =	vld [tilespmem:s24+$0x520]  }
0x90: {  	v62 =	vld [tilespmem:s24+$0x4520]  }
0x91: {  	v63 =	vld [tilespmem:s24+$0x530]  }
0x92: {  	v36 =	vld [tilespmem:s24+$0x4530]  }
0x93: {  	v37 =	vld [tilespmem:s24+$0x540]  }
0x94: {  	v38 =	vld [tilespmem:s24+$0x4540]  }
0x95: {  	v39 =	vld [tilespmem:s24+$0x550]  }
0x96: {  	v40 =	vld [tilespmem:s24+$0x4550]  }
0x97: {  	v41 =	vld [tilespmem:s24+$0x560]  }
0x98: {  	v42 =	vld [tilespmem:s24+$0x4560]  }
0x99: {  	v43 =	vld [tilespmem:s24+$0x570]  }
0x9a: {  	v44 =	vld [tilespmem:s24+$0x4570];
	_ =	sdelay $0x1  }
0x9b: {  	v18 =	vmul.f32 v19, v18;
	v19 =	vmul.f32 v60, v59  }
0x9c: {  	v45 =	vmul.f32 v62, v61;
	v46 =	vmul.f32 v36, v63  }
0x9d: {  	v47 =	vmul.f32 v38, v37;
	v48 =	vmul.f32 v40, v39  }
0x9e: {  	v49 =	vmul.f32 v42, v41;
	v50 =	vmul.f32 v44, v43  }
0x9f: {  	v18 =	vadd.f32 v19, v18;
	v19 =	vadd.f32 v46, v45  }
0xa0: {  	v51 =	vadd.f32 v48, v47;
	v52 =	vadd.f32 v50, v49;
	_ =	sdelay $0x1  }
0xa1: {  	v18 =	vadd.f32 v19, v18;
	v19 =	vadd.f32 v52, v51;
	_ =	sdelay $0x1  }
0xa2: {  	v18 =	vadd.f32 v19, v18;
	_ =	sdelay $0x1  }
0xa3: {  	[tilespmem:s23+$0x8820] =	vst v18  }
0xa4: {  	v18 =	vld [tilespmem:s24+$0x580]  }
0xa5: {  	v19 =	vld [tilespmem:s24+$0x4580]  }
0xa6: {  	v53 =	vld [tilespmem:s24+$0x590]  }
0xa7: {  	v54 =	vld [tilespmem:s24+$0x4590]  }
0xa8: {  	v55 =	vld [tilespmem:s24+$0x5A0]  }
0xa9: {  	v56 =	vld [tilespmem:s24+$0x45A0]  }
0xaa: {  	v57 =	vld [tilespmem:s24+$0x5B0]  }
0xab: {  	v58 =	vld [tilespmem:s24+$0x45B0]  }
0xac: {  	v59 =	vld [tilespmem:s24+$0x5C0]  }
0xad: {  	v60 =	vld [tilespmem:s24+$0x45C0]  }
0xae: {  	v61 =	vld [tilespmem:s24+$0x5D0]  }
0xaf: {  	v62 =	vld [tilespmem:s24+$0x45D0]  }
0xb0: {  	v63 =	vld [tilespmem:s24+$0x5E0]  }
0xb1: {  	v36 =	vld [tilespmem:s24+$0x45E0]  }
0xb2: {  	v37 =	vld [tilespmem:s24+$0x5F0]  }
0xb3: {  	v38 =	vld [tilespmem:s24+$0x45F0];
	_ =	sdelay $0x1  }
0xb4: {  	v18 =	vmul.f32 v19, v18;
	v19 =	vmul.f32 v54, v53  }
0xb5: {  	v39 =	vmul.f32 v56, v55;
	v40 =	vmul.f32 v58, v57  }
0xb6: {  	v41 =	vmul.f32 v60, v59;
	v42 =	vmul.f32 v62, v61  }
0xb7: {  	v43 =	vmul.f32 v36, v63;
	v44 =	vmul.f32 v38, v37  }
0xb8: {  	v18 =	vadd.f32 v19, v18;
	v19 =	vadd.f32 v40, v39  }
0xb9: {  	v45 =	vadd.f32 v42, v41;
	v46 =	vadd.f32 v44, v43;
	_ =	sdelay $0x1  }
0xba: {  	v18 =	vadd.f32 v19, v18;
	v19 =	vadd.f32 v46, v45;
	_ =	sdelay $0x1  }
0xbb: {  	v18 =	vadd.f32 v19, v18;
	_ =	sdelay $0x1  }
0xbc: {  	[tilespmem:s23+$0x8830] =	vst v18  }
0xbd: {  	v18 =	vld [tilespmem:s24+$0x600]  }
0xbe: {  	v19 =	vld [tilespmem:s24+$0x4600]  }
0xbf: {  	v47 =	vld [tilespmem:s24+$0x610]  }
0xc0: {  	v48 =	vld [tilespmem:s24+$0x4610]  }
0xc1: {  	v49 =	vld [tilespmem:s24+$0x620]  }
0xc2: {  	v50 =	vld [tilespmem:s24+$0x4620]  }
0xc3: {  	v51 =	vld [tilespmem:s24+$0x630]  }
0xc4: {  	v52 =	vld [tilespmem:s24+$0x4630]  }
0xc5: {  	v53 =	vld [tilespmem:s24+$0x640]  }
0xc6: {  	v54 =	vld [tilespmem:s24+$0x4640]  }
0xc7: {  	v55 =	vld [tilespmem:s24+$0x650]  }
0xc8: {  	v56 =	vld [tilespmem:s24+$0x4650]  }
0xc9: {  	v57 =	vld [tilespmem:s24+$0x660]  }
0xca: {  	v58 =	vld [tilespmem:s24+$0x4660]  }
0xcb: {  	v59 =	vld [tilespmem:s24+$0x670]  }
0xcc: {  	v60 =	vld [tilespmem:s24+$0x4670];
	_ =	sdelay $0x1  }
0xcd: {  	v18 =	vmul.f32 v19, v18;
	v19 =	vmul.f32 v48, v47  }
0xce: {  	v61 =	vmul.f32 v50, v49;
	v62 =	vmul.f32 v52, v51  }
0xcf: {  	v63 =	vmul.f32 v54, v53;
	v29 =	vmul.f32 v56, v55  }
0xd0: {  	v31 =	vmul.f32 v58, v57;
	v34 =	vmul.f32 v60, v59  }
0xd1: {  	v18 =	vadd.f32 v19, v18;
	v19 =	vadd.f32 v62, v61  }
0xd2: {  	v35 =	vadd.f32 v29, v63;
	v36 =	vadd.f32 v34, v31;
	_ =	sdelay $0x1  }
0xd3: {  	v18 =	vadd.f32 v19, v18;
	v19 =	vadd.f32 v36, v35;
	_ =	sdelay $0x1  }
0xd4: {  	v18 =	vadd.f32 v19, v18;
	_ =	sdelay $0x1  }
0xd5: {  	[tilespmem:s23+$0x8840] =	vst v18  }
0xd6: {  	v18 =	vld [tilespmem:s24+$0x680]  }
0xd7: {  	v19 =	vld [tilespmem:s24+$0x4680]  }
0xd8: {  	v37 =	vld [tilespmem:s24+$0x690]  }
0xd9: {  	v38 =	vld [tilespmem:s24+$0x4690]  }
0xda: {  	v39 =	vld [tilespmem:s24+$0x6A0]  }
0xdb: {  	v40 =	vld [tilespmem:s24+$0x46A0]  }
0xdc: {  	v41 =	vld [tilespmem:s24+$0x6B0]  }
0xdd: {  	v42 =	vld [tilespmem:s24+$0x46B0]  }
0xde: {  	v43 =	vld [tilespmem:s24+$0x6C0]  }
0xdf: {  	v44 =	vld [tilespmem:s24+$0x46C0]  }
0xe0: {  	v45 =	vld [tilespmem:s24+$0x6D0]  }
0xe1: {  	v46 =	vld [tilespmem:s24+$0x46D0]  }
0xe2: {  	v47 =	vld [tilespmem:s24+$0x6E0]  }
0xe3: {  	v48 =	vld [tilespmem:s24+$0x46E0]  }
0xe4: {  	v49 =	vld [tilespmem:s24+$0x6F0]  }
0xe5: {  	v50 =	vld [tilespmem:s24+$0x46F0];
	_ =	sdelay $0x1  }
0xe6: {  	v18 =	vmul.f32 v19, v18;
	v19 =	vmul.f32 v38, v37  }
0xe7: {  	v51 =	vmul.f32 v40, v39;
	v52 =	vmul.f32 v42, v41  }
0xe8: {  	v53 =	vmul.f32 v44, v43;
	v54 =	vmul.f32 v46, v45  }
0xe9: {  	v55 =	vmul.f32 v48, v47;
	v56 =	vmul.f32 v50, v49  }
0xea: {  	v18 =	vadd.f32 v19, v18;
	v19 =	vadd.f32 v52, v51  }
0xeb: {  	v57 =	vadd.f32 v54, v53;
	v58 =	vadd.f32 v56, v55;
	_ =	sdelay $0x1  }
0xec: {  	v18 =	vadd.f32 v19, v18;
	v19 =	vadd.f32 v58, v57;
	_ =	sdelay $0x1  }
0xed: {  	v18 =	vadd.f32 v19, v18;
	_ =	sdelay $0x1  }
0xee: {  	[tilespmem:s23+$0x8850] =	vst v18  }
0xef: {  	v18 =	vld [tilespmem:s24+$0x700]  }
0xf0: {  	v19 =	vld [tilespmem:s24+$0x4700]  }
0xf1: {  	v59 =	vld [tilespmem:s24+$0x710]  }
0xf2: {  	v60 =	vld [tilespmem:s24+$0x4710]  }
0xf3: {  	v61 =	vld [tilespmem:s24+$0x720]  }
0xf4: {  	v62 =	vld [tilespmem:s24+$0x4720]  }
0xf5: {  	v63 =	vld [tilespmem:s24+$0x730]  }
0xf6: {  	v36 =	vld [tilespmem:s24+$0x4730]  }
0xf7: {  	v37 =	vld [tilespmem:s24+$0x740]  }
0xf8: {  	v38 =	vld [tilespmem:s24+$0x4740]  }
0xf9: {  	v39 =	vld [tilespmem:s24+$0x750]  }
0xfa: {  	v40 =	vld [tilespmem:s24+$0x4750]  }
0xfb: {  	v41 =	vld [tilespmem:s24+$0x760]  }
0xfc: {  	v42 =	vld [tilespmem:s24+$0x4760]  }
0xfd: {  	v43 =	vld [tilespmem:s24+$0x770]  }
0xfe: {  	v44 =	vld [tilespmem:s24+$0x4770];
	_ =	sdelay $0x1  }
0xff: {  	v18 =	vmul.f32 v19, v18;
	v19 =	vmul.f32 v60, v59  }
0x100: {  	v45 =	vmul.f32 v62, v61;
	v46 =	vmul.f32 v36, v63  }
0x101: {  	v47 =	vmul.f32 v38, v37;
	v48 =	vmul.f32 v40, v39  }
0x102: {  	v49 =	vmul.f32 v42, v41;
	v50 =	vmul.f32 v44, v43  }
0x103: {  	v18 =	vadd.f32 v19, v18;
	v19 =	vadd.f32 v46, v45  }
0x104: {  	v51 =	vadd.f32 v48, v47;
	v52 =	vadd.f32 v50, v49;
	_ =	sdelay $0x1  }
0x105: {  	v18 =	vadd.f32 v19, v18;
	v19 =	vadd.f32 v52, v51;
	_ =	sdelay $0x1  }
0x106: {  	v18 =	vadd.f32 v19, v18;
	_ =	sdelay $0x1  }
0x107: {  	[tilespmem:s23+$0x8860] =	vst v18  }
0x108: {  	v18 =	vld [tilespmem:s24+$0x780]  }
0x109: {  	v19 =	vld [tilespmem:s24+$0x4780]  }
0x10a: {  	v53 =	vld [tilespmem:s24+$0x790]  }
0x10b: {  	v54 =	vld [tilespmem:s24+$0x4790]  }
0x10c: {  	v55 =	vld [tilespmem:s24+$0x7A0]  }
0x10d: {  	v56 =	vld [tilespmem:s24+$0x47A0]  }
0x10e: {  	v57 =	vld [tilespmem:s24+$0x7B0]  }
0x10f: {  	v58 =	vld [tilespmem:s24+$0x47B0]  }
0x110: {  	v59 =	vld [tilespmem:s24+$0x7C0]  }
0x111: {  	v60 =	vld [tilespmem:s24+$0x47C0]  }
0x112: {  	v61 =	vld [tilespmem:s24+$0x7D0]  }
0x113: {  	v62 =	vld [tilespmem:s24+$0x47D0]  }
0x114: {  	v63 =	vld [tilespmem:s24+$0x7E0]  }
0x115: {  	v36 =	vld [tilespmem:s24+$0x47E0]  }
0x116: {  	v37 =	vld [tilespmem:s24+$0x7F0]  }
0x117: {  	v38 =	vld [tilespmem:s24+$0x47F0];
	_ =	sdelay $0x1  }
0x118: {  	v18 =	vmul.f32 v19, v18;
	v19 =	vmul.f32 v54, v53  }
0x119: {  	v39 =	vmul.f32 v56, v55;
	v40 =	vmul.f32 v58, v57  }
0x11a: {  	v41 =	vmul.f32 v60, v59;
	v42 =	vmul.f32 v62, v61  }
0x11b: {  	v43 =	vmul.f32 v36, v63;
	v44 =	vmul.f32 v38, v37  }
0x11c: {  	v18 =	vadd.f32 v19, v18;
	v19 =	vadd.f32 v40, v39  }
0x11d: {  	v45 =	vadd.f32 v42, v41;
	v46 =	vadd.f32 v44, v43;
	_ =	sdelay $0x1  }
0x11e: {  	v18 =	vadd.f32 v19, v18;
	v19 =	vadd.f32 v46, v45;
	_ =	sdelay $0x1  }
0x11f: {  	v18 =	vadd.f32 v19, v18;
	_ =	sdelay $0x1  }
0x120: {  	[tilespmem:s23+$0x8870] =	vst v18  }
0x121: {  	v18 =	vld [tilespmem:s24+$0x800]  }
0x122: {  	v19 =	vld [tilespmem:s24+$0x4800]  }
0x123: {  	v47 =	vld [tilespmem:s24+$0x810]  }
0x124: {  	v48 =	vld [tilespmem:s24+$0x4810]  }
0x125: {  	v49 =	vld [tilespmem:s24+$0x820]  }
0x126: {  	v50 =	vld [tilespmem:s24+$0x4820]  }
0x127: {  	v51 =	vld [tilespmem:s24+$0x830]  }
0x128: {  	v52 =	vld [tilespmem:s24+$0x4830]  }
0x129: {  	v53 =	vld [tilespmem:s24+$0x840]  }
0x12a: {  	v54 =	vld [tilespmem:s24+$0x4840]  }
0x12b: {  	v55 =	vld [tilespmem:s24+$0x850]  }
0x12c: {  	v56 =	vld [tilespmem:s24+$0x4850]  }
0x12d: {  	v57 =	vld [tilespmem:s24+$0x860]  }
0x12e: {  	v58 =	vld [tilespmem:s24+$0x4860]  }
0x12f: {  	v59 =	vld [tilespmem:s24+$0x870]  }
0x130: {  	v60 =	vld [tilespmem:s24+$0x4870];
	_ =	sdelay $0x1  }
0x131: {  	v18 =	vmul.f32 v19, v18;
	v19 =	vmul.f32 v48, v47  }
0x132: {  	v61 =	vmul.f32 v50, v49;
	v62 =	vmul.f32 v52, v51  }
0x133: {  	v63 =	vmul.f32 v54, v53;
	v29 =	vmul.f32 v56, v55  }
0x134: {  	v31 =	vmul.f32 v58, v57;
	v34 =	vmul.f32 v60, v59  }
0x135: {  	v18 =	vadd.f32 v19, v18;
	v19 =	vadd.f32 v62, v61  }
0x136: {  	v35 =	vadd.f32 v29, v63;
	v36 =	vadd.f32 v34, v31;
	_ =	sdelay $0x1  }
0x137: {  	v18 =	vadd.f32 v19, v18;
	v19 =	vadd.f32 v36, v35;
	_ =	sdelay $0x1  }
0x138: {  	v18 =	vadd.f32 v19, v18;
	_ =	sdelay $0x1  }
0x139: {  	[tilespmem:s23+$0x8880] =	vst v18  }
0x13a: {  	v18 =	vld [tilespmem:s24+$0x880]  }
0x13b: {  	v19 =	vld [tilespmem:s24+$0x4880]  }
0x13c: {  	v37 =	vld [tilespmem:s24+$0x890]  }
0x13d: {  	v38 =	vld [tilespmem:s24+$0x4890]  }
0x13e: {  	v39 =	vld [tilespmem:s24+$0x8A0]  }
0x13f: {  	v40 =	vld [tilespmem:s24+$0x48A0]  }
0x140: {  	v41 =	vld [tilespmem:s24+$0x8B0]  }
0x141: {  	v42 =	vld [tilespmem:s24+$0x48B0]  }
0x142: {  	v43 =	vld [tilespmem:s24+$0x8C0]  }
0x143: {  	v44 =	vld [tilespmem:s24+$0x48C0]  }
0x144: {  	v45 =	vld [tilespmem:s24+$0x8D0]  }
0x145: {  	v46 =	vld [tilespmem:s24+$0x48D0]  }
0x146: {  	v47 =	vld [tilespmem:s24+$0x8E0]  }
0x147: {  	v48 =	vld [tilespmem:s24+$0x48E0]  }
0x148: {  	v49 =	vld [tilespmem:s24+$0x8F0]  }
0x149: {  	v50 =	vld [tilespmem:s24+$0x48F0];
	_ =	sdelay $0x1  }
0x14a: {  	v18 =	vmul.f32 v19, v18;
	v19 =	vmul.f32 v38, v37  }
0x14b: {  	v51 =	vmul.f32 v40, v39;
	v52 =	vmul.f32 v42, v41  }
0x14c: {  	v53 =	vmul.f32 v44, v43;
	v54 =	vmul.f32 v46, v45  }
0x14d: {  	v55 =	vmul.f32 v48, v47;
	v56 =	vmul.f32 v50, v49  }
0x14e: {  	v18 =	vadd.f32 v19, v18;
	v19 =	vadd.f32 v52, v51  }
0x14f: {  	v57 =	vadd.f32 v54, v53;
	v58 =	vadd.f32 v56, v55;
	_ =	sdelay $0x1  }
0x150: {  	v18 =	vadd.f32 v19, v18;
	v19 =	vadd.f32 v58, v57;
	_ =	sdelay $0x1  }
0x151: {  	v18 =	vadd.f32 v19, v18;
	_ =	sdelay $0x1  }
0x152: {  	[tilespmem:s23+$0x8890] =	vst v18  }
0x153: {  	v18 =	vld [tilespmem:s24+$0x900]  }
0x154: {  	v19 =	vld [tilespmem:s24+$0x4900]  }
0x155: {  	v59 =	vld [tilespmem:s24+$0x910]  }
0x156: {  	v60 =	vld [tilespmem:s24+$0x4910]  }
0x157: {  	v61 =	vld [tilespmem:s24+$0x920]  }
0x158: {  	v62 =	vld [tilespmem:s24+$0x4920]  }
0x159: {  	v63 =	vld [tilespmem:s24+$0x930]  }
0x15a: {  	v36 =	vld [tilespmem:s24+$0x4930]  }
0x15b: {  	v37 =	vld [tilespmem:s24+$0x940]  }
0x15c: {  	v38 =	vld [tilespmem:s24+$0x4940]  }
0x15d: {  	v39 =	vld [tilespmem:s24+$0x950]  }
0x15e: {  	v40 =	vld [tilespmem:s24+$0x4950]  }
0x15f: {  	v41 =	vld [tilespmem:s24+$0x960]  }
0x160: {  	v42 =	vld [tilespmem:s24+$0x4960]  }
0x161: {  	v43 =	vld [tilespmem:s24+$0x970]  }
0x162: {  	v44 =	vld [tilespmem:s24+$0x4970];
	_ =	sdelay $0x1  }
0x163: {  	v18 =	vmul.f32 v19, v18;
	v19 =	vmul.f32 v60, v59  }
0x164: {  	v45 =	vmul.f32 v62, v61;
	v46 =	vmul.f32 v36, v63  }
0x165: {  	v47 =	vmul.f32 v38, v37;
	v48 =	vmul.f32 v40, v39  }
0x166: {  	v49 =	vmul.f32 v42, v41;
	v50 =	vmul.f32 v44, v43  }
0x167: {  	v18 =	vadd.f32 v19, v18;
	v19 =	vadd.f32 v46, v45  }
0x168: {  	v51 =	vadd.f32 v48, v47;
	v52 =	vadd.f32 v50, v49;
	_ =	sdelay $0x1  }
0x169: {  	v18 =	vadd.f32 v19, v18;
	v19 =	vadd.f32 v52, v51;
	_ =	sdelay $0x1  }
0x16a: {  	v18 =	vadd.f32 v19, v18;
	_ =	sdelay $0x1  }
0x16b: {  	[tilespmem:s23+$0x88A0] =	vst v18  }
0x16c: {  	v18 =	vld [tilespmem:s24+$0x980]  }
0x16d: {  	v19 =	vld [tilespmem:s24+$0x4980]  }
0x16e: {  	v53 =	vld [tilespmem:s24+$0x990]  }
0x16f: {  	v54 =	vld [tilespmem:s24+$0x4990]  }
0x170: {  	v55 =	vld [tilespmem:s24+$0x9A0]  }
0x171: {  	v56 =	vld [tilespmem:s24+$0x49A0]  }
0x172: {  	v57 =	vld [tilespmem:s24+$0x9B0]  }
0x173: {  	v58 =	vld [tilespmem:s24+$0x49B0]  }
0x174: {  	v59 =	vld [tilespmem:s24+$0x9C0]  }
0x175: {  	v60 =	vld [tilespmem:s24+$0x49C0]  }
0x176: {  	v61 =	vld [tilespmem:s24+$0x9D0]  }
0x177: {  	v62 =	vld [tilespmem:s24+$0x49D0]  }
0x178: {  	v63 =	vld [tilespmem:s24+$0x9E0]  }
0x179: {  	v36 =	vld [tilespmem:s24+$0x49E0]  }
0x17a: {  	v37 =	vld [tilespmem:s24+$0x9F0]  }
0x17b: {  	v38 =	vld [tilespmem:s24+$0x49F0];
	_ =	sdelay $0x1  }
0x17c: {  	v18 =	vmul.f32 v19, v18;
	v19 =	vmul.f32 v54, v53  }
0x17d: {  	v39 =	vmul.f32 v56, v55;
	v40 =	vmul.f32 v58, v57  }
0x17e: {  	v41 =	vmul.f32 v60, v59;
	v42 =	vmul.f32 v62, v61  }
0x17f: {  	v43 =	vmul.f32 v36, v63;
	v44 =	vmul.f32 v38, v37  }
0x180: {  	v18 =	vadd.f32 v19, v18;
	v19 =	vadd.f32 v40, v39  }
0x181: {  	v45 =	vadd.f32 v42, v41;
	v46 =	vadd.f32 v44, v43;
	_ =	sdelay $0x1  }
0x182: {  	v18 =	vadd.f32 v19, v18;
	v19 =	vadd.f32 v46, v45;
	_ =	sdelay $0x1  }
0x183: {  	v18 =	vadd.f32 v19, v18;
	_ =	sdelay $0x1  }
0x184: {  	[tilespmem:s23+$0x88B0] =	vst v18  }
0x185: {  	v18 =	vld [tilespmem:s24+$0xA00]  }
0x186: {  	v19 =	vld [tilespmem:s24+$0x4A00]  }
0x187: {  	v47 =	vld [tilespmem:s24+$0xA10]  }
0x188: {  	v48 =	vld [tilespmem:s24+$0x4A10]  }
0x189: {  	v49 =	vld [tilespmem:s24+$0xA20]  }
0x18a: {  	v50 =	vld [tilespmem:s24+$0x4A20]  }
0x18b: {  	v51 =	vld [tilespmem:s24+$0xA30]  }
0x18c: {  	v52 =	vld [tilespmem:s24+$0x4A30]  }
0x18d: {  	v53 =	vld [tilespmem:s24+$0xA40]  }
0x18e: {  	v54 =	vld [tilespmem:s24+$0x4A40]  }
0x18f: {  	v55 =	vld [tilespmem:s24+$0xA50]  }
0x190: {  	v56 =	vld [tilespmem:s24+$0x4A50]  }
0x191: {  	v57 =	vld [tilespmem:s24+$0xA60]  }
0x192: {  	v58 =	vld [tilespmem:s24+$0x4A60]  }
0x193: {  	v59 =	vld [tilespmem:s24+$0xA70]  }
0x194: {  	v60 =	vld [tilespmem:s24+$0x4A70];
	_ =	sdelay $0x1  }
0x195: {  	v18 =	vmul.f32 v19, v18;
	v19 =	vmul.f32 v48, v47  }
0x196: {  	v61 =	vmul.f32 v50, v49;
	v62 =	vmul.f32 v52, v51  }
0x197: {  	v63 =	vmul.f32 v54, v53;
	v29 =	vmul.f32 v56, v55  }
0x198: {  	v31 =	vmul.f32 v58, v57;
	v34 =	vmul.f32 v60, v59  }
0x199: {  	v18 =	vadd.f32 v19, v18;
	v19 =	vadd.f32 v62, v61  }
0x19a: {  	v35 =	vadd.f32 v29, v63;
	v36 =	vadd.f32 v34, v31;
	_ =	sdelay $0x1  }
0x19b: {  	v18 =	vadd.f32 v19, v18;
	v19 =	vadd.f32 v36, v35;
	_ =	sdelay $0x1  }
0x19c: {  	v18 =	vadd.f32 v19, v18;
	_ =	sdelay $0x1  }
0x19d: {  	[tilespmem:s23+$0x88C0] =	vst v18  }
0x19e: {  	v18 =	vld [tilespmem:s24+$0xA80]  }
0x19f: {  	v19 =	vld [tilespmem:s24+$0x4A80]  }
0x1a0: {  	v37 =	vld [tilespmem:s24+$0xA90]  }
0x1a1: {  	v38 =	vld [tilespmem:s24+$0x4A90]  }
0x1a2: {  	v39 =	vld [tilespmem:s24+$0xAA0]  }
0x1a3: {  	v40 =	vld [tilespmem:s24+$0x4AA0]  }
0x1a4: {  	v41 =	vld [tilespmem:s24+$0xAB0]  }
0x1a5: {  	v42 =	vld [tilespmem:s24+$0x4AB0]  }
0x1a6: {  	v43 =	vld [tilespmem:s24+$0xAC0]  }
0x1a7: {  	v44 =	vld [tilespmem:s24+$0x4AC0]  }
0x1a8: {  	v45 =	vld [tilespmem:s24+$0xAD0]  }
0x1a9: {  	v46 =	vld [tilespmem:s24+$0x4AD0]  }
0x1aa: {  	v47 =	vld [tilespmem:s24+$0xAE0]  }
0x1ab: {  	v48 =	vld [tilespmem:s24+$0x4AE0]  }
0x1ac: {  	v49 =	vld [tilespmem:s24+$0xAF0]  }
0x1ad: {  	v50 =	vld [tilespmem:s24+$0x4AF0];
	_ =	sdelay $0x1  }
0x1ae: {  	v18 =	vmul.f32 v19, v18;
	v19 =	vmul.f32 v38, v37  }
0x1af: {  	v51 =	vmul.f32 v40, v39;
	v52 =	vmul.f32 v42, v41  }
0x1b0: {  	v53 =	vmul.f32 v44, v43;
	v54 =	vmul.f32 v46, v45  }
0x1b1: {  	v55 =	vmul.f32 v48, v47;
	v56 =	vmul.f32 v50, v49  }
0x1b2: {  	v18 =	vadd.f32 v19, v18;
	v19 =	vadd.f32 v52, v51  }
0x1b3: {  	v57 =	vadd.f32 v54, v53;
	v58 =	vadd.f32 v56, v55;
	_ =	sdelay $0x1  }
0x1b4: {  	v18 =	vadd.f32 v19, v18;
	v19 =	vadd.f32 v58, v57;
	_ =	sdelay $0x1  }
0x1b5: {  	v18 =	vadd.f32 v19, v18;
	_ =	sdelay $0x1  }
0x1b6: {  	[tilespmem:s23+$0x88D0] =	vst v18  }
0x1b7: {  	v18 =	vld [tilespmem:s24+$0xB00]  }
0x1b8: {  	v19 =	vld [tilespmem:s24+$0x4B00]  }
0x1b9: {  	v59 =	vld [tilespmem:s24+$0xB10]  }
0x1ba: {  	v60 =	vld [tilespmem:s24+$0x4B10]  }
0x1bb: {  	v61 =	vld [tilespmem:s24+$0xB20]  }
0x1bc: {  	v62 =	vld [tilespmem:s24+$0x4B20]  }
0x1bd: {  	v63 =	vld [tilespmem:s24+$0xB30]  }
0x1be: {  	v36 =	vld [tilespmem:s24+$0x4B30]  }
0x1bf: {  	v37 =	vld [tilespmem:s24+$0xB40]  }
0x1c0: {  	v38 =	vld [tilespmem:s24+$0x4B40]  }
0x1c1: {  	v39 =	vld [tilespmem:s24+$0xB50]  }
0x1c2: {  	v40 =	vld [tilespmem:s24+$0x4B50]  }
0x1c3: {  	v41 =	vld [tilespmem:s24+$0xB60]  }
0x1c4: {  	v42 =	vld [tilespmem:s24+$0x4B60]  }
0x1c5: {  	v43 =	vld [tilespmem:s24+$0xB70]  }
0x1c6: {  	v44 =	vld [tilespmem:s24+$0x4B70];
	_ =	sdelay $0x1  }
0x1c7: {  	v18 =	vmul.f32 v19, v18;
	v19 =	vmul.f32 v60, v59  }
0x1c8: {  	v45 =	vmul.f32 v62, v61;
	v46 =	vmul.f32 v36, v63  }
0x1c9: {  	v47 =	vmul.f32 v38, v37;
	v48 =	vmul.f32 v40, v39  }
0x1ca: {  	v49 =	vmul.f32 v42, v41;
	v50 =	vmul.f32 v44, v43  }
0x1cb: {  	v18 =	vadd.f32 v19, v18;
	v19 =	vadd.f32 v46, v45  }
0x1cc: {  	v51 =	vadd.f32 v48, v47;
	v52 =	vadd.f32 v50, v49;
	_ =	sdelay $0x1  }
0x1cd: {  	v18 =	vadd.f32 v19, v18;
	v19 =	vadd.f32 v52, v51;
	_ =	sdelay $0x1  }
0x1ce: {  	v18 =	vadd.f32 v19, v18;
	_ =	sdelay $0x1  }
0x1cf: {  	[tilespmem:s23+$0x88E0] =	vst v18  }
0x1d0: {  	v18 =	vld [tilespmem:s24+$0xB80]  }
0x1d1: {  	v19 =	vld [tilespmem:s24+$0x4B80]  }
0x1d2: {  	v53 =	vld [tilespmem:s24+$0xB90]  }
0x1d3: {  	v54 =	vld [tilespmem:s24+$0x4B90]  }
0x1d4: {  	v55 =	vld [tilespmem:s24+$0xBA0]  }
0x1d5: {  	v56 =	vld [tilespmem:s24+$0x4BA0]  }
0x1d6: {  	v57 =	vld [tilespmem:s24+$0xBB0]  }
0x1d7: {  	v58 =	vld [tilespmem:s24+$0x4BB0]  }
0x1d8: {  	v59 =	vld [tilespmem:s24+$0xBC0]  }
0x1d9: {  	v60 =	vld [tilespmem:s24+$0x4BC0]  }
0x1da: {  	v61 =	vld [tilespmem:s24+$0xBD0]  }
0x1db: {  	v62 =	vld [tilespmem:s24+$0x4BD0]  }
0x1dc: {  	v63 =	vld [tilespmem:s24+$0xBE0]  }
0x1dd: {  	v36 =	vld [tilespmem:s24+$0x4BE0]  }
0x1de: {  	v37 =	vld [tilespmem:s24+$0xBF0]  }
0x1df: {  	v38 =	vld [tilespmem:s24+$0x4BF0];
	_ =	sdelay $0x1  }
0x1e0: {  	v18 =	vmul.f32 v19, v18;
	v19 =	vmul.f32 v54, v53  }
0x1e1: {  	v39 =	vmul.f32 v56, v55;
	v40 =	vmul.f32 v58, v57  }
0x1e2: {  	v41 =	vmul.f32 v60, v59;
	v42 =	vmul.f32 v62, v61  }
0x1e3: {  	v43 =	vmul.f32 v36, v63;
	v44 =	vmul.f32 v38, v37  }
0x1e4: {  	v18 =	vadd.f32 v19, v18;
	v19 =	vadd.f32 v40, v39  }
0x1e5: {  	v45 =	vadd.f32 v42, v41;
	v46 =	vadd.f32 v44, v43  }
0x1e6: {  	v47 =	vor.u32 s23, v0  }
0x1e7: {  	v48 =	vand.u32 v1, v47;
	v18 =	vadd.f32 v19, v18;
	v19 =	vadd.f32 v46, v45  }
0x1e8: {  	v49 =	vor.u32 s23, v2  }
0x1e9: {  	v18 =	vadd.f32 v19, v18  }
0x1ea: {  	v19 =	vor.u32 s23, v3  }
0x1eb: {  	[tilespmem:s23+$0x88F0] =	vst v18  }
0x1ec: {  	v50 =	vor.u32 s23, v4;
	v18 =	vld.idx.msk [tilespmem:v48+s16+$0x0], $0xffff  }
0x1ed: {  	v21 =	vld.idx.msk [tilespmem:v49+s16+$0x0], $0xffff  }
0x1ee: {  	v51 =	vor.u32 s23, v5  }
0x1ef: {  	v19 =	vld.idx.msk [tilespmem:v19+s16+$0x0], $0xffff  }
0x1f0: {  	v52 =	vor.u32 s23, v6  }
0x1f1: {  	v20 =	vld.idx.msk [tilespmem:v50+s16+$0x0], $0xffff  }
0x1f2: {  	v53 =	vor.u32 s23, v7;
	v18 =	vadd.f32 v21, v18  }
0x1f3: {  	v22 =	vld.idx.msk [tilespmem:v51+s16+$0x0], $0xffff  }
0x1f4: {  	v18 =	vadd.f32 v19, v18;
	v19 =	vor.u32 s23, v8  }
0x1f5: {  	v23 =	vld.idx.msk [tilespmem:v52+s16+$0x0], $0xffff  }
0x1f6: {  	v54 =	vor.u32 s23, v9;
	v18 =	vadd.f32 v20, v18  }
0x1f7: {  	v21 =	vld.idx.msk [tilespmem:v53+s16+$0x0], $0xffff  }
0x1f8: {  	v55 =	vor.u32 s23, v10;
	v18 =	vadd.f32 v22, v18  }
0x1f9: {  	v19 =	vld.idx.msk [tilespmem:v19+s16+$0x0], $0xffff  }
0x1fa: {  	v56 =	vor.u32 s23, v11;
	v18 =	vadd.f32 v23, v18  }
0x1fb: {  	v20 =	vld.idx.msk [tilespmem:v54+s16+$0x0], $0xffff  }
0x1fc: {  	v57 =	vor.u32 s23, v12;
	v18 =	vadd.f32 v21, v18  }
0x1fd: {  	v22 =	vld.idx.msk [tilespmem:v55+s16+$0x0], $0xffff  }
0x1fe: {  	v18 =	vadd.f32 v19, v18;
	v19 =	vor.u32 s23, v13  }
0x1ff: {  	v23 =	vld.idx.msk [tilespmem:v56+s16+$0x0], $0xffff  }
0x200: {  	v58 =	vor.u32 s23, v14;
	v18 =	vadd.f32 v20, v18  }
0x201: {  	v21 =	vld.idx.msk [tilespmem:v57+s16+$0x0], $0xffff  }
0x202: {  	v59 =	vor.u32 s23, v15;
	v18 =	vadd.f32 v22, v18  }
0x203: {  	v19 =	vld.idx.msk [tilespmem:v19+s16+$0x0], $0xffff  }
0x204: {  	v60 =	vor.u32 s23, v16;
	v18 =	vadd.f32 v23, v18  }
0x205: {  	v20 =	vld.idx.msk [tilespmem:v58+s16+$0x0], $0xffff  }
0x206: {  	v18 =	vadd.f32 v21, v18  }
0x207: {  	v61 =	vld.idx.msk [tilespmem:v59+s16+$0x0], $0xffff  }
0x208: {  	v18 =	vadd.f32 v19, v18  }
0x209: {  	v19 =	vld.idx.msk [tilespmem:v60+s16+$0x0], $0xffff  }
0x20a: {  	s25 =	sshll.u32 s22, $0x4;
	v18 =	vadd.f32 v20, v18  }
0x20b: {  	v62 =	vld.idx.msk [tilespmem:v17+s25+$0x8400 ss:$0x1], $0xffff  }
0x20c: {  	v18 =	vadd.f32 v61, v18  }
0x20d: {  	v63 =	vld.idx.msk [tilespmem:v17+s25+$0x8600 ss:$0x1], $0xffff  }
0x20e: {  	v18 =	vadd.f32 v19, v18;
	_ =	sdelay $0x1  }
0x20f: {  	v18 =	vadd.f32 v62, v18;
	_ =	sdelay $0x1  }
0x210: {  	v18 =	vadd.f32 v63, v18;
	_ =	sdelay $0x1  }
0x211: {  	v18 =	vsub.f32 $0.0e+00, v18;
	_ =	sdelay $0x1  }
0x212: {  	v18 =	vmul.f32 $1.442695020e+00, v18;
	_ =	sdelay $0x1  }
0x213: {  	(erf) = vpow2.f32 v18;
	_ =	sdelay $0x8  }
0x214: {  	v18 =	vpop (erf)  }
0x215: {  	v18 =	vadd.f32 $1.000000000e+00, v18;
	_ =	sdelay $0x1  }
0x216: {  	(erf) = vrcp.f32 v18;
	_ =	sdelay $0x6  }
0x217: {  	p0 =	sne.s32 s22, $0x3  }
.Ltmp2:
0x218: {  	_ = 	snop;
	(pc) =	sbr.rel @p0 .LBB2_3-.Ltmp2, $3  }
0x219: {  	v18 =	vpop (erf)  }
0x21a: {  	v18 =	vmul.f32 $5.000000000e+00, v18;
	_ =	sdelay $0x1  }
0x21b: {  	s22 =	sadd.s32 $0x1, s22;
	[tilespmem:v17+s25+$0x8C00 ss:$0x1] =	vst.idx.msk $0xffff, v18  }
0x21c: {  	p0 =	seq.s32 s20, $0x3  }
0x21d: {  	s22 =	sadd.s32 @!p0 $0x80, s21;
	s23 =	simm.s32 @!p0 $0x40;
	s24 =	simm.s32 @!p0 $0x400  }
0x21e: {  	[tilespmem:s24], [sflag:$0x1] =	stream.indirect.gather @!p0 [hbm4b:s1+s23], $0x80, s22, s23, $0xb8;
	[tilespmem:$0x8E00] =	vst v63  }
0x21f: {  	s22 =	sadd.s32 @!p0 $0x280, s21;
	s24 =	simm.s32 @!p0 $0x4400  }
0x220: {  	[tilespmem:s24], [sflag:$0x1] =	stream.indirect.gather @!p0 [hbm4b:s2+s23], $0x80, s22, s23, $0xb8;
	[tilespmem:$0x8E00] =	vst v63  }
0x221: {  	_ =	swait.ge [sflag:s17], $0x2000  }
0x222: {  	[sflag:s17] =	ssyncset.done $0x0  }
0x223: {  	[sflag:s17] =	ssyncadd.s32 $0xFFFFE000  }
0x224: {  	_ =	swait.ge [sflag:s17], $0x2000  }
0x225: {  	s25 =	sor.u32 $0x40, s21;
	[sflag:s17] =	ssyncset.done $0x0  }
0x226: {  	v17 =	vmov s25;
	s22 =	simm.s32 $0x0;
	[sflag:s17] =	ssyncadd.s32 $0xFFFFE000  }
.LBB2_5:
0x227: {  	s24 =	sshll.u32 s22, $0xB  }
0x228: {  	v19 =	vld [tilespmem:s24+$0x6400]  }
0x229: {  	v21 =	vld [tilespmem:s24+$0x6410]  }
0x22a: {  	v23 =	vld [tilespmem:s24+$0x6420]  }
0x22b: {  	v25 =	vld [tilespmem:s24+$0x6430]  }
0x22c: {  	v27 =	vld [tilespmem:s24+$0x6440]  }
0x22d: {  	v29 =	vld [tilespmem:s24+$0x6450]  }
0x22e: {  	v31 =	vld [tilespmem:s24+$0x6460]  }
0x22f: {  	s23 =	sor.u32 $0x2400, s24;
	v33 =	vld [tilespmem:s24+$0x6470]  }
0x230: {  	s25 =	sor.u32 $0x2410, s24;
	v18 =	vld [tilespmem:s23+$0x0]  }
0x231: {  	v20 =	vld [tilespmem:s25+$0x0];
	s25 =	sor.u32 $0x2420, s24  }
0x232: {  	v22 =	vld [tilespmem:s25+$0x0];
	s25 =	sor.u32 $0x2430, s24  }
0x233: {  	v24 =	vld [tilespmem:s25+$0x0];
	s25 =	sor.u32 $0x2440, s24  }
0x234: {  	v26 =	vld [tilespmem:s25+$0x0];
	s25 =	sor.u32 $0x2450, s24  }
0x235: {  	v28 =	vld [tilespmem:s25+$0x0];
	s25 =	sor.u32 $0x2460, s24  }
0x236: {  	v30 =	vld [tilespmem:s25+$0x0];
	s25 =	sor.u32 $0x2470, s24  }
0x237: {  	v32 =	vld [tilespmem:s25+$0x0];
	_ =	sdelay $0x1  }
0x238: {  	v18 =	vmul.f32 v19, v18;
	v19 =	vmul.f32 v21, v20  }
0x239: {  	v61 =	vmul.f32 v23, v22;
	v62 =	vmul.f32 v25, v24  }
0x23a: {  	v63 =	vmul.f32 v27, v26;
	v29 =	vmul.f32 v29, v28  }
0x23b: {  	v31 =	vmul.f32 v31, v30;
	v34 =	vmul.f32 v33, v32  }
0x23c: {  	v18 =	vadd.f32 v19, v18;
	v19 =	vadd.f32 v62, v61  }
0x23d: {  	v35 =	vadd.f32 v29, v63;
	v36 =	vadd.f32 v34, v31;
	_ =	sdelay $0x1  }
0x23e: {  	v18 =	vadd.f32 v19, v18;
	v19 =	vadd.f32 v36, v35;
	_ =	sdelay $0x1  }
0x23f: {  	v18 =	vadd.f32 v19, v18  }
0x240: {  	s23 =	sshll.u32 s22, $0x8  }
0x241: {  	s25 =	sor.u32 $0x2480, s24;
	[tilespmem:s23+$0x8800] =	vst v18  }
0x242: {  	v18 =	vld [tilespmem:s25+$0x0]  }
0x243: {  	v19 =	vld [tilespmem:s24+$0x6480]  }
0x244: {  	v38 =	vld [tilespmem:s24+$0x6490]  }
0x245: {  	v40 =	vld [tilespmem:s24+$0x64A0]  }
0x246: {  	v42 =	vld [tilespmem:s24+$0x64B0]  }
0x247: {  	v44 =	vld [tilespmem:s24+$0x64C0]  }
0x248: {  	v46 =	vld [tilespmem:s24+$0x64D0]  }
0x249: {  	v48 =	vld [tilespmem:s24+$0x64E0]  }
0x24a: {  	s25 =	sor.u32 $0x2490, s24;
	v50 =	vld [tilespmem:s24+$0x64F0]  }
0x24b: {  	v37 =	vld [tilespmem:s25+$0x0];
	s25 =	sor.u32 $0x24A0, s24  }
0x24c: {  	v39 =	vld [tilespmem:s25+$0x0];
	s25 =	sor.u32 $0x24B0, s24  }
0x24d: {  	v41 =	vld [tilespmem:s25+$0x0];
	s25 =	sor.u32 $0x24C0, s24  }
0x24e: {  	v43 =	vld [tilespmem:s25+$0x0];
	s25 =	sor.u32 $0x24D0, s24  }
0x24f: {  	v45 =	vld [tilespmem:s25+$0x0];
	s25 =	sor.u32 $0x24E0, s24  }
0x250: {  	v47 =	vld [tilespmem:s25+$0x0];
	s25 =	sor.u32 $0x24F0, s24  }
0x251: {  	v49 =	vld [tilespmem:s25+$0x0];
	_ =	sdelay $0x1  }
0x252: {  	v18 =	vmul.f32 v19, v18;
	v19 =	vmul.f32 v38, v37  }
0x253: {  	v51 =	vmul.f32 v40, v39;
	v52 =	vmul.f32 v42, v41  }
0x254: {  	v53 =	vmul.f32 v44, v43;
	v54 =	vmul.f32 v46, v45  }
0x255: {  	v55 =	vmul.f32 v48, v47;
	v56 =	vmul.f32 v50, v49  }
0x256: {  	v18 =	vadd.f32 v19, v18;
	v19 =	vadd.f32 v52, v51  }
0x257: {  	v57 =	vadd.f32 v54, v53;
	v58 =	vadd.f32 v56, v55;
	_ =	sdelay $0x1  }
0x258: {  	v18 =	vadd.f32 v19, v18;
	v19 =	vadd.f32 v58, v57;
	_ =	sdelay $0x1  }
0x259: {  	v18 =	vadd.f32 v19, v18;
	_ =	sdelay $0x1  }
0x25a: {  	s25 =	sor.u32 $0x2500, s24;
	[tilespmem:s23+$0x8810] =	vst v18  }
0x25b: {  	v18 =	vld [tilespmem:s25+$0x0]  }
0x25c: {  	v19 =	vld [tilespmem:s24+$0x6500]  }
0x25d: {  	v60 =	vld [tilespmem:s24+$0x6510]  }
0x25e: {  	v62 =	vld [tilespmem:s24+$0x6520]  }
0x25f: {  	v36 =	vld [tilespmem:s24+$0x6530]  }
0x260: {  	v38 =	vld [tilespmem:s24+$0x6540]  }
0x261: {  	v40 =	vld [tilespmem:s24+$0x6550]  }
0x262: {  	v42 =	vld [tilespmem:s24+$0x6560]  }
0x263: {  	s25 =	sor.u32 $0x2510, s24;
	v44 =	vld [tilespmem:s24+$0x6570]  }
0x264: {  	v59 =	vld [tilespmem:s25+$0x0];
	s25 =	sor.u32 $0x2520, s24  }
0x265: {  	v61 =	vld [tilespmem:s25+$0x0];
	s25 =	sor.u32 $0x2530, s24  }
0x266: {  	v63 =	vld [tilespmem:s25+$0x0];
	s25 =	sor.u32 $0x2540, s24  }
0x267: {  	v37 =	vld [tilespmem:s25+$0x0];
	s25 =	sor.u32 $0x2550, s24  }
0x268: {  	v39 =	vld [tilespmem:s25+$0x0];
	s25 =	sor.u32 $0x2560, s24  }
0x269: {  	v41 =	vld [tilespmem:s25+$0x0];
	s25 =	sor.u32 $0x2570, s24  }
0x26a: {  	v43 =	vld [tilespmem:s25+$0x0];
	_ =	sdelay $0x1  }
0x26b: {  	v18 =	vmul.f32 v19, v18;
	v19 =	vmul.f32 v60, v59  }
0x26c: {  	v45 =	vmul.f32 v62, v61;
	v46 =	vmul.f32 v36, v63  }
0x26d: {  	v47 =	vmul.f32 v38, v37;
	v48 =	vmul.f32 v40, v39  }
0x26e: {  	v49 =	vmul.f32 v42, v41;
	v50 =	vmul.f32 v44, v43  }
0x26f: {  	v18 =	vadd.f32 v19, v18;
	v19 =	vadd.f32 v46, v45  }
0x270: {  	v51 =	vadd.f32 v48, v47;
	v52 =	vadd.f32 v50, v49;
	_ =	sdelay $0x1  }
0x271: {  	v18 =	vadd.f32 v19, v18;
	v19 =	vadd.f32 v52, v51;
	_ =	sdelay $0x1  }
0x272: {  	v18 =	vadd.f32 v19, v18;
	_ =	sdelay $0x1  }
0x273: {  	s25 =	sor.u32 $0x2580, s24;
	[tilespmem:s23+$0x8820] =	vst v18  }
0x274: {  	v18 =	vld [tilespmem:s25+$0x0]  }
0x275: {  	v19 =	vld [tilespmem:s24+$0x6580]  }
0x276: {  	v54 =	vld [tilespmem:s24+$0x6590]  }
0x277: {  	v56 =	vld [tilespmem:s24+$0x65A0]  }
0x278: {  	v58 =	vld [tilespmem:s24+$0x65B0]  }
0x279: {  	v60 =	vld [tilespmem:s24+$0x65C0]  }
0x27a: {  	v62 =	vld [tilespmem:s24+$0x65D0]  }
0x27b: {  	v36 =	vld [tilespmem:s24+$0x65E0]  }
0x27c: {  	s25 =	sor.u32 $0x2590, s24;
	v38 =	vld [tilespmem:s24+$0x65F0]  }
0x27d: {  	v53 =	vld [tilespmem:s25+$0x0];
	s25 =	sor.u32 $0x25A0, s24  }
0x27e: {  	v55 =	vld [tilespmem:s25+$0x0];
	s25 =	sor.u32 $0x25B0, s24  }
0x27f: {  	v57 =	vld [tilespmem:s25+$0x0];
	s25 =	sor.u32 $0x25C0, s24  }
0x280: {  	v59 =	vld [tilespmem:s25+$0x0];
	s25 =	sor.u32 $0x25D0, s24  }
0x281: {  	v61 =	vld [tilespmem:s25+$0x0];
	s25 =	sor.u32 $0x25E0, s24  }
0x282: {  	v63 =	vld [tilespmem:s25+$0x0];
	s25 =	sor.u32 $0x25F0, s24  }
0x283: {  	v37 =	vld [tilespmem:s25+$0x0];
	_ =	sdelay $0x1  }
0x284: {  	v18 =	vmul.f32 v19, v18;
	v19 =	vmul.f32 v54, v53  }
0x285: {  	v39 =	vmul.f32 v56, v55;
	v40 =	vmul.f32 v58, v57  }
0x286: {  	v41 =	vmul.f32 v60, v59;
	v42 =	vmul.f32 v62, v61  }
0x287: {  	v43 =	vmul.f32 v36, v63;
	v44 =	vmul.f32 v38, v37  }
0x288: {  	v18 =	vadd.f32 v19, v18;
	v19 =	vadd.f32 v40, v39  }
0x289: {  	v45 =	vadd.f32 v42, v41;
	v46 =	vadd.f32 v44, v43;
	_ =	sdelay $0x1  }
0x28a: {  	v18 =	vadd.f32 v19, v18;
	v19 =	vadd.f32 v46, v45;
	_ =	sdelay $0x1  }
0x28b: {  	v18 =	vadd.f32 v19, v18;
	_ =	sdelay $0x1  }
0x28c: {  	s25 =	sor.u32 $0x2600, s24;
	[tilespmem:s23+$0x8830] =	vst v18  }
0x28d: {  	v18 =	vld [tilespmem:s25+$0x0]  }
0x28e: {  	v19 =	vld [tilespmem:s24+$0x6600]  }
0x28f: {  	v48 =	vld [tilespmem:s24+$0x6610]  }
0x290: {  	v50 =	vld [tilespmem:s24+$0x6620]  }
0x291: {  	v52 =	vld [tilespmem:s24+$0x6630]  }
0x292: {  	v54 =	vld [tilespmem:s24+$0x6640]  }
0x293: {  	v56 =	vld [tilespmem:s24+$0x6650]  }
0x294: {  	v58 =	vld [tilespmem:s24+$0x6660]  }
0x295: {  	s25 =	sor.u32 $0x2610, s24;
	v60 =	vld [tilespmem:s24+$0x6670]  }
0x296: {  	v47 =	vld [tilespmem:s25+$0x0];
	s25 =	sor.u32 $0x2620, s24  }
0x297: {  	v49 =	vld [tilespmem:s25+$0x0];
	s25 =	sor.u32 $0x2630, s24  }
0x298: {  	v51 =	vld [tilespmem:s25+$0x0];
	s25 =	sor.u32 $0x2640, s24  }
0x299: {  	v53 =	vld [tilespmem:s25+$0x0];
	s25 =	sor.u32 $0x2650, s24  }
0x29a: {  	v55 =	vld [tilespmem:s25+$0x0];
	s25 =	sor.u32 $0x2660, s24  }
0x29b: {  	v57 =	vld [tilespmem:s25+$0x0];
	s25 =	sor.u32 $0x2670, s24  }
0x29c: {  	v59 =	vld [tilespmem:s25+$0x0];
	_ =	sdelay $0x1  }
0x29d: {  	v18 =	vmul.f32 v19, v18;
	v19 =	vmul.f32 v48, v47  }
0x29e: {  	v61 =	vmul.f32 v50, v49;
	v62 =	vmul.f32 v52, v51  }
0x29f: {  	v63 =	vmul.f32 v54, v53;
	v29 =	vmul.f32 v56, v55  }
0x2a0: {  	v31 =	vmul.f32 v58, v57;
	v34 =	vmul.f32 v60, v59  }
0x2a1: {  	v18 =	vadd.f32 v19, v18;
	v19 =	vadd.f32 v62, v61  }
0x2a2: {  	v35 =	vadd.f32 v29, v63;
	v36 =	vadd.f32 v34, v31;
	_ =	sdelay $0x1  }
0x2a3: {  	v18 =	vadd.f32 v19, v18;
	v19 =	vadd.f32 v36, v35;
	_ =	sdelay $0x1  }
0x2a4: {  	v18 =	vadd.f32 v19, v18;
	_ =	sdelay $0x1  }
0x2a5: {  	s25 =	sor.u32 $0x2680, s24;
	[tilespmem:s23+$0x8840] =	vst v18  }
0x2a6: {  	v18 =	vld [tilespmem:s25+$0x0]  }
0x2a7: {  	v19 =	vld [tilespmem:s24+$0x6680]  }
0x2a8: {  	v38 =	vld [tilespmem:s24+$0x6690]  }
0x2a9: {  	v40 =	vld [tilespmem:s24+$0x66A0]  }
0x2aa: {  	v42 =	vld [tilespmem:s24+$0x66B0]  }
0x2ab: {  	v44 =	vld [tilespmem:s24+$0x66C0]  }
0x2ac: {  	v46 =	vld [tilespmem:s24+$0x66D0]  }
0x2ad: {  	v48 =	vld [tilespmem:s24+$0x66E0]  }
0x2ae: {  	s25 =	sor.u32 $0x2690, s24;
	v50 =	vld [tilespmem:s24+$0x66F0]  }
0x2af: {  	v37 =	vld [tilespmem:s25+$0x0];
	s25 =	sor.u32 $0x26A0, s24  }
0x2b0: {  	v39 =	vld [tilespmem:s25+$0x0];
	s25 =	sor.u32 $0x26B0, s24  }
0x2b1: {  	v41 =	vld [tilespmem:s25+$0x0];
	s25 =	sor.u32 $0x26C0, s24  }
0x2b2: {  	v43 =	vld [tilespmem:s25+$0x0];
	s25 =	sor.u32 $0x26D0, s24  }
0x2b3: {  	v45 =	vld [tilespmem:s25+$0x0];
	s25 =	sor.u32 $0x26E0, s24  }
0x2b4: {  	v47 =	vld [tilespmem:s25+$0x0];
	s25 =	sor.u32 $0x26F0, s24  }
0x2b5: {  	v49 =	vld [tilespmem:s25+$0x0];
	_ =	sdelay $0x1  }
0x2b6: {  	v18 =	vmul.f32 v19, v18;
	v19 =	vmul.f32 v38, v37  }
0x2b7: {  	v51 =	vmul.f32 v40, v39;
	v52 =	vmul.f32 v42, v41  }
0x2b8: {  	v53 =	vmul.f32 v44, v43;
	v54 =	vmul.f32 v46, v45  }
0x2b9: {  	v55 =	vmul.f32 v48, v47;
	v56 =	vmul.f32 v50, v49  }
0x2ba: {  	v18 =	vadd.f32 v19, v18;
	v19 =	vadd.f32 v52, v51  }
0x2bb: {  	v57 =	vadd.f32 v54, v53;
	v58 =	vadd.f32 v56, v55;
	_ =	sdelay $0x1  }
0x2bc: {  	v18 =	vadd.f32 v19, v18;
	v19 =	vadd.f32 v58, v57;
	_ =	sdelay $0x1  }
0x2bd: {  	v18 =	vadd.f32 v19, v18;
	_ =	sdelay $0x1  }
0x2be: {  	s25 =	sor.u32 $0x2700, s24;
	[tilespmem:s23+$0x8850] =	vst v18  }
0x2bf: {  	v18 =	vld [tilespmem:s25+$0x0]  }
0x2c0: {  	v19 =	vld [tilespmem:s24+$0x6700]  }
0x2c1: {  	v60 =	vld [tilespmem:s24+$0x6710]  }
0x2c2: {  	v62 =	vld [tilespmem:s24+$0x6720]  }
0x2c3: {  	v36 =	vld [tilespmem:s24+$0x6730]  }
0x2c4: {  	v38 =	vld [tilespmem:s24+$0x6740]  }
0x2c5: {  	v40 =	vld [tilespmem:s24+$0x6750]  }
0x2c6: {  	v42 =	vld [tilespmem:s24+$0x6760]  }
0x2c7: {  	s25 =	sor.u32 $0x2710, s24;
	v44 =	vld [tilespmem:s24+$0x6770]  }
0x2c8: {  	v59 =	vld [tilespmem:s25+$0x0];
	s25 =	sor.u32 $0x2720, s24  }
0x2c9: {  	v61 =	vld [tilespmem:s25+$0x0];
	s25 =	sor.u32 $0x2730, s24  }
0x2ca: {  	v63 =	vld [tilespmem:s25+$0x0];
	s25 =	sor.u32 $0x2740, s24  }
0x2cb: {  	v37 =	vld [tilespmem:s25+$0x0];
	s25 =	sor.u32 $0x2750, s24  }
0x2cc: {  	v39 =	vld [tilespmem:s25+$0x0];
	s25 =	sor.u32 $0x2760, s24  }
0x2cd: {  	v41 =	vld [tilespmem:s25+$0x0];
	s25 =	sor.u32 $0x2770, s24  }
0x2ce: {  	v43 =	vld [tilespmem:s25+$0x0];
	_ =	sdelay $0x1  }
0x2cf: {  	v18 =	vmul.f32 v19, v18;
	v19 =	vmul.f32 v60, v59  }
0x2d0: {  	v45 =	vmul.f32 v62, v61;
	v46 =	vmul.f32 v36, v63  }
0x2d1: {  	v47 =	vmul.f32 v38, v37;
	v48 =	vmul.f32 v40, v39  }
0x2d2: {  	v49 =	vmul.f32 v42, v41;
	v50 =	vmul.f32 v44, v43  }
0x2d3: {  	v18 =	vadd.f32 v19, v18;
	v19 =	vadd.f32 v46, v45  }
0x2d4: {  	v51 =	vadd.f32 v48, v47;
	v52 =	vadd.f32 v50, v49;
	_ =	sdelay $0x1  }
0x2d5: {  	v18 =	vadd.f32 v19, v18;
	v19 =	vadd.f32 v52, v51;
	_ =	sdelay $0x1  }
0x2d6: {  	v18 =	vadd.f32 v19, v18;
	_ =	sdelay $0x1  }
0x2d7: {  	s25 =	sor.u32 $0x2780, s24;
	[tilespmem:s23+$0x8860] =	vst v18  }
0x2d8: {  	v18 =	vld [tilespmem:s25+$0x0]  }
0x2d9: {  	v19 =	vld [tilespmem:s24+$0x6780]  }
0x2da: {  	v54 =	vld [tilespmem:s24+$0x6790]  }
0x2db: {  	v56 =	vld [tilespmem:s24+$0x67A0]  }
0x2dc: {  	v58 =	vld [tilespmem:s24+$0x67B0]  }
0x2dd: {  	v60 =	vld [tilespmem:s24+$0x67C0]  }
0x2de: {  	v62 =	vld [tilespmem:s24+$0x67D0]  }
0x2df: {  	v36 =	vld [tilespmem:s24+$0x67E0]  }
0x2e0: {  	s25 =	sor.u32 $0x2790, s24;
	v38 =	vld [tilespmem:s24+$0x67F0]  }
0x2e1: {  	v53 =	vld [tilespmem:s25+$0x0];
	s25 =	sor.u32 $0x27A0, s24  }
0x2e2: {  	v55 =	vld [tilespmem:s25+$0x0];
	s25 =	sor.u32 $0x27B0, s24  }
0x2e3: {  	v57 =	vld [tilespmem:s25+$0x0];
	s25 =	sor.u32 $0x27C0, s24  }
0x2e4: {  	v59 =	vld [tilespmem:s25+$0x0];
	s25 =	sor.u32 $0x27D0, s24  }
0x2e5: {  	v61 =	vld [tilespmem:s25+$0x0];
	s25 =	sor.u32 $0x27E0, s24  }
0x2e6: {  	v63 =	vld [tilespmem:s25+$0x0];
	s25 =	sor.u32 $0x27F0, s24  }
0x2e7: {  	v37 =	vld [tilespmem:s25+$0x0];
	_ =	sdelay $0x1  }
0x2e8: {  	v18 =	vmul.f32 v19, v18;
	v19 =	vmul.f32 v54, v53  }
0x2e9: {  	v39 =	vmul.f32 v56, v55;
	v40 =	vmul.f32 v58, v57  }
0x2ea: {  	v41 =	vmul.f32 v60, v59;
	v42 =	vmul.f32 v62, v61  }
0x2eb: {  	v43 =	vmul.f32 v36, v63;
	v44 =	vmul.f32 v38, v37  }
0x2ec: {  	v18 =	vadd.f32 v19, v18;
	v19 =	vadd.f32 v40, v39  }
0x2ed: {  	v45 =	vadd.f32 v42, v41;
	v46 =	vadd.f32 v44, v43;
	_ =	sdelay $0x1  }
0x2ee: {  	v18 =	vadd.f32 v19, v18;
	v19 =	vadd.f32 v46, v45;
	_ =	sdelay $0x1  }
0x2ef: {  	v18 =	vadd.f32 v19, v18;
	_ =	sdelay $0x1  }
0x2f0: {  	[tilespmem:s23+$0x8870] =	vst v18  }
0x2f1: {  	v18 =	vld [tilespmem:s24+$0x2800]  }
0x2f2: {  	v19 =	vld [tilespmem:s24+$0x6800]  }
0x2f3: {  	v47 =	vld [tilespmem:s24+$0x2810]  }
0x2f4: {  	v48 =	vld [tilespmem:s24+$0x6810]  }
0x2f5: {  	v49 =	vld [tilespmem:s24+$0x2820]  }
0x2f6: {  	v50 =	vld [tilespmem:s24+$0x6820]  }
0x2f7: {  	v51 =	vld [tilespmem:s24+$0x2830]  }
0x2f8: {  	v52 =	vld [tilespmem:s24+$0x6830]  }
0x2f9: {  	v53 =	vld [tilespmem:s24+$0x2840]  }
0x2fa: {  	v54 =	vld [tilespmem:s24+$0x6840]  }
0x2fb: {  	v55 =	vld [tilespmem:s24+$0x2850]  }
0x2fc: {  	v56 =	vld [tilespmem:s24+$0x6850]  }
0x2fd: {  	v57 =	vld [tilespmem:s24+$0x2860]  }
0x2fe: {  	v58 =	vld [tilespmem:s24+$0x6860]  }
0x2ff: {  	v59 =	vld [tilespmem:s24+$0x2870]  }
0x300: {  	v60 =	vld [tilespmem:s24+$0x6870];
	_ =	sdelay $0x1  }
0x301: {  	v18 =	vmul.f32 v19, v18;
	v19 =	vmul.f32 v48, v47  }
0x302: {  	v61 =	vmul.f32 v50, v49;
	v62 =	vmul.f32 v52, v51  }
0x303: {  	v63 =	vmul.f32 v54, v53;
	v29 =	vmul.f32 v56, v55  }
0x304: {  	v31 =	vmul.f32 v58, v57;
	v34 =	vmul.f32 v60, v59  }
0x305: {  	v18 =	vadd.f32 v19, v18;
	v19 =	vadd.f32 v62, v61  }
0x306: {  	v35 =	vadd.f32 v29, v63;
	v36 =	vadd.f32 v34, v31;
	_ =	sdelay $0x1  }
0x307: {  	v18 =	vadd.f32 v19, v18;
	v19 =	vadd.f32 v36, v35;
	_ =	sdelay $0x1  }
0x308: {  	v18 =	vadd.f32 v19, v18;
	_ =	sdelay $0x1  }
0x309: {  	[tilespmem:s23+$0x8880] =	vst v18  }
0x30a: {  	v18 =	vld [tilespmem:s24+$0x2880]  }
0x30b: {  	v19 =	vld [tilespmem:s24+$0x6880]  }
0x30c: {  	v37 =	vld [tilespmem:s24+$0x2890]  }
0x30d: {  	v38 =	vld [tilespmem:s24+$0x6890]  }
0x30e: {  	v39 =	vld [tilespmem:s24+$0x28A0]  }
0x30f: {  	v40 =	vld [tilespmem:s24+$0x68A0]  }
0x310: {  	v41 =	vld [tilespmem:s24+$0x28B0]  }
0x311: {  	v42 =	vld [tilespmem:s24+$0x68B0]  }
0x312: {  	v43 =	vld [tilespmem:s24+$0x28C0]  }
0x313: {  	v44 =	vld [tilespmem:s24+$0x68C0]  }
0x314: {  	v45 =	vld [tilespmem:s24+$0x28D0]  }
0x315: {  	v46 =	vld [tilespmem:s24+$0x68D0]  }
0x316: {  	v47 =	vld [tilespmem:s24+$0x28E0]  }
0x317: {  	v48 =	vld [tilespmem:s24+$0x68E0]  }
0x318: {  	v49 =	vld [tilespmem:s24+$0x28F0]  }
0x319: {  	v50 =	vld [tilespmem:s24+$0x68F0];
	_ =	sdelay $0x1  }
0x31a: {  	v18 =	vmul.f32 v19, v18;
	v19 =	vmul.f32 v38, v37  }
0x31b: {  	v51 =	vmul.f32 v40, v39;
	v52 =	vmul.f32 v42, v41  }
0x31c: {  	v53 =	vmul.f32 v44, v43;
	v54 =	vmul.f32 v46, v45  }
0x31d: {  	v55 =	vmul.f32 v48, v47;
	v56 =	vmul.f32 v50, v49  }
0x31e: {  	v18 =	vadd.f32 v19, v18;
	v19 =	vadd.f32 v52, v51  }
0x31f: {  	v57 =	vadd.f32 v54, v53;
	v58 =	vadd.f32 v56, v55;
	_ =	sdelay $0x1  }
0x320: {  	v18 =	vadd.f32 v19, v18;
	v19 =	vadd.f32 v58, v57;
	_ =	sdelay $0x1  }
0x321: {  	v18 =	vadd.f32 v19, v18;
	_ =	sdelay $0x1  }
0x322: {  	[tilespmem:s23+$0x8890] =	vst v18  }
0x323: {  	v18 =	vld [tilespmem:s24+$0x2900]  }
0x324: {  	v19 =	vld [tilespmem:s24+$0x6900]  }
0x325: {  	v59 =	vld [tilespmem:s24+$0x2910]  }
0x326: {  	v60 =	vld [tilespmem:s24+$0x6910]  }
0x327: {  	v61 =	vld [tilespmem:s24+$0x2920]  }
0x328: {  	v62 =	vld [tilespmem:s24+$0x6920]  }
0x329: {  	v63 =	vld [tilespmem:s24+$0x2930]  }
0x32a: {  	v36 =	vld [tilespmem:s24+$0x6930]  }
0x32b: {  	v37 =	vld [tilespmem:s24+$0x2940]  }
0x32c: {  	v38 =	vld [tilespmem:s24+$0x6940]  }
0x32d: {  	v39 =	vld [tilespmem:s24+$0x2950]  }
0x32e: {  	v40 =	vld [tilespmem:s24+$0x6950]  }
0x32f: {  	v41 =	vld [tilespmem:s24+$0x2960]  }
0x330: {  	v42 =	vld [tilespmem:s24+$0x6960]  }
0x331: {  	v43 =	vld [tilespmem:s24+$0x2970]  }
0x332: {  	v44 =	vld [tilespmem:s24+$0x6970];
	_ =	sdelay $0x1  }
0x333: {  	v18 =	vmul.f32 v19, v18;
	v19 =	vmul.f32 v60, v59  }
0x334: {  	v45 =	vmul.f32 v62, v61;
	v46 =	vmul.f32 v36, v63  }
0x335: {  	v47 =	vmul.f32 v38, v37;
	v48 =	vmul.f32 v40, v39  }
0x336: {  	v49 =	vmul.f32 v42, v41;
	v50 =	vmul.f32 v44, v43  }
0x337: {  	v18 =	vadd.f32 v19, v18;
	v19 =	vadd.f32 v46, v45  }
0x338: {  	v51 =	vadd.f32 v48, v47;
	v52 =	vadd.f32 v50, v49;
	_ =	sdelay $0x1  }
0x339: {  	v18 =	vadd.f32 v19, v18;
	v19 =	vadd.f32 v52, v51;
	_ =	sdelay $0x1  }
0x33a: {  	v18 =	vadd.f32 v19, v18;
	_ =	sdelay $0x1  }
0x33b: {  	[tilespmem:s23+$0x88A0] =	vst v18  }
0x33c: {  	v18 =	vld [tilespmem:s24+$0x2980]  }
0x33d: {  	v19 =	vld [tilespmem:s24+$0x6980]  }
0x33e: {  	v53 =	vld [tilespmem:s24+$0x2990]  }
0x33f: {  	v54 =	vld [tilespmem:s24+$0x6990]  }
0x340: {  	v55 =	vld [tilespmem:s24+$0x29A0]  }
0x341: {  	v56 =	vld [tilespmem:s24+$0x69A0]  }
0x342: {  	v57 =	vld [tilespmem:s24+$0x29B0]  }
0x343: {  	v58 =	vld [tilespmem:s24+$0x69B0]  }
0x344: {  	v59 =	vld [tilespmem:s24+$0x29C0]  }
0x345: {  	v60 =	vld [tilespmem:s24+$0x69C0]  }
0x346: {  	v61 =	vld [tilespmem:s24+$0x29D0]  }
0x347: {  	v62 =	vld [tilespmem:s24+$0x69D0]  }
0x348: {  	v63 =	vld [tilespmem:s24+$0x29E0]  }
0x349: {  	v36 =	vld [tilespmem:s24+$0x69E0]  }
0x34a: {  	v37 =	vld [tilespmem:s24+$0x29F0]  }
0x34b: {  	v38 =	vld [tilespmem:s24+$0x69F0];
	_ =	sdelay $0x1  }
0x34c: {  	v18 =	vmul.f32 v19, v18;
	v19 =	vmul.f32 v54, v53  }
0x34d: {  	v39 =	vmul.f32 v56, v55;
	v40 =	vmul.f32 v58, v57  }
0x34e: {  	v41 =	vmul.f32 v60, v59;
	v42 =	vmul.f32 v62, v61  }
0x34f: {  	v43 =	vmul.f32 v36, v63;
	v44 =	vmul.f32 v38, v37  }
0x350: {  	v18 =	vadd.f32 v19, v18;
	v19 =	vadd.f32 v40, v39  }
0x351: {  	v45 =	vadd.f32 v42, v41;
	v46 =	vadd.f32 v44, v43;
	_ =	sdelay $0x1  }
0x352: {  	v18 =	vadd.f32 v19, v18;
	v19 =	vadd.f32 v46, v45;
	_ =	sdelay $0x1  }
0x353: {  	v18 =	vadd.f32 v19, v18;
	_ =	sdelay $0x1  }
0x354: {  	[tilespmem:s23+$0x88B0] =	vst v18  }
0x355: {  	v18 =	vld [tilespmem:s24+$0x2A00]  }
0x356: {  	v19 =	vld [tilespmem:s24+$0x6A00]  }
0x357: {  	v47 =	vld [tilespmem:s24+$0x2A10]  }
0x358: {  	v48 =	vld [tilespmem:s24+$0x6A10]  }
0x359: {  	v49 =	vld [tilespmem:s24+$0x2A20]  }
0x35a: {  	v50 =	vld [tilespmem:s24+$0x6A20]  }
0x35b: {  	v51 =	vld [tilespmem:s24+$0x2A30]  }
0x35c: {  	v52 =	vld [tilespmem:s24+$0x6A30]  }
0x35d: {  	v53 =	vld [tilespmem:s24+$0x2A40]  }
0x35e: {  	v54 =	vld [tilespmem:s24+$0x6A40]  }
0x35f: {  	v55 =	vld [tilespmem:s24+$0x2A50]  }
0x360: {  	v56 =	vld [tilespmem:s24+$0x6A50]  }
0x361: {  	v57 =	vld [tilespmem:s24+$0x2A60]  }
0x362: {  	v58 =	vld [tilespmem:s24+$0x6A60]  }
0x363: {  	v59 =	vld [tilespmem:s24+$0x2A70]  }
0x364: {  	v60 =	vld [tilespmem:s24+$0x6A70];
	_ =	sdelay $0x1  }
0x365: {  	v18 =	vmul.f32 v19, v18;
	v19 =	vmul.f32 v48, v47  }
0x366: {  	v61 =	vmul.f32 v50, v49;
	v62 =	vmul.f32 v52, v51  }
0x367: {  	v63 =	vmul.f32 v54, v53;
	v29 =	vmul.f32 v56, v55  }
0x368: {  	v31 =	vmul.f32 v58, v57;
	v34 =	vmul.f32 v60, v59  }
0x369: {  	v18 =	vadd.f32 v19, v18;
	v19 =	vadd.f32 v62, v61  }
0x36a: {  	v35 =	vadd.f32 v29, v63;
	v36 =	vadd.f32 v34, v31;
	_ =	sdelay $0x1  }
0x36b: {  	v18 =	vadd.f32 v19, v18;
	v19 =	vadd.f32 v36, v35;
	_ =	sdelay $0x1  }
0x36c: {  	v18 =	vadd.f32 v19, v18;
	_ =	sdelay $0x1  }
0x36d: {  	[tilespmem:s23+$0x88C0] =	vst v18  }
0x36e: {  	v18 =	vld [tilespmem:s24+$0x2A80]  }
0x36f: {  	v19 =	vld [tilespmem:s24+$0x6A80]  }
0x370: {  	v37 =	vld [tilespmem:s24+$0x2A90]  }
0x371: {  	v38 =	vld [tilespmem:s24+$0x6A90]  }
0x372: {  	v39 =	vld [tilespmem:s24+$0x2AA0]  }
0x373: {  	v40 =	vld [tilespmem:s24+$0x6AA0]  }
0x374: {  	v41 =	vld [tilespmem:s24+$0x2AB0]  }
0x375: {  	v42 =	vld [tilespmem:s24+$0x6AB0]  }
0x376: {  	v43 =	vld [tilespmem:s24+$0x2AC0]  }
0x377: {  	v44 =	vld [tilespmem:s24+$0x6AC0]  }
0x378: {  	v45 =	vld [tilespmem:s24+$0x2AD0]  }
0x379: {  	v46 =	vld [tilespmem:s24+$0x6AD0]  }
0x37a: {  	v47 =	vld [tilespmem:s24+$0x2AE0]  }
0x37b: {  	v48 =	vld [tilespmem:s24+$0x6AE0]  }
0x37c: {  	v49 =	vld [tilespmem:s24+$0x2AF0]  }
0x37d: {  	v50 =	vld [tilespmem:s24+$0x6AF0];
	_ =	sdelay $0x1  }
0x37e: {  	v18 =	vmul.f32 v19, v18;
	v19 =	vmul.f32 v38, v37  }
0x37f: {  	v51 =	vmul.f32 v40, v39;
	v52 =	vmul.f32 v42, v41  }
0x380: {  	v53 =	vmul.f32 v44, v43;
	v54 =	vmul.f32 v46, v45  }
0x381: {  	v55 =	vmul.f32 v48, v47;
	v56 =	vmul.f32 v50, v49  }
0x382: {  	v18 =	vadd.f32 v19, v18;
	v19 =	vadd.f32 v52, v51  }
0x383: {  	v57 =	vadd.f32 v54, v53;
	v58 =	vadd.f32 v56, v55;
	_ =	sdelay $0x1  }
0x384: {  	v18 =	vadd.f32 v19, v18;
	v19 =	vadd.f32 v58, v57;
	_ =	sdelay $0x1  }
0x385: {  	v18 =	vadd.f32 v19, v18;
	_ =	sdelay $0x1  }
0x386: {  	[tilespmem:s23+$0x88D0] =	vst v18  }
0x387: {  	v18 =	vld [tilespmem:s24+$0x2B00]  }
0x388: {  	v19 =	vld [tilespmem:s24+$0x6B00]  }
0x389: {  	v59 =	vld [tilespmem:s24+$0x2B10]  }
0x38a: {  	v60 =	vld [tilespmem:s24+$0x6B10]  }
0x38b: {  	v61 =	vld [tilespmem:s24+$0x2B20]  }
0x38c: {  	v62 =	vld [tilespmem:s24+$0x6B20]  }
0x38d: {  	v63 =	vld [tilespmem:s24+$0x2B30]  }
0x38e: {  	v36 =	vld [tilespmem:s24+$0x6B30]  }
0x38f: {  	v37 =	vld [tilespmem:s24+$0x2B40]  }
0x390: {  	v38 =	vld [tilespmem:s24+$0x6B40]  }
0x391: {  	v39 =	vld [tilespmem:s24+$0x2B50]  }
0x392: {  	v40 =	vld [tilespmem:s24+$0x6B50]  }
0x393: {  	v41 =	vld [tilespmem:s24+$0x2B60]  }
0x394: {  	v42 =	vld [tilespmem:s24+$0x6B60]  }
0x395: {  	v43 =	vld [tilespmem:s24+$0x2B70]  }
0x396: {  	v44 =	vld [tilespmem:s24+$0x6B70];
	_ =	sdelay $0x1  }
0x397: {  	v18 =	vmul.f32 v19, v18;
	v19 =	vmul.f32 v60, v59  }
0x398: {  	v45 =	vmul.f32 v62, v61;
	v46 =	vmul.f32 v36, v63  }
0x399: {  	v47 =	vmul.f32 v38, v37;
	v48 =	vmul.f32 v40, v39  }
0x39a: {  	v49 =	vmul.f32 v42, v41;
	v50 =	vmul.f32 v44, v43  }
0x39b: {  	v18 =	vadd.f32 v19, v18;
	v19 =	vadd.f32 v46, v45  }
0x39c: {  	v51 =	vadd.f32 v48, v47;
	v52 =	vadd.f32 v50, v49;
	_ =	sdelay $0x1  }
0x39d: {  	v18 =	vadd.f32 v19, v18;
	v19 =	vadd.f32 v52, v51;
	_ =	sdelay $0x1  }
0x39e: {  	v18 =	vadd.f32 v19, v18;
	_ =	sdelay $0x1  }
0x39f: {  	[tilespmem:s23+$0x88E0] =	vst v18  }
0x3a0: {  	v18 =	vld [tilespmem:s24+$0x2B80]  }
0x3a1: {  	v19 =	vld [tilespmem:s24+$0x6B80]  }
0x3a2: {  	v53 =	vld [tilespmem:s24+$0x2B90]  }
0x3a3: {  	v54 =	vld [tilespmem:s24+$0x6B90]  }
0x3a4: {  	v55 =	vld [tilespmem:s24+$0x2BA0]  }
0x3a5: {  	v56 =	vld [tilespmem:s24+$0x6BA0]  }
0x3a6: {  	v57 =	vld [tilespmem:s24+$0x2BB0]  }
0x3a7: {  	v58 =	vld [tilespmem:s24+$0x6BB0]  }
0x3a8: {  	v59 =	vld [tilespmem:s24+$0x2BC0]  }
0x3a9: {  	v60 =	vld [tilespmem:s24+$0x6BC0]  }
0x3aa: {  	v61 =	vld [tilespmem:s24+$0x2BD0]  }
0x3ab: {  	v62 =	vld [tilespmem:s24+$0x6BD0]  }
0x3ac: {  	v63 =	vld [tilespmem:s24+$0x2BE0]  }
0x3ad: {  	v36 =	vld [tilespmem:s24+$0x6BE0]  }
0x3ae: {  	v37 =	vld [tilespmem:s24+$0x2BF0]  }
0x3af: {  	v38 =	vld [tilespmem:s24+$0x6BF0];
	_ =	sdelay $0x1  }
0x3b0: {  	v18 =	vmul.f32 v19, v18;
	v19 =	vmul.f32 v54, v53  }
0x3b1: {  	v39 =	vmul.f32 v56, v55;
	v40 =	vmul.f32 v58, v57  }
0x3b2: {  	v41 =	vmul.f32 v60, v59;
	v42 =	vmul.f32 v62, v61  }
0x3b3: {  	v43 =	vmul.f32 v36, v63;
	v44 =	vmul.f32 v38, v37  }
0x3b4: {  	v18 =	vadd.f32 v19, v18;
	v19 =	vadd.f32 v40, v39  }
0x3b5: {  	v45 =	vadd.f32 v42, v41;
	v46 =	vadd.f32 v44, v43  }
0x3b6: {  	v47 =	vor.u32 s23, v0  }
0x3b7: {  	v48 =	vand.u32 v1, v47;
	v18 =	vadd.f32 v19, v18;
	v19 =	vadd.f32 v46, v45  }
0x3b8: {  	v49 =	vor.u32 s23, v2  }
0x3b9: {  	v18 =	vadd.f32 v19, v18  }
0x3ba: {  	v19 =	vor.u32 s23, v3  }
0x3bb: {  	[tilespmem:s23+$0x88F0] =	vst v18  }
0x3bc: {  	v50 =	vor.u32 s23, v4;
	v18 =	vld.idx.msk [tilespmem:v48+s16+$0x0], $0xffff  }
0x3bd: {  	v21 =	vld.idx.msk [tilespmem:v49+s16+$0x0], $0xffff  }
0x3be: {  	v51 =	vor.u32 s23, v5  }
0x3bf: {  	v19 =	vld.idx.msk [tilespmem:v19+s16+$0x0], $0xffff  }
0x3c0: {  	v52 =	vor.u32 s23, v6  }
0x3c1: {  	v20 =	vld.idx.msk [tilespmem:v50+s16+$0x0], $0xffff  }
0x3c2: {  	v53 =	vor.u32 s23, v7;
	v18 =	vadd.f32 v21, v18  }
0x3c3: {  	v22 =	vld.idx.msk [tilespmem:v51+s16+$0x0], $0xffff  }
0x3c4: {  	v18 =	vadd.f32 v19, v18;
	v19 =	vor.u32 s23, v8  }
0x3c5: {  	v23 =	vld.idx.msk [tilespmem:v52+s16+$0x0], $0xffff  }
0x3c6: {  	v54 =	vor.u32 s23, v9;
	v18 =	vadd.f32 v20, v18  }
0x3c7: {  	v21 =	vld.idx.msk [tilespmem:v53+s16+$0x0], $0xffff  }
0x3c8: {  	v55 =	vor.u32 s23, v10;
	v18 =	vadd.f32 v22, v18  }
0x3c9: {  	v19 =	vld.idx.msk [tilespmem:v19+s16+$0x0], $0xffff  }
0x3ca: {  	v56 =	vor.u32 s23, v11;
	v18 =	vadd.f32 v23, v18  }
0x3cb: {  	v20 =	vld.idx.msk [tilespmem:v54+s16+$0x0], $0xffff  }
0x3cc: {  	v57 =	vor.u32 s23, v12;
	v18 =	vadd.f32 v21, v18  }
0x3cd: {  	v22 =	vld.idx.msk [tilespmem:v55+s16+$0x0], $0xffff  }
0x3ce: {  	v18 =	vadd.f32 v19, v18;
	v19 =	vor.u32 s23, v13  }
0x3cf: {  	v23 =	vld.idx.msk [tilespmem:v56+s16+$0x0], $0xffff  }
0x3d0: {  	v58 =	vor.u32 s23, v14;
	v18 =	vadd.f32 v20, v18  }
0x3d1: {  	v21 =	vld.idx.msk [tilespmem:v57+s16+$0x0], $0xffff  }
0x3d2: {  	v59 =	vor.u32 s23, v15;
	v18 =	vadd.f32 v22, v18  }
0x3d3: {  	v19 =	vld.idx.msk [tilespmem:v19+s16+$0x0], $0xffff  }
0x3d4: {  	v60 =	vor.u32 s23, v16;
	v18 =	vadd.f32 v23, v18  }
0x3d5: {  	v20 =	vld.idx.msk [tilespmem:v58+s16+$0x0], $0xffff  }
0x3d6: {  	v18 =	vadd.f32 v21, v18  }
0x3d7: {  	v61 =	vld.idx.msk [tilespmem:v59+s16+$0x0], $0xffff  }
0x3d8: {  	v18 =	vadd.f32 v19, v18  }
0x3d9: {  	v19 =	vld.idx.msk [tilespmem:v60+s16+$0x0], $0xffff  }
0x3da: {  	s25 =	sshll.u32 s22, $0x4;
	v18 =	vadd.f32 v20, v18  }
0x3db: {  	v62 =	vld.idx.msk [tilespmem:v17+s25+$0x8400 ss:$0x1], $0xffff  }
0x3dc: {  	v18 =	vadd.f32 v61, v18  }
0x3dd: {  	v63 =	vld.idx.msk [tilespmem:v17+s25+$0x8600 ss:$0x1], $0xffff  }
0x3de: {  	v18 =	vadd.f32 v19, v18;
	_ =	sdelay $0x1  }
0x3df: {  	v18 =	vadd.f32 v62, v18;
	_ =	sdelay $0x1  }
0x3e0: {  	v18 =	vadd.f32 v63, v18;
	_ =	sdelay $0x1  }
0x3e1: {  	v18 =	vsub.f32 $0.0e+00, v18;
	_ =	sdelay $0x1  }
0x3e2: {  	v18 =	vmul.f32 $1.442695020e+00, v18;
	_ =	sdelay $0x1  }
0x3e3: {  	(erf) = vpow2.f32 v18;
	_ =	sdelay $0x8  }
0x3e4: {  	v18 =	vpop (erf)  }
0x3e5: {  	v18 =	vadd.f32 $1.000000000e+00, v18;
	_ =	sdelay $0x1  }
0x3e6: {  	(erf) = vrcp.f32 v18;
	_ =	sdelay $0x6  }
0x3e7: {  	p1 =	sne.s32 s22, $0x3  }
.Ltmp3:
0x3e8: {  	_ = 	snop;
	(pc) =	sbr.rel @p1 .LBB2_5-.Ltmp3, $3  }
0x3e9: {  	v18 =	vpop (erf)  }
0x3ea: {  	v18 =	vmul.f32 $5.000000000e+00, v18;
	_ =	sdelay $0x1  }
0x3eb: {  	s22 =	sadd.s32 $0x1, s22;
	[tilespmem:v17+s25+$0x8C00 ss:$0x1] =	vst.idx.msk $0xffff, v18  }
.Ltmp4:
0x3ec: {  	(pc) =	sbr.rel @p0 .LBB2_8-.Ltmp4, $1  }
0x3ed: {  	_ =	sdelay $0x3  }
.Ltmp5:
0x3ee: {  	(pc) =	sbr.rel .LBB2_2-.Ltmp5, $4  }
0x3ef: {  	s22 =	sadd.s32 $0xC0, s21  }
0x3f0: {  	[tilespmem:s31], [sflag:$0x2] =	stream.indirect.gather [hbm4b:s1+s28], $0x80, s22, s28, $0xb8;
	[tilespmem:$0x8E00] =	vst v63  }
0x3f1: {  	s25 =	sadd.s32 $0x2C0, s21;
	s20 =	sadd.s32 $0x1, s20  }
0x3f2: {  	[tilespmem:s5], [sflag:$0x2] =	stream.indirect.gather [hbm4b:s2+s28], $0x80, s25, s28, $0xb8;
	[tilespmem:$0x8E00] =	vst v63  }
.LBB2_9:
0x3f3: {  	_ =	sfence.sel $0x180000  }
0x3f4: {  	[bflag:$0x0] =	sbarrier.arrive $0xFFFF  }
0x3f5: {  	_ =	strace $0x90000047  }
0x3f6: {  	s0 =	stileid.u32;
	[bflag:$0x2] =	sbarrier.arrive $0xFFFF  }
0x3f7: {  	p0 =	sne.s32 s0, $0x0;
	s0 =	rddreg [dreg:$0x7]  }
0x3f8: {  	s0 =	sadd.s32 @!p0 $0x100000, s0  }
0x3f9: {  	[sflag:s0] =	ssyncadd.tile.s32 @!p0 $0x1;
	_ =	shalt  }
.Lfunc_end2:
_tile_overlayer_lowered:
.L_overlay_start_2:
0x3fa: {  	(tag) =	ssettag $0x2  }
0x3fb: {  	s0 =	rddreg [dreg:$0x0];
	s2 =	stileid.u32  }
0x3fc: {  	s1 =	rddreg [dreg:$0x1];
	p0 =	sne.s32 s2, $0x0  }
0x3fd: {  	s3 =	rddreg [dreg:$0x2];
	[bflag:$0x3] =	sbarrier.arrive $0xFFFF;
	s2 =	simm.s32 @!p0 $0x1C04  }
0x3fe: {  	[timem:s3], [sflag:s2] =	dma.local @!p0 [hbm:s0], s1  }
0x3ff: {  	s0 =	simm.s32 @!p0 $0x4  }
0x400: {  	_ =	swait.ge @!p0 [sflag:s0], s1  }
0x401: {  	s1 =	ssub.s32 @!p0 $0x0, s1;
	[sflag:s0] =	ssyncset.done @!p0 $0x0  }
0x402: {  	[sflag:s0] =	ssyncadd.s32 @!p0 s1  }
0x403: {  	[bflag:$0x3] =	sbarrier.arrive $0xFFFF  }
0x404: {  	_ =	shalt  }

</sc_bundles>
